<compile_context>
chip_gen: v7x
topology: tpu7x:2x2x1
jax: 0.10.2.dev20260603
libtpu: 0.0.44.dev20260713+nightly
codegen_flags: <defaults>
</compile_context>

<pallas_src>
import dataclasses
import functools

import jax
import jax.numpy as jnp
from jax import lax
from jax.experimental import pallas as pl
from jax.experimental.pallas import tpu as pltpu
from jax.experimental.pallas import tpu_sc as plsc

_L = 16
_NC = 2
_NS = 16
_NW = _NC * _NS
_BP = 2048
_TPB = _BP // 128
_SB = 32
_G = 16


def _labels(sd, st, cd, ct, vals):
    sa = st - sd
    ca = ct - cd
    cd1 = jnp.maximum(cd, 1.0)
    ca1 = jnp.maximum(ca, 1.0)
    known = (cd > 0.0) & (ca > 0.0)
    lo = jnp.where(known, jnp.where(sd * ca1 > sa * cd1, 0.0, 1.0), 2.0)
    black = lo == 0.0
    zero = jnp.zeros_like(vals)
    one = jnp.ones_like(vals)
    return lo, (jnp.where(black, vals, zero), jnp.where(black, one, zero),
                jnp.where(black, zero, vals), jnp.where(black, zero, one))


def _pass1_sc_body(img_v, edg_v, lo_v, val_v, acc_v):

    @pl.loop(0, _TPB)
    def _(pt):
        for k in range(8):
            psl = pl.ds(pt * 128 + k * 16, _L)
            lsl = pl.ds(k * _L, _L)
            zero = jnp.zeros((_L,), jnp.float32)
            sd = zero
            st = zero
            cd = zero
            ct = zero
            vals = zero
            for j in range(9):
                ev = edg_v[j, 0, pt, lsl]
                iv = img_v[j, 0, pt, lsl]
                dm = jnp.where(ev > 0.5, 1.0, 0.0)
                nz = jnp.where(ev != 0.0, 1.0, 0.0)
                sd = sd + iv * dm
                st = st + iv * nz
                cd = cd + dm
                ct = ct + nz
                if j == 4:
                    vals = iv
            lo, (pb, pcb, pw, pcw) = _labels(sd, st, cd, ct, vals)
            lo_v[psl] = lo
            val_v[psl] = vals
            plsc.addupdate(acc_v.at[0, pl.ds(0, _L)], pb)
            plsc.addupdate(acc_v.at[0, pl.ds(_L, _L)], pcb)
            plsc.addupdate(acc_v.at[0, pl.ds(2 * _L, _L)], pw)
            plsc.addupdate(acc_v.at[0, pl.ds(3 * _L, _L)], pcw)


def _sc_pass1(img_z, edg_z, n_sc):
    mesh = plsc.VectorSubcoreMesh(core_axis_name="c", subcore_axis_name="s")
    cp = pltpu.CompilerParams()
    if "needs_layout_passes" in pltpu.CompilerParams.__dataclass_fields__:
        cp = dataclasses.replace(cp, needs_layout_passes=False)

    @functools.partial(
        pl.kernel,
        compiler_params=cp,
        out_type=(
            jax.ShapeDtypeStruct((n_sc,), jnp.float32),
            jax.ShapeDtypeStruct((n_sc,), jnp.float32),
            jax.ShapeDtypeStruct((2 * _NW, 128), jnp.float32),
        ),
        mesh=mesh,
        scratch_types=[pltpu.VMEM((2, 128), jnp.float32)],
    )
    def k(img_hbm, edg_hbm, lo_hbm, val_hbm, part_hbm, acc_v):
        zero = jnp.zeros((_L,), jnp.float32)
        for q in range(16):
            acc_v[q // 8, pl.ds((q % 8) * _L, _L)] = zero

        def body(img_v, edg_v, lo_v, val_v):
            _pass1_sc_body(img_v, edg_v, lo_v, val_v, acc_v)

        blk = pl.BlockSpec((_BP,), lambda i: (i,))
        zblk = pl.BlockSpec((9, 1, _TPB, 128), lambda i: (0, i, 0, 0))
        pltpu.emit_pipeline(
            body,
            grid=(_SB,),
            in_specs=[zblk, zblk],
            out_specs=[blk, blk],
            core_axis_name=("c", "s"),
            dimension_semantics=(pltpu.PARALLEL,),
        )(img_hbm, edg_hbm, lo_hbm, val_hbm)

        wid = lax.axis_index("s") * _NC + lax.axis_index("c")
        pltpu.sync_copy(acc_v, part_hbm.at[pl.ds(2 * wid, 2)])

    return k(img_z, edg_z)


def _pass1_tc_kernel(img_ref, edg_ref, lo_ref, val_ref, part_ref, acc_s):
    i = pl.program_id(0)
    nsteps = pl.num_programs(0)

    @pl.when(i == 0)
    def _():
        for q in range(4):
            acc_s[q] = 0.0

    xi = img_ref[...]
    xe = edg_ref[...]
    dm = jnp.where(xe > 0.5, 1.0, 0.0)
    nz = jnp.where(xe != 0.0, 1.0, 0.0)
    sd = jnp.sum(xi * dm, axis=0)
    st = jnp.sum(xi * nz, axis=0)
    cd = jnp.sum(dm, axis=0)
    ct = jnp.sum(nz, axis=0)
    vals = xi[4]
    lo, (pb, pcb, pw, pcw) = _labels(sd, st, cd, ct, vals)
    lo_ref[...] = lo
    val_ref[...] = vals
    acc_s[0] += jnp.sum(pb)
    acc_s[1] += jnp.sum(pcb)
    acc_s[2] += jnp.sum(pw)
    acc_s[3] += jnp.sum(pcw)

    @pl.when(i == nsteps - 1)
    def _():
        lane = lax.broadcasted_iota(jnp.int32, (1, 4), 1)
        part_ref[...] = jnp.where(
            lane == 0, acc_s[0],
            jnp.where(lane == 1, acc_s[1],
                      jnp.where(lane == 2, acc_s[2], acc_s[3])))


def _tc_pass1(img_z, edg_z, n, n_sc):
    n_tc = n - n_sc
    nblocks = n_tc // (_BP * _G)
    off = n_sc // (_BP * _G)
    zblk = pl.BlockSpec((9, _G, _TPB, 128), lambda i: (0, i + off, 0, 0))
    oblk = pl.BlockSpec((_G, _TPB, 128), lambda i: (i, 0, 0))
    return pl.pallas_call(
        _pass1_tc_kernel,
        grid=(nblocks,),
        in_specs=[zblk, zblk],
        out_specs=[oblk, oblk, pl.BlockSpec((1, 4), lambda i: (0, 0))],
        out_shape=(
            jax.ShapeDtypeStruct((nblocks * _G, _TPB, 128), jnp.float32),
            jax.ShapeDtypeStruct((nblocks * _G, _TPB, 128), jnp.float32),
            jax.ShapeDtypeStruct((1, 4), jnp.float32),
        ),
        scratch_shapes=[pltpu.SMEM((4,), jnp.float32)],
    )(img_z, edg_z)


_SC_BANDS = 4


def _pass2_kernel(lo_sc_ref, val_sc_ref, lo_tc_ref, val_tc_ref,
                  psc_ref, ptc_ref, out_ref):
    p = psc_ref[...]
    q = ptc_ref[...]
    sB = jnp.sum(p[:, 0 * _L:1 * _L]) + q[0, 0]
    cB = jnp.sum(p[:, 1 * _L:2 * _L]) + q[0, 1]
    sW = jnp.sum(p[:, 2 * _L:3 * _L]) + q[0, 2]
    cW = jnp.sum(p[:, 3 * _L:4 * _L]) + q[0, 3]
    avgB = sB / jnp.maximum(cB, 1.0)
    avgW = sW / jnp.maximum(cW, 1.0)
    i = pl.program_id(0)
    use_sc = i < _SC_BANDS
    lo = jnp.where(use_sc, lo_sc_ref[...], lo_tc_ref[...])
    v = jnp.where(use_sc, val_sc_ref[...], val_tc_ref[...])
    resolved = jnp.where(jnp.abs(v - avgB) < jnp.abs(v - avgW), 0.0, 1.0)
    corr = jnp.where(lo != 2.0, lo, resolved)
    out_ref[...] = corr.reshape(out_ref.shape)


def kernel(image, edges_prob, gt):
    global _SC_BANDS
    n = image.shape[0]
    H = gt.shape[0] - 2
    W = gt.shape[1] - 2
    nb = n // _BP

    img_z = image.reshape(nb, _TPB, 128, 9).transpose(3, 0, 1, 2)
    edg_z = edges_prob.reshape(nb, _TPB, 128, 9).transpose(3, 0, 1, 2)

    n_sc = _SB * _BP
    lo_sc, val_sc, parts_sc = _sc_pass1(img_z, edg_z, n_sc)
    lo_tc3, val_tc3, parts_tc = _tc_pass1(img_z, edg_z, n, n_sc)
    lo_tc = lo_tc3.reshape(-1)
    val_tc = val_tc3.reshape(-1)

    rows = 64
    band = rows * W
    _SC_BANDS = n_sc // band
    sc_bands = _SC_BANDS
    out = pl.pallas_call(
        _pass2_kernel,
        grid=(H // rows,),
        in_specs=[
            pl.BlockSpec((band,), lambda i: (jnp.minimum(i, sc_bands - 1),)),
            pl.BlockSpec((band,), lambda i: (jnp.minimum(i, sc_bands - 1),)),
            pl.BlockSpec(
                (band,), lambda i: (jnp.maximum(i - sc_bands, 0),)),
            pl.BlockSpec(
                (band,), lambda i: (jnp.maximum(i - sc_bands, 0),)),
            pl.BlockSpec((2 * _NW, 128), lambda i: (0, 0)),
            pl.BlockSpec((1, 4), lambda i: (0, 0)),
        ],
        out_specs=pl.BlockSpec((rows, W), lambda i: (i, 0)),
        out_shape=jax.ShapeDtypeStruct((H, W), jnp.float32),
    )(lo_sc, val_sc, lo_tc, val_tc, parts_sc, parts_tc)
    return out

# --- scband reference (transcript-rebuilt; emitter-appended) ---
"""Pipeline reference for scband-predictor-67585605370461 (READ-ONLY COPY).

The authoritative reference and input builder live on the scoring server;
editing this copy changes nothing except your own understanding.
"""

import jax, jax.numpy as jnp
import numpy as np

N = 262144
HW = 514

def setup_inputs(seed: int = 0) -> dict:
    key = jax.random.key(seed)
    k1, k2, k3 = jax.random.split(key, 3)
    image = jax.random.normal(k1, (N, 3, 3), dtype=jnp.float32)
    edges_prob = jax.random.uniform(k2, (N, 3, 3), dtype=jnp.float32)
    gt = jax.random.randint(k3, (HW, HW), 0, 2, dtype=jnp.int32)
    return {"image": image, "edges_prob": edges_prob, "gt": gt}

def reference(image, edges_prob, gt):
    # Eval-mode path of Predictor.forward, vectorized over the per-patch python loops.
    n = image.shape[0]
    img = image.reshape(n, 9)
    edges = edges_prob.reshape(n, 9)
    # per-element routing: edg==0 -> skip; edg>0.5 -> disacc; else -> acc
    dis_mask = edges > 0.5
    acc_mask = (edges != 0.0) & (edges <= 0.5)
    cnt_d = dis_mask.sum(axis=1)
    cnt_a = acc_mask.sum(axis=1)
    md = (img * dis_mask).sum(axis=1) / jnp.maximum(cnt_d, 1).astype(img.dtype)
    ma = (img * acc_mask).sum(axis=1) / jnp.maximum(cnt_a, 1).astype(img.dtype)
    known = (cnt_d > 0) & (cnt_a > 0)
    # if md > ma -> 0 (black), else -> 1 (white); unknown -> 2
    list_output = jnp.where(known, jnp.where(md > ma, 0.0, 1.0), 2.0)
    values = image[:, 1, 1]
    # computeAVG: output==0 -> black list, everything else (1 or 2) -> white list
    black = list_output == 0.0
    white = ~black
    avgB = (values * black).sum() / jnp.maximum(black.sum(), 1).astype(values.dtype)
    avgW = (values * white).sum() / jnp.maximum(white.sum(), 1).astype(values.dtype)
    # correction: keep 0/1 predictions; resolve 2s by nearest of avgB/avgW on center pixel
    resolved = jnp.where(jnp.abs(values - avgB) < jnp.abs(values - avgW), 0.0, 1.0)
    corr = jnp.where(list_output != 2.0, list_output, resolved)
    H = gt.shape[0] - 2
    W = gt.shape[1] - 2
    mapped = corr.reshape(H, W)
    return mapped

if __name__ == "__main__":
    import jax
    _d = setup_inputs()
    print(jax.jit(kernel)(*tuple(_d.values())))

</pallas_src>

<mosaic_0001>
#map = affine_map<(d0, d1) -> (0, 0, 0, 0)>
#map1 = affine_map<(d0, d1) -> (0)>
#map2 = affine_map<(d0, d1) -> (0, 0)>
module attributes {stable_mosaic.version = 14 : i64} {
  func.func @k(%arg0: i32, %arg1: i32, %arg2: memref<9x128x16x128xf32, #tpu.memory_space<hbm>>, %arg3: memref<9x128x16x128xf32, #tpu.memory_space<hbm>>, %arg4: memref<65536xf32, #tpu.memory_space<hbm>>, %arg5: memref<65536xf32, #tpu.memory_space<hbm>>, %arg6: memref<64x128xf32, #tpu.memory_space<hbm>>, %arg7: memref<2x128xf32, #tpu.memory_space<vmem>>) attributes {dimension_semantics = [#tpu.dimension_semantics<core_parallel>, #tpu.dimension_semantics<subcore_parallel>], iteration_bounds = array<i64: 2, 16>, scalar_prefetch = 0 : i64, scratch_operands = 1 : i64, tpu.core_type = #tpu.core_type<sc_vector_subcore>, window_params = [{transform_indices = #map}, {transform_indices = #map}, {transform_indices = #map1}, {transform_indices = #map1}, {transform_indices = #map2}]} {
    %broadcast_in_dim3A = arith.constant 0.000000e+00 : f32
    %broadcast_in_dim3A_0 = vector.broadcast %broadcast_in_dim3A : f32 to vector<16xf32>
    %swap3A = arith.constant 0 : i32
    %swap3A_1 = arith.index_cast %swap3A : i32 to index
    %swap3A_2 = arith.constant 0 : index
    %swap3A_3 = tpu.vector_load %arg7[%swap3A_1, %swap3A_2] {strides = array<i32>} : memref<2x128xf32, #tpu.memory_space<vmem>>, vector<16xf32>,
    tpu.vector_store %arg7[%swap3A_1, %swap3A_2], %broadcast_in_dim3A_0 {strides = array<i32>} : memref<2x128xf32, #tpu.memory_space<vmem>>, vector<16xf32>,
    %swap3A_4 = arith.constant 0 : i32
    %swap3A_5 = arith.index_cast %swap3A_4 : i32 to index
    %swap3A_6 = arith.constant 16 : index
    %swap3A_7 = tpu.vector_load %arg7[%swap3A_5, %swap3A_6] {strides = array<i32>} : memref<2x128xf32, #tpu.memory_space<vmem>>, vector<16xf32>,
    tpu.vector_store %arg7[%swap3A_5, %swap3A_6], %broadcast_in_dim3A_0 {strides = array<i32>} : memref<2x128xf32, #tpu.memory_space<vmem>>, vector<16xf32>,
    %swap3A_8 = arith.constant 0 : i32
    %swap3A_9 = arith.index_cast %swap3A_8 : i32 to index
    %swap3A_10 = arith.constant 32 : index
    %swap3A_11 = tpu.vector_load %arg7[%swap3A_9, %swap3A_10] {strides = array<i32>} : memref<2x128xf32, #tpu.memory_space<vmem>>, vector<16xf32>,
    tpu.vector_store %arg7[%swap3A_9, %swap3A_10], %broadcast_in_dim3A_0 {strides = array<i32>} : memref<2x128xf32, #tpu.memory_space<vmem>>, vector<16xf32>,
    %swap3A_12 = arith.constant 0 : i32
    %swap3A_13 = arith.index_cast %swap3A_12 : i32 to index
    %swap3A_14 = arith.constant 48 : index
    %swap3A_15 = tpu.vector_load %arg7[%swap3A_13, %swap3A_14] {strides = array<i32>} : memref<2x128xf32, #tpu.memory_space<vmem>>, vector<16xf32>,
    tpu.vector_store %arg7[%swap3A_13, %swap3A_14], %broadcast_in_dim3A_0 {strides = array<i32>} : memref<2x128xf32, #tpu.memory_space<vmem>>, vector<16xf32>,
    %swap3A_16 = arith.constant 0 : i32
    %swap3A_17 = arith.index_cast %swap3A_16 : i32 to index
    %swap3A_18 = arith.constant 64 : index
    %swap3A_19 = tpu.vector_load %arg7[%swap3A_17, %swap3A_18] {strides = array<i32>} : memref<2x128xf32, #tpu.memory_space<vmem>>, vector<16xf32>,
    tpu.vector_store %arg7[%swap3A_17, %swap3A_18], %broadcast_in_dim3A_0 {strides = array<i32>} : memref<2x128xf32, #tpu.memory_space<vmem>>, vector<16xf32>,
    %swap3A_20 = arith.constant 0 : i32
    %swap3A_21 = arith.index_cast %swap3A_20 : i32 to index
    %swap3A_22 = arith.constant 80 : index
    %swap3A_23 = tpu.vector_load %arg7[%swap3A_21, %swap3A_22] {strides = array<i32>} : memref<2x128xf32, #tpu.memory_space<vmem>>, vector<16xf32>,
    tpu.vector_store %arg7[%swap3A_21, %swap3A_22], %broadcast_in_dim3A_0 {strides = array<i32>} : memref<2x128xf32, #tpu.memory_space<vmem>>, vector<16xf32>,
    %swap3A_24 = arith.constant 0 : i32
    %swap3A_25 = arith.index_cast %swap3A_24 : i32 to index
    %swap3A_26 = arith.constant 96 : index
    %swap3A_27 = tpu.vector_load %arg7[%swap3A_25, %swap3A_26] {strides = array<i32>} : memref<2x128xf32, #tpu.memory_space<vmem>>, vector<16xf32>,
    tpu.vector_store %arg7[%swap3A_25, %swap3A_26], %broadcast_in_dim3A_0 {strides = array<i32>} : memref<2x128xf32, #tpu.memory_space<vmem>>, vector<16xf32>,
    %swap3A_28 = arith.constant 0 : i32
    %swap3A_29 = arith.index_cast %swap3A_28 : i32 to index
    %swap3A_30 = arith.constant 112 : index
    %swap3A_31 = tpu.vector_load %arg7[%swap3A_29, %swap3A_30] {strides = array<i32>} : memref<2x128xf32, #tpu.memory_space<vmem>>, vector<16xf32>,
    tpu.vector_store %arg7[%swap3A_29, %swap3A_30], %broadcast_in_dim3A_0 {strides = array<i32>} : memref<2x128xf32, #tpu.memory_space<vmem>>, vector<16xf32>,
    %swap3A_32 = arith.constant 1 : i32
    %swap3A_33 = arith.index_cast %swap3A_32 : i32 to index
    %swap3A_34 = arith.constant 0 : index
    %swap3A_35 = tpu.vector_load %arg7[%swap3A_33, %swap3A_34] {strides = array<i32>} : memref<2x128xf32, #tpu.memory_space<vmem>>, vector<16xf32>,
    tpu.vector_store %arg7[%swap3A_33, %swap3A_34], %broadcast_in_dim3A_0 {strides = array<i32>} : memref<2x128xf32, #tpu.memory_space<vmem>>, vector<16xf32>,
    %swap3A_36 = arith.constant 1 : i32
    %swap3A_37 = arith.index_cast %swap3A_36 : i32 to index
    %swap3A_38 = arith.constant 16 : index
    %swap3A_39 = tpu.vector_load %arg7[%swap3A_37, %swap3A_38] {strides = array<i32>} : memref<2x128xf32, #tpu.memory_space<vmem>>, vector<16xf32>,
    tpu.vector_store %arg7[%swap3A_37, %swap3A_38], %broadcast_in_dim3A_0 {strides = array<i32>} : memref<2x128xf32, #tpu.memory_space<vmem>>, vector<16xf32>,
    %swap3A_40 = arith.constant 1 : i32
    %swap3A_41 = arith.index_cast %swap3A_40 : i32 to index
    %swap3A_42 = arith.constant 32 : index
    %swap3A_43 = tpu.vector_load %arg7[%swap3A_41, %swap3A_42] {strides = array<i32>} : memref<2x128xf32, #tpu.memory_space<vmem>>, vector<16xf32>,
    tpu.vector_store %arg7[%swap3A_41, %swap3A_42], %broadcast_in_dim3A_0 {strides = array<i32>} : memref<2x128xf32, #tpu.memory_space<vmem>>, vector<16xf32>,
    %swap3A_44 = arith.constant 1 : i32
    %swap3A_45 = arith.index_cast %swap3A_44 : i32 to index
    %swap3A_46 = arith.constant 48 : index
    %swap3A_47 = tpu.vector_load %arg7[%swap3A_45, %swap3A_46] {strides = array<i32>} : memref<2x128xf32, #tpu.memory_space<vmem>>, vector<16xf32>,
    tpu.vector_store %arg7[%swap3A_45, %swap3A_46], %broadcast_in_dim3A_0 {strides = array<i32>} : memref<2x128xf32, #tpu.memory_space<vmem>>, vector<16xf32>,
    %swap3A_48 = arith.constant 1 : i32
    %swap3A_49 = arith.index_cast %swap3A_48 : i32 to index
    %swap3A_50 = arith.constant 64 : index
    %swap3A_51 = tpu.vector_load %arg7[%swap3A_49, %swap3A_50] {strides = array<i32>} : memref<2x128xf32, #tpu.memory_space<vmem>>, vector<16xf32>,
    tpu.vector_store %arg7[%swap3A_49, %swap3A_50], %broadcast_in_dim3A_0 {strides = array<i32>} : memref<2x128xf32, #tpu.memory_space<vmem>>, vector<16xf32>,
    %swap3A_52 = arith.constant 1 : i32
    %swap3A_53 = arith.index_cast %swap3A_52 : i32 to index
    %swap3A_54 = arith.constant 80 : index
    %swap3A_55 = tpu.vector_load %arg7[%swap3A_53, %swap3A_54] {strides = array<i32>} : memref<2x128xf32, #tpu.memory_space<vmem>>, vector<16xf32>,
    tpu.vector_store %arg7[%swap3A_53, %swap3A_54], %broadcast_in_dim3A_0 {strides = array<i32>} : memref<2x128xf32, #tpu.memory_space<vmem>>, vector<16xf32>,
    %swap3A_56 = arith.constant 1 : i32
    %swap3A_57 = arith.index_cast %swap3A_56 : i32 to index
    %swap3A_58 = arith.constant 96 : index
    %swap3A_59 = tpu.vector_load %arg7[%swap3A_57, %swap3A_58] {strides = array<i32>} : memref<2x128xf32, #tpu.memory_space<vmem>>, vector<16xf32>,
    tpu.vector_store %arg7[%swap3A_57, %swap3A_58], %broadcast_in_dim3A_0 {strides = array<i32>} : memref<2x128xf32, #tpu.memory_space<vmem>>, vector<16xf32>,
    %swap3A_60 = arith.constant 1 : i32
    %swap3A_61 = arith.index_cast %swap3A_60 : i32 to index
    %swap3A_62 = arith.constant 112 : index
    %swap3A_63 = tpu.vector_load %arg7[%swap3A_61, %swap3A_62] {strides = array<i32>} : memref<2x128xf32, #tpu.memory_space<vmem>>, vector<16xf32>,
    tpu.vector_store %arg7[%swap3A_61, %swap3A_62], %broadcast_in_dim3A_0 {strides = array<i32>} : memref<2x128xf32, #tpu.memory_space<vmem>>, vector<16xf32>,
    %mul3A = arith.constant 1 : i32
    %mul3A_64 = arith.muli %arg1, %mul3A : i32
    %add3A = arith.constant 0 : i32
    %add3A_65 = arith.addi %add3A, %mul3A_64 : i32
    %mul3A_66 = arith.constant 16 : i32
    %mul3A_67 = arith.muli %arg0, %mul3A_66 : i32
    %add3A_68 = arith.addi %add3A_65, %mul3A_67 : i32
    %mul3A_69 = arith.constant 1 : i32
    %mul3A_70 = arith.muli %add3A_68, %mul3A_69 : i32
    "tpu.region"() ({
      %run_scoped3A = memref.alloca() : memref<2x9x1x16x128xf32, #tpu.memory_space<vmem>>
      %run_scoped3A_76 = tpu.sem_alloc : memref<2x!tpu.dma_semaphore, #tpu.memory_space<semaphore_mem>>
      %run_scoped3A_77 = memref.alloca() : memref<2x9x1x16x128xf32, #tpu.memory_space<vmem>>
      %run_scoped3A_78 = tpu.sem_alloc : memref<2x!tpu.dma_semaphore, #tpu.memory_space<semaphore_mem>>
      %run_scoped3A_79 = memref.alloca() : memref<4096xf32, #tpu.memory_space<vmem>>
      %run_scoped3A_80 = tpu.sem_alloc : memref<2x!tpu.dma_semaphore, #tpu.memory_space<semaphore_mem>>
      %run_scoped3A_81 = memref.alloca() : memref<4096xf32, #tpu.memory_space<vmem>>
      %run_scoped3A_82 = tpu.sem_alloc : memref<2x!tpu.dma_semaphore, #tpu.memory_space<semaphore_mem>>
      %add3A_83 = arith.constant 0 : i32
      %add3A_84 = arith.addi %add3A_83, %mul3A_70 : i32
      %select_n3A = arith.constant true
      %select_n3A_85 = arith.constant 0 : i32
      %select_n3A_86 = arith.constant -1 : i32
      %select_n3A_87 = arith.select %select_n3A, %select_n3A_86, %select_n3A_85 : i32
      %eq3A = arith.constant -1 : i32
      %eq3A_88 = arith.cmpi eq, %select_n3A_87, %eq3A : i32
      %select_n3A_89 = arith.constant 0 : i32
      %select_n3A_90 = arith.select %eq3A_88, %select_n3A_89, %select_n3A_87 : i32
      %add3A_91 = arith.constant 0 : i32
      %add3A_92 = arith.addi %add3A_91, %mul3A_70 : i32
      %select_n3A_93 = arith.constant true
      %select_n3A_94 = arith.constant 0 : i32
      %select_n3A_95 = arith.constant 1 : i32
      %select_n3A_96 = arith.select %select_n3A_93, %select_n3A_95, %select_n3A_94 : i32
      %eq3A_97 = arith.constant 1 : i32
      %eq3A_98 = arith.cmpi eq, %select_n3A_96, %eq3A_97 : i32
      %select_n3A_99 = arith.constant 0 : i32
      %select_n3A_100 = arith.select %eq3A_98, %select_n3A_99, %select_n3A_96 : i32
      %add3A_101 = arith.constant 0 : i32
      %add3A_102 = arith.addi %add3A_101, %mul3A_70 : i32
      %select_n3A_103 = arith.constant true
      %select_n3A_104 = arith.constant 0 : i32
      %select_n3A_105 = arith.constant 1 : i32
      %select_n3A_106 = arith.select %select_n3A_103, %select_n3A_105, %select_n3A_104 : i32
      %eq3A_107 = arith.constant 1 : i32
      %eq3A_108 = arith.cmpi eq, %select_n3A_106, %eq3A_107 : i32
      %select_n3A_109 = arith.constant 0 : i32
      %select_n3A_110 = arith.select %eq3A_108, %select_n3A_109, %select_n3A_106 : i32
      %add3A_111 = arith.constant 0 : i32
      %add3A_112 = arith.addi %add3A_111, %mul3A_70 : i32
      "tpu.trace_start"() <{level = 10 : i32, message = "ep_initialize_0"}> : () -> ()
      %rem3A = arith.constant 0 : i32
      %rem3A_113 = arith.constant 2 : i32
      %rem3A_114 = arith.remui %rem3A, %rem3A_113 : i32
      %mul3A_115 = arith.constant 1 : i32
      %mul3A_116 = arith.muli %mul3A_115, %add3A_84 : i32
      %dma_start3A = arith.constant 0 : i32
      %dma_start3A_117 = arith.constant 0 : i32
      %dma_start3A_118 = arith.constant 0 : i32
      %dma_start3A_119 = arith.constant 0 : i32
      %dma_start3A_120 = tpu.memref_slice %run_scoped3A[%rem3A_114, %dma_start3A, %dma_start3A_117, %dma_start3A_118, %dma_start3A_119] : memref<2x9x1x16x128xf32, #tpu.memory_space<vmem>> -> memref<1x9x1x16x128xf32, #tpu.memory_space<vmem>>
      %dma_start3A_121 = tpu.memref_squeeze %dma_start3A_120 : memref<1x9x1x16x128xf32, #tpu.memory_space<vmem>> -> memref<9x1x16x128xf32, #tpu.memory_space<vmem>>
      %dma_start3A_122 = arith.constant 0 : i32
      %dma_start3A_123 = arith.constant 0 : i32
      %dma_start3A_124 = arith.constant 0 : i32
      %dma_start3A_125 = tpu.memref_slice %arg2[%dma_start3A_122, %mul3A_116, %dma_start3A_123, %dma_start3A_124] : memref<9x128x16x128xf32, #tpu.memory_space<hbm>> -> memref<9x1x16x128xf32, #tpu.memory_space<hbm>>
      %dma_start3A_126 = tpu.memref_slice %run_scoped3A_76[%rem3A_114] : memref<2x!tpu.dma_semaphore, #tpu.memory_space<semaphore_mem>> -> memref<1x!tpu.dma_semaphore, #tpu.memory_space<semaphore_mem>>
      %dma_start3A_127 = tpu.memref_squeeze %dma_start3A_126 : memref<1x!tpu.dma_semaphore, #tpu.memory_space<semaphore_mem>> -> memref<!tpu.dma_semaphore, #tpu.memory_space<semaphore_mem>>
      %dma_start3A_128 = arith.constant 0 : i32
      %dma_start3A_129 = arith.constant 0 : i32
      %dma_start3A_130 = arith.constant 0 : i32
      %dma_start3A_131 = arith.constant 0 : i32
      %dma_start3A_132 = tpu.memref_slice %run_scoped3A[%rem3A_114, %dma_start3A_128, %dma_start3A_129, %dma_start3A_130, %dma_start3A_131] : memref<2x9x1x16x128xf32, #tpu.memory_space<vmem>> -> memref<1x9x1x16x128xf32, #tpu.memory_space<vmem>>
      %dma_start3A_133 = tpu.memref_squeeze %dma_start3A_132 : memref<1x9x1x16x128xf32, #tpu.memory_space<vmem>> -> memref<9x1x16x128xf32, #tpu.memory_space<vmem>>
      %dma_start3A_134 = arith.constant 0 : i32
      %dma_start3A_135 = arith.constant 0 : i32
      %dma_start3A_136 = arith.constant 0 : i32
      %dma_start3A_137 = tpu.memref_slice %arg2[%dma_start3A_134, %mul3A_116, %dma_start3A_135, %dma_start3A_136] : memref<9x128x16x128xf32, #tpu.memory_space<hbm>> -> memref<9x1x16x128xf32, #tpu.memory_space<hbm>>
      tpu.enqueue_dma source(%dma_start3A_137 : memref<9x1x16x128xf32, #tpu.memory_space<hbm>>) target(%dma_start3A_133 : memref<9x1x16x128xf32, #tpu.memory_space<vmem>>) target_semaphore(%dma_start3A_127 : memref<!tpu.dma_semaphore, #tpu.memory_space<semaphore_mem>>)
      %add3A_138 = arith.constant 0 : i32
      %add3A_139 = arith.constant 1 : i32
      %add3A_140 = arith.addi %add3A_138, %add3A_139 : i32
      %select_n3A_141 = arith.constant true
      %select_n3A_142 = arith.constant 0 : i32
      %select_n3A_143 = arith.select %select_n3A_141, %add3A_140, %select_n3A_142 : i32
      %rem3A_144 = arith.constant 0 : i32
      %rem3A_145 = arith.constant 2 : i32
      %rem3A_146 = arith.remui %rem3A_144, %rem3A_145 : i32
      %mul3A_147 = arith.constant 1 : i32
      %mul3A_148 = arith.muli %mul3A_147, %add3A_84 : i32
      %dma_start3A_149 = arith.constant 0 : i32
      %dma_start3A_150 = arith.constant 0 : i32
      %dma_start3A_151 = arith.constant 0 : i32
      %dma_start3A_152 = arith.constant 0 : i32
      %dma_start3A_153 = tpu.memref_slice %run_scoped3A_77[%rem3A_146, %dma_start3A_149, %dma_start3A_150, %dma_start3A_151, %dma_start3A_152] : memref<2x9x1x16x128xf32, #tpu.memory_space<vmem>> -> memref<1x9x1x16x128xf32, #tpu.memory_space<vmem>>
      %dma_start3A_154 = tpu.memref_squeeze %dma_start3A_153 : memref<1x9x1x16x128xf32, #tpu.memory_space<vmem>> -> memref<9x1x16x128xf32, #tpu.memory_space<vmem>>
      %dma_start3A_155 = arith.constant 0 : i32
      %dma_start3A_156 = arith.constant 0 : i32
      %dma_start3A_157 = arith.constant 0 : i32
      %dma_start3A_158 = tpu.memref_slice %arg3[%dma_start3A_155, %mul3A_148, %dma_start3A_156, %dma_start3A_157] : memref<9x128x16x128xf32, #tpu.memory_space<hbm>> -> memref<9x1x16x128xf32, #tpu.memory_space<hbm>>
      %dma_start3A_159 = tpu.memref_slice %run_scoped3A_78[%rem3A_146] : memref<2x!tpu.dma_semaphore, #tpu.memory_space<semaphore_mem>> -> memref<1x!tpu.dma_semaphore, #tpu.memory_space<semaphore_mem>>
      %dma_start3A_160 = tpu.memref_squeeze %dma_start3A_159 : memref<1x!tpu.dma_semaphore, #tpu.memory_space<semaphore_mem>> -> memref<!tpu.dma_semaphore, #tpu.memory_space<semaphore_mem>>
      %dma_start3A_161 = arith.constant 0 : i32
      %dma_start3A_162 = arith.constant 0 : i32
      %dma_start3A_163 = arith.constant 0 : i32
      %dma_start3A_164 = arith.constant 0 : i32
      %dma_start3A_165 = tpu.memref_slice %run_scoped3A_77[%rem3A_146, %dma_start3A_161, %dma_start3A_162, %dma_start3A_163, %dma_start3A_164] : memref<2x9x1x16x128xf32, #tpu.memory_space<vmem>> -> memref<1x9x1x16x128xf32, #tpu.memory_space<vmem>>
      %dma_start3A_166 = tpu.memref_squeeze %dma_start3A_165 : memref<1x9x1x16x128xf32, #tpu.memory_space<vmem>> -> memref<9x1x16x128xf32, #tpu.memory_space<vmem>>
      %dma_start3A_167 = arith.constant 0 : i32
      %dma_start3A_168 = arith.constant 0 : i32
      %dma_start3A_169 = arith.constant 0 : i32
      %dma_start3A_170 = tpu.memref_slice %arg3[%dma_start3A_167, %mul3A_148, %dma_start3A_168, %dma_start3A_169] : memref<9x128x16x128xf32, #tpu.memory_space<hbm>> -> memref<9x1x16x128xf32, #tpu.memory_space<hbm>>
      tpu.enqueue_dma source(%dma_start3A_170 : memref<9x1x16x128xf32, #tpu.memory_space<hbm>>) target(%dma_start3A_166 : memref<9x1x16x128xf32, #tpu.memory_space<vmem>>) target_semaphore(%dma_start3A_160 : memref<!tpu.dma_semaphore, #tpu.memory_space<semaphore_mem>>)
      %add3A_171 = arith.constant 0 : i32
      %add3A_172 = arith.constant 1 : i32
      %add3A_173 = arith.addi %add3A_171, %add3A_172 : i32
      %select_n3A_174 = arith.constant true
      %select_n3A_175 = arith.constant 0 : i32
      %select_n3A_176 = arith.select %select_n3A_174, %add3A_173, %select_n3A_175 : i32
      "tpu.trace_stop"() : () -> ()
      %scan3A = arith.constant 0 : i32
      %scan3A_177 = arith.constant 0 : i32
      %scan3A_178 = arith.constant 0 : i32
      %scan3A_179 = arith.constant 0 : i32
      %scan3A_180 = arith.constant 0 : i32
      %scan3A_181 = arith.constant 0 : i32
      %scan3A_182 = arith.constant 0 : i32
      %scan3A_183 = arith.constant 0 : i32
      %eq3A_184 = arith.constant 0 : i32
      %eq3A_185 = arith.cmpi eq, %scan3A_183, %eq3A_184 : i32
      %eq3A_186 = arith.constant 0 : i32
      %eq3A_187 = arith.cmpi eq, %scan3A_183, %eq3A_186 : i32
      %add3A_188 = arith.constant 0 : i32
      %add3A_189 = arith.addi %add3A_188, %mul3A_70 : i32
      %select_n3A_190 = arith.constant true
      %select_n3A_191 = arith.constant 0 : i32
      %select_n3A_192 = arith.constant -1 : i32
      %select_n3A_193 = arith.select %select_n3A_190, %select_n3A_192, %select_n3A_191 : i32
      %eq3A_194 = arith.constant -1 : i32
      %eq3A_195 = arith.cmpi eq, %select_n3A_193, %eq3A_194 : i32
      %select_n3A_196 = arith.constant 0 : i32
      %select_n3A_197 = arith.select %eq3A_195, %select_n3A_196, %select_n3A_193 : i32
      %add3A_198 = arith.constant 0 : i32
      %add3A_199 = arith.addi %add3A_198, %mul3A_70 : i32
      %select_n3A_200 = arith.constant true
      %select_n3A_201 = arith.constant 0 : i32
      %select_n3A_202 = arith.constant 1 : i32
      %select_n3A_203 = arith.select %select_n3A_200, %select_n3A_202, %select_n3A_201 : i32
      %eq3A_204 = arith.constant 1 : i32
      %eq3A_205 = arith.cmpi eq, %select_n3A_203, %eq3A_204 : i32
      %select_n3A_206 = arith.constant 0 : i32
      %select_n3A_207 = arith.select %eq3A_205, %select_n3A_206, %select_n3A_203 : i32
      %add3A_208 = arith.constant 0 : i32
      %add3A_209 = arith.addi %add3A_208, %mul3A_70 : i32
      %select_n3A_210 = arith.constant true
      %select_n3A_211 = arith.constant 0 : i32
      %select_n3A_212 = arith.constant 1 : i32
      %select_n3A_213 = arith.select %select_n3A_210, %select_n3A_212, %select_n3A_211 : i32
      %eq3A_214 = arith.constant 1 : i32
      %eq3A_215 = arith.cmpi eq, %select_n3A_213, %eq3A_214 : i32
      %select_n3A_216 = arith.constant 0 : i32
      %select_n3A_217 = arith.select %eq3A_215, %select_n3A_216, %select_n3A_213 : i32
      %add3A_218 = arith.constant 0 : i32
      %add3A_219 = arith.addi %add3A_218, %mul3A_70 : i32
      %ne3A = arith.cmpi ne, %add3A_189, %add3A_209 : i32
      %or3A = arith.constant false
      %or3A_220 = arith.ori %or3A, %ne3A : i1
      %or3A_221 = arith.constant false
      %or3A_222 = arith.ori %or3A_220, %or3A_221 : i1
      %or3A_223 = arith.constant false
      %or3A_224 = arith.ori %or3A_222, %or3A_223 : i1
      %ge3A = arith.constant 0 : i32
      %ge3A_225 = arith.cmpi sge, %scan3A_183, %ge3A : i32
      %not3A = arith.constant true
      %not3A_226 = arith.xori %ge3A_225, %not3A : i1
      %and3A = arith.andi %or3A_224, %not3A_226 : i1
      %convert_element_type3A = arith.extui %and3A : i1 to i32
      %cond3A = arith.constant 0 : i32
      %cond3A_227 = arith.cmpi ne, %convert_element_type3A, %cond3A : i32
      scf.if %cond3A_227 {
        "tpu.trace_start"() <{level = 10 : i32, message = "ep_copy_in"}> : () -> ()
        %rem3A_528 = arith.constant 2 : i32
        %rem3A_529 = arith.remui %select_n3A_143, %rem3A_528 : i32
        %mul3A_530 = arith.constant 1 : i32
        %mul3A_531 = arith.muli %mul3A_530, %add3A_209 : i32
        %dma_start3A_532 = arith.constant 0 : i32
        %dma_start3A_533 = arith.constant 0 : i32
        %dma_start3A_534 = arith.constant 0 : i32
        %dma_start3A_535 = arith.constant 0 : i32
        %dma_start3A_536 = tpu.memref_slice %run_scoped3A[%rem3A_529, %dma_start3A_532, %dma_start3A_533, %dma_start3A_534, %dma_start3A_535] : memref<2x9x1x16x128xf32, #tpu.memory_space<vmem>> -> memref<1x9x1x16x128xf32, #tpu.memory_space<vmem>>
        %dma_start3A_537 = tpu.memref_squeeze %dma_start3A_536 : memref<1x9x1x16x128xf32, #tpu.memory_space<vmem>> -> memref<9x1x16x128xf32, #tpu.memory_space<vmem>>
        %dma_start3A_538 = arith.constant 0 : i32
        %dma_start3A_539 = arith.constant 0 : i32
        %dma_start3A_540 = arith.constant 0 : i32
        %dma_start3A_541 = tpu.memref_slice %arg2[%dma_start3A_538, %mul3A_531, %dma_start3A_539, %dma_start3A_540] : memref<9x128x16x128xf32, #tpu.memory_space<hbm>> -> memref<9x1x16x128xf32, #tpu.memory_space<hbm>>
        %dma_start3A_542 = tpu.memref_slice %run_scoped3A_76[%rem3A_529] : memref<2x!tpu.dma_semaphore, #tpu.memory_space<semaphore_mem>> -> memref<1x!tpu.dma_semaphore, #tpu.memory_space<semaphore_mem>>
        %dma_start3A_543 = tpu.memref_squeeze %dma_start3A_542 : memref<1x!tpu.dma_semaphore, #tpu.memory_space<semaphore_mem>> -> memref<!tpu.dma_semaphore, #tpu.memory_space<semaphore_mem>>
        %dma_start3A_544 = arith.constant 0 : i32
        %dma_start3A_545 = arith.constant 0 : i32
        %dma_start3A_546 = arith.constant 0 : i32
        %dma_start3A_547 = arith.constant 0 : i32
        %dma_start3A_548 = tpu.memref_slice %run_scoped3A[%rem3A_529, %dma_start3A_544, %dma_start3A_545, %dma_start3A_546, %dma_start3A_547] : memref<2x9x1x16x128xf32, #tpu.memory_space<vmem>> -> memref<1x9x1x16x128xf32, #tpu.memory_space<vmem>>
        %dma_start3A_549 = tpu.memref_squeeze %dma_start3A_548 : memref<1x9x1x16x128xf32, #tpu.memory_space<vmem>> -> memref<9x1x16x128xf32, #tpu.memory_space<vmem>>
        %dma_start3A_550 = arith.constant 0 : i32
        %dma_start3A_551 = arith.constant 0 : i32
        %dma_start3A_552 = arith.constant 0 : i32
        %dma_start3A_553 = tpu.memref_slice %arg2[%dma_start3A_550, %mul3A_531, %dma_start3A_551, %dma_start3A_552] : memref<9x128x16x128xf32, #tpu.memory_space<hbm>> -> memref<9x1x16x128xf32, #tpu.memory_space<hbm>>
        tpu.enqueue_dma source(%dma_start3A_553 : memref<9x1x16x128xf32, #tpu.memory_space<hbm>>) target(%dma_start3A_549 : memref<9x1x16x128xf32, #tpu.memory_space<vmem>>) target_semaphore(%dma_start3A_543 : memref<!tpu.dma_semaphore, #tpu.memory_space<semaphore_mem>>)
        "tpu.trace_stop"() : () -> ()
      } else {
      }
      %and3A_228 = arith.constant true
      %and3A_229 = arith.andi %and3A, %and3A_228 : i1
      %add3A_230 = arith.constant 1 : i32
      %add3A_231 = arith.addi %select_n3A_143, %add3A_230 : i32
      %select_n3A_232 = arith.select %and3A_229, %add3A_231, %select_n3A_143 : i32
      %ne3A_233 = arith.cmpi ne, %add3A_189, %add3A_209 : i32
      %or3A_234 = arith.constant false
      %or3A_235 = arith.ori %or3A_234, %ne3A_233 : i1
      %or3A_236 = arith.constant false
      %or3A_237 = arith.ori %or3A_235, %or3A_236 : i1
      %or3A_238 = arith.constant false
      %or3A_239 = arith.ori %or3A_237, %or3A_238 : i1
      %ge3A_240 = arith.constant 0 : i32
      %ge3A_241 = arith.cmpi sge, %scan3A_183, %ge3A_240 : i32
      %not3A_242 = arith.constant true
      %not3A_243 = arith.xori %ge3A_241, %not3A_242 : i1
      %and3A_244 = arith.andi %or3A_239, %not3A_243 : i1
      %convert_element_type3A_245 = arith.extui %and3A_244 : i1 to i32
      %cond3A_246 = arith.constant 0 : i32
      %cond3A_247 = arith.cmpi ne, %convert_element_type3A_245, %cond3A_246 : i32
      scf.if %cond3A_247 {
        "tpu.trace_start"() <{level = 10 : i32, message = "ep_copy_in"}> : () -> ()
        %rem3A_528 = arith.constant 2 : i32
        %rem3A_529 = arith.remui %select_n3A_176, %rem3A_528 : i32
        %mul3A_530 = arith.constant 1 : i32
        %mul3A_531 = arith.muli %mul3A_530, %add3A_209 : i32
        %dma_start3A_532 = arith.constant 0 : i32
        %dma_start3A_533 = arith.constant 0 : i32
        %dma_start3A_534 = arith.constant 0 : i32
        %dma_start3A_535 = arith.constant 0 : i32
        %dma_start3A_536 = tpu.memref_slice %run_scoped3A_77[%rem3A_529, %dma_start3A_532, %dma_start3A_533, %dma_start3A_534, %dma_start3A_535] : memref<2x9x1x16x128xf32, #tpu.memory_space<vmem>> -> memref<1x9x1x16x128xf32, #tpu.memory_space<vmem>>
        %dma_start3A_537 = tpu.memref_squeeze %dma_start3A_536 : memref<1x9x1x16x128xf32, #tpu.memory_space<vmem>> -> memref<9x1x16x128xf32, #tpu.memory_space<vmem>>
        %dma_start3A_538 = arith.constant 0 : i32
        %dma_start3A_539 = arith.constant 0 : i32
        %dma_start3A_540 = arith.constant 0 : i32
        %dma_start3A_541 = tpu.memref_slice %arg3[%dma_start3A_538, %mul3A_531, %dma_start3A_539, %dma_start3A_540] : memref<9x128x16x128xf32, #tpu.memory_space<hbm>> -> memref<9x1x16x128xf32, #tpu.memory_space<hbm>>
        %dma_start3A_542 = tpu.memref_slice %run_scoped3A_78[%rem3A_529] : memref<2x!tpu.dma_semaphore, #tpu.memory_space<semaphore_mem>> -> memref<1x!tpu.dma_semaphore, #tpu.memory_space<semaphore_mem>>
        %dma_start3A_543 = tpu.memref_squeeze %dma_start3A_542 : memref<1x!tpu.dma_semaphore, #tpu.memory_space<semaphore_mem>> -> memref<!tpu.dma_semaphore, #tpu.memory_space<semaphore_mem>>
        %dma_start3A_544 = arith.constant 0 : i32
        %dma_start3A_545 = arith.constant 0 : i32
        %dma_start3A_546 = arith.constant 0 : i32
        %dma_start3A_547 = arith.constant 0 : i32
        %dma_start3A_548 = tpu.memref_slice %run_scoped3A_77[%rem3A_529, %dma_start3A_544, %dma_start3A_545, %dma_start3A_546, %dma_start3A_547] : memref<2x9x1x16x128xf32, #tpu.memory_space<vmem>> -> memref<1x9x1x16x128xf32, #tpu.memory_space<vmem>>
        %dma_start3A_549 = tpu.memref_squeeze %dma_start3A_548 : memref<1x9x1x16x128xf32, #tpu.memory_space<vmem>> -> memref<9x1x16x128xf32, #tpu.memory_space<vmem>>
        %dma_start3A_550 = arith.constant 0 : i32
        %dma_start3A_551 = arith.constant 0 : i32
        %dma_start3A_552 = arith.constant 0 : i32
        %dma_start3A_553 = tpu.memref_slice %arg3[%dma_start3A_550, %mul3A_531, %dma_start3A_551, %dma_start3A_552] : memref<9x128x16x128xf32, #tpu.memory_space<hbm>> -> memref<9x1x16x128xf32, #tpu.memory_space<hbm>>
        tpu.enqueue_dma source(%dma_start3A_553 : memref<9x1x16x128xf32, #tpu.memory_space<hbm>>) target(%dma_start3A_549 : memref<9x1x16x128xf32, #tpu.memory_space<vmem>>) target_semaphore(%dma_start3A_543 : memref<!tpu.dma_semaphore, #tpu.memory_space<semaphore_mem>>)
        "tpu.trace_stop"() : () -> ()
      } else {
      }
      %and3A_248 = arith.constant true
      %and3A_249 = arith.andi %and3A_244, %and3A_248 : i1
      %add3A_250 = arith.constant 1 : i32
      %add3A_251 = arith.addi %select_n3A_176, %add3A_250 : i32
      %select_n3A_252 = arith.select %and3A_249, %add3A_251, %select_n3A_176 : i32
      %ne3A_253 = arith.cmpi ne, %add3A_189, %add3A_209 : i32
      %or3A_254 = arith.constant false
      %or3A_255 = arith.ori %or3A_254, %ne3A_253 : i1
      %ge3A_256 = arith.constant 0 : i32
      %ge3A_257 = arith.cmpi sge, %scan3A_183, %ge3A_256 : i32
      %not3A_258 = arith.constant true
      %not3A_259 = arith.xori %ge3A_257, %not3A_258 : i1
      %and3A_260 = arith.andi %or3A_255, %not3A_259 : i1
      %ne3A_261 = arith.cmpi ne, %add3A_189, %add3A_209 : i32
      %or3A_262 = arith.constant false
      %or3A_263 = arith.ori %or3A_262, %ne3A_261 : i1
      %ge3A_264 = arith.constant 0 : i32
      %ge3A_265 = arith.cmpi sge, %scan3A_183, %ge3A_264 : i32
      %not3A_266 = arith.constant true
      %not3A_267 = arith.xori %ge3A_265, %not3A_266 : i1
      %and3A_268 = arith.andi %or3A_263, %not3A_267 : i1
      %ne3A_269 = arith.cmpi ne, %add3A_189, %add3A_199 : i32
      %or3A_270 = arith.constant false
      %or3A_271 = arith.ori %or3A_270, %ne3A_269 : i1
      %or3A_272 = arith.constant false
      %or3A_273 = arith.ori %or3A_271, %or3A_272 : i1
      %or3A_274 = arith.constant false
      %or3A_275 = arith.ori %or3A_273, %or3A_274 : i1
      %or3A_276 = arith.ori %or3A_275, %eq3A_185 : i1
      %convert_element_type3A_277 = arith.extui %or3A_276 : i1 to i32
      %cond3A_278 = arith.constant 0 : i32
      %cond3A_279 = arith.cmpi ne, %convert_element_type3A_277, %cond3A_278 : i32
      scf.if %cond3A_279 {
        "tpu.trace_start"() <{level = 10 : i32, message = "ep_wait_in"}> : () -> ()
        %mul3A_528 = arith.constant 1 : i32
        %mul3A_529 = arith.muli %mul3A_528, %add3A_189 : i32
        %rem3A_530 = arith.constant 2 : i32
        %rem3A_531 = arith.remui %scan3A, %rem3A_530 : i32
        %dma_wait3A_532 = arith.constant 0 : i32
        %dma_wait3A_533 = arith.constant 0 : i32
        %dma_wait3A_534 = arith.constant 0 : i32
        %dma_wait3A_535 = arith.constant 0 : i32
        %dma_wait3A_536 = tpu.memref_slice %run_scoped3A[%rem3A_531, %dma_wait3A_532, %dma_wait3A_533, %dma_wait3A_534, %dma_wait3A_535] : memref<2x9x1x16x128xf32, #tpu.memory_space<vmem>> -> memref<1x9x1x16x128xf32, #tpu.memory_space<vmem>>
        %dma_wait3A_537 = tpu.memref_squeeze %dma_wait3A_536 : memref<1x9x1x16x128xf32, #tpu.memory_space<vmem>> -> memref<9x1x16x128xf32, #tpu.memory_space<vmem>>
        %dma_wait3A_538 = arith.constant 0 : i32
        %dma_wait3A_539 = arith.constant 0 : i32
        %dma_wait3A_540 = arith.constant 0 : i32
        %dma_wait3A_541 = tpu.memref_slice %arg2[%dma_wait3A_538, %mul3A_529, %dma_wait3A_539, %dma_wait3A_540] : memref<9x128x16x128xf32, #tpu.memory_space<hbm>> -> memref<9x1x16x128xf32, #tpu.memory_space<hbm>>
        %dma_wait3A_542 = tpu.memref_slice %run_scoped3A_76[%rem3A_531] : memref<2x!tpu.dma_semaphore, #tpu.memory_space<semaphore_mem>> -> memref<1x!tpu.dma_semaphore, #tpu.memory_space<semaphore_mem>>
        %dma_wait3A_543 = tpu.memref_squeeze %dma_wait3A_542 : memref<1x!tpu.dma_semaphore, #tpu.memory_space<semaphore_mem>> -> memref<!tpu.dma_semaphore, #tpu.memory_space<semaphore_mem>>
        %dma_wait3A_544 = arith.constant 0 : i32
        %dma_wait3A_545 = arith.constant 0 : i32
        %dma_wait3A_546 = arith.constant 0 : i32
        %dma_wait3A_547 = arith.constant 0 : i32
        %dma_wait3A_548 = tpu.memref_slice %run_scoped3A[%rem3A_531, %dma_wait3A_544, %dma_wait3A_545, %dma_wait3A_546, %dma_wait3A_547] : memref<2x9x1x16x128xf32, #tpu.memory_space<vmem>> -> memref<1x9x1x16x128xf32, #tpu.memory_space<vmem>>
        %dma_wait3A_549 = tpu.memref_squeeze %dma_wait3A_548 : memref<1x9x1x16x128xf32, #tpu.memory_space<vmem>> -> memref<9x1x16x128xf32, #tpu.memory_space<vmem>>
        %dma_wait3A_550 = arith.constant 0 : i32
        %dma_wait3A_551 = arith.constant 0 : i32
        %dma_wait3A_552 = arith.constant 0 : i32
        %dma_wait3A_553 = tpu.memref_slice %arg2[%dma_wait3A_550, %mul3A_529, %dma_wait3A_551, %dma_wait3A_552] : memref<9x128x16x128xf32, #tpu.memory_space<hbm>> -> memref<9x1x16x128xf32, #tpu.memory_space<hbm>>
        tpu.wait_dma2 semaphore(%dma_wait3A_543 : memref<!tpu.dma_semaphore, #tpu.memory_space<semaphore_mem>>) src(%dma_wait3A_553 : memref<9x1x16x128xf32, #tpu.memory_space<hbm>>) dst(%dma_wait3A_549 : memref<9x1x16x128xf32, #tpu.memory_space<vmem>>)
        "tpu.trace_stop"() : () -> ()
      } else {
      }
      %ne3A_280 = arith.cmpi ne, %add3A_189, %add3A_199 : i32
      %or3A_281 = arith.constant false
      %or3A_282 = arith.ori %or3A_281, %ne3A_280 : i1
      %or3A_283 = arith.constant false
      %or3A_284 = arith.ori %or3A_282, %or3A_283 : i1
      %or3A_285 = arith.constant false
      %or3A_286 = arith.ori %or3A_284, %or3A_285 : i1
      %or3A_287 = arith.ori %or3A_286, %eq3A_185 : i1
      %convert_element_type3A_288 = arith.extui %or3A_287 : i1 to i32
      %cond3A_289 = arith.constant 0 : i32
      %cond3A_290 = arith.cmpi ne, %convert_element_type3A_288, %cond3A_289 : i32
      scf.if %cond3A_290 {
        "tpu.trace_start"() <{level = 10 : i32, message = "ep_wait_in"}> : () -> ()
        %mul3A_528 = arith.constant 1 : i32
        %mul3A_529 = arith.muli %mul3A_528, %add3A_189 : i32
        %rem3A_530 = arith.constant 2 : i32
        %rem3A_531 = arith.remui %scan3A_177, %rem3A_530 : i32
        %dma_wait3A_532 = arith.constant 0 : i32
        %dma_wait3A_533 = arith.constant 0 : i32
        %dma_wait3A_534 = arith.constant 0 : i32
        %dma_wait3A_535 = arith.constant 0 : i32
        %dma_wait3A_536 = tpu.memref_slice %run_scoped3A_77[%rem3A_531, %dma_wait3A_532, %dma_wait3A_533, %dma_wait3A_534, %dma_wait3A_535] : memref<2x9x1x16x128xf32, #tpu.memory_space<vmem>> -> memref<1x9x1x16x128xf32, #tpu.memory_space<vmem>>
        %dma_wait3A_537 = tpu.memref_squeeze %dma_wait3A_536 : memref<1x9x1x16x128xf32, #tpu.memory_space<vmem>> -> memref<9x1x16x128xf32, #tpu.memory_space<vmem>>
        %dma_wait3A_538 = arith.constant 0 : i32
        %dma_wait3A_539 = arith.constant 0 : i32
        %dma_wait3A_540 = arith.constant 0 : i32
        %dma_wait3A_541 = tpu.memref_slice %arg3[%dma_wait3A_538, %mul3A_529, %dma_wait3A_539, %dma_wait3A_540] : memref<9x128x16x128xf32, #tpu.memory_space<hbm>> -> memref<9x1x16x128xf32, #tpu.memory_space<hbm>>
        %dma_wait3A_542 = tpu.memref_slice %run_scoped3A_78[%rem3A_531] : memref<2x!tpu.dma_semaphore, #tpu.memory_space<semaphore_mem>> -> memref<1x!tpu.dma_semaphore, #tpu.memory_space<semaphore_mem>>
        %dma_wait3A_543 = tpu.memref_squeeze %dma_wait3A_542 : memref<1x!tpu.dma_semaphore, #tpu.memory_space<semaphore_mem>> -> memref<!tpu.dma_semaphore, #tpu.memory_space<semaphore_mem>>
        %dma_wait3A_544 = arith.constant 0 : i32
        %dma_wait3A_545 = arith.constant 0 : i32
        %dma_wait3A_546 = arith.constant 0 : i32
        %dma_wait3A_547 = arith.constant 0 : i32
        %dma_wait3A_548 = tpu.memref_slice %run_scoped3A_77[%rem3A_531, %dma_wait3A_544, %dma_wait3A_545, %dma_wait3A_546, %dma_wait3A_547] : memref<2x9x1x16x128xf32, #tpu.memory_space<vmem>> -> memref<1x9x1x16x128xf32, #tpu.memory_space<vmem>>
        %dma_wait3A_549 = tpu.memref_squeeze %dma_wait3A_548 : memref<1x9x1x16x128xf32, #tpu.memory_space<vmem>> -> memref<9x1x16x128xf32, #tpu.memory_space<vmem>>
        %dma_wait3A_550 = arith.constant 0 : i32
        %dma_wait3A_551 = arith.constant 0 : i32
        %dma_wait3A_552 = arith.constant 0 : i32
        %dma_wait3A_553 = tpu.memref_slice %arg3[%dma_wait3A_550, %mul3A_529, %dma_wait3A_551, %dma_wait3A_552] : memref<9x128x16x128xf32, #tpu.memory_space<hbm>> -> memref<9x1x16x128xf32, #tpu.memory_space<hbm>>
        tpu.wait_dma2 semaphore(%dma_wait3A_543 : memref<!tpu.dma_semaphore, #tpu.memory_space<semaphore_mem>>) src(%dma_wait3A_553 : memref<9x1x16x128xf32, #tpu.memory_space<hbm>>) dst(%dma_wait3A_549 : memref<9x1x16x128xf32, #tpu.memory_space<vmem>>)
        "tpu.trace_stop"() : () -> ()
      } else {
      }
      %ne3A_291 = arith.cmpi ne, %add3A_189, %add3A_199 : i32
      %or3A_292 = arith.constant false
      %or3A_293 = arith.ori %or3A_292, %ne3A_291 : i1
      %or3A_294 = arith.ori %or3A_293, %eq3A_185 : i1
      %convert_element_type3A_295 = arith.extui %or3A_294 : i1 to i32
      %cond3A_296 = arith.constant 0 : i32
      %cond3A_297 = arith.cmpi ne, %convert_element_type3A_295, %cond3A_296 : i32
      scf.if %cond3A_297 {
      } else {
      }
      %ne3A_298 = arith.cmpi ne, %add3A_189, %add3A_199 : i32
      %or3A_299 = arith.constant false
      %or3A_300 = arith.ori %or3A_299, %ne3A_298 : i1
      %or3A_301 = arith.ori %or3A_300, %eq3A_185 : i1
      %convert_element_type3A_302 = arith.extui %or3A_301 : i1 to i32
      %cond3A_303 = arith.constant 0 : i32
      %cond3A_304 = arith.cmpi ne, %convert_element_type3A_302, %cond3A_303 : i32
      scf.if %cond3A_304 {
      } else {
      }
      %rem3A_305 = arith.constant 2 : i32
      %rem3A_306 = arith.remui %scan3A, %rem3A_305 : i32
      %rem3A_307 = arith.constant 2 : i32
      %rem3A_308 = arith.remui %scan3A_177, %rem3A_307 : i32
      %rem3A_309 = arith.constant 2 : i32
      %rem3A_310 = arith.remui %scan3A_178, %rem3A_309 : i32
      %mul3A_311 = arith.constant 2048 : i32
      %mul3A_312 = arith.muli %rem3A_310, %mul3A_311 : i32
      %rem3A_313 = arith.constant 2 : i32
      %rem3A_314 = arith.remui %scan3A_180, %rem3A_313 : i32
      %mul3A_315 = arith.constant 2048 : i32
      %mul3A_316 = arith.muli %rem3A_314, %mul3A_315 : i32
      "tpu.trace_start"() <{level = 10 : i32, message = "ep_run_kernel"}> : () -> ()
      %scan3A_317 = arith.constant 0 : i32
      %scan3A_318 = arith.constant 16 : i32
      %scan3A_319 = arith.addi %scan3A_317, %scan3A_318 : i32
      %scan3A_320 = arith.constant 1 : i32
      scf.for %scan3A_528 = %scan3A_317 to %scan3A_319 step %scan3A_320  : i32 {
        %mul3A_529 = arith.constant 1 : i32
        %mul3A_530 = arith.muli %scan3A_528, %mul3A_529 : i32
        %add3A_531 = arith.constant 0 : i32
        %add3A_532 = arith.addi %add3A_531, %mul3A_530 : i32
        %mul3A_533 = arith.constant 128 : i32
        %mul3A_534 = arith.muli %add3A_532, %mul3A_533 : i32
        %add3A_535 = arith.constant 0 : i32
        %add3A_536 = arith.addi %mul3A_534, %add3A_535 : i32
        %broadcast_in_dim3A_537 = arith.constant 0.000000e+00 : f32
        %broadcast_in_dim3A_538 = vector.broadcast %broadcast_in_dim3A_537 : f32 to vector<16xf32>
        %get3A = arith.constant 0 : i32
        %get3A_539 = arith.constant 0 : i32
        %get3A_540 = arith.constant 0 : i32
        %get3A_541 = arith.constant 0 : i32
        %get3A_542 = arith.constant 0 : i32
        %get3A_543 = arith.constant 0 : i32
        %get3A_544 = tpu.memref_slice %run_scoped3A_77[%rem3A_308, %get3A_540, %get3A_541, %get3A_542, %get3A_543] : memref<2x9x1x16x128xf32, #tpu.memory_space<vmem>> -> memref<1x9x1x16x128xf32, #tpu.memory_space<vmem>>
        %get3A_545 = tpu.memref_squeeze %get3A_544 : memref<1x9x1x16x128xf32, #tpu.memory_space<vmem>> -> memref<9x1x16x128xf32, #tpu.memory_space<vmem>>
        %get3A_546 = arith.index_cast %get3A : i32 to index
        %get3A_547 = arith.index_cast %get3A_539 : i32 to index
        %get3A_548 = arith.index_cast %add3A_532 : i32 to index
        %get3A_549 = arith.constant 0 : index
        %get3A_550 = tpu.vector_load %get3A_545[%get3A_546, %get3A_547, %get3A_548, %get3A_549] {strides = array<i32>} : memref<9x1x16x128xf32, #tpu.memory_space<vmem>>, vector<16xf32>,
        %get3A_551 = arith.constant 0 : i32
        %get3A_552 = arith.constant 0 : i32
        %get3A_553 = arith.constant 0 : i32
        %get3A_554 = arith.constant 0 : i32
        %get3A_555 = arith.constant 0 : i32
        %get3A_556 = arith.constant 0 : i32
        %get3A_557 = tpu.memref_slice %run_scoped3A[%rem3A_306, %get3A_553, %get3A_554, %get3A_555, %get3A_556] : memref<2x9x1x16x128xf32, #tpu.memory_space<vmem>> -> memref<1x9x1x16x128xf32, #tpu.memory_space<vmem>>
        %get3A_558 = tpu.memref_squeeze %get3A_557 : memref<1x9x1x16x128xf32, #tpu.memory_space<vmem>> -> memref<9x1x16x128xf32, #tpu.memory_space<vmem>>
        %get3A_559 = arith.index_cast %get3A_551 : i32 to index
        %get3A_560 = arith.index_cast %get3A_552 : i32 to index
        %get3A_561 = arith.index_cast %add3A_532 : i32 to index
        %get3A_562 = arith.constant 0 : index
        %get3A_563 = tpu.vector_load %get3A_558[%get3A_559, %get3A_560, %get3A_561, %get3A_562] {strides = array<i32>} : memref<9x1x16x128xf32, #tpu.memory_space<vmem>>, vector<16xf32>,
        %gt3A = arith.constant 5.000000e-01 : f32
        %gt3A_564 = vector.broadcast %gt3A : f32 to vector<16xf32>
        %gt3A_565 = arith.cmpf ogt, %get3A_550, %gt3A_564 : vector<16xf32>
        %jit3A = arith.constant 1.000000e+00 : f32
        %jit3A_566 = arith.constant 0.000000e+00 : f32
        %broadcast_in_dim3A_567 = vector.broadcast %jit3A : f32 to vector<16xf32>
        %broadcast_in_dim3A_568 = vector.broadcast %jit3A_566 : f32 to vector<16xf32>
        %select_n3A_569 = arith.select %gt3A_565, %broadcast_in_dim3A_567, %broadcast_in_dim3A_568 : vector<16xi1>, vector<16xf32>
        %ne3A_570 = arith.constant 0.000000e+00 : f32
        %ne3A_571 = vector.broadcast %ne3A_570 : f32 to vector<16xf32>
        %ne3A_572 = arith.cmpf one, %get3A_550, %ne3A_571 : vector<16xf32>
        %jit3A_573 = arith.constant 1.000000e+00 : f32
        %jit3A_574 = arith.constant 0.000000e+00 : f32
        %broadcast_in_dim3A_575 = vector.broadcast %jit3A_573 : f32 to vector<16xf32>
        %broadcast_in_dim3A_576 = vector.broadcast %jit3A_574 : f32 to vector<16xf32>
        %select_n3A_577 = arith.select %ne3A_572, %broadcast_in_dim3A_575, %broadcast_in_dim3A_576 : vector<16xi1>, vector<16xf32>
        %mul3A_578 = arith.mulf %get3A_563, %select_n3A_569 : vector<16xf32>
        %add3A_579 = arith.addf %broadcast_in_dim3A_538, %mul3A_578 : vector<16xf32>
        %mul3A_580 = arith.mulf %get3A_563, %select_n3A_577 : vector<16xf32>
        %add3A_581 = arith.addf %broadcast_in_dim3A_538, %mul3A_580 : vector<16xf32>
        %add3A_582 = arith.addf %broadcast_in_dim3A_538, %select_n3A_569 : vector<16xf32>
        %add3A_583 = arith.addf %broadcast_in_dim3A_538, %select_n3A_577 : vector<16xf32>
        %get3A_584 = arith.constant 1 : i32
        %get3A_585 = arith.constant 0 : i32
        %get3A_586 = arith.constant 0 : i32
        %get3A_587 = arith.constant 0 : i32
        %get3A_588 = arith.constant 0 : i32
        %get3A_589 = arith.constant 0 : i32
        %get3A_590 = tpu.memref_slice %run_scoped3A_77[%rem3A_308, %get3A_586, %get3A_587, %get3A_588, %get3A_589] : memref<2x9x1x16x128xf32, #tpu.memory_space<vmem>> -> memref<1x9x1x16x128xf32, #tpu.memory_space<vmem>>
        %get3A_591 = tpu.memref_squeeze %get3A_590 : memref<1x9x1x16x128xf32, #tpu.memory_space<vmem>> -> memref<9x1x16x128xf32, #tpu.memory_space<vmem>>
        %get3A_592 = arith.index_cast %get3A_584 : i32 to index
        %get3A_593 = arith.index_cast %get3A_585 : i32 to index
        %get3A_594 = arith.index_cast %add3A_532 : i32 to index
        %get3A_595 = arith.constant 0 : index
        %get3A_596 = tpu.vector_load %get3A_591[%get3A_592, %get3A_593, %get3A_594, %get3A_595] {strides = array<i32>} : memref<9x1x16x128xf32, #tpu.memory_space<vmem>>, vector<16xf32>,
        %get3A_597 = arith.constant 1 : i32
        %get3A_598 = arith.constant 0 : i32
        %get3A_599 = arith.constant 0 : i32
        %get3A_600 = arith.constant 0 : i32
        %get3A_601 = arith.constant 0 : i32
        %get3A_602 = arith.constant 0 : i32
        %get3A_603 = tpu.memref_slice %run_scoped3A[%rem3A_306, %get3A_599, %get3A_600, %get3A_601, %get3A_602] : memref<2x9x1x16x128xf32, #tpu.memory_space<vmem>> -> memref<1x9x1x16x128xf32, #tpu.memory_space<vmem>>
        %get3A_604 = tpu.memref_squeeze %get3A_603 : memref<1x9x1x16x128xf32, #tpu.memory_space<vmem>> -> memref<9x1x16x128xf32, #tpu.memory_space<vmem>>
        %get3A_605 = arith.index_cast %get3A_597 : i32 to index
        %get3A_606 = arith.index_cast %get3A_598 : i32 to index
        %get3A_607 = arith.index_cast %add3A_532 : i32 to index
        %get3A_608 = arith.constant 0 : index
        %get3A_609 = tpu.vector_load %get3A_604[%get3A_605, %get3A_606, %get3A_607, %get3A_608] {strides = array<i32>} : memref<9x1x16x128xf32, #tpu.memory_space<vmem>>, vector<16xf32>,
        %gt3A_610 = arith.constant 5.000000e-01 : f32
        %gt3A_611 = vector.broadcast %gt3A_610 : f32 to vector<16xf32>
        %gt3A_612 = arith.cmpf ogt, %get3A_596, %gt3A_611 : vector<16xf32>
        %jit3A_613 = arith.constant 1.000000e+00 : f32
        %jit3A_614 = arith.constant 0.000000e+00 : f32
        %broadcast_in_dim3A_615 = vector.broadcast %jit3A_613 : f32 to vector<16xf32>
        %broadcast_in_dim3A_616 = vector.broadcast %jit3A_614 : f32 to vector<16xf32>
        %select_n3A_617 = arith.select %gt3A_612, %broadcast_in_dim3A_615, %broadcast_in_dim3A_616 : vector<16xi1>, vector<16xf32>
        %ne3A_618 = arith.constant 0.000000e+00 : f32
        %ne3A_619 = vector.broadcast %ne3A_618 : f32 to vector<16xf32>
        %ne3A_620 = arith.cmpf one, %get3A_596, %ne3A_619 : vector<16xf32>
        %jit3A_621 = arith.constant 1.000000e+00 : f32
        %jit3A_622 = arith.constant 0.000000e+00 : f32
        %broadcast_in_dim3A_623 = vector.broadcast %jit3A_621 : f32 to vector<16xf32>
        %broadcast_in_dim3A_624 = vector.broadcast %jit3A_622 : f32 to vector<16xf32>
        %select_n3A_625 = arith.select %ne3A_620, %broadcast_in_dim3A_623, %broadcast_in_dim3A_624 : vector<16xi1>, vector<16xf32>
        %mul3A_626 = arith.mulf %get3A_609, %select_n3A_617 : vector<16xf32>
        %add3A_627 = arith.addf %add3A_579, %mul3A_626 : vector<16xf32>
        %mul3A_628 = arith.mulf %get3A_609, %select_n3A_625 : vector<16xf32>
        %add3A_629 = arith.addf %add3A_581, %mul3A_628 : vector<16xf32>
        %add3A_630 = arith.addf %add3A_582, %select_n3A_617 : vector<16xf32>
        %add3A_631 = arith.addf %add3A_583, %select_n3A_625 : vector<16xf32>
        %get3A_632 = arith.constant 2 : i32
        %get3A_633 = arith.constant 0 : i32
        %get3A_634 = arith.constant 0 : i32
        %get3A_635 = arith.constant 0 : i32
        %get3A_636 = arith.constant 0 : i32
        %get3A_637 = arith.constant 0 : i32
        %get3A_638 = tpu.memref_slice %run_scoped3A_77[%rem3A_308, %get3A_634, %get3A_635, %get3A_636, %get3A_637] : memref<2x9x1x16x128xf32, #tpu.memory_space<vmem>> -> memref<1x9x1x16x128xf32, #tpu.memory_space<vmem>>
        %get3A_639 = tpu.memref_squeeze %get3A_638 : memref<1x9x1x16x128xf32, #tpu.memory_space<vmem>> -> memref<9x1x16x128xf32, #tpu.memory_space<vmem>>
        %get3A_640 = arith.index_cast %get3A_632 : i32 to index
        %get3A_641 = arith.index_cast %get3A_633 : i32 to index
        %get3A_642 = arith.index_cast %add3A_532 : i32 to index
        %get3A_643 = arith.constant 0 : index
        %get3A_644 = tpu.vector_load %get3A_639[%get3A_640, %get3A_641, %get3A_642, %get3A_643] {strides = array<i32>} : memref<9x1x16x128xf32, #tpu.memory_space<vmem>>, vector<16xf32>,
        %get3A_645 = arith.constant 2 : i32
        %get3A_646 = arith.constant 0 : i32
        %get3A_647 = arith.constant 0 : i32
        %get3A_648 = arith.constant 0 : i32
        %get3A_649 = arith.constant 0 : i32
        %get3A_650 = arith.constant 0 : i32
        %get3A_651 = tpu.memref_slice %run_scoped3A[%rem3A_306, %get3A_647, %get3A_648, %get3A_649, %get3A_650] : memref<2x9x1x16x128xf32, #tpu.memory_space<vmem>> -> memref<1x9x1x16x128xf32, #tpu.memory_space<vmem>>
        %get3A_652 = tpu.memref_squeeze %get3A_651 : memref<1x9x1x16x128xf32, #tpu.memory_space<vmem>> -> memref<9x1x16x128xf32, #tpu.memory_space<vmem>>
        %get3A_653 = arith.index_cast %get3A_645 : i32 to index
        %get3A_654 = arith.index_cast %get3A_646 : i32 to index
        %get3A_655 = arith.index_cast %add3A_532 : i32 to index
        %get3A_656 = arith.constant 0 : index
        %get3A_657 = tpu.vector_load %get3A_652[%get3A_653, %get3A_654, %get3A_655, %get3A_656] {strides = array<i32>} : memref<9x1x16x128xf32, #tpu.memory_space<vmem>>, vector<16xf32>,
        %gt3A_658 = arith.constant 5.000000e-01 : f32
        %gt3A_659 = vector.broadcast %gt3A_658 : f32 to vector<16xf32>
        %gt3A_660 = arith.cmpf ogt, %get3A_644, %gt3A_659 : vector<16xf32>
        %jit3A_661 = arith.constant 1.000000e+00 : f32
        %jit3A_662 = arith.constant 0.000000e+00 : f32
        %broadcast_in_dim3A_663 = vector.broadcast %jit3A_661 : f32 to vector<16xf32>
        %broadcast_in_dim3A_664 = vector.broadcast %jit3A_662 : f32 to vector<16xf32>
        %select_n3A_665 = arith.select %gt3A_660, %broadcast_in_dim3A_663, %broadcast_in_dim3A_664 : vector<16xi1>, vector<16xf32>
        %ne3A_666 = arith.constant 0.000000e+00 : f32
        %ne3A_667 = vector.broadcast %ne3A_666 : f32 to vector<16xf32>
        %ne3A_668 = arith.cmpf one, %get3A_644, %ne3A_667 : vector<16xf32>
        %jit3A_669 = arith.constant 1.000000e+00 : f32
        %jit3A_670 = arith.constant 0.000000e+00 : f32
        %broadcast_in_dim3A_671 = vector.broadcast %jit3A_669 : f32 to vector<16xf32>
        %broadcast_in_dim3A_672 = vector.broadcast %jit3A_670 : f32 to vector<16xf32>
        %select_n3A_673 = arith.select %ne3A_668, %broadcast_in_dim3A_671, %broadcast_in_dim3A_672 : vector<16xi1>, vector<16xf32>
        %mul3A_674 = arith.mulf %get3A_657, %select_n3A_665 : vector<16xf32>
        %add3A_675 = arith.addf %add3A_627, %mul3A_674 : vector<16xf32>
        %mul3A_676 = arith.mulf %get3A_657, %select_n3A_673 : vector<16xf32>
        %add3A_677 = arith.addf %add3A_629, %mul3A_676 : vector<16xf32>
        %add3A_678 = arith.addf %add3A_630, %select_n3A_665 : vector<16xf32>
        %add3A_679 = arith.addf %add3A_631, %select_n3A_673 : vector<16xf32>
        %get3A_680 = arith.constant 3 : i32
        %get3A_681 = arith.constant 0 : i32
        %get3A_682 = arith.constant 0 : i32
        %get3A_683 = arith.constant 0 : i32
        %get3A_684 = arith.constant 0 : i32
        %get3A_685 = arith.constant 0 : i32
        %get3A_686 = tpu.memref_slice %run_scoped3A_77[%rem3A_308, %get3A_682, %get3A_683, %get3A_684, %get3A_685] : memref<2x9x1x16x128xf32, #tpu.memory_space<vmem>> -> memref<1x9x1x16x128xf32, #tpu.memory_space<vmem>>
        %get3A_687 = tpu.memref_squeeze %get3A_686 : memref<1x9x1x16x128xf32, #tpu.memory_space<vmem>> -> memref<9x1x16x128xf32, #tpu.memory_space<vmem>>
        %get3A_688 = arith.index_cast %get3A_680 : i32 to index
        %get3A_689 = arith.index_cast %get3A_681 : i32 to index
        %get3A_690 = arith.index_cast %add3A_532 : i32 to index
        %get3A_691 = arith.constant 0 : index
        %get3A_692 = tpu.vector_load %get3A_687[%get3A_688, %get3A_689, %get3A_690, %get3A_691] {strides = array<i32>} : memref<9x1x16x128xf32, #tpu.memory_space<vmem>>, vector<16xf32>,
        %get3A_693 = arith.constant 3 : i32
        %get3A_694 = arith.constant 0 : i32
        %get3A_695 = arith.constant 0 : i32
        %get3A_696 = arith.constant 0 : i32
        %get3A_697 = arith.constant 0 : i32
        %get3A_698 = arith.constant 0 : i32
        %get3A_699 = tpu.memref_slice %run_scoped3A[%rem3A_306, %get3A_695, %get3A_696, %get3A_697, %get3A_698] : memref<2x9x1x16x128xf32, #tpu.memory_space<vmem>> -> memref<1x9x1x16x128xf32, #tpu.memory_space<vmem>>
        %get3A_700 = tpu.memref_squeeze %get3A_699 : memref<1x9x1x16x128xf32, #tpu.memory_space<vmem>> -> memref<9x1x16x128xf32, #tpu.memory_space<vmem>>
        %get3A_701 = arith.index_cast %get3A_693 : i32 to index
        %get3A_702 = arith.index_cast %get3A_694 : i32 to index
        %get3A_703 = arith.index_cast %add3A_532 : i32 to index
        %get3A_704 = arith.constant 0 : index
        %get3A_705 = tpu.vector_load %get3A_700[%get3A_701, %get3A_702, %get3A_703, %get3A_704] {strides = array<i32>} : memref<9x1x16x128xf32, #tpu.memory_space<vmem>>, vector<16xf32>,
        %gt3A_706 = arith.constant 5.000000e-01 : f32
        %gt3A_707 = vector.broadcast %gt3A_706 : f32 to vector<16xf32>
        %gt3A_708 = arith.cmpf ogt, %get3A_692, %gt3A_707 : vector<16xf32>
        %jit3A_709 = arith.constant 1.000000e+00 : f32
        %jit3A_710 = arith.constant 0.000000e+00 : f32
        %broadcast_in_dim3A_711 = vector.broadcast %jit3A_709 : f32 to vector<16xf32>
        %broadcast_in_dim3A_712 = vector.broadcast %jit3A_710 : f32 to vector<16xf32>
        %select_n3A_713 = arith.select %gt3A_708, %broadcast_in_dim3A_711, %broadcast_in_dim3A_712 : vector<16xi1>, vector<16xf32>
        %ne3A_714 = arith.constant 0.000000e+00 : f32
        %ne3A_715 = vector.broadcast %ne3A_714 : f32 to vector<16xf32>
        %ne3A_716 = arith.cmpf one, %get3A_692, %ne3A_715 : vector<16xf32>
        %jit3A_717 = arith.constant 1.000000e+00 : f32
        %jit3A_718 = arith.constant 0.000000e+00 : f32
        %broadcast_in_dim3A_719 = vector.broadcast %jit3A_717 : f32 to vector<16xf32>
        %broadcast_in_dim3A_720 = vector.broadcast %jit3A_718 : f32 to vector<16xf32>
        %select_n3A_721 = arith.select %ne3A_716, %broadcast_in_dim3A_719, %broadcast_in_dim3A_720 : vector<16xi1>, vector<16xf32>
        %mul3A_722 = arith.mulf %get3A_705, %select_n3A_713 : vector<16xf32>
        %add3A_723 = arith.addf %add3A_675, %mul3A_722 : vector<16xf32>
        %mul3A_724 = arith.mulf %get3A_705, %select_n3A_721 : vector<16xf32>
        %add3A_725 = arith.addf %add3A_677, %mul3A_724 : vector<16xf32>
        %add3A_726 = arith.addf %add3A_678, %select_n3A_713 : vector<16xf32>
        %add3A_727 = arith.addf %add3A_679, %select_n3A_721 : vector<16xf32>
        %get3A_728 = arith.constant 4 : i32
        %get3A_729 = arith.constant 0 : i32
        %get3A_730 = arith.constant 0 : i32
        %get3A_731 = arith.constant 0 : i32
        %get3A_732 = arith.constant 0 : i32
        %get3A_733 = arith.constant 0 : i32
        %get3A_734 = tpu.memref_slice %run_scoped3A_77[%rem3A_308, %get3A_730, %get3A_731, %get3A_732, %get3A_733] : memref<2x9x1x16x128xf32, #tpu.memory_space<vmem>> -> memref<1x9x1x16x128xf32, #tpu.memory_space<vmem>>
        %get3A_735 = tpu.memref_squeeze %get3A_734 : memref<1x9x1x16x128xf32, #tpu.memory_space<vmem>> -> memref<9x1x16x128xf32, #tpu.memory_space<vmem>>
        %get3A_736 = arith.index_cast %get3A_728 : i32 to index
        %get3A_737 = arith.index_cast %get3A_729 : i32 to index
        %get3A_738 = arith.index_cast %add3A_532 : i32 to index
        %get3A_739 = arith.constant 0 : index
        %get3A_740 = tpu.vector_load %get3A_735[%get3A_736, %get3A_737, %get3A_738, %get3A_739] {strides = array<i32>} : memref<9x1x16x128xf32, #tpu.memory_space<vmem>>, vector<16xf32>,
        %get3A_741 = arith.constant 4 : i32
        %get3A_742 = arith.constant 0 : i32
        %get3A_743 = arith.constant 0 : i32
        %get3A_744 = arith.constant 0 : i32
        %get3A_745 = arith.constant 0 : i32
        %get3A_746 = arith.constant 0 : i32
        %get3A_747 = tpu.memref_slice %run_scoped3A[%rem3A_306, %get3A_743, %get3A_744, %get3A_745, %get3A_746] : memref<2x9x1x16x128xf32, #tpu.memory_space<vmem>> -> memref<1x9x1x16x128xf32, #tpu.memory_space<vmem>>
        %get3A_748 = tpu.memref_squeeze %get3A_747 : memref<1x9x1x16x128xf32, #tpu.memory_space<vmem>> -> memref<9x1x16x128xf32, #tpu.memory_space<vmem>>
        %get3A_749 = arith.index_cast %get3A_741 : i32 to index
        %get3A_750 = arith.index_cast %get3A_742 : i32 to index
        %get3A_751 = arith.index_cast %add3A_532 : i32 to index
        %get3A_752 = arith.constant 0 : index
        %get3A_753 = tpu.vector_load %get3A_748[%get3A_749, %get3A_750, %get3A_751, %get3A_752] {strides = array<i32>} : memref<9x1x16x128xf32, #tpu.memory_space<vmem>>, vector<16xf32>,
        %gt3A_754 = arith.constant 5.000000e-01 : f32
        %gt3A_755 = vector.broadcast %gt3A_754 : f32 to vector<16xf32>
        %gt3A_756 = arith.cmpf ogt, %get3A_740, %gt3A_755 : vector<16xf32>
        %jit3A_757 = arith.constant 1.000000e+00 : f32
        %jit3A_758 = arith.constant 0.000000e+00 : f32
        %broadcast_in_dim3A_759 = vector.broadcast %jit3A_757 : f32 to vector<16xf32>
        %broadcast_in_dim3A_760 = vector.broadcast %jit3A_758 : f32 to vector<16xf32>
        %select_n3A_761 = arith.select %gt3A_756, %broadcast_in_dim3A_759, %broadcast_in_dim3A_760 : vector<16xi1>, vector<16xf32>
        %ne3A_762 = arith.constant 0.000000e+00 : f32
        %ne3A_763 = vector.broadcast %ne3A_762 : f32 to vector<16xf32>
        %ne3A_764 = arith.cmpf one, %get3A_740, %ne3A_763 : vector<16xf32>
        %jit3A_765 = arith.constant 1.000000e+00 : f32
        %jit3A_766 = arith.constant 0.000000e+00 : f32
        %broadcast_in_dim3A_767 = vector.broadcast %jit3A_765 : f32 to vector<16xf32>
        %broadcast_in_dim3A_768 = vector.broadcast %jit3A_766 : f32 to vector<16xf32>
        %select_n3A_769 = arith.select %ne3A_764, %broadcast_in_dim3A_767, %broadcast_in_dim3A_768 : vector<16xi1>, vector<16xf32>
        %mul3A_770 = arith.mulf %get3A_753, %select_n3A_761 : vector<16xf32>
        %add3A_771 = arith.addf %add3A_723, %mul3A_770 : vector<16xf32>
        %mul3A_772 = arith.mulf %get3A_753, %select_n3A_769 : vector<16xf32>
        %add3A_773 = arith.addf %add3A_725, %mul3A_772 : vector<16xf32>
        %add3A_774 = arith.addf %add3A_726, %select_n3A_761 : vector<16xf32>
        %add3A_775 = arith.addf %add3A_727, %select_n3A_769 : vector<16xf32>
        %get3A_776 = arith.constant 5 : i32
        %get3A_777 = arith.constant 0 : i32
        %get3A_778 = arith.constant 0 : i32
        %get3A_779 = arith.constant 0 : i32
        %get3A_780 = arith.constant 0 : i32
        %get3A_781 = arith.constant 0 : i32
        %get3A_782 = tpu.memref_slice %run_scoped3A_77[%rem3A_308, %get3A_778, %get3A_779, %get3A_780, %get3A_781] : memref<2x9x1x16x128xf32, #tpu.memory_space<vmem>> -> memref<1x9x1x16x128xf32, #tpu.memory_space<vmem>>
        %get3A_783 = tpu.memref_squeeze %get3A_782 : memref<1x9x1x16x128xf32, #tpu.memory_space<vmem>> -> memref<9x1x16x128xf32, #tpu.memory_space<vmem>>
        %get3A_784 = arith.index_cast %get3A_776 : i32 to index
        %get3A_785 = arith.index_cast %get3A_777 : i32 to index
        %get3A_786 = arith.index_cast %add3A_532 : i32 to index
        %get3A_787 = arith.constant 0 : index
        %get3A_788 = tpu.vector_load %get3A_783[%get3A_784, %get3A_785, %get3A_786, %get3A_787] {strides = array<i32>} : memref<9x1x16x128xf32, #tpu.memory_space<vmem>>, vector<16xf32>,
        %get3A_789 = arith.constant 5 : i32
        %get3A_790 = arith.constant 0 : i32
        %get3A_791 = arith.constant 0 : i32
        %get3A_792 = arith.constant 0 : i32
        %get3A_793 = arith.constant 0 : i32
        %get3A_794 = arith.constant 0 : i32
        %get3A_795 = tpu.memref_slice %run_scoped3A[%rem3A_306, %get3A_791, %get3A_792, %get3A_793, %get3A_794] : memref<2x9x1x16x128xf32, #tpu.memory_space<vmem>> -> memref<1x9x1x16x128xf32, #tpu.memory_space<vmem>>
        %get3A_796 = tpu.memref_squeeze %get3A_795 : memref<1x9x1x16x128xf32, #tpu.memory_space<vmem>> -> memref<9x1x16x128xf32, #tpu.memory_space<vmem>>
        %get3A_797 = arith.index_cast %get3A_789 : i32 to index
        %get3A_798 = arith.index_cast %get3A_790 : i32 to index
        %get3A_799 = arith.index_cast %add3A_532 : i32 to index
        %get3A_800 = arith.constant 0 : index
        %get3A_801 = tpu.vector_load %get3A_796[%get3A_797, %get3A_798, %get3A_799, %get3A_800] {strides = array<i32>} : memref<9x1x16x128xf32, #tpu.memory_space<vmem>>, vector<16xf32>,
        %gt3A_802 = arith.constant 5.000000e-01 : f32
        %gt3A_803 = vector.broadcast %gt3A_802 : f32 to vector<16xf32>
        %gt3A_804 = arith.cmpf ogt, %get3A_788, %gt3A_803 : vector<16xf32>
        %jit3A_805 = arith.constant 1.000000e+00 : f32
        %jit3A_806 = arith.constant 0.000000e+00 : f32
        %broadcast_in_dim3A_807 = vector.broadcast %jit3A_805 : f32 to vector<16xf32>
        %broadcast_in_dim3A_808 = vector.broadcast %jit3A_806 : f32 to vector<16xf32>
        %select_n3A_809 = arith.select %gt3A_804, %broadcast_in_dim3A_807, %broadcast_in_dim3A_808 : vector<16xi1>, vector<16xf32>
        %ne3A_810 = arith.constant 0.000000e+00 : f32
        %ne3A_811 = vector.broadcast %ne3A_810 : f32 to vector<16xf32>
        %ne3A_812 = arith.cmpf one, %get3A_788, %ne3A_811 : vector<16xf32>
        %jit3A_813 = arith.constant 1.000000e+00 : f32
        %jit3A_814 = arith.constant 0.000000e+00 : f32
        %broadcast_in_dim3A_815 = vector.broadcast %jit3A_813 : f32 to vector<16xf32>
        %broadcast_in_dim3A_816 = vector.broadcast %jit3A_814 : f32 to vector<16xf32>
        %select_n3A_817 = arith.select %ne3A_812, %broadcast_in_dim3A_815, %broadcast_in_dim3A_816 : vector<16xi1>, vector<16xf32>
        %mul3A_818 = arith.mulf %get3A_801, %select_n3A_809 : vector<16xf32>
        %add3A_819 = arith.addf %add3A_771, %mul3A_818 : vector<16xf32>
        %mul3A_820 = arith.mulf %get3A_801, %select_n3A_817 : vector<16xf32>
        %add3A_821 = arith.addf %add3A_773, %mul3A_820 : vector<16xf32>
        %add3A_822 = arith.addf %add3A_774, %select_n3A_809 : vector<16xf32>
        %add3A_823 = arith.addf %add3A_775, %select_n3A_817 : vector<16xf32>
        %get3A_824 = arith.constant 6 : i32
        %get3A_825 = arith.constant 0 : i32
        %get3A_826 = arith.constant 0 : i32
        %get3A_827 = arith.constant 0 : i32
        %get3A_828 = arith.constant 0 : i32
        %get3A_829 = arith.constant 0 : i32
        %get3A_830 = tpu.memref_slice %run_scoped3A_77[%rem3A_308, %get3A_826, %get3A_827, %get3A_828, %get3A_829] : memref<2x9x1x16x128xf32, #tpu.memory_space<vmem>> -> memref<1x9x1x16x128xf32, #tpu.memory_space<vmem>>
        %get3A_831 = tpu.memref_squeeze %get3A_830 : memref<1x9x1x16x128xf32, #tpu.memory_space<vmem>> -> memref<9x1x16x128xf32, #tpu.memory_space<vmem>>
        %get3A_832 = arith.index_cast %get3A_824 : i32 to index
        %get3A_833 = arith.index_cast %get3A_825 : i32 to index
        %get3A_834 = arith.index_cast %add3A_532 : i32 to index
        %get3A_835 = arith.constant 0 : index
        %get3A_836 = tpu.vector_load %get3A_831[%get3A_832, %get3A_833, %get3A_834, %get3A_835] {strides = array<i32>} : memref<9x1x16x128xf32, #tpu.memory_space<vmem>>, vector<16xf32>,
        %get3A_837 = arith.constant 6 : i32
        %get3A_838 = arith.constant 0 : i32
        %get3A_839 = arith.constant 0 : i32
        %get3A_840 = arith.constant 0 : i32
        %get3A_841 = arith.constant 0 : i32
        %get3A_842 = arith.constant 0 : i32
        %get3A_843 = tpu.memref_slice %run_scoped3A[%rem3A_306, %get3A_839, %get3A_840, %get3A_841, %get3A_842] : memref<2x9x1x16x128xf32, #tpu.memory_space<vmem>> -> memref<1x9x1x16x128xf32, #tpu.memory_space<vmem>>
        %get3A_844 = tpu.memref_squeeze %get3A_843 : memref<1x9x1x16x128xf32, #tpu.memory_space<vmem>> -> memref<9x1x16x128xf32, #tpu.memory_space<vmem>>
        %get3A_845 = arith.index_cast %get3A_837 : i32 to index
        %get3A_846 = arith.index_cast %get3A_838 : i32 to index
        %get3A_847 = arith.index_cast %add3A_532 : i32 to index
        %get3A_848 = arith.constant 0 : index
        %get3A_849 = tpu.vector_load %get3A_844[%get3A_845, %get3A_846, %get3A_847, %get3A_848] {strides = array<i32>} : memref<9x1x16x128xf32, #tpu.memory_space<vmem>>, vector<16xf32>,
        %gt3A_850 = arith.constant 5.000000e-01 : f32
        %gt3A_851 = vector.broadcast %gt3A_850 : f32 to vector<16xf32>
        %gt3A_852 = arith.cmpf ogt, %get3A_836, %gt3A_851 : vector<16xf32>
        %jit3A_853 = arith.constant 1.000000e+00 : f32
        %jit3A_854 = arith.constant 0.000000e+00 : f32
        %broadcast_in_dim3A_855 = vector.broadcast %jit3A_853 : f32 to vector<16xf32>
        %broadcast_in_dim3A_856 = vector.broadcast %jit3A_854 : f32 to vector<16xf32>
        %select_n3A_857 = arith.select %gt3A_852, %broadcast_in_dim3A_855, %broadcast_in_dim3A_856 : vector<16xi1>, vector<16xf32>
        %ne3A_858 = arith.constant 0.000000e+00 : f32
        %ne3A_859 = vector.broadcast %ne3A_858 : f32 to vector<16xf32>
        %ne3A_860 = arith.cmpf one, %get3A_836, %ne3A_859 : vector<16xf32>
        %jit3A_861 = arith.constant 1.000000e+00 : f32
        %jit3A_862 = arith.constant 0.000000e+00 : f32
        %broadcast_in_dim3A_863 = vector.broadcast %jit3A_861 : f32 to vector<16xf32>
        %broadcast_in_dim3A_864 = vector.broadcast %jit3A_862 : f32 to vector<16xf32>
        %select_n3A_865 = arith.select %ne3A_860, %broadcast_in_dim3A_863, %broadcast_in_dim3A_864 : vector<16xi1>, vector<16xf32>
        %mul3A_866 = arith.mulf %get3A_849, %select_n3A_857 : vector<16xf32>
        %add3A_867 = arith.addf %add3A_819, %mul3A_866 : vector<16xf32>
        %mul3A_868 = arith.mulf %get3A_849, %select_n3A_865 : vector<16xf32>
        %add3A_869 = arith.addf %add3A_821, %mul3A_868 : vector<16xf32>
        %add3A_870 = arith.addf %add3A_822, %select_n3A_857 : vector<16xf32>
        %add3A_871 = arith.addf %add3A_823, %select_n3A_865 : vector<16xf32>
        %get3A_872 = arith.constant 7 : i32
        %get3A_873 = arith.constant 0 : i32
        %get3A_874 = arith.constant 0 : i32
        %get3A_875 = arith.constant 0 : i32
        %get3A_876 = arith.constant 0 : i32
        %get3A_877 = arith.constant 0 : i32
        %get3A_878 = tpu.memref_slice %run_scoped3A_77[%rem3A_308, %get3A_874, %get3A_875, %get3A_876, %get3A_877] : memref<2x9x1x16x128xf32, #tpu.memory_space<vmem>> -> memref<1x9x1x16x128xf32, #tpu.memory_space<vmem>>
        %get3A_879 = tpu.memref_squeeze %get3A_878 : memref<1x9x1x16x128xf32, #tpu.memory_space<vmem>> -> memref<9x1x16x128xf32, #tpu.memory_space<vmem>>
        %get3A_880 = arith.index_cast %get3A_872 : i32 to index
        %get3A_881 = arith.index_cast %get3A_873 : i32 to index
        %get3A_882 = arith.index_cast %add3A_532 : i32 to index
        %get3A_883 = arith.constant 0 : index
        %get3A_884 = tpu.vector_load %get3A_879[%get3A_880, %get3A_881, %get3A_882, %get3A_883] {strides = array<i32>} : memref<9x1x16x128xf32, #tpu.memory_space<vmem>>, vector<16xf32>,
        %get3A_885 = arith.constant 7 : i32
        %get3A_886 = arith.constant 0 : i32
        %get3A_887 = arith.constant 0 : i32
        %get3A_888 = arith.constant 0 : i32
        %get3A_889 = arith.constant 0 : i32
        %get3A_890 = arith.constant 0 : i32
        %get3A_891 = tpu.memref_slice %run_scoped3A[%rem3A_306, %get3A_887, %get3A_888, %get3A_889, %get3A_890] : memref<2x9x1x16x128xf32, #tpu.memory_space<vmem>> -> memref<1x9x1x16x128xf32, #tpu.memory_space<vmem>>
        %get3A_892 = tpu.memref_squeeze %get3A_891 : memref<1x9x1x16x128xf32, #tpu.memory_space<vmem>> -> memref<9x1x16x128xf32, #tpu.memory_space<vmem>>
        %get3A_893 = arith.index_cast %get3A_885 : i32 to index
        %get3A_894 = arith.index_cast %get3A_886 : i32 to index
        %get3A_895 = arith.index_cast %add3A_532 : i32 to index
        %get3A_896 = arith.constant 0 : index
        %get3A_897 = tpu.vector_load %get3A_892[%get3A_893, %get3A_894, %get3A_895, %get3A_896] {strides = array<i32>} : memref<9x1x16x128xf32, #tpu.memory_space<vmem>>, vector<16xf32>,
        %gt3A_898 = arith.constant 5.000000e-01 : f32
        %gt3A_899 = vector.broadcast %gt3A_898 : f32 to vector<16xf32>
        %gt3A_900 = arith.cmpf ogt, %get3A_884, %gt3A_899 : vector<16xf32>
        %jit3A_901 = arith.constant 1.000000e+00 : f32
        %jit3A_902 = arith.constant 0.000000e+00 : f32
        %broadcast_in_dim3A_903 = vector.broadcast %jit3A_901 : f32 to vector<16xf32>
        %broadcast_in_dim3A_904 = vector.broadcast %jit3A_902 : f32 to vector<16xf32>
        %select_n3A_905 = arith.select %gt3A_900, %broadcast_in_dim3A_903, %broadcast_in_dim3A_904 : vector<16xi1>, vector<16xf32>
        %ne3A_906 = arith.constant 0.000000e+00 : f32
        %ne3A_907 = vector.broadcast %ne3A_906 : f32 to vector<16xf32>
        %ne3A_908 = arith.cmpf one, %get3A_884, %ne3A_907 : vector<16xf32>
        %jit3A_909 = arith.constant 1.000000e+00 : f32
        %jit3A_910 = arith.constant 0.000000e+00 : f32
        %broadcast_in_dim3A_911 = vector.broadcast %jit3A_909 : f32 to vector<16xf32>
        %broadcast_in_dim3A_912 = vector.broadcast %jit3A_910 : f32 to vector<16xf32>
        %select_n3A_913 = arith.select %ne3A_908, %broadcast_in_dim3A_911, %broadcast_in_dim3A_912 : vector<16xi1>, vector<16xf32>
        %mul3A_914 = arith.mulf %get3A_897, %select_n3A_905 : vector<16xf32>
        %add3A_915 = arith.addf %add3A_867, %mul3A_914 : vector<16xf32>
        %mul3A_916 = arith.mulf %get3A_897, %select_n3A_913 : vector<16xf32>
        %add3A_917 = arith.addf %add3A_869, %mul3A_916 : vector<16xf32>
        %add3A_918 = arith.addf %add3A_870, %select_n3A_905 : vector<16xf32>
        %add3A_919 = arith.addf %add3A_871, %select_n3A_913 : vector<16xf32>
        %get3A_920 = arith.constant 8 : i32
        %get3A_921 = arith.constant 0 : i32
        %get3A_922 = arith.constant 0 : i32
        %get3A_923 = arith.constant 0 : i32
        %get3A_924 = arith.constant 0 : i32
        %get3A_925 = arith.constant 0 : i32
        %get3A_926 = tpu.memref_slice %run_scoped3A_77[%rem3A_308, %get3A_922, %get3A_923, %get3A_924, %get3A_925] : memref<2x9x1x16x128xf32, #tpu.memory_space<vmem>> -> memref<1x9x1x16x128xf32, #tpu.memory_space<vmem>>
        %get3A_927 = tpu.memref_squeeze %get3A_926 : memref<1x9x1x16x128xf32, #tpu.memory_space<vmem>> -> memref<9x1x16x128xf32, #tpu.memory_space<vmem>>
        %get3A_928 = arith.index_cast %get3A_920 : i32 to index
        %get3A_929 = arith.index_cast %get3A_921 : i32 to index
        %get3A_930 = arith.index_cast %add3A_532 : i32 to index
        %get3A_931 = arith.constant 0 : index
        %get3A_932 = tpu.vector_load %get3A_927[%get3A_928, %get3A_929, %get3A_930, %get3A_931] {strides = array<i32>} : memref<9x1x16x128xf32, #tpu.memory_space<vmem>>, vector<16xf32>,
        %get3A_933 = arith.constant 8 : i32
        %get3A_934 = arith.constant 0 : i32
        %get3A_935 = arith.constant 0 : i32
        %get3A_936 = arith.constant 0 : i32
        %get3A_937 = arith.constant 0 : i32
        %get3A_938 = arith.constant 0 : i32
        %get3A_939 = tpu.memref_slice %run_scoped3A[%rem3A_306, %get3A_935, %get3A_936, %get3A_937, %get3A_938] : memref<2x9x1x16x128xf32, #tpu.memory_space<vmem>> -> memref<1x9x1x16x128xf32, #tpu.memory_space<vmem>>
        %get3A_940 = tpu.memref_squeeze %get3A_939 : memref<1x9x1x16x128xf32, #tpu.memory_space<vmem>> -> memref<9x1x16x128xf32, #tpu.memory_space<vmem>>
        %get3A_941 = arith.index_cast %get3A_933 : i32 to index
        %get3A_942 = arith.index_cast %get3A_934 : i32 to index
        %get3A_943 = arith.index_cast %add3A_532 : i32 to index
        %get3A_944 = arith.constant 0 : index
        %get3A_945 = tpu.vector_load %get3A_940[%get3A_941, %get3A_942, %get3A_943, %get3A_944] {strides = array<i32>} : memref<9x1x16x128xf32, #tpu.memory_space<vmem>>, vector<16xf32>,
        %gt3A_946 = arith.constant 5.000000e-01 : f32
        %gt3A_947 = vector.broadcast %gt3A_946 : f32 to vector<16xf32>
        %gt3A_948 = arith.cmpf ogt, %get3A_932, %gt3A_947 : vector<16xf32>
        %jit3A_949 = arith.constant 1.000000e+00 : f32
        %jit3A_950 = arith.constant 0.000000e+00 : f32
        %broadcast_in_dim3A_951 = vector.broadcast %jit3A_949 : f32 to vector<16xf32>
        %broadcast_in_dim3A_952 = vector.broadcast %jit3A_950 : f32 to vector<16xf32>
        %select_n3A_953 = arith.select %gt3A_948, %broadcast_in_dim3A_951, %broadcast_in_dim3A_952 : vector<16xi1>, vector<16xf32>
        %ne3A_954 = arith.constant 0.000000e+00 : f32
        %ne3A_955 = vector.broadcast %ne3A_954 : f32 to vector<16xf32>
        %ne3A_956 = arith.cmpf one, %get3A_932, %ne3A_955 : vector<16xf32>
        %jit3A_957 = arith.constant 1.000000e+00 : f32
        %jit3A_958 = arith.constant 0.000000e+00 : f32
        %broadcast_in_dim3A_959 = vector.broadcast %jit3A_957 : f32 to vector<16xf32>
        %broadcast_in_dim3A_960 = vector.broadcast %jit3A_958 : f32 to vector<16xf32>
        %select_n3A_961 = arith.select %ne3A_956, %broadcast_in_dim3A_959, %broadcast_in_dim3A_960 : vector<16xi1>, vector<16xf32>
        %mul3A_962 = arith.mulf %get3A_945, %select_n3A_953 : vector<16xf32>
        %add3A_963 = arith.addf %add3A_915, %mul3A_962 : vector<16xf32>
        %mul3A_964 = arith.mulf %get3A_945, %select_n3A_961 : vector<16xf32>
        %add3A_965 = arith.addf %add3A_917, %mul3A_964 : vector<16xf32>
        %add3A_966 = arith.addf %add3A_918, %select_n3A_953 : vector<16xf32>
        %add3A_967 = arith.addf %add3A_919, %select_n3A_961 : vector<16xf32>
        %sub3A_968 = arith.subf %add3A_965, %add3A_963 : vector<16xf32>
        %sub3A_969 = arith.subf %add3A_967, %add3A_966 : vector<16xf32>
        %max3A = arith.constant 1.000000e+00 : f32
        %max3A_970 = vector.broadcast %max3A : f32 to vector<16xf32>
        %max3A_971 = arith.maximumf %add3A_966, %max3A_970 : vector<16xf32>
        %max3A_972 = arith.constant 1.000000e+00 : f32
        %max3A_973 = vector.broadcast %max3A_972 : f32 to vector<16xf32>
        %max3A_974 = arith.maximumf %sub3A_969, %max3A_973 : vector<16xf32>
        %gt3A_975 = arith.constant 0.000000e+00 : f32
        %gt3A_976 = vector.broadcast %gt3A_975 : f32 to vector<16xf32>
        %gt3A_977 = arith.cmpf ogt, %add3A_966, %gt3A_976 : vector<16xf32>
        %gt3A_978 = arith.constant 0.000000e+00 : f32
        %gt3A_979 = vector.broadcast %gt3A_978 : f32 to vector<16xf32>
        %gt3A_980 = arith.cmpf ogt, %sub3A_969, %gt3A_979 : vector<16xf32>
        %and3A_981 = arith.andi %gt3A_977, %gt3A_980 : vector<16xi1>
        %mul3A_982 = arith.mulf %add3A_963, %max3A_974 : vector<16xf32>
        %mul3A_983 = arith.mulf %sub3A_968, %max3A_971 : vector<16xf32>
        %gt3A_984 = arith.cmpf ogt, %mul3A_982, %mul3A_983 : vector<16xf32>
        %jit3A_985 = arith.constant 0.000000e+00 : f32
        %jit3A_986 = arith.constant 1.000000e+00 : f32
        %broadcast_in_dim3A_987 = vector.broadcast %jit3A_985 : f32 to vector<16xf32>
        %broadcast_in_dim3A_988 = vector.broadcast %jit3A_986 : f32 to vector<16xf32>
        %select_n3A_989 = arith.select %gt3A_984, %broadcast_in_dim3A_987, %broadcast_in_dim3A_988 : vector<16xi1>, vector<16xf32>
        %jit3A_990 = arith.constant 2.000000e+00 : f32
        %broadcast_in_dim3A_991 = vector.broadcast %jit3A_990 : f32 to vector<16xf32>
        %select_n3A_992 = arith.select %and3A_981, %select_n3A_989, %broadcast_in_dim3A_991 : vector<16xi1>, vector<16xf32>
        %eq3A_993 = arith.constant 0.000000e+00 : f32
        %eq3A_994 = vector.broadcast %eq3A_993 : f32 to vector<16xf32>
        %eq3A_995 = arith.cmpf oeq, %select_n3A_992, %eq3A_994 : vector<16xf32>
        %broadcast_in_dim3A_996 = arith.constant 0.000000e+00 : f32
        %broadcast_in_dim3A_997 = vector.broadcast %broadcast_in_dim3A_996 : f32 to vector<16xf32>
        %broadcast_in_dim3A_998 = arith.constant 1.000000e+00 : f32
        %broadcast_in_dim3A_999 = vector.broadcast %broadcast_in_dim3A_998 : f32 to vector<16xf32>
        %select_n3A_1000 = arith.select %eq3A_995, %get3A_753, %broadcast_in_dim3A_997 : vector<16xi1>, vector<16xf32>
        %select_n3A_1001 = arith.select %eq3A_995, %broadcast_in_dim3A_999, %broadcast_in_dim3A_997 : vector<16xi1>, vector<16xf32>
        %select_n3A_1002 = arith.select %eq3A_995, %broadcast_in_dim3A_997, %get3A_753 : vector<16xi1>, vector<16xf32>
        %select_n3A_1003 = arith.select %eq3A_995, %broadcast_in_dim3A_997, %broadcast_in_dim3A_999 : vector<16xi1>, vector<16xf32>
        %swap3A_1004 = tpu.memref_slice %run_scoped3A_79[%mul3A_312] : memref<4096xf32, #tpu.memory_space<vmem>> -> memref<2048xf32, #tpu.memory_space<vmem>>
        %swap3A_1005 = arith.index_cast %add3A_536 : i32 to index
        %swap3A_1006 = tpu.vector_load %swap3A_1004[%swap3A_1005] {strides = array<i32>} : memref<2048xf32, #tpu.memory_space<vmem>>, vector<16xf32>,
        tpu.vector_store %swap3A_1004[%swap3A_1005], %select_n3A_992 {strides = array<i32>} : memref<2048xf32, #tpu.memory_space<vmem>>, vector<16xf32>,
        %swap3A_1007 = tpu.memref_slice %run_scoped3A_81[%mul3A_316] : memref<4096xf32, #tpu.memory_space<vmem>> -> memref<2048xf32, #tpu.memory_space<vmem>>
        %swap3A_1008 = arith.index_cast %add3A_536 : i32 to index
        %swap3A_1009 = tpu.vector_load %swap3A_1007[%swap3A_1008] {strides = array<i32>} : memref<2048xf32, #tpu.memory_space<vmem>>, vector<16xf32>,
        tpu.vector_store %swap3A_1007[%swap3A_1008], %get3A_753 {strides = array<i32>} : memref<2048xf32, #tpu.memory_space<vmem>>, vector<16xf32>,
        %swap3A_1010 = arith.constant 0 : i32
        %swap3A_1011 = arith.index_cast %swap3A_1010 : i32 to index
        %swap3A_1012 = arith.constant 0 : index
        %swap3A_1013 = tpu.vector_load %arg7[%swap3A_1011, %swap3A_1012] {strides = array<i32>} : memref<2x128xf32, #tpu.memory_space<vmem>>, vector<16xf32>,
        tpu.vector_store %arg7[%swap3A_1011, %swap3A_1012], %select_n3A_1000 {add = true, strides = array<i32>} : memref<2x128xf32, #tpu.memory_space<vmem>>, vector<16xf32>,
        %swap3A_1014 = arith.constant 0 : i32
        %swap3A_1015 = arith.index_cast %swap3A_1014 : i32 to index
        %swap3A_1016 = arith.constant 16 : index
        %swap3A_1017 = tpu.vector_load %arg7[%swap3A_1015, %swap3A_1016] {strides = array<i32>} : memref<2x128xf32, #tpu.memory_space<vmem>>, vector<16xf32>,
        tpu.vector_store %arg7[%swap3A_1015, %swap3A_1016], %select_n3A_1001 {add = true, strides = array<i32>} : memref<2x128xf32, #tpu.memory_space<vmem>>, vector<16xf32>,
        %swap3A_1018 = arith.constant 0 : i32
        %swap3A_1019 = arith.index_cast %swap3A_1018 : i32 to index
        %swap3A_1020 = arith.constant 32 : index
        %swap3A_1021 = tpu.vector_load %arg7[%swap3A_1019, %swap3A_1020] {strides = array<i32>} : memref<2x128xf32, #tpu.memory_space<vmem>>, vector<16xf32>,
        tpu.vector_store %arg7[%swap3A_1019, %swap3A_1020], %select_n3A_1002 {add = true, strides = array<i32>} : memref<2x128xf32, #tpu.memory_space<vmem>>, vector<16xf32>,
        %swap3A_1022 = arith.constant 0 : i32
        %swap3A_1023 = arith.index_cast %swap3A_1022 : i32 to index
        %swap3A_1024 = arith.constant 48 : index
        %swap3A_1025 = tpu.vector_load %arg7[%swap3A_1023, %swap3A_1024] {strides = array<i32>} : memref<2x128xf32, #tpu.memory_space<vmem>>, vector<16xf32>,
        tpu.vector_store %arg7[%swap3A_1023, %swap3A_1024], %select_n3A_1003 {add = true, strides = array<i32>} : memref<2x128xf32, #tpu.memory_space<vmem>>, vector<16xf32>,
        %mul3A_1026 = arith.constant 128 : i32
        %mul3A_1027 = arith.muli %add3A_532, %mul3A_1026 : i32
        %add3A_1028 = arith.constant 16 : i32
        %add3A_1029 = arith.addi %mul3A_1027, %add3A_1028 : i32
        %broadcast_in_dim3A_1030 = arith.constant 0.000000e+00 : f32
        %broadcast_in_dim3A_1031 = vector.broadcast %broadcast_in_dim3A_1030 : f32 to vector<16xf32>
        %get3A_1032 = arith.constant 0 : i32
        %get3A_1033 = arith.constant 0 : i32
        %get3A_1034 = arith.constant 0 : i32
        %get3A_1035 = arith.constant 0 : i32
        %get3A_1036 = arith.constant 0 : i32
        %get3A_1037 = arith.constant 0 : i32
        %get3A_1038 = tpu.memref_slice %run_scoped3A_77[%rem3A_308, %get3A_1034, %get3A_1035, %get3A_1036, %get3A_1037] : memref<2x9x1x16x128xf32, #tpu.memory_space<vmem>> -> memref<1x9x1x16x128xf32, #tpu.memory_space<vmem>>
        %get3A_1039 = tpu.memref_squeeze %get3A_1038 : memref<1x9x1x16x128xf32, #tpu.memory_space<vmem>> -> memref<9x1x16x128xf32, #tpu.memory_space<vmem>>
        %get3A_1040 = arith.index_cast %get3A_1032 : i32 to index
        %get3A_1041 = arith.index_cast %get3A_1033 : i32 to index
        %get3A_1042 = arith.index_cast %add3A_532 : i32 to index
        %get3A_1043 = arith.constant 16 : index
        %get3A_1044 = tpu.vector_load %get3A_1039[%get3A_1040, %get3A_1041, %get3A_1042, %get3A_1043] {strides = array<i32>} : memref<9x1x16x128xf32, #tpu.memory_space<vmem>>, vector<16xf32>,
        %get3A_1045 = arith.constant 0 : i32
        %get3A_1046 = arith.constant 0 : i32
        %get3A_1047 = arith.constant 0 : i32
        %get3A_1048 = arith.constant 0 : i32
        %get3A_1049 = arith.constant 0 : i32
        %get3A_1050 = arith.constant 0 : i32
        %get3A_1051 = tpu.memref_slice %run_scoped3A[%rem3A_306, %get3A_1047, %get3A_1048, %get3A_1049, %get3A_1050] : memref<2x9x1x16x128xf32, #tpu.memory_space<vmem>> -> memref<1x9x1x16x128xf32, #tpu.memory_space<vmem>>
        %get3A_1052 = tpu.memref_squeeze %get3A_1051 : memref<1x9x1x16x128xf32, #tpu.memory_space<vmem>> -> memref<9x1x16x128xf32, #tpu.memory_space<vmem>>
        %get3A_1053 = arith.index_cast %get3A_1045 : i32 to index
        %get3A_1054 = arith.index_cast %get3A_1046 : i32 to index
        %get3A_1055 = arith.index_cast %add3A_532 : i32 to index
        %get3A_1056 = arith.constant 16 : index
        %get3A_1057 = tpu.vector_load %get3A_1052[%get3A_1053, %get3A_1054, %get3A_1055, %get3A_1056] {strides = array<i32>} : memref<9x1x16x128xf32, #tpu.memory_space<vmem>>, vector<16xf32>,
        %gt3A_1058 = arith.constant 5.000000e-01 : f32
        %gt3A_1059 = vector.broadcast %gt3A_1058 : f32 to vector<16xf32>
        %gt3A_1060 = arith.cmpf ogt, %get3A_1044, %gt3A_1059 : vector<16xf32>
        %jit3A_1061 = arith.constant 1.000000e+00 : f32
        %jit3A_1062 = arith.constant 0.000000e+00 : f32
        %broadcast_in_dim3A_1063 = vector.broadcast %jit3A_1061 : f32 to vector<16xf32>
        %broadcast_in_dim3A_1064 = vector.broadcast %jit3A_1062 : f32 to vector<16xf32>
        %select_n3A_1065 = arith.select %gt3A_1060, %broadcast_in_dim3A_1063, %broadcast_in_dim3A_1064 : vector<16xi1>, vector<16xf32>
        %ne3A_1066 = arith.constant 0.000000e+00 : f32
        %ne3A_1067 = vector.broadcast %ne3A_1066 : f32 to vector<16xf32>
        %ne3A_1068 = arith.cmpf one, %get3A_1044, %ne3A_1067 : vector<16xf32>
        %jit3A_1069 = arith.constant 1.000000e+00 : f32
        %jit3A_1070 = arith.constant 0.000000e+00 : f32
        %broadcast_in_dim3A_1071 = vector.broadcast %jit3A_1069 : f32 to vector<16xf32>
        %broadcast_in_dim3A_1072 = vector.broadcast %jit3A_1070 : f32 to vector<16xf32>
        %select_n3A_1073 = arith.select %ne3A_1068, %broadcast_in_dim3A_1071, %broadcast_in_dim3A_1072 : vector<16xi1>, vector<16xf32>
        %mul3A_1074 = arith.mulf %get3A_1057, %select_n3A_1065 : vector<16xf32>
        %add3A_1075 = arith.addf %broadcast_in_dim3A_1031, %mul3A_1074 : vector<16xf32>
        %mul3A_1076 = arith.mulf %get3A_1057, %select_n3A_1073 : vector<16xf32>
        %add3A_1077 = arith.addf %broadcast_in_dim3A_1031, %mul3A_1076 : vector<16xf32>
        %add3A_1078 = arith.addf %broadcast_in_dim3A_1031, %select_n3A_1065 : vector<16xf32>
        %add3A_1079 = arith.addf %broadcast_in_dim3A_1031, %select_n3A_1073 : vector<16xf32>
        %get3A_1080 = arith.constant 1 : i32
        %get3A_1081 = arith.constant 0 : i32
        %get3A_1082 = arith.constant 0 : i32
        %get3A_1083 = arith.constant 0 : i32
        %get3A_1084 = arith.constant 0 : i32
        %get3A_1085 = arith.constant 0 : i32
        %get3A_1086 = tpu.memref_slice %run_scoped3A_77[%rem3A_308, %get3A_1082, %get3A_1083, %get3A_1084, %get3A_1085] : memref<2x9x1x16x128xf32, #tpu.memory_space<vmem>> -> memref<1x9x1x16x128xf32, #tpu.memory_space<vmem>>
        %get3A_1087 = tpu.memref_squeeze %get3A_1086 : memref<1x9x1x16x128xf32, #tpu.memory_space<vmem>> -> memref<9x1x16x128xf32, #tpu.memory_space<vmem>>
        %get3A_1088 = arith.index_cast %get3A_1080 : i32 to index
        %get3A_1089 = arith.index_cast %get3A_1081 : i32 to index
        %get3A_1090 = arith.index_cast %add3A_532 : i32 to index
        %get3A_1091 = arith.constant 16 : index
        %get3A_1092 = tpu.vector_load %get3A_1087[%get3A_1088, %get3A_1089, %get3A_1090, %get3A_1091] {strides = array<i32>} : memref<9x1x16x128xf32, #tpu.memory_space<vmem>>, vector<16xf32>,
        %get3A_1093 = arith.constant 1 : i32
        %get3A_1094 = arith.constant 0 : i32
        %get3A_1095 = arith.constant 0 : i32
        %get3A_1096 = arith.constant 0 : i32
        %get3A_1097 = arith.constant 0 : i32
        %get3A_1098 = arith.constant 0 : i32
        %get3A_1099 = tpu.memref_slice %run_scoped3A[%rem3A_306, %get3A_1095, %get3A_1096, %get3A_1097, %get3A_1098] : memref<2x9x1x16x128xf32, #tpu.memory_space<vmem>> -> memref<1x9x1x16x128xf32, #tpu.memory_space<vmem>>
        %get3A_1100 = tpu.memref_squeeze %get3A_1099 : memref<1x9x1x16x128xf32, #tpu.memory_space<vmem>> -> memref<9x1x16x128xf32, #tpu.memory_space<vmem>>
        %get3A_1101 = arith.index_cast %get3A_1093 : i32 to index
        %get3A_1102 = arith.index_cast %get3A_1094 : i32 to index
        %get3A_1103 = arith.index_cast %add3A_532 : i32 to index
        %get3A_1104 = arith.constant 16 : index
        %get3A_1105 = tpu.vector_load %get3A_1100[%get3A_1101, %get3A_1102, %get3A_1103, %get3A_1104] {strides = array<i32>} : memref<9x1x16x128xf32, #tpu.memory_space<vmem>>, vector<16xf32>,
        %gt3A_1106 = arith.constant 5.000000e-01 : f32
        %gt3A_1107 = vector.broadcast %gt3A_1106 : f32 to vector<16xf32>
        %gt3A_1108 = arith.cmpf ogt, %get3A_1092, %gt3A_1107 : vector<16xf32>
        %jit3A_1109 = arith.constant 1.000000e+00 : f32
        %jit3A_1110 = arith.constant 0.000000e+00 : f32
        %broadcast_in_dim3A_1111 = vector.broadcast %jit3A_1109 : f32 to vector<16xf32>
        %broadcast_in_dim3A_1112 = vector.broadcast %jit3A_1110 : f32 to vector<16xf32>
        %select_n3A_1113 = arith.select %gt3A_1108, %broadcast_in_dim3A_1111, %broadcast_in_dim3A_1112 : vector<16xi1>, vector<16xf32>
        %ne3A_1114 = arith.constant 0.000000e+00 : f32
        %ne3A_1115 = vector.broadcast %ne3A_1114 : f32 to vector<16xf32>
        %ne3A_1116 = arith.cmpf one, %get3A_1092, %ne3A_1115 : vector<16xf32>
        %jit3A_1117 = arith.constant 1.000000e+00 : f32
        %jit3A_1118 = arith.constant 0.000000e+00 : f32
        %broadcast_in_dim3A_1119 = vector.broadcast %jit3A_1117 : f32 to vector<16xf32>
        %broadcast_in_dim3A_1120 = vector.broadcast %jit3A_1118 : f32 to vector<16xf32>
        %select_n3A_1121 = arith.select %ne3A_1116, %broadcast_in_dim3A_1119, %broadcast_in_dim3A_1120 : vector<16xi1>, vector<16xf32>
        %mul3A_1122 = arith.mulf %get3A_1105, %select_n3A_1113 : vector<16xf32>
        %add3A_1123 = arith.addf %add3A_1075, %mul3A_1122 : vector<16xf32>
        %mul3A_1124 = arith.mulf %get3A_1105, %select_n3A_1121 : vector<16xf32>
        %add3A_1125 = arith.addf %add3A_1077, %mul3A_1124 : vector<16xf32>
        %add3A_1126 = arith.addf %add3A_1078, %select_n3A_1113 : vector<16xf32>
        %add3A_1127 = arith.addf %add3A_1079, %select_n3A_1121 : vector<16xf32>
        %get3A_1128 = arith.constant 2 : i32
        %get3A_1129 = arith.constant 0 : i32
        %get3A_1130 = arith.constant 0 : i32
        %get3A_1131 = arith.constant 0 : i32
        %get3A_1132 = arith.constant 0 : i32
        %get3A_1133 = arith.constant 0 : i32
        %get3A_1134 = tpu.memref_slice %run_scoped3A_77[%rem3A_308, %get3A_1130, %get3A_1131, %get3A_1132, %get3A_1133] : memref<2x9x1x16x128xf32, #tpu.memory_space<vmem>> -> memref<1x9x1x16x128xf32, #tpu.memory_space<vmem>>
        %get3A_1135 = tpu.memref_squeeze %get3A_1134 : memref<1x9x1x16x128xf32, #tpu.memory_space<vmem>> -> memref<9x1x16x128xf32, #tpu.memory_space<vmem>>
        %get3A_1136 = arith.index_cast %get3A_1128 : i32 to index
        %get3A_1137 = arith.index_cast %get3A_1129 : i32 to index
        %get3A_1138 = arith.index_cast %add3A_532 : i32 to index
        %get3A_1139 = arith.constant 16 : index
        %get3A_1140 = tpu.vector_load %get3A_1135[%get3A_1136, %get3A_1137, %get3A_1138, %get3A_1139] {strides = array<i32>} : memref<9x1x16x128xf32, #tpu.memory_space<vmem>>, vector<16xf32>,
        %get3A_1141 = arith.constant 2 : i32
        %get3A_1142 = arith.constant 0 : i32
        %get3A_1143 = arith.constant 0 : i32
        %get3A_1144 = arith.constant 0 : i32
        %get3A_1145 = arith.constant 0 : i32
        %get3A_1146 = arith.constant 0 : i32
        %get3A_1147 = tpu.memref_slice %run_scoped3A[%rem3A_306, %get3A_1143, %get3A_1144, %get3A_1145, %get3A_1146] : memref<2x9x1x16x128xf32, #tpu.memory_space<vmem>> -> memref<1x9x1x16x128xf32, #tpu.memory_space<vmem>>
        %get3A_1148 = tpu.memref_squeeze %get3A_1147 : memref<1x9x1x16x128xf32, #tpu.memory_space<vmem>> -> memref<9x1x16x128xf32, #tpu.memory_space<vmem>>
        %get3A_1149 = arith.index_cast %get3A_1141 : i32 to index
        %get3A_1150 = arith.index_cast %get3A_1142 : i32 to index
        %get3A_1151 = arith.index_cast %add3A_532 : i32 to index
        %get3A_1152 = arith.constant 16 : index
        %get3A_1153 = tpu.vector_load %get3A_1148[%get3A_1149, %get3A_1150, %get3A_1151, %get3A_1152] {strides = array<i32>} : memref<9x1x16x128xf32, #tpu.memory_space<vmem>>, vector<16xf32>,
        %gt3A_1154 = arith.constant 5.000000e-01 : f32
        %gt3A_1155 = vector.broadcast %gt3A_1154 : f32 to vector<16xf32>
        %gt3A_1156 = arith.cmpf ogt, %get3A_1140, %gt3A_1155 : vector<16xf32>
        %jit3A_1157 = arith.constant 1.000000e+00 : f32
        %jit3A_1158 = arith.constant 0.000000e+00 : f32
        %broadcast_in_dim3A_1159 = vector.broadcast %jit3A_1157 : f32 to vector<16xf32>
        %broadcast_in_dim3A_1160 = vector.broadcast %jit3A_1158 : f32 to vector<16xf32>
        %select_n3A_1161 = arith.select %gt3A_1156, %broadcast_in_dim3A_1159, %broadcast_in_dim3A_1160 : vector<16xi1>, vector<16xf32>
        %ne3A_1162 = arith.constant 0.000000e+00 : f32
        %ne3A_1163 = vector.broadcast %ne3A_1162 : f32 to vector<16xf32>
        %ne3A_1164 = arith.cmpf one, %get3A_1140, %ne3A_1163 : vector<16xf32>
        %jit3A_1165 = arith.constant 1.000000e+00 : f32
        %jit3A_1166 = arith.constant 0.000000e+00 : f32
        %broadcast_in_dim3A_1167 = vector.broadcast %jit3A_1165 : f32 to vector<16xf32>
        %broadcast_in_dim3A_1168 = vector.broadcast %jit3A_1166 : f32 to vector<16xf32>
        %select_n3A_1169 = arith.select %ne3A_1164, %broadcast_in_dim3A_1167, %broadcast_in_dim3A_1168 : vector<16xi1>, vector<16xf32>
        %mul3A_1170 = arith.mulf %get3A_1153, %select_n3A_1161 : vector<16xf32>
        %add3A_1171 = arith.addf %add3A_1123, %mul3A_1170 : vector<16xf32>
        %mul3A_1172 = arith.mulf %get3A_1153, %select_n3A_1169 : vector<16xf32>
        %add3A_1173 = arith.addf %add3A_1125, %mul3A_1172 : vector<16xf32>
        %add3A_1174 = arith.addf %add3A_1126, %select_n3A_1161 : vector<16xf32>
        %add3A_1175 = arith.addf %add3A_1127, %select_n3A_1169 : vector<16xf32>
        %get3A_1176 = arith.constant 3 : i32
        %get3A_1177 = arith.constant 0 : i32
        %get3A_1178 = arith.constant 0 : i32
        %get3A_1179 = arith.constant 0 : i32
        %get3A_1180 = arith.constant 0 : i32
        %get3A_1181 = arith.constant 0 : i32
        %get3A_1182 = tpu.memref_slice %run_scoped3A_77[%rem3A_308, %get3A_1178, %get3A_1179, %get3A_1180, %get3A_1181] : memref<2x9x1x16x128xf32, #tpu.memory_space<vmem>> -> memref<1x9x1x16x128xf32, #tpu.memory_space<vmem>>
        %get3A_1183 = tpu.memref_squeeze %get3A_1182 : memref<1x9x1x16x128xf32, #tpu.memory_space<vmem>> -> memref<9x1x16x128xf32, #tpu.memory_space<vmem>>
        %get3A_1184 = arith.index_cast %get3A_1176 : i32 to index
        %get3A_1185 = arith.index_cast %get3A_1177 : i32 to index
        %get3A_1186 = arith.index_cast %add3A_532 : i32 to index
        %get3A_1187 = arith.constant 16 : index
        %get3A_1188 = tpu.vector_load %get3A_1183[%get3A_1184, %get3A_1185, %get3A_1186, %get3A_1187] {strides = array<i32>} : memref<9x1x16x128xf32, #tpu.memory_space<vmem>>, vector<16xf32>,
        %get3A_1189 = arith.constant 3 : i32
        %get3A_1190 = arith.constant 0 : i32
        %get3A_1191 = arith.constant 0 : i32
        %get3A_1192 = arith.constant 0 : i32
        %get3A_1193 = arith.constant 0 : i32
        %get3A_1194 = arith.constant 0 : i32
        %get3A_1195 = tpu.memref_slice %run_scoped3A[%rem3A_306, %get3A_1191, %get3A_1192, %get3A_1193, %get3A_1194] : memref<2x9x1x16x128xf32, #tpu.memory_space<vmem>> -> memref<1x9x1x16x128xf32, #tpu.memory_space<vmem>>
        %get3A_1196 = tpu.memref_squeeze %get3A_1195 : memref<1x9x1x16x128xf32, #tpu.memory_space<vmem>> -> memref<9x1x16x128xf32, #tpu.memory_space<vmem>>
        %get3A_1197 = arith.index_cast %get3A_1189 : i32 to index
        %get3A_1198 = arith.index_cast %get3A_1190 : i32 to index
        %get3A_1199 = arith.index_cast %add3A_532 : i32 to index
        %get3A_1200 = arith.constant 16 : index
        %get3A_1201 = tpu.vector_load %get3A_1196[%get3A_1197, %get3A_1198, %get3A_1199, %get3A_1200] {strides = array<i32>} : memref<9x1x16x128xf32, #tpu.memory_space<vmem>>, vector<16xf32>,
        %gt3A_1202 = arith.constant 5.000000e-01 : f32
        %gt3A_1203 = vector.broadcast %gt3A_1202 : f32 to vector<16xf32>
        %gt3A_1204 = arith.cmpf ogt, %get3A_1188, %gt3A_1203 : vector<16xf32>
        %jit3A_1205 = arith.constant 1.000000e+00 : f32
        %jit3A_1206 = arith.constant 0.000000e+00 : f32
        %broadcast_in_dim3A_1207 = vector.broadcast %jit3A_1205 : f32 to vector<16xf32>
        %broadcast_in_dim3A_1208 = vector.broadcast %jit3A_1206 : f32 to vector<16xf32>
        %select_n3A_1209 = arith.select %gt3A_1204, %broadcast_in_dim3A_1207, %broadcast_in_dim3A_1208 : vector<16xi1>, vector<16xf32>
        %ne3A_1210 = arith.constant 0.000000e+00 : f32
        %ne3A_1211 = vector.broadcast %ne3A_1210 : f32 to vector<16xf32>
        %ne3A_1212 = arith.cmpf one, %get3A_1188, %ne3A_1211 : vector<16xf32>
        %jit3A_1213 = arith.constant 1.000000e+00 : f32
        %jit3A_1214 = arith.constant 0.000000e+00 : f32
        %broadcast_in_dim3A_1215 = vector.broadcast %jit3A_1213 : f32 to vector<16xf32>
        %broadcast_in_dim3A_1216 = vector.broadcast %jit3A_1214 : f32 to vector<16xf32>
        %select_n3A_1217 = arith.select %ne3A_1212, %broadcast_in_dim3A_1215, %broadcast_in_dim3A_1216 : vector<16xi1>, vector<16xf32>
        %mul3A_1218 = arith.mulf %get3A_1201, %select_n3A_1209 : vector<16xf32>
        %add3A_1219 = arith.addf %add3A_1171, %mul3A_1218 : vector<16xf32>
        %mul3A_1220 = arith.mulf %get3A_1201, %select_n3A_1217 : vector<16xf32>
        %add3A_1221 = arith.addf %add3A_1173, %mul3A_1220 : vector<16xf32>
        %add3A_1222 = arith.addf %add3A_1174, %select_n3A_1209 : vector<16xf32>
        %add3A_1223 = arith.addf %add3A_1175, %select_n3A_1217 : vector<16xf32>
        %get3A_1224 = arith.constant 4 : i32
        %get3A_1225 = arith.constant 0 : i32
        %get3A_1226 = arith.constant 0 : i32
        %get3A_1227 = arith.constant 0 : i32
        %get3A_1228 = arith.constant 0 : i32
        %get3A_1229 = arith.constant 0 : i32
        %get3A_1230 = tpu.memref_slice %run_scoped3A_77[%rem3A_308, %get3A_1226, %get3A_1227, %get3A_1228, %get3A_1229] : memref<2x9x1x16x128xf32, #tpu.memory_space<vmem>> -> memref<1x9x1x16x128xf32, #tpu.memory_space<vmem>>
        %get3A_1231 = tpu.memref_squeeze %get3A_1230 : memref<1x9x1x16x128xf32, #tpu.memory_space<vmem>> -> memref<9x1x16x128xf32, #tpu.memory_space<vmem>>
        %get3A_1232 = arith.index_cast %get3A_1224 : i32 to index
        %get3A_1233 = arith.index_cast %get3A_1225 : i32 to index
        %get3A_1234 = arith.index_cast %add3A_532 : i32 to index
        %get3A_1235 = arith.constant 16 : index
        %get3A_1236 = tpu.vector_load %get3A_1231[%get3A_1232, %get3A_1233, %get3A_1234, %get3A_1235] {strides = array<i32>} : memref<9x1x16x128xf32, #tpu.memory_space<vmem>>, vector<16xf32>,
        %get3A_1237 = arith.constant 4 : i32
        %get3A_1238 = arith.constant 0 : i32
        %get3A_1239 = arith.constant 0 : i32
        %get3A_1240 = arith.constant 0 : i32
        %get3A_1241 = arith.constant 0 : i32
        %get3A_1242 = arith.constant 0 : i32
        %get3A_1243 = tpu.memref_slice %run_scoped3A[%rem3A_306, %get3A_1239, %get3A_1240, %get3A_1241, %get3A_1242] : memref<2x9x1x16x128xf32, #tpu.memory_space<vmem>> -> memref<1x9x1x16x128xf32, #tpu.memory_space<vmem>>
        %get3A_1244 = tpu.memref_squeeze %get3A_1243 : memref<1x9x1x16x128xf32, #tpu.memory_space<vmem>> -> memref<9x1x16x128xf32, #tpu.memory_space<vmem>>
        %get3A_1245 = arith.index_cast %get3A_1237 : i32 to index
        %get3A_1246 = arith.index_cast %get3A_1238 : i32 to index
        %get3A_1247 = arith.index_cast %add3A_532 : i32 to index
        %get3A_1248 = arith.constant 16 : index
        %get3A_1249 = tpu.vector_load %get3A_1244[%get3A_1245, %get3A_1246, %get3A_1247, %get3A_1248] {strides = array<i32>} : memref<9x1x16x128xf32, #tpu.memory_space<vmem>>, vector<16xf32>,
        %gt3A_1250 = arith.constant 5.000000e-01 : f32
        %gt3A_1251 = vector.broadcast %gt3A_1250 : f32 to vector<16xf32>
        %gt3A_1252 = arith.cmpf ogt, %get3A_1236, %gt3A_1251 : vector<16xf32>
        %jit3A_1253 = arith.constant 1.000000e+00 : f32
        %jit3A_1254 = arith.constant 0.000000e+00 : f32
        %broadcast_in_dim3A_1255 = vector.broadcast %jit3A_1253 : f32 to vector<16xf32>
        %broadcast_in_dim3A_1256 = vector.broadcast %jit3A_1254 : f32 to vector<16xf32>
        %select_n3A_1257 = arith.select %gt3A_1252, %broadcast_in_dim3A_1255, %broadcast_in_dim3A_1256 : vector<16xi1>, vector<16xf32>
        %ne3A_1258 = arith.constant 0.000000e+00 : f32
        %ne3A_1259 = vector.broadcast %ne3A_1258 : f32 to vector<16xf32>
        %ne3A_1260 = arith.cmpf one, %get3A_1236, %ne3A_1259 : vector<16xf32>
        %jit3A_1261 = arith.constant 1.000000e+00 : f32
        %jit3A_1262 = arith.constant 0.000000e+00 : f32
        %broadcast_in_dim3A_1263 = vector.broadcast %jit3A_1261 : f32 to vector<16xf32>
        %broadcast_in_dim3A_1264 = vector.broadcast %jit3A_1262 : f32 to vector<16xf32>
        %select_n3A_1265 = arith.select %ne3A_1260, %broadcast_in_dim3A_1263, %broadcast_in_dim3A_1264 : vector<16xi1>, vector<16xf32>
        %mul3A_1266 = arith.mulf %get3A_1249, %select_n3A_1257 : vector<16xf32>
        %add3A_1267 = arith.addf %add3A_1219, %mul3A_1266 : vector<16xf32>
        %mul3A_1268 = arith.mulf %get3A_1249, %select_n3A_1265 : vector<16xf32>
        %add3A_1269 = arith.addf %add3A_1221, %mul3A_1268 : vector<16xf32>
        %add3A_1270 = arith.addf %add3A_1222, %select_n3A_1257 : vector<16xf32>
        %add3A_1271 = arith.addf %add3A_1223, %select_n3A_1265 : vector<16xf32>
        %get3A_1272 = arith.constant 5 : i32
        %get3A_1273 = arith.constant 0 : i32
        %get3A_1274 = arith.constant 0 : i32
        %get3A_1275 = arith.constant 0 : i32
        %get3A_1276 = arith.constant 0 : i32
        %get3A_1277 = arith.constant 0 : i32
        %get3A_1278 = tpu.memref_slice %run_scoped3A_77[%rem3A_308, %get3A_1274, %get3A_1275, %get3A_1276, %get3A_1277] : memref<2x9x1x16x128xf32, #tpu.memory_space<vmem>> -> memref<1x9x1x16x128xf32, #tpu.memory_space<vmem>>
        %get3A_1279 = tpu.memref_squeeze %get3A_1278 : memref<1x9x1x16x128xf32, #tpu.memory_space<vmem>> -> memref<9x1x16x128xf32, #tpu.memory_space<vmem>>
        %get3A_1280 = arith.index_cast %get3A_1272 : i32 to index
        %get3A_1281 = arith.index_cast %get3A_1273 : i32 to index
        %get3A_1282 = arith.index_cast %add3A_532 : i32 to index
        %get3A_1283 = arith.constant 16 : index
        %get3A_1284 = tpu.vector_load %get3A_1279[%get3A_1280, %get3A_1281, %get3A_1282, %get3A_1283] {strides = array<i32>} : memref<9x1x16x128xf32, #tpu.memory_space<vmem>>, vector<16xf32>,
        %get3A_1285 = arith.constant 5 : i32
        %get3A_1286 = arith.constant 0 : i32
        %get3A_1287 = arith.constant 0 : i32
        %get3A_1288 = arith.constant 0 : i32
        %get3A_1289 = arith.constant 0 : i32
        %get3A_1290 = arith.constant 0 : i32
        %get3A_1291 = tpu.memref_slice %run_scoped3A[%rem3A_306, %get3A_1287, %get3A_1288, %get3A_1289, %get3A_1290] : memref<2x9x1x16x128xf32, #tpu.memory_space<vmem>> -> memref<1x9x1x16x128xf32, #tpu.memory_space<vmem>>
        %get3A_1292 = tpu.memref_squeeze %get3A_1291 : memref<1x9x1x16x128xf32, #tpu.memory_space<vmem>> -> memref<9x1x16x128xf32, #tpu.memory_space<vmem>>
        %get3A_1293 = arith.index_cast %get3A_1285 : i32 to index
        %get3A_1294 = arith.index_cast %get3A_1286 : i32 to index
        %get3A_1295 = arith.index_cast %add3A_532 : i32 to index
        %get3A_1296 = arith.constant 16 : index
        %get3A_1297 = tpu.vector_load %get3A_1292[%get3A_1293, %get3A_1294, %get3A_1295, %get3A_1296] {strides = array<i32>} : memref<9x1x16x128xf32, #tpu.memory_space<vmem>>, vector<16xf32>,
        %gt3A_1298 = arith.constant 5.000000e-01 : f32
        %gt3A_1299 = vector.broadcast %gt3A_1298 : f32 to vector<16xf32>
        %gt3A_1300 = arith.cmpf ogt, %get3A_1284, %gt3A_1299 : vector<16xf32>
        %jit3A_1301 = arith.constant 1.000000e+00 : f32
        %jit3A_1302 = arith.constant 0.000000e+00 : f32
        %broadcast_in_dim3A_1303 = vector.broadcast %jit3A_1301 : f32 to vector<16xf32>
        %broadcast_in_dim3A_1304 = vector.broadcast %jit3A_1302 : f32 to vector<16xf32>
        %select_n3A_1305 = arith.select %gt3A_1300, %broadcast_in_dim3A_1303, %broadcast_in_dim3A_1304 : vector<16xi1>, vector<16xf32>
        %ne3A_1306 = arith.constant 0.000000e+00 : f32
        %ne3A_1307 = vector.broadcast %ne3A_1306 : f32 to vector<16xf32>
        %ne3A_1308 = arith.cmpf one, %get3A_1284, %ne3A_1307 : vector<16xf32>
        %jit3A_1309 = arith.constant 1.000000e+00 : f32
        %jit3A_1310 = arith.constant 0.000000e+00 : f32
        %broadcast_in_dim3A_1311 = vector.broadcast %jit3A_1309 : f32 to vector<16xf32>
        %broadcast_in_dim3A_1312 = vector.broadcast %jit3A_1310 : f32 to vector<16xf32>
        %select_n3A_1313 = arith.select %ne3A_1308, %broadcast_in_dim3A_1311, %broadcast_in_dim3A_1312 : vector<16xi1>, vector<16xf32>
        %mul3A_1314 = arith.mulf %get3A_1297, %select_n3A_1305 : vector<16xf32>
        %add3A_1315 = arith.addf %add3A_1267, %mul3A_1314 : vector<16xf32>
        %mul3A_1316 = arith.mulf %get3A_1297, %select_n3A_1313 : vector<16xf32>
        %add3A_1317 = arith.addf %add3A_1269, %mul3A_1316 : vector<16xf32>
        %add3A_1318 = arith.addf %add3A_1270, %select_n3A_1305 : vector<16xf32>
        %add3A_1319 = arith.addf %add3A_1271, %select_n3A_1313 : vector<16xf32>
        %get3A_1320 = arith.constant 6 : i32
        %get3A_1321 = arith.constant 0 : i32
        %get3A_1322 = arith.constant 0 : i32
        %get3A_1323 = arith.constant 0 : i32
        %get3A_1324 = arith.constant 0 : i32
        %get3A_1325 = arith.constant 0 : i32
        %get3A_1326 = tpu.memref_slice %run_scoped3A_77[%rem3A_308, %get3A_1322, %get3A_1323, %get3A_1324, %get3A_1325] : memref<2x9x1x16x128xf32, #tpu.memory_space<vmem>> -> memref<1x9x1x16x128xf32, #tpu.memory_space<vmem>>
        %get3A_1327 = tpu.memref_squeeze %get3A_1326 : memref<1x9x1x16x128xf32, #tpu.memory_space<vmem>> -> memref<9x1x16x128xf32, #tpu.memory_space<vmem>>
        %get3A_1328 = arith.index_cast %get3A_1320 : i32 to index
        %get3A_1329 = arith.index_cast %get3A_1321 : i32 to index
        %get3A_1330 = arith.index_cast %add3A_532 : i32 to index
        %get3A_1331 = arith.constant 16 : index
        %get3A_1332 = tpu.vector_load %get3A_1327[%get3A_1328, %get3A_1329, %get3A_1330, %get3A_1331] {strides = array<i32>} : memref<9x1x16x128xf32, #tpu.memory_space<vmem>>, vector<16xf32>,
        %get3A_1333 = arith.constant 6 : i32
        %get3A_1334 = arith.constant 0 : i32
        %get3A_1335 = arith.constant 0 : i32
        %get3A_1336 = arith.constant 0 : i32
        %get3A_1337 = arith.constant 0 : i32
        %get3A_1338 = arith.constant 0 : i32
        %get3A_1339 = tpu.memref_slice %run_scoped3A[%rem3A_306, %get3A_1335, %get3A_1336, %get3A_1337, %get3A_1338] : memref<2x9x1x16x128xf32, #tpu.memory_space<vmem>> -> memref<1x9x1x16x128xf32, #tpu.memory_space<vmem>>
        %get3A_1340 = tpu.memref_squeeze %get3A_1339 : memref<1x9x1x16x128xf32, #tpu.memory_space<vmem>> -> memref<9x1x16x128xf32, #tpu.memory_space<vmem>>
        %get3A_1341 = arith.index_cast %get3A_1333 : i32 to index
        %get3A_1342 = arith.index_cast %get3A_1334 : i32 to index
        %get3A_1343 = arith.index_cast %add3A_532 : i32 to index
        %get3A_1344 = arith.constant 16 : index
        %get3A_1345 = tpu.vector_load %get3A_1340[%get3A_1341, %get3A_1342, %get3A_1343, %get3A_1344] {strides = array<i32>} : memref<9x1x16x128xf32, #tpu.memory_space<vmem>>, vector<16xf32>,
        %gt3A_1346 = arith.constant 5.000000e-01 : f32
        %gt3A_1347 = vector.broadcast %gt3A_1346 : f32 to vector<16xf32>
        %gt3A_1348 = arith.cmpf ogt, %get3A_1332, %gt3A_1347 : vector<16xf32>
        %jit3A_1349 = arith.constant 1.000000e+00 : f32
        %jit3A_1350 = arith.constant 0.000000e+00 : f32
        %broadcast_in_dim3A_1351 = vector.broadcast %jit3A_1349 : f32 to vector<16xf32>
        %broadcast_in_dim3A_1352 = vector.broadcast %jit3A_1350 : f32 to vector<16xf32>
        %select_n3A_1353 = arith.select %gt3A_1348, %broadcast_in_dim3A_1351, %broadcast_in_dim3A_1352 : vector<16xi1>, vector<16xf32>
        %ne3A_1354 = arith.constant 0.000000e+00 : f32
        %ne3A_1355 = vector.broadcast %ne3A_1354 : f32 to vector<16xf32>
        %ne3A_1356 = arith.cmpf one, %get3A_1332, %ne3A_1355 : vector<16xf32>
        %jit3A_1357 = arith.constant 1.000000e+00 : f32
        %jit3A_1358 = arith.constant 0.000000e+00 : f32
        %broadcast_in_dim3A_1359 = vector.broadcast %jit3A_1357 : f32 to vector<16xf32>
        %broadcast_in_dim3A_1360 = vector.broadcast %jit3A_1358 : f32 to vector<16xf32>
        %select_n3A_1361 = arith.select %ne3A_1356, %broadcast_in_dim3A_1359, %broadcast_in_dim3A_1360 : vector<16xi1>, vector<16xf32>
        %mul3A_1362 = arith.mulf %get3A_1345, %select_n3A_1353 : vector<16xf32>
        %add3A_1363 = arith.addf %add3A_1315, %mul3A_1362 : vector<16xf32>
        %mul3A_1364 = arith.mulf %get3A_1345, %select_n3A_1361 : vector<16xf32>
        %add3A_1365 = arith.addf %add3A_1317, %mul3A_1364 : vector<16xf32>
        %add3A_1366 = arith.addf %add3A_1318, %select_n3A_1353 : vector<16xf32>
        %add3A_1367 = arith.addf %add3A_1319, %select_n3A_1361 : vector<16xf32>
        %get3A_1368 = arith.constant 7 : i32
        %get3A_1369 = arith.constant 0 : i32
        %get3A_1370 = arith.constant 0 : i32
        %get3A_1371 = arith.constant 0 : i32
        %get3A_1372 = arith.constant 0 : i32
        %get3A_1373 = arith.constant 0 : i32
        %get3A_1374 = tpu.memref_slice %run_scoped3A_77[%rem3A_308, %get3A_1370, %get3A_1371, %get3A_1372, %get3A_1373] : memref<2x9x1x16x128xf32, #tpu.memory_space<vmem>> -> memref<1x9x1x16x128xf32, #tpu.memory_space<vmem>>
        %get3A_1375 = tpu.memref_squeeze %get3A_1374 : memref<1x9x1x16x128xf32, #tpu.memory_space<vmem>> -> memref<9x1x16x128xf32, #tpu.memory_space<vmem>>
        %get3A_1376 = arith.index_cast %get3A_1368 : i32 to index
        %get3A_1377 = arith.index_cast %get3A_1369 : i32 to index
        %get3A_1378 = arith.index_cast %add3A_532 : i32 to index
        %get3A_1379 = arith.constant 16 : index
        %get3A_1380 = tpu.vector_load %get3A_1375[%get3A_1376, %get3A_1377, %get3A_1378, %get3A_1379] {strides = array<i32>} : memref<9x1x16x128xf32, #tpu.memory_space<vmem>>, vector<16xf32>,
        %get3A_1381 = arith.constant 7 : i32
        %get3A_1382 = arith.constant 0 : i32
        %get3A_1383 = arith.constant 0 : i32
        %get3A_1384 = arith.constant 0 : i32
        %get3A_1385 = arith.constant 0 : i32
        %get3A_1386 = arith.constant 0 : i32
        %get3A_1387 = tpu.memref_slice %run_scoped3A[%rem3A_306, %get3A_1383, %get3A_1384, %get3A_1385, %get3A_1386] : memref<2x9x1x16x128xf32, #tpu.memory_space<vmem>> -> memref<1x9x1x16x128xf32, #tpu.memory_space<vmem>>
        %get3A_1388 = tpu.memref_squeeze %get3A_1387 : memref<1x9x1x16x128xf32, #tpu.memory_space<vmem>> -> memref<9x1x16x128xf32, #tpu.memory_space<vmem>>
        %get3A_1389 = arith.index_cast %get3A_1381 : i32 to index
        %get3A_1390 = arith.index_cast %get3A_1382 : i32 to index
        %get3A_1391 = arith.index_cast %add3A_532 : i32 to index
        %get3A_1392 = arith.constant 16 : index
        %get3A_1393 = tpu.vector_load %get3A_1388[%get3A_1389, %get3A_1390, %get3A_1391, %get3A_1392] {strides = array<i32>} : memref<9x1x16x128xf32, #tpu.memory_space<vmem>>, vector<16xf32>,
        %gt3A_1394 = arith.constant 5.000000e-01 : f32
        %gt3A_1395 = vector.broadcast %gt3A_1394 : f32 to vector<16xf32>
        %gt3A_1396 = arith.cmpf ogt, %get3A_1380, %gt3A_1395 : vector<16xf32>
        %jit3A_1397 = arith.constant 1.000000e+00 : f32
        %jit3A_1398 = arith.constant 0.000000e+00 : f32
        %broadcast_in_dim3A_1399 = vector.broadcast %jit3A_1397 : f32 to vector<16xf32>
        %broadcast_in_dim3A_1400 = vector.broadcast %jit3A_1398 : f32 to vector<16xf32>
        %select_n3A_1401 = arith.select %gt3A_1396, %broadcast_in_dim3A_1399, %broadcast_in_dim3A_1400 : vector<16xi1>, vector<16xf32>
        %ne3A_1402 = arith.constant 0.000000e+00 : f32
        %ne3A_1403 = vector.broadcast %ne3A_1402 : f32 to vector<16xf32>
        %ne3A_1404 = arith.cmpf one, %get3A_1380, %ne3A_1403 : vector<16xf32>
        %jit3A_1405 = arith.constant 1.000000e+00 : f32
        %jit3A_1406 = arith.constant 0.000000e+00 : f32
        %broadcast_in_dim3A_1407 = vector.broadcast %jit3A_1405 : f32 to vector<16xf32>
        %broadcast_in_dim3A_1408 = vector.broadcast %jit3A_1406 : f32 to vector<16xf32>
        %select_n3A_1409 = arith.select %ne3A_1404, %broadcast_in_dim3A_1407, %broadcast_in_dim3A_1408 : vector<16xi1>, vector<16xf32>
        %mul3A_1410 = arith.mulf %get3A_1393, %select_n3A_1401 : vector<16xf32>
        %add3A_1411 = arith.addf %add3A_1363, %mul3A_1410 : vector<16xf32>
        %mul3A_1412 = arith.mulf %get3A_1393, %select_n3A_1409 : vector<16xf32>
        %add3A_1413 = arith.addf %add3A_1365, %mul3A_1412 : vector<16xf32>
        %add3A_1414 = arith.addf %add3A_1366, %select_n3A_1401 : vector<16xf32>
        %add3A_1415 = arith.addf %add3A_1367, %select_n3A_1409 : vector<16xf32>
        %get3A_1416 = arith.constant 8 : i32
        %get3A_1417 = arith.constant 0 : i32
        %get3A_1418 = arith.constant 0 : i32
        %get3A_1419 = arith.constant 0 : i32
        %get3A_1420 = arith.constant 0 : i32
        %get3A_1421 = arith.constant 0 : i32
        %get3A_1422 = tpu.memref_slice %run_scoped3A_77[%rem3A_308, %get3A_1418, %get3A_1419, %get3A_1420, %get3A_1421] : memref<2x9x1x16x128xf32, #tpu.memory_space<vmem>> -> memref<1x9x1x16x128xf32, #tpu.memory_space<vmem>>
        %get3A_1423 = tpu.memref_squeeze %get3A_1422 : memref<1x9x1x16x128xf32, #tpu.memory_space<vmem>> -> memref<9x1x16x128xf32, #tpu.memory_space<vmem>>
        %get3A_1424 = arith.index_cast %get3A_1416 : i32 to index
        %get3A_1425 = arith.index_cast %get3A_1417 : i32 to index
        %get3A_1426 = arith.index_cast %add3A_532 : i32 to index
        %get3A_1427 = arith.constant 16 : index
        %get3A_1428 = tpu.vector_load %get3A_1423[%get3A_1424, %get3A_1425, %get3A_1426, %get3A_1427] {strides = array<i32>} : memref<9x1x16x128xf32, #tpu.memory_space<vmem>>, vector<16xf32>,
        %get3A_1429 = arith.constant 8 : i32
        %get3A_1430 = arith.constant 0 : i32
        %get3A_1431 = arith.constant 0 : i32
        %get3A_1432 = arith.constant 0 : i32
        %get3A_1433 = arith.constant 0 : i32
        %get3A_1434 = arith.constant 0 : i32
        %get3A_1435 = tpu.memref_slice %run_scoped3A[%rem3A_306, %get3A_1431, %get3A_1432, %get3A_1433, %get3A_1434] : memref<2x9x1x16x128xf32, #tpu.memory_space<vmem>> -> memref<1x9x1x16x128xf32, #tpu.memory_space<vmem>>
        %get3A_1436 = tpu.memref_squeeze %get3A_1435 : memref<1x9x1x16x128xf32, #tpu.memory_space<vmem>> -> memref<9x1x16x128xf32, #tpu.memory_space<vmem>>
        %get3A_1437 = arith.index_cast %get3A_1429 : i32 to index
        %get3A_1438 = arith.index_cast %get3A_1430 : i32 to index
        %get3A_1439 = arith.index_cast %add3A_532 : i32 to index
        %get3A_1440 = arith.constant 16 : index
        %get3A_1441 = tpu.vector_load %get3A_1436[%get3A_1437, %get3A_1438, %get3A_1439, %get3A_1440] {strides = array<i32>} : memref<9x1x16x128xf32, #tpu.memory_space<vmem>>, vector<16xf32>,
        %gt3A_1442 = arith.constant 5.000000e-01 : f32
        %gt3A_1443 = vector.broadcast %gt3A_1442 : f32 to vector<16xf32>
        %gt3A_1444 = arith.cmpf ogt, %get3A_1428, %gt3A_1443 : vector<16xf32>
        %jit3A_1445 = arith.constant 1.000000e+00 : f32
        %jit3A_1446 = arith.constant 0.000000e+00 : f32
        %broadcast_in_dim3A_1447 = vector.broadcast %jit3A_1445 : f32 to vector<16xf32>
        %broadcast_in_dim3A_1448 = vector.broadcast %jit3A_1446 : f32 to vector<16xf32>
        %select_n3A_1449 = arith.select %gt3A_1444, %broadcast_in_dim3A_1447, %broadcast_in_dim3A_1448 : vector<16xi1>, vector<16xf32>
        %ne3A_1450 = arith.constant 0.000000e+00 : f32
        %ne3A_1451 = vector.broadcast %ne3A_1450 : f32 to vector<16xf32>
        %ne3A_1452 = arith.cmpf one, %get3A_1428, %ne3A_1451 : vector<16xf32>
        %jit3A_1453 = arith.constant 1.000000e+00 : f32
        %jit3A_1454 = arith.constant 0.000000e+00 : f32
        %broadcast_in_dim3A_1455 = vector.broadcast %jit3A_1453 : f32 to vector<16xf32>
        %broadcast_in_dim3A_1456 = vector.broadcast %jit3A_1454 : f32 to vector<16xf32>
        %select_n3A_1457 = arith.select %ne3A_1452, %broadcast_in_dim3A_1455, %broadcast_in_dim3A_1456 : vector<16xi1>, vector<16xf32>
        %mul3A_1458 = arith.mulf %get3A_1441, %select_n3A_1449 : vector<16xf32>
        %add3A_1459 = arith.addf %add3A_1411, %mul3A_1458 : vector<16xf32>
        %mul3A_1460 = arith.mulf %get3A_1441, %select_n3A_1457 : vector<16xf32>
        %add3A_1461 = arith.addf %add3A_1413, %mul3A_1460 : vector<16xf32>
        %add3A_1462 = arith.addf %add3A_1414, %select_n3A_1449 : vector<16xf32>
        %add3A_1463 = arith.addf %add3A_1415, %select_n3A_1457 : vector<16xf32>
        %sub3A_1464 = arith.subf %add3A_1461, %add3A_1459 : vector<16xf32>
        %sub3A_1465 = arith.subf %add3A_1463, %add3A_1462 : vector<16xf32>
        %max3A_1466 = arith.constant 1.000000e+00 : f32
        %max3A_1467 = vector.broadcast %max3A_1466 : f32 to vector<16xf32>
        %max3A_1468 = arith.maximumf %add3A_1462, %max3A_1467 : vector<16xf32>
        %max3A_1469 = arith.constant 1.000000e+00 : f32
        %max3A_1470 = vector.broadcast %max3A_1469 : f32 to vector<16xf32>
        %max3A_1471 = arith.maximumf %sub3A_1465, %max3A_1470 : vector<16xf32>
        %gt3A_1472 = arith.constant 0.000000e+00 : f32
        %gt3A_1473 = vector.broadcast %gt3A_1472 : f32 to vector<16xf32>
        %gt3A_1474 = arith.cmpf ogt, %add3A_1462, %gt3A_1473 : vector<16xf32>
        %gt3A_1475 = arith.constant 0.000000e+00 : f32
        %gt3A_1476 = vector.broadcast %gt3A_1475 : f32 to vector<16xf32>
        %gt3A_1477 = arith.cmpf ogt, %sub3A_1465, %gt3A_1476 : vector<16xf32>
        %and3A_1478 = arith.andi %gt3A_1474, %gt3A_1477 : vector<16xi1>
        %mul3A_1479 = arith.mulf %add3A_1459, %max3A_1471 : vector<16xf32>
        %mul3A_1480 = arith.mulf %sub3A_1464, %max3A_1468 : vector<16xf32>
        %gt3A_1481 = arith.cmpf ogt, %mul3A_1479, %mul3A_1480 : vector<16xf32>
        %jit3A_1482 = arith.constant 0.000000e+00 : f32
        %jit3A_1483 = arith.constant 1.000000e+00 : f32
        %broadcast_in_dim3A_1484 = vector.broadcast %jit3A_1482 : f32 to vector<16xf32>
        %broadcast_in_dim3A_1485 = vector.broadcast %jit3A_1483 : f32 to vector<16xf32>
        %select_n3A_1486 = arith.select %gt3A_1481, %broadcast_in_dim3A_1484, %broadcast_in_dim3A_1485 : vector<16xi1>, vector<16xf32>
        %jit3A_1487 = arith.constant 2.000000e+00 : f32
        %broadcast_in_dim3A_1488 = vector.broadcast %jit3A_1487 : f32 to vector<16xf32>
        %select_n3A_1489 = arith.select %and3A_1478, %select_n3A_1486, %broadcast_in_dim3A_1488 : vector<16xi1>, vector<16xf32>
        %eq3A_1490 = arith.constant 0.000000e+00 : f32
        %eq3A_1491 = vector.broadcast %eq3A_1490 : f32 to vector<16xf32>
        %eq3A_1492 = arith.cmpf oeq, %select_n3A_1489, %eq3A_1491 : vector<16xf32>
        %broadcast_in_dim3A_1493 = arith.constant 0.000000e+00 : f32
        %broadcast_in_dim3A_1494 = vector.broadcast %broadcast_in_dim3A_1493 : f32 to vector<16xf32>
        %broadcast_in_dim3A_1495 = arith.constant 1.000000e+00 : f32
        %broadcast_in_dim3A_1496 = vector.broadcast %broadcast_in_dim3A_1495 : f32 to vector<16xf32>
        %select_n3A_1497 = arith.select %eq3A_1492, %get3A_1249, %broadcast_in_dim3A_1494 : vector<16xi1>, vector<16xf32>
        %select_n3A_1498 = arith.select %eq3A_1492, %broadcast_in_dim3A_1496, %broadcast_in_dim3A_1494 : vector<16xi1>, vector<16xf32>
        %select_n3A_1499 = arith.select %eq3A_1492, %broadcast_in_dim3A_1494, %get3A_1249 : vector<16xi1>, vector<16xf32>
        %select_n3A_1500 = arith.select %eq3A_1492, %broadcast_in_dim3A_1494, %broadcast_in_dim3A_1496 : vector<16xi1>, vector<16xf32>
        %swap3A_1501 = tpu.memref_slice %run_scoped3A_79[%mul3A_312] : memref<4096xf32, #tpu.memory_space<vmem>> -> memref<2048xf32, #tpu.memory_space<vmem>>
        %swap3A_1502 = arith.index_cast %add3A_1029 : i32 to index
        %swap3A_1503 = tpu.vector_load %swap3A_1501[%swap3A_1502] {strides = array<i32>} : memref<2048xf32, #tpu.memory_space<vmem>>, vector<16xf32>,
        tpu.vector_store %swap3A_1501[%swap3A_1502], %select_n3A_1489 {strides = array<i32>} : memref<2048xf32, #tpu.memory_space<vmem>>, vector<16xf32>,
        %swap3A_1504 = tpu.memref_slice %run_scoped3A_81[%mul3A_316] : memref<4096xf32, #tpu.memory_space<vmem>> -> memref<2048xf32, #tpu.memory_space<vmem>>
        %swap3A_1505 = arith.index_cast %add3A_1029 : i32 to index
        %swap3A_1506 = tpu.vector_load %swap3A_1504[%swap3A_1505] {strides = array<i32>} : memref<2048xf32, #tpu.memory_space<vmem>>, vector<16xf32>,
        tpu.vector_store %swap3A_1504[%swap3A_1505], %get3A_1249 {strides = array<i32>} : memref<2048xf32, #tpu.memory_space<vmem>>, vector<16xf32>,
        %swap3A_1507 = arith.constant 0 : i32
        %swap3A_1508 = arith.index_cast %swap3A_1507 : i32 to index
        %swap3A_1509 = arith.constant 0 : index
        %swap3A_1510 = tpu.vector_load %arg7[%swap3A_1508, %swap3A_1509] {strides = array<i32>} : memref<2x128xf32, #tpu.memory_space<vmem>>, vector<16xf32>,
        tpu.vector_store %arg7[%swap3A_1508, %swap3A_1509], %select_n3A_1497 {add = true, strides = array<i32>} : memref<2x128xf32, #tpu.memory_space<vmem>>, vector<16xf32>,
        %swap3A_1511 = arith.constant 0 : i32
        %swap3A_1512 = arith.index_cast %swap3A_1511 : i32 to index
        %swap3A_1513 = arith.constant 16 : index
        %swap3A_1514 = tpu.vector_load %arg7[%swap3A_1512, %swap3A_1513] {strides = array<i32>} : memref<2x128xf32, #tpu.memory_space<vmem>>, vector<16xf32>,
        tpu.vector_store %arg7[%swap3A_1512, %swap3A_1513], %select_n3A_1498 {add = true, strides = array<i32>} : memref<2x128xf32, #tpu.memory_space<vmem>>, vector<16xf32>,
        %swap3A_1515 = arith.constant 0 : i32
        %swap3A_1516 = arith.index_cast %swap3A_1515 : i32 to index
        %swap3A_1517 = arith.constant 32 : index
        %swap3A_1518 = tpu.vector_load %arg7[%swap3A_1516, %swap3A_1517] {strides = array<i32>} : memref<2x128xf32, #tpu.memory_space<vmem>>, vector<16xf32>,
        tpu.vector_store %arg7[%swap3A_1516, %swap3A_1517], %select_n3A_1499 {add = true, strides = array<i32>} : memref<2x128xf32, #tpu.memory_space<vmem>>, vector<16xf32>,
        %swap3A_1519 = arith.constant 0 : i32
        %swap3A_1520 = arith.index_cast %swap3A_1519 : i32 to index
        %swap3A_1521 = arith.constant 48 : index
        %swap3A_1522 = tpu.vector_load %arg7[%swap3A_1520, %swap3A_1521] {strides = array<i32>} : memref<2x128xf32, #tpu.memory_space<vmem>>, vector<16xf32>,
        tpu.vector_store %arg7[%swap3A_1520, %swap3A_1521], %select_n3A_1500 {add = true, strides = array<i32>} : memref<2x128xf32, #tpu.memory_space<vmem>>, vector<16xf32>,
        %mul3A_1523 = arith.constant 128 : i32
        %mul3A_1524 = arith.muli %add3A_532, %mul3A_1523 : i32
        %add3A_1525 = arith.constant 32 : i32
        %add3A_1526 = arith.addi %mul3A_1524, %add3A_1525 : i32
        %broadcast_in_dim3A_1527 = arith.constant 0.000000e+00 : f32
        %broadcast_in_dim3A_1528 = vector.broadcast %broadcast_in_dim3A_1527 : f32 to vector<16xf32>
        %get3A_1529 = arith.constant 0 : i32
        %get3A_1530 = arith.constant 0 : i32
        %get3A_1531 = arith.constant 0 : i32
        %get3A_1532 = arith.constant 0 : i32
        %get3A_1533 = arith.constant 0 : i32
        %get3A_1534 = arith.constant 0 : i32
        %get3A_1535 = tpu.memref_slice %run_scoped3A_77[%rem3A_308, %get3A_1531, %get3A_1532, %get3A_1533, %get3A_1534] : memref<2x9x1x16x128xf32, #tpu.memory_space<vmem>> -> memref<1x9x1x16x128xf32, #tpu.memory_space<vmem>>
        %get3A_1536 = tpu.memref_squeeze %get3A_1535 : memref<1x9x1x16x128xf32, #tpu.memory_space<vmem>> -> memref<9x1x16x128xf32, #tpu.memory_space<vmem>>
        %get3A_1537 = arith.index_cast %get3A_1529 : i32 to index
        %get3A_1538 = arith.index_cast %get3A_1530 : i32 to index
        %get3A_1539 = arith.index_cast %add3A_532 : i32 to index
        %get3A_1540 = arith.constant 32 : index
        %get3A_1541 = tpu.vector_load %get3A_1536[%get3A_1537, %get3A_1538, %get3A_1539, %get3A_1540] {strides = array<i32>} : memref<9x1x16x128xf32, #tpu.memory_space<vmem>>, vector<16xf32>,
        %get3A_1542 = arith.constant 0 : i32
        %get3A_1543 = arith.constant 0 : i32
        %get3A_1544 = arith.constant 0 : i32
        %get3A_1545 = arith.constant 0 : i32
        %get3A_1546 = arith.constant 0 : i32
        %get3A_1547 = arith.constant 0 : i32
        %get3A_1548 = tpu.memref_slice %run_scoped3A[%rem3A_306, %get3A_1544, %get3A_1545, %get3A_1546, %get3A_1547] : memref<2x9x1x16x128xf32, #tpu.memory_space<vmem>> -> memref<1x9x1x16x128xf32, #tpu.memory_space<vmem>>
        %get3A_1549 = tpu.memref_squeeze %get3A_1548 : memref<1x9x1x16x128xf32, #tpu.memory_space<vmem>> -> memref<9x1x16x128xf32, #tpu.memory_space<vmem>>
        %get3A_1550 = arith.index_cast %get3A_1542 : i32 to index
        %get3A_1551 = arith.index_cast %get3A_1543 : i32 to index
        %get3A_1552 = arith.index_cast %add3A_532 : i32 to index
        %get3A_1553 = arith.constant 32 : index
        %get3A_1554 = tpu.vector_load %get3A_1549[%get3A_1550, %get3A_1551, %get3A_1552, %get3A_1553] {strides = array<i32>} : memref<9x1x16x128xf32, #tpu.memory_space<vmem>>, vector<16xf32>,
        %gt3A_1555 = arith.constant 5.000000e-01 : f32
        %gt3A_1556 = vector.broadcast %gt3A_1555 : f32 to vector<16xf32>
        %gt3A_1557 = arith.cmpf ogt, %get3A_1541, %gt3A_1556 : vector<16xf32>
        %jit3A_1558 = arith.constant 1.000000e+00 : f32
        %jit3A_1559 = arith.constant 0.000000e+00 : f32
        %broadcast_in_dim3A_1560 = vector.broadcast %jit3A_1558 : f32 to vector<16xf32>
        %broadcast_in_dim3A_1561 = vector.broadcast %jit3A_1559 : f32 to vector<16xf32>
        %select_n3A_1562 = arith.select %gt3A_1557, %broadcast_in_dim3A_1560, %broadcast_in_dim3A_1561 : vector<16xi1>, vector<16xf32>
        %ne3A_1563 = arith.constant 0.000000e+00 : f32
        %ne3A_1564 = vector.broadcast %ne3A_1563 : f32 to vector<16xf32>
        %ne3A_1565 = arith.cmpf one, %get3A_1541, %ne3A_1564 : vector<16xf32>
        %jit3A_1566 = arith.constant 1.000000e+00 : f32
        %jit3A_1567 = arith.constant 0.000000e+00 : f32
        %broadcast_in_dim3A_1568 = vector.broadcast %jit3A_1566 : f32 to vector<16xf32>
        %broadcast_in_dim3A_1569 = vector.broadcast %jit3A_1567 : f32 to vector<16xf32>
        %select_n3A_1570 = arith.select %ne3A_1565, %broadcast_in_dim3A_1568, %broadcast_in_dim3A_1569 : vector<16xi1>, vector<16xf32>
        %mul3A_1571 = arith.mulf %get3A_1554, %select_n3A_1562 : vector<16xf32>
        %add3A_1572 = arith.addf %broadcast_in_dim3A_1528, %mul3A_1571 : vector<16xf32>
        %mul3A_1573 = arith.mulf %get3A_1554, %select_n3A_1570 : vector<16xf32>
        %add3A_1574 = arith.addf %broadcast_in_dim3A_1528, %mul3A_1573 : vector<16xf32>
        %add3A_1575 = arith.addf %broadcast_in_dim3A_1528, %select_n3A_1562 : vector<16xf32>
        %add3A_1576 = arith.addf %broadcast_in_dim3A_1528, %select_n3A_1570 : vector<16xf32>
        %get3A_1577 = arith.constant 1 : i32
        %get3A_1578 = arith.constant 0 : i32
        %get3A_1579 = arith.constant 0 : i32
        %get3A_1580 = arith.constant 0 : i32
        %get3A_1581 = arith.constant 0 : i32
        %get3A_1582 = arith.constant 0 : i32
        %get3A_1583 = tpu.memref_slice %run_scoped3A_77[%rem3A_308, %get3A_1579, %get3A_1580, %get3A_1581, %get3A_1582] : memref<2x9x1x16x128xf32, #tpu.memory_space<vmem>> -> memref<1x9x1x16x128xf32, #tpu.memory_space<vmem>>
        %get3A_1584 = tpu.memref_squeeze %get3A_1583 : memref<1x9x1x16x128xf32, #tpu.memory_space<vmem>> -> memref<9x1x16x128xf32, #tpu.memory_space<vmem>>
        %get3A_1585 = arith.index_cast %get3A_1577 : i32 to index
        %get3A_1586 = arith.index_cast %get3A_1578 : i32 to index
        %get3A_1587 = arith.index_cast %add3A_532 : i32 to index
        %get3A_1588 = arith.constant 32 : index
        %get3A_1589 = tpu.vector_load %get3A_1584[%get3A_1585, %get3A_1586, %get3A_1587, %get3A_1588] {strides = array<i32>} : memref<9x1x16x128xf32, #tpu.memory_space<vmem>>, vector<16xf32>,
        %get3A_1590 = arith.constant 1 : i32
        %get3A_1591 = arith.constant 0 : i32
        %get3A_1592 = arith.constant 0 : i32
        %get3A_1593 = arith.constant 0 : i32
        %get3A_1594 = arith.constant 0 : i32
        %get3A_1595 = arith.constant 0 : i32
        %get3A_1596 = tpu.memref_slice %run_scoped3A[%rem3A_306, %get3A_1592, %get3A_1593, %get3A_1594, %get3A_1595] : memref<2x9x1x16x128xf32, #tpu.memory_space<vmem>> -> memref<1x9x1x16x128xf32, #tpu.memory_space<vmem>>
        %get3A_1597 = tpu.memref_squeeze %get3A_1596 : memref<1x9x1x16x128xf32, #tpu.memory_space<vmem>> -> memref<9x1x16x128xf32, #tpu.memory_space<vmem>>
        %get3A_1598 = arith.index_cast %get3A_1590 : i32 to index
        %get3A_1599 = arith.index_cast %get3A_1591 : i32 to index
        %get3A_1600 = arith.index_cast %add3A_532 : i32 to index
        %get3A_1601 = arith.constant 32 : index
        %get3A_1602 = tpu.vector_load %get3A_1597[%get3A_1598, %get3A_1599, %get3A_1600, %get3A_1601] {strides = array<i32>} : memref<9x1x16x128xf32, #tpu.memory_space<vmem>>, vector<16xf32>,
        %gt3A_1603 = arith.constant 5.000000e-01 : f32
        %gt3A_1604 = vector.broadcast %gt3A_1603 : f32 to vector<16xf32>
        %gt3A_1605 = arith.cmpf ogt, %get3A_1589, %gt3A_1604 : vector<16xf32>
        %jit3A_1606 = arith.constant 1.000000e+00 : f32
        %jit3A_1607 = arith.constant 0.000000e+00 : f32
        %broadcast_in_dim3A_1608 = vector.broadcast %jit3A_1606 : f32 to vector<16xf32>
        %broadcast_in_dim3A_1609 = vector.broadcast %jit3A_1607 : f32 to vector<16xf32>
        %select_n3A_1610 = arith.select %gt3A_1605, %broadcast_in_dim3A_1608, %broadcast_in_dim3A_1609 : vector<16xi1>, vector<16xf32>
        %ne3A_1611 = arith.constant 0.000000e+00 : f32
        %ne3A_1612 = vector.broadcast %ne3A_1611 : f32 to vector<16xf32>
        %ne3A_1613 = arith.cmpf one, %get3A_1589, %ne3A_1612 : vector<16xf32>
        %jit3A_1614 = arith.constant 1.000000e+00 : f32
        %jit3A_1615 = arith.constant 0.000000e+00 : f32
        %broadcast_in_dim3A_1616 = vector.broadcast %jit3A_1614 : f32 to vector<16xf32>
        %broadcast_in_dim3A_1617 = vector.broadcast %jit3A_1615 : f32 to vector<16xf32>
        %select_n3A_1618 = arith.select %ne3A_1613, %broadcast_in_dim3A_1616, %broadcast_in_dim3A_1617 : vector<16xi1>, vector<16xf32>
        %mul3A_1619 = arith.mulf %get3A_1602, %select_n3A_1610 : vector<16xf32>
        %add3A_1620 = arith.addf %add3A_1572, %mul3A_1619 : vector<16xf32>
        %mul3A_1621 = arith.mulf %get3A_1602, %select_n3A_1618 : vector<16xf32>
        %add3A_1622 = arith.addf %add3A_1574, %mul3A_1621 : vector<16xf32>
        %add3A_1623 = arith.addf %add3A_1575, %select_n3A_1610 : vector<16xf32>
        %add3A_1624 = arith.addf %add3A_1576, %select_n3A_1618 : vector<16xf32>
        %get3A_1625 = arith.constant 2 : i32
        %get3A_1626 = arith.constant 0 : i32
        %get3A_1627 = arith.constant 0 : i32
        %get3A_1628 = arith.constant 0 : i32
        %get3A_1629 = arith.constant 0 : i32
        %get3A_1630 = arith.constant 0 : i32
        %get3A_1631 = tpu.memref_slice %run_scoped3A_77[%rem3A_308, %get3A_1627, %get3A_1628, %get3A_1629, %get3A_1630] : memref<2x9x1x16x128xf32, #tpu.memory_space<vmem>> -> memref<1x9x1x16x128xf32, #tpu.memory_space<vmem>>
        %get3A_1632 = tpu.memref_squeeze %get3A_1631 : memref<1x9x1x16x128xf32, #tpu.memory_space<vmem>> -> memref<9x1x16x128xf32, #tpu.memory_space<vmem>>
        %get3A_1633 = arith.index_cast %get3A_1625 : i32 to index
        %get3A_1634 = arith.index_cast %get3A_1626 : i32 to index
        %get3A_1635 = arith.index_cast %add3A_532 : i32 to index
        %get3A_1636 = arith.constant 32 : index
        %get3A_1637 = tpu.vector_load %get3A_1632[%get3A_1633, %get3A_1634, %get3A_1635, %get3A_1636] {strides = array<i32>} : memref<9x1x16x128xf32, #tpu.memory_space<vmem>>, vector<16xf32>,
        %get3A_1638 = arith.constant 2 : i32
        %get3A_1639 = arith.constant 0 : i32
        %get3A_1640 = arith.constant 0 : i32
        %get3A_1641 = arith.constant 0 : i32
        %get3A_1642 = arith.constant 0 : i32
        %get3A_1643 = arith.constant 0 : i32
        %get3A_1644 = tpu.memref_slice %run_scoped3A[%rem3A_306, %get3A_1640, %get3A_1641, %get3A_1642, %get3A_1643] : memref<2x9x1x16x128xf32, #tpu.memory_space<vmem>> -> memref<1x9x1x16x128xf32, #tpu.memory_space<vmem>>
        %get3A_1645 = tpu.memref_squeeze %get3A_1644 : memref<1x9x1x16x128xf32, #tpu.memory_space<vmem>> -> memref<9x1x16x128xf32, #tpu.memory_space<vmem>>
        %get3A_1646 = arith.index_cast %get3A_1638 : i32 to index
        %get3A_1647 = arith.index_cast %get3A_1639 : i32 to index
        %get3A_1648 = arith.index_cast %add3A_532 : i32 to index
        %get3A_1649 = arith.constant 32 : index
        %get3A_1650 = tpu.vector_load %get3A_1645[%get3A_1646, %get3A_1647, %get3A_1648, %get3A_1649] {strides = array<i32>} : memref<9x1x16x128xf32, #tpu.memory_space<vmem>>, vector<16xf32>,
        %gt3A_1651 = arith.constant 5.000000e-01 : f32
        %gt3A_1652 = vector.broadcast %gt3A_1651 : f32 to vector<16xf32>
        %gt3A_1653 = arith.cmpf ogt, %get3A_1637, %gt3A_1652 : vector<16xf32>
        %jit3A_1654 = arith.constant 1.000000e+00 : f32
        %jit3A_1655 = arith.constant 0.000000e+00 : f32
        %broadcast_in_dim3A_1656 = vector.broadcast %jit3A_1654 : f32 to vector<16xf32>
        %broadcast_in_dim3A_1657 = vector.broadcast %jit3A_1655 : f32 to vector<16xf32>
        %select_n3A_1658 = arith.select %gt3A_1653, %broadcast_in_dim3A_1656, %broadcast_in_dim3A_1657 : vector<16xi1>, vector<16xf32>
        %ne3A_1659 = arith.constant 0.000000e+00 : f32
        %ne3A_1660 = vector.broadcast %ne3A_1659 : f32 to vector<16xf32>
        %ne3A_1661 = arith.cmpf one, %get3A_1637, %ne3A_1660 : vector<16xf32>
        %jit3A_1662 = arith.constant 1.000000e+00 : f32
        %jit3A_1663 = arith.constant 0.000000e+00 : f32
        %broadcast_in_dim3A_1664 = vector.broadcast %jit3A_1662 : f32 to vector<16xf32>
        %broadcast_in_dim3A_1665 = vector.broadcast %jit3A_1663 : f32 to vector<16xf32>
        %select_n3A_1666 = arith.select %ne3A_1661, %broadcast_in_dim3A_1664, %broadcast_in_dim3A_1665 : vector<16xi1>, vector<16xf32>
        %mul3A_1667 = arith.mulf %get3A_1650, %select_n3A_1658 : vector<16xf32>
        %add3A_1668 = arith.addf %add3A_1620, %mul3A_1667 : vector<16xf32>
        %mul3A_1669 = arith.mulf %get3A_1650, %select_n3A_1666 : vector<16xf32>
        %add3A_1670 = arith.addf %add3A_1622, %mul3A_1669 : vector<16xf32>
        %add3A_1671 = arith.addf %add3A_1623, %select_n3A_1658 : vector<16xf32>
        %add3A_1672 = arith.addf %add3A_1624, %select_n3A_1666 : vector<16xf32>
        %get3A_1673 = arith.constant 3 : i32
        %get3A_1674 = arith.constant 0 : i32
        %get3A_1675 = arith.constant 0 : i32
        %get3A_1676 = arith.constant 0 : i32
        %get3A_1677 = arith.constant 0 : i32
        %get3A_1678 = arith.constant 0 : i32
        %get3A_1679 = tpu.memref_slice %run_scoped3A_77[%rem3A_308, %get3A_1675, %get3A_1676, %get3A_1677, %get3A_1678] : memref<2x9x1x16x128xf32, #tpu.memory_space<vmem>> -> memref<1x9x1x16x128xf32, #tpu.memory_space<vmem>>
        %get3A_1680 = tpu.memref_squeeze %get3A_1679 : memref<1x9x1x16x128xf32, #tpu.memory_space<vmem>> -> memref<9x1x16x128xf32, #tpu.memory_space<vmem>>
        %get3A_1681 = arith.index_cast %get3A_1673 : i32 to index
        %get3A_1682 = arith.index_cast %get3A_1674 : i32 to index
        %get3A_1683 = arith.index_cast %add3A_532 : i32 to index
        %get3A_1684 = arith.constant 32 : index
        %get3A_1685 = tpu.vector_load %get3A_1680[%get3A_1681, %get3A_1682, %get3A_1683, %get3A_1684] {strides = array<i32>} : memref<9x1x16x128xf32, #tpu.memory_space<vmem>>, vector<16xf32>,
        %get3A_1686 = arith.constant 3 : i32
        %get3A_1687 = arith.constant 0 : i32
        %get3A_1688 = arith.constant 0 : i32
        %get3A_1689 = arith.constant 0 : i32
        %get3A_1690 = arith.constant 0 : i32
        %get3A_1691 = arith.constant 0 : i32
        %get3A_1692 = tpu.memref_slice %run_scoped3A[%rem3A_306, %get3A_1688, %get3A_1689, %get3A_1690, %get3A_1691] : memref<2x9x1x16x128xf32, #tpu.memory_space<vmem>> -> memref<1x9x1x16x128xf32, #tpu.memory_space<vmem>>
        %get3A_1693 = tpu.memref_squeeze %get3A_1692 : memref<1x9x1x16x128xf32, #tpu.memory_space<vmem>> -> memref<9x1x16x128xf32, #tpu.memory_space<vmem>>
        %get3A_1694 = arith.index_cast %get3A_1686 : i32 to index
        %get3A_1695 = arith.index_cast %get3A_1687 : i32 to index
        %get3A_1696 = arith.index_cast %add3A_532 : i32 to index
        %get3A_1697 = arith.constant 32 : index
        %get3A_1698 = tpu.vector_load %get3A_1693[%get3A_1694, %get3A_1695, %get3A_1696, %get3A_1697] {strides = array<i32>} : memref<9x1x16x128xf32, #tpu.memory_space<vmem>>, vector<16xf32>,
        %gt3A_1699 = arith.constant 5.000000e-01 : f32
        %gt3A_1700 = vector.broadcast %gt3A_1699 : f32 to vector<16xf32>
        %gt3A_1701 = arith.cmpf ogt, %get3A_1685, %gt3A_1700 : vector<16xf32>
        %jit3A_1702 = arith.constant 1.000000e+00 : f32
        %jit3A_1703 = arith.constant 0.000000e+00 : f32
        %broadcast_in_dim3A_1704 = vector.broadcast %jit3A_1702 : f32 to vector<16xf32>
        %broadcast_in_dim3A_1705 = vector.broadcast %jit3A_1703 : f32 to vector<16xf32>
        %select_n3A_1706 = arith.select %gt3A_1701, %broadcast_in_dim3A_1704, %broadcast_in_dim3A_1705 : vector<16xi1>, vector<16xf32>
        %ne3A_1707 = arith.constant 0.000000e+00 : f32
        %ne3A_1708 = vector.broadcast %ne3A_1707 : f32 to vector<16xf32>
        %ne3A_1709 = arith.cmpf one, %get3A_1685, %ne3A_1708 : vector<16xf32>
        %jit3A_1710 = arith.constant 1.000000e+00 : f32
        %jit3A_1711 = arith.constant 0.000000e+00 : f32
        %broadcast_in_dim3A_1712 = vector.broadcast %jit3A_1710 : f32 to vector<16xf32>
        %broadcast_in_dim3A_1713 = vector.broadcast %jit3A_1711 : f32 to vector<16xf32>
        %select_n3A_1714 = arith.select %ne3A_1709, %broadcast_in_dim3A_1712, %broadcast_in_dim3A_1713 : vector<16xi1>, vector<16xf32>
        %mul3A_1715 = arith.mulf %get3A_1698, %select_n3A_1706 : vector<16xf32>
        %add3A_1716 = arith.addf %add3A_1668, %mul3A_1715 : vector<16xf32>
        %mul3A_1717 = arith.mulf %get3A_1698, %select_n3A_1714 : vector<16xf32>
        %add3A_1718 = arith.addf %add3A_1670, %mul3A_1717 : vector<16xf32>
        %add3A_1719 = arith.addf %add3A_1671, %select_n3A_1706 : vector<16xf32>
        %add3A_1720 = arith.addf %add3A_1672, %select_n3A_1714 : vector<16xf32>
        %get3A_1721 = arith.constant 4 : i32
        %get3A_1722 = arith.constant 0 : i32
        %get3A_1723 = arith.constant 0 : i32
        %get3A_1724 = arith.constant 0 : i32
        %get3A_1725 = arith.constant 0 : i32
        %get3A_1726 = arith.constant 0 : i32
        %get3A_1727 = tpu.memref_slice %run_scoped3A_77[%rem3A_308, %get3A_1723, %get3A_1724, %get3A_1725, %get3A_1726] : memref<2x9x1x16x128xf32, #tpu.memory_space<vmem>> -> memref<1x9x1x16x128xf32, #tpu.memory_space<vmem>>
        %get3A_1728 = tpu.memref_squeeze %get3A_1727 : memref<1x9x1x16x128xf32, #tpu.memory_space<vmem>> -> memref<9x1x16x128xf32, #tpu.memory_space<vmem>>
        %get3A_1729 = arith.index_cast %get3A_1721 : i32 to index
        %get3A_1730 = arith.index_cast %get3A_1722 : i32 to index
        %get3A_1731 = arith.index_cast %add3A_532 : i32 to index
        %get3A_1732 = arith.constant 32 : index
        %get3A_1733 = tpu.vector_load %get3A_1728[%get3A_1729, %get3A_1730, %get3A_1731, %get3A_1732] {strides = array<i32>} : memref<9x1x16x128xf32, #tpu.memory_space<vmem>>, vector<16xf32>,
        %get3A_1734 = arith.constant 4 : i32
        %get3A_1735 = arith.constant 0 : i32
        %get3A_1736 = arith.constant 0 : i32
        %get3A_1737 = arith.constant 0 : i32
        %get3A_1738 = arith.constant 0 : i32
        %get3A_1739 = arith.constant 0 : i32
        %get3A_1740 = tpu.memref_slice %run_scoped3A[%rem3A_306, %get3A_1736, %get3A_1737, %get3A_1738, %get3A_1739] : memref<2x9x1x16x128xf32, #tpu.memory_space<vmem>> -> memref<1x9x1x16x128xf32, #tpu.memory_space<vmem>>
        %get3A_1741 = tpu.memref_squeeze %get3A_1740 : memref<1x9x1x16x128xf32, #tpu.memory_space<vmem>> -> memref<9x1x16x128xf32, #tpu.memory_space<vmem>>
        %get3A_1742 = arith.index_cast %get3A_1734 : i32 to index
        %get3A_1743 = arith.index_cast %get3A_1735 : i32 to index
        %get3A_1744 = arith.index_cast %add3A_532 : i32 to index
        %get3A_1745 = arith.constant 32 : index
        %get3A_1746 = tpu.vector_load %get3A_1741[%get3A_1742, %get3A_1743, %get3A_1744, %get3A_1745] {strides = array<i32>} : memref<9x1x16x128xf32, #tpu.memory_space<vmem>>, vector<16xf32>,
        %gt3A_1747 = arith.constant 5.000000e-01 : f32
        %gt3A_1748 = vector.broadcast %gt3A_1747 : f32 to vector<16xf32>
        %gt3A_1749 = arith.cmpf ogt, %get3A_1733, %gt3A_1748 : vector<16xf32>
        %jit3A_1750 = arith.constant 1.000000e+00 : f32
        %jit3A_1751 = arith.constant 0.000000e+00 : f32
        %broadcast_in_dim3A_1752 = vector.broadcast %jit3A_1750 : f32 to vector<16xf32>
        %broadcast_in_dim3A_1753 = vector.broadcast %jit3A_1751 : f32 to vector<16xf32>
        %select_n3A_1754 = arith.select %gt3A_1749, %broadcast_in_dim3A_1752, %broadcast_in_dim3A_1753 : vector<16xi1>, vector<16xf32>
        %ne3A_1755 = arith.constant 0.000000e+00 : f32
        %ne3A_1756 = vector.broadcast %ne3A_1755 : f32 to vector<16xf32>
        %ne3A_1757 = arith.cmpf one, %get3A_1733, %ne3A_1756 : vector<16xf32>
        %jit3A_1758 = arith.constant 1.000000e+00 : f32
        %jit3A_1759 = arith.constant 0.000000e+00 : f32
        %broadcast_in_dim3A_1760 = vector.broadcast %jit3A_1758 : f32 to vector<16xf32>
        %broadcast_in_dim3A_1761 = vector.broadcast %jit3A_1759 : f32 to vector<16xf32>
        %select_n3A_1762 = arith.select %ne3A_1757, %broadcast_in_dim3A_1760, %broadcast_in_dim3A_1761 : vector<16xi1>, vector<16xf32>
        %mul3A_1763 = arith.mulf %get3A_1746, %select_n3A_1754 : vector<16xf32>
        %add3A_1764 = arith.addf %add3A_1716, %mul3A_1763 : vector<16xf32>
        %mul3A_1765 = arith.mulf %get3A_1746, %select_n3A_1762 : vector<16xf32>
        %add3A_1766 = arith.addf %add3A_1718, %mul3A_1765 : vector<16xf32>
        %add3A_1767 = arith.addf %add3A_1719, %select_n3A_1754 : vector<16xf32>
        %add3A_1768 = arith.addf %add3A_1720, %select_n3A_1762 : vector<16xf32>
        %get3A_1769 = arith.constant 5 : i32
        %get3A_1770 = arith.constant 0 : i32
        %get3A_1771 = arith.constant 0 : i32
        %get3A_1772 = arith.constant 0 : i32
        %get3A_1773 = arith.constant 0 : i32
        %get3A_1774 = arith.constant 0 : i32
        %get3A_1775 = tpu.memref_slice %run_scoped3A_77[%rem3A_308, %get3A_1771, %get3A_1772, %get3A_1773, %get3A_1774] : memref<2x9x1x16x128xf32, #tpu.memory_space<vmem>> -> memref<1x9x1x16x128xf32, #tpu.memory_space<vmem>>
        %get3A_1776 = tpu.memref_squeeze %get3A_1775 : memref<1x9x1x16x128xf32, #tpu.memory_space<vmem>> -> memref<9x1x16x128xf32, #tpu.memory_space<vmem>>
        %get3A_1777 = arith.index_cast %get3A_1769 : i32 to index
        %get3A_1778 = arith.index_cast %get3A_1770 : i32 to index
        %get3A_1779 = arith.index_cast %add3A_532 : i32 to index
        %get3A_1780 = arith.constant 32 : index
        %get3A_1781 = tpu.vector_load %get3A_1776[%get3A_1777, %get3A_1778, %get3A_1779, %get3A_1780] {strides = array<i32>} : memref<9x1x16x128xf32, #tpu.memory_space<vmem>>, vector<16xf32>,
        %get3A_1782 = arith.constant 5 : i32
        %get3A_1783 = arith.constant 0 : i32
        %get3A_1784 = arith.constant 0 : i32
        %get3A_1785 = arith.constant 0 : i32
        %get3A_1786 = arith.constant 0 : i32
        %get3A_1787 = arith.constant 0 : i32
        %get3A_1788 = tpu.memref_slice %run_scoped3A[%rem3A_306, %get3A_1784, %get3A_1785, %get3A_1786, %get3A_1787] : memref<2x9x1x16x128xf32, #tpu.memory_space<vmem>> -> memref<1x9x1x16x128xf32, #tpu.memory_space<vmem>>
        %get3A_1789 = tpu.memref_squeeze %get3A_1788 : memref<1x9x1x16x128xf32, #tpu.memory_space<vmem>> -> memref<9x1x16x128xf32, #tpu.memory_space<vmem>>
        %get3A_1790 = arith.index_cast %get3A_1782 : i32 to index
        %get3A_1791 = arith.index_cast %get3A_1783 : i32 to index
        %get3A_1792 = arith.index_cast %add3A_532 : i32 to index
        %get3A_1793 = arith.constant 32 : index
        %get3A_1794 = tpu.vector_load %get3A_1789[%get3A_1790, %get3A_1791, %get3A_1792, %get3A_1793] {strides = array<i32>} : memref<9x1x16x128xf32, #tpu.memory_space<vmem>>, vector<16xf32>,
        %gt3A_1795 = arith.constant 5.000000e-01 : f32
        %gt3A_1796 = vector.broadcast %gt3A_1795 : f32 to vector<16xf32>
        %gt3A_1797 = arith.cmpf ogt, %get3A_1781, %gt3A_1796 : vector<16xf32>
        %jit3A_1798 = arith.constant 1.000000e+00 : f32
        %jit3A_1799 = arith.constant 0.000000e+00 : f32
        %broadcast_in_dim3A_1800 = vector.broadcast %jit3A_1798 : f32 to vector<16xf32>
        %broadcast_in_dim3A_1801 = vector.broadcast %jit3A_1799 : f32 to vector<16xf32>
        %select_n3A_1802 = arith.select %gt3A_1797, %broadcast_in_dim3A_1800, %broadcast_in_dim3A_1801 : vector<16xi1>, vector<16xf32>
        %ne3A_1803 = arith.constant 0.000000e+00 : f32
        %ne3A_1804 = vector.broadcast %ne3A_1803 : f32 to vector<16xf32>
        %ne3A_1805 = arith.cmpf one, %get3A_1781, %ne3A_1804 : vector<16xf32>
        %jit3A_1806 = arith.constant 1.000000e+00 : f32
        %jit3A_1807 = arith.constant 0.000000e+00 : f32
        %broadcast_in_dim3A_1808 = vector.broadcast %jit3A_1806 : f32 to vector<16xf32>
        %broadcast_in_dim3A_1809 = vector.broadcast %jit3A_1807 : f32 to vector<16xf32>
        %select_n3A_1810 = arith.select %ne3A_1805, %broadcast_in_dim3A_1808, %broadcast_in_dim3A_1809 : vector<16xi1>, vector<16xf32>
        %mul3A_1811 = arith.mulf %get3A_1794, %select_n3A_1802 : vector<16xf32>
        %add3A_1812 = arith.addf %add3A_1764, %mul3A_1811 : vector<16xf32>
        %mul3A_1813 = arith.mulf %get3A_1794, %select_n3A_1810 : vector<16xf32>
        %add3A_1814 = arith.addf %add3A_1766, %mul3A_1813 : vector<16xf32>
        %add3A_1815 = arith.addf %add3A_1767, %select_n3A_1802 : vector<16xf32>
        %add3A_1816 = arith.addf %add3A_1768, %select_n3A_1810 : vector<16xf32>
        %get3A_1817 = arith.constant 6 : i32
        %get3A_1818 = arith.constant 0 : i32
        %get3A_1819 = arith.constant 0 : i32
        %get3A_1820 = arith.constant 0 : i32
        %get3A_1821 = arith.constant 0 : i32
        %get3A_1822 = arith.constant 0 : i32
        %get3A_1823 = tpu.memref_slice %run_scoped3A_77[%rem3A_308, %get3A_1819, %get3A_1820, %get3A_1821, %get3A_1822] : memref<2x9x1x16x128xf32, #tpu.memory_space<vmem>> -> memref<1x9x1x16x128xf32, #tpu.memory_space<vmem>>
        %get3A_1824 = tpu.memref_squeeze %get3A_1823 : memref<1x9x1x16x128xf32, #tpu.memory_space<vmem>> -> memref<9x1x16x128xf32, #tpu.memory_space<vmem>>
        %get3A_1825 = arith.index_cast %get3A_1817 : i32 to index
        %get3A_1826 = arith.index_cast %get3A_1818 : i32 to index
        %get3A_1827 = arith.index_cast %add3A_532 : i32 to index
        %get3A_1828 = arith.constant 32 : index
        %get3A_1829 = tpu.vector_load %get3A_1824[%get3A_1825, %get3A_1826, %get3A_1827, %get3A_1828] {strides = array<i32>} : memref<9x1x16x128xf32, #tpu.memory_space<vmem>>, vector<16xf32>,
        %get3A_1830 = arith.constant 6 : i32
        %get3A_1831 = arith.constant 0 : i32
        %get3A_1832 = arith.constant 0 : i32
        %get3A_1833 = arith.constant 0 : i32
        %get3A_1834 = arith.constant 0 : i32
        %get3A_1835 = arith.constant 0 : i32
        %get3A_1836 = tpu.memref_slice %run_scoped3A[%rem3A_306, %get3A_1832, %get3A_1833, %get3A_1834, %get3A_1835] : memref<2x9x1x16x128xf32, #tpu.memory_space<vmem>> -> memref<1x9x1x16x128xf32, #tpu.memory_space<vmem>>
        %get3A_1837 = tpu.memref_squeeze %get3A_1836 : memref<1x9x1x16x128xf32, #tpu.memory_space<vmem>> -> memref<9x1x16x128xf32, #tpu.memory_space<vmem>>
        %get3A_1838 = arith.index_cast %get3A_1830 : i32 to index
        %get3A_1839 = arith.index_cast %get3A_1831 : i32 to index
        %get3A_1840 = arith.index_cast %add3A_532 : i32 to index
        %get3A_1841 = arith.constant 32 : index
        %get3A_1842 = tpu.vector_load %get3A_1837[%get3A_1838, %get3A_1839, %get3A_1840, %get3A_1841] {strides = array<i32>} : memref<9x1x16x128xf32, #tpu.memory_space<vmem>>, vector<16xf32>,
        %gt3A_1843 = arith.constant 5.000000e-01 : f32
        %gt3A_1844 = vector.broadcast %gt3A_1843 : f32 to vector<16xf32>
        %gt3A_1845 = arith.cmpf ogt, %get3A_1829, %gt3A_1844 : vector<16xf32>
        %jit3A_1846 = arith.constant 1.000000e+00 : f32
        %jit3A_1847 = arith.constant 0.000000e+00 : f32
        %broadcast_in_dim3A_1848 = vector.broadcast %jit3A_1846 : f32 to vector<16xf32>
        %broadcast_in_dim3A_1849 = vector.broadcast %jit3A_1847 : f32 to vector<16xf32>
        %select_n3A_1850 = arith.select %gt3A_1845, %broadcast_in_dim3A_1848, %broadcast_in_dim3A_1849 : vector<16xi1>, vector<16xf32>
        %ne3A_1851 = arith.constant 0.000000e+00 : f32
        %ne3A_1852 = vector.broadcast %ne3A_1851 : f32 to vector<16xf32>
        %ne3A_1853 = arith.cmpf one, %get3A_1829, %ne3A_1852 : vector<16xf32>
        %jit3A_1854 = arith.constant 1.000000e+00 : f32
        %jit3A_1855 = arith.constant 0.000000e+00 : f32
        %broadcast_in_dim3A_1856 = vector.broadcast %jit3A_1854 : f32 to vector<16xf32>
        %broadcast_in_dim3A_1857 = vector.broadcast %jit3A_1855 : f32 to vector<16xf32>
        %select_n3A_1858 = arith.select %ne3A_1853, %broadcast_in_dim3A_1856, %broadcast_in_dim3A_1857 : vector<16xi1>, vector<16xf32>
        %mul3A_1859 = arith.mulf %get3A_1842, %select_n3A_1850 : vector<16xf32>
        %add3A_1860 = arith.addf %add3A_1812, %mul3A_1859 : vector<16xf32>
        %mul3A_1861 = arith.mulf %get3A_1842, %select_n3A_1858 : vector<16xf32>
        %add3A_1862 = arith.addf %add3A_1814, %mul3A_1861 : vector<16xf32>
        %add3A_1863 = arith.addf %add3A_1815, %select_n3A_1850 : vector<16xf32>
        %add3A_1864 = arith.addf %add3A_1816, %select_n3A_1858 : vector<16xf32>
        %get3A_1865 = arith.constant 7 : i32
        %get3A_1866 = arith.constant 0 : i32
        %get3A_1867 = arith.constant 0 : i32
        %get3A_1868 = arith.constant 0 : i32
        %get3A_1869 = arith.constant 0 : i32
        %get3A_1870 = arith.constant 0 : i32
        %get3A_1871 = tpu.memref_slice %run_scoped3A_77[%rem3A_308, %get3A_1867, %get3A_1868, %get3A_1869, %get3A_1870] : memref<2x9x1x16x128xf32, #tpu.memory_space<vmem>> -> memref<1x9x1x16x128xf32, #tpu.memory_space<vmem>>
        %get3A_1872 = tpu.memref_squeeze %get3A_1871 : memref<1x9x1x16x128xf32, #tpu.memory_space<vmem>> -> memref<9x1x16x128xf32, #tpu.memory_space<vmem>>
        %get3A_1873 = arith.index_cast %get3A_1865 : i32 to index
        %get3A_1874 = arith.index_cast %get3A_1866 : i32 to index
        %get3A_1875 = arith.index_cast %add3A_532 : i32 to index
        %get3A_1876 = arith.constant 32 : index
        %get3A_1877 = tpu.vector_load %get3A_1872[%get3A_1873, %get3A_1874, %get3A_1875, %get3A_1876] {strides = array<i32>} : memref<9x1x16x128xf32, #tpu.memory_space<vmem>>, vector<16xf32>,
        %get3A_1878 = arith.constant 7 : i32
        %get3A_1879 = arith.constant 0 : i32
        %get3A_1880 = arith.constant 0 : i32
        %get3A_1881 = arith.constant 0 : i32
        %get3A_1882 = arith.constant 0 : i32
        %get3A_1883 = arith.constant 0 : i32
        %get3A_1884 = tpu.memref_slice %run_scoped3A[%rem3A_306, %get3A_1880, %get3A_1881, %get3A_1882, %get3A_1883] : memref<2x9x1x16x128xf32, #tpu.memory_space<vmem>> -> memref<1x9x1x16x128xf32, #tpu.memory_space<vmem>>
        %get3A_1885 = tpu.memref_squeeze %get3A_1884 : memref<1x9x1x16x128xf32, #tpu.memory_space<vmem>> -> memref<9x1x16x128xf32, #tpu.memory_space<vmem>>
        %get3A_1886 = arith.index_cast %get3A_1878 : i32 to index
        %get3A_1887 = arith.index_cast %get3A_1879 : i32 to index
        %get3A_1888 = arith.index_cast %add3A_532 : i32 to index
        %get3A_1889 = arith.constant 32 : index
        %get3A_1890 = tpu.vector_load %get3A_1885[%get3A_1886, %get3A_1887, %get3A_1888, %get3A_1889] {strides = array<i32>} : memref<9x1x16x128xf32, #tpu.memory_space<vmem>>, vector<16xf32>,
        %gt3A_1891 = arith.constant 5.000000e-01 : f32
        %gt3A_1892 = vector.broadcast %gt3A_1891 : f32 to vector<16xf32>
        %gt3A_1893 = arith.cmpf ogt, %get3A_1877, %gt3A_1892 : vector<16xf32>
        %jit3A_1894 = arith.constant 1.000000e+00 : f32
        %jit3A_1895 = arith.constant 0.000000e+00 : f32
        %broadcast_in_dim3A_1896 = vector.broadcast %jit3A_1894 : f32 to vector<16xf32>
        %broadcast_in_dim3A_1897 = vector.broadcast %jit3A_1895 : f32 to vector<16xf32>
        %select_n3A_1898 = arith.select %gt3A_1893, %broadcast_in_dim3A_1896, %broadcast_in_dim3A_1897 : vector<16xi1>, vector<16xf32>
        %ne3A_1899 = arith.constant 0.000000e+00 : f32
        %ne3A_1900 = vector.broadcast %ne3A_1899 : f32 to vector<16xf32>
        %ne3A_1901 = arith.cmpf one, %get3A_1877, %ne3A_1900 : vector<16xf32>
        %jit3A_1902 = arith.constant 1.000000e+00 : f32
        %jit3A_1903 = arith.constant 0.000000e+00 : f32
        %broadcast_in_dim3A_1904 = vector.broadcast %jit3A_1902 : f32 to vector<16xf32>
        %broadcast_in_dim3A_1905 = vector.broadcast %jit3A_1903 : f32 to vector<16xf32>
        %select_n3A_1906 = arith.select %ne3A_1901, %broadcast_in_dim3A_1904, %broadcast_in_dim3A_1905 : vector<16xi1>, vector<16xf32>
        %mul3A_1907 = arith.mulf %get3A_1890, %select_n3A_1898 : vector<16xf32>
        %add3A_1908 = arith.addf %add3A_1860, %mul3A_1907 : vector<16xf32>
        %mul3A_1909 = arith.mulf %get3A_1890, %select_n3A_1906 : vector<16xf32>
        %add3A_1910 = arith.addf %add3A_1862, %mul3A_1909 : vector<16xf32>
        %add3A_1911 = arith.addf %add3A_1863, %select_n3A_1898 : vector<16xf32>
        %add3A_1912 = arith.addf %add3A_1864, %select_n3A_1906 : vector<16xf32>
        %get3A_1913 = arith.constant 8 : i32
        %get3A_1914 = arith.constant 0 : i32
        %get3A_1915 = arith.constant 0 : i32
        %get3A_1916 = arith.constant 0 : i32
        %get3A_1917 = arith.constant 0 : i32
        %get3A_1918 = arith.constant 0 : i32
        %get3A_1919 = tpu.memref_slice %run_scoped3A_77[%rem3A_308, %get3A_1915, %get3A_1916, %get3A_1917, %get3A_1918] : memref<2x9x1x16x128xf32, #tpu.memory_space<vmem>> -> memref<1x9x1x16x128xf32, #tpu.memory_space<vmem>>
        %get3A_1920 = tpu.memref_squeeze %get3A_1919 : memref<1x9x1x16x128xf32, #tpu.memory_space<vmem>> -> memref<9x1x16x128xf32, #tpu.memory_space<vmem>>
        %get3A_1921 = arith.index_cast %get3A_1913 : i32 to index
        %get3A_1922 = arith.index_cast %get3A_1914 : i32 to index
        %get3A_1923 = arith.index_cast %add3A_532 : i32 to index
        %get3A_1924 = arith.constant 32 : index
        %get3A_1925 = tpu.vector_load %get3A_1920[%get3A_1921, %get3A_1922, %get3A_1923, %get3A_1924] {strides = array<i32>} : memref<9x1x16x128xf32, #tpu.memory_space<vmem>>, vector<16xf32>,
        %get3A_1926 = arith.constant 8 : i32
        %get3A_1927 = arith.constant 0 : i32
        %get3A_1928 = arith.constant 0 : i32
        %get3A_1929 = arith.constant 0 : i32
        %get3A_1930 = arith.constant 0 : i32
        %get3A_1931 = arith.constant 0 : i32
        %get3A_1932 = tpu.memref_slice %run_scoped3A[%rem3A_306, %get3A_1928, %get3A_1929, %get3A_1930, %get3A_1931] : memref<2x9x1x16x128xf32, #tpu.memory_space<vmem>> -> memref<1x9x1x16x128xf32, #tpu.memory_space<vmem>>
        %get3A_1933 = tpu.memref_squeeze %get3A_1932 : memref<1x9x1x16x128xf32, #tpu.memory_space<vmem>> -> memref<9x1x16x128xf32, #tpu.memory_space<vmem>>
        %get3A_1934 = arith.index_cast %get3A_1926 : i32 to index
        %get3A_1935 = arith.index_cast %get3A_1927 : i32 to index
        %get3A_1936 = arith.index_cast %add3A_532 : i32 to index
        %get3A_1937 = arith.constant 32 : index
        %get3A_1938 = tpu.vector_load %get3A_1933[%get3A_1934, %get3A_1935, %get3A_1936, %get3A_1937] {strides = array<i32>} : memref<9x1x16x128xf32, #tpu.memory_space<vmem>>, vector<16xf32>,
        %gt3A_1939 = arith.constant 5.000000e-01 : f32
        %gt3A_1940 = vector.broadcast %gt3A_1939 : f32 to vector<16xf32>
        %gt3A_1941 = arith.cmpf ogt, %get3A_1925, %gt3A_1940 : vector<16xf32>
        %jit3A_1942 = arith.constant 1.000000e+00 : f32
        %jit3A_1943 = arith.constant 0.000000e+00 : f32
        %broadcast_in_dim3A_1944 = vector.broadcast %jit3A_1942 : f32 to vector<16xf32>
        %broadcast_in_dim3A_1945 = vector.broadcast %jit3A_1943 : f32 to vector<16xf32>
        %select_n3A_1946 = arith.select %gt3A_1941, %broadcast_in_dim3A_1944, %broadcast_in_dim3A_1945 : vector<16xi1>, vector<16xf32>
        %ne3A_1947 = arith.constant 0.000000e+00 : f32
        %ne3A_1948 = vector.broadcast %ne3A_1947 : f32 to vector<16xf32>
        %ne3A_1949 = arith.cmpf one, %get3A_1925, %ne3A_1948 : vector<16xf32>
        %jit3A_1950 = arith.constant 1.000000e+00 : f32
        %jit3A_1951 = arith.constant 0.000000e+00 : f32
        %broadcast_in_dim3A_1952 = vector.broadcast %jit3A_1950 : f32 to vector<16xf32>
        %broadcast_in_dim3A_1953 = vector.broadcast %jit3A_1951 : f32 to vector<16xf32>
        %select_n3A_1954 = arith.select %ne3A_1949, %broadcast_in_dim3A_1952, %broadcast_in_dim3A_1953 : vector<16xi1>, vector<16xf32>
        %mul3A_1955 = arith.mulf %get3A_1938, %select_n3A_1946 : vector<16xf32>
        %add3A_1956 = arith.addf %add3A_1908, %mul3A_1955 : vector<16xf32>
        %mul3A_1957 = arith.mulf %get3A_1938, %select_n3A_1954 : vector<16xf32>
        %add3A_1958 = arith.addf %add3A_1910, %mul3A_1957 : vector<16xf32>
        %add3A_1959 = arith.addf %add3A_1911, %select_n3A_1946 : vector<16xf32>
        %add3A_1960 = arith.addf %add3A_1912, %select_n3A_1954 : vector<16xf32>
        %sub3A_1961 = arith.subf %add3A_1958, %add3A_1956 : vector<16xf32>
        %sub3A_1962 = arith.subf %add3A_1960, %add3A_1959 : vector<16xf32>
        %max3A_1963 = arith.constant 1.000000e+00 : f32
        %max3A_1964 = vector.broadcast %max3A_1963 : f32 to vector<16xf32>
        %max3A_1965 = arith.maximumf %add3A_1959, %max3A_1964 : vector<16xf32>
        %max3A_1966 = arith.constant 1.000000e+00 : f32
        %max3A_1967 = vector.broadcast %max3A_1966 : f32 to vector<16xf32>
        %max3A_1968 = arith.maximumf %sub3A_1962, %max3A_1967 : vector<16xf32>
        %gt3A_1969 = arith.constant 0.000000e+00 : f32
        %gt3A_1970 = vector.broadcast %gt3A_1969 : f32 to vector<16xf32>
        %gt3A_1971 = arith.cmpf ogt, %add3A_1959, %gt3A_1970 : vector<16xf32>
        %gt3A_1972 = arith.constant 0.000000e+00 : f32
        %gt3A_1973 = vector.broadcast %gt3A_1972 : f32 to vector<16xf32>
        %gt3A_1974 = arith.cmpf ogt, %sub3A_1962, %gt3A_1973 : vector<16xf32>
        %and3A_1975 = arith.andi %gt3A_1971, %gt3A_1974 : vector<16xi1>
        %mul3A_1976 = arith.mulf %add3A_1956, %max3A_1968 : vector<16xf32>
        %mul3A_1977 = arith.mulf %sub3A_1961, %max3A_1965 : vector<16xf32>
        %gt3A_1978 = arith.cmpf ogt, %mul3A_1976, %mul3A_1977 : vector<16xf32>
        %jit3A_1979 = arith.constant 0.000000e+00 : f32
        %jit3A_1980 = arith.constant 1.000000e+00 : f32
        %broadcast_in_dim3A_1981 = vector.broadcast %jit3A_1979 : f32 to vector<16xf32>
        %broadcast_in_dim3A_1982 = vector.broadcast %jit3A_1980 : f32 to vector<16xf32>
        %select_n3A_1983 = arith.select %gt3A_1978, %broadcast_in_dim3A_1981, %broadcast_in_dim3A_1982 : vector<16xi1>, vector<16xf32>
        %jit3A_1984 = arith.constant 2.000000e+00 : f32
        %broadcast_in_dim3A_1985 = vector.broadcast %jit3A_1984 : f32 to vector<16xf32>
        %select_n3A_1986 = arith.select %and3A_1975, %select_n3A_1983, %broadcast_in_dim3A_1985 : vector<16xi1>, vector<16xf32>
        %eq3A_1987 = arith.constant 0.000000e+00 : f32
        %eq3A_1988 = vector.broadcast %eq3A_1987 : f32 to vector<16xf32>
        %eq3A_1989 = arith.cmpf oeq, %select_n3A_1986, %eq3A_1988 : vector<16xf32>
        %broadcast_in_dim3A_1990 = arith.constant 0.000000e+00 : f32
        %broadcast_in_dim3A_1991 = vector.broadcast %broadcast_in_dim3A_1990 : f32 to vector<16xf32>
        %broadcast_in_dim3A_1992 = arith.constant 1.000000e+00 : f32
        %broadcast_in_dim3A_1993 = vector.broadcast %broadcast_in_dim3A_1992 : f32 to vector<16xf32>
        %select_n3A_1994 = arith.select %eq3A_1989, %get3A_1746, %broadcast_in_dim3A_1991 : vector<16xi1>, vector<16xf32>
        %select_n3A_1995 = arith.select %eq3A_1989, %broadcast_in_dim3A_1993, %broadcast_in_dim3A_1991 : vector<16xi1>, vector<16xf32>
        %select_n3A_1996 = arith.select %eq3A_1989, %broadcast_in_dim3A_1991, %get3A_1746 : vector<16xi1>, vector<16xf32>
        %select_n3A_1997 = arith.select %eq3A_1989, %broadcast_in_dim3A_1991, %broadcast_in_dim3A_1993 : vector<16xi1>, vector<16xf32>
        %swap3A_1998 = tpu.memref_slice %run_scoped3A_79[%mul3A_312] : memref<4096xf32, #tpu.memory_space<vmem>> -> memref<2048xf32, #tpu.memory_space<vmem>>
        %swap3A_1999 = arith.index_cast %add3A_1526 : i32 to index
        %swap3A_2000 = tpu.vector_load %swap3A_1998[%swap3A_1999] {strides = array<i32>} : memref<2048xf32, #tpu.memory_space<vmem>>, vector<16xf32>,
        tpu.vector_store %swap3A_1998[%swap3A_1999], %select_n3A_1986 {strides = array<i32>} : memref<2048xf32, #tpu.memory_space<vmem>>, vector<16xf32>,
        %swap3A_2001 = tpu.memref_slice %run_scoped3A_81[%mul3A_316] : memref<4096xf32, #tpu.memory_space<vmem>> -> memref<2048xf32, #tpu.memory_space<vmem>>
        %swap3A_2002 = arith.index_cast %add3A_1526 : i32 to index
        %swap3A_2003 = tpu.vector_load %swap3A_2001[%swap3A_2002] {strides = array<i32>} : memref<2048xf32, #tpu.memory_space<vmem>>, vector<16xf32>,
        tpu.vector_store %swap3A_2001[%swap3A_2002], %get3A_1746 {strides = array<i32>} : memref<2048xf32, #tpu.memory_space<vmem>>, vector<16xf32>,
        %swap3A_2004 = arith.constant 0 : i32
        %swap3A_2005 = arith.index_cast %swap3A_2004 : i32 to index
        %swap3A_2006 = arith.constant 0 : index
        %swap3A_2007 = tpu.vector_load %arg7[%swap3A_2005, %swap3A_2006] {strides = array<i32>} : memref<2x128xf32, #tpu.memory_space<vmem>>, vector<16xf32>,
        tpu.vector_store %arg7[%swap3A_2005, %swap3A_2006], %select_n3A_1994 {add = true, strides = array<i32>} : memref<2x128xf32, #tpu.memory_space<vmem>>, vector<16xf32>,
        %swap3A_2008 = arith.constant 0 : i32
        %swap3A_2009 = arith.index_cast %swap3A_2008 : i32 to index
        %swap3A_2010 = arith.constant 16 : index
        %swap3A_2011 = tpu.vector_load %arg7[%swap3A_2009, %swap3A_2010] {strides = array<i32>} : memref<2x128xf32, #tpu.memory_space<vmem>>, vector<16xf32>,
        tpu.vector_store %arg7[%swap3A_2009, %swap3A_2010], %select_n3A_1995 {add = true, strides = array<i32>} : memref<2x128xf32, #tpu.memory_space<vmem>>, vector<16xf32>,
        %swap3A_2012 = arith.constant 0 : i32
        %swap3A_2013 = arith.index_cast %swap3A_2012 : i32 to index
        %swap3A_2014 = arith.constant 32 : index
        %swap3A_2015 = tpu.vector_load %arg7[%swap3A_2013, %swap3A_2014] {strides = array<i32>} : memref<2x128xf32, #tpu.memory_space<vmem>>, vector<16xf32>,
        tpu.vector_store %arg7[%swap3A_2013, %swap3A_2014], %select_n3A_1996 {add = true, strides = array<i32>} : memref<2x128xf32, #tpu.memory_space<vmem>>, vector<16xf32>,
        %swap3A_2016 = arith.constant 0 : i32
        %swap3A_2017 = arith.index_cast %swap3A_2016 : i32 to index
        %swap3A_2018 = arith.constant 48 : index
        %swap3A_2019 = tpu.vector_load %arg7[%swap3A_2017, %swap3A_2018] {strides = array<i32>} : memref<2x128xf32, #tpu.memory_space<vmem>>, vector<16xf32>,
        tpu.vector_store %arg7[%swap3A_2017, %swap3A_2018], %select_n3A_1997 {add = true, strides = array<i32>} : memref<2x128xf32, #tpu.memory_space<vmem>>, vector<16xf32>,
        %mul3A_2020 = arith.constant 128 : i32
        %mul3A_2021 = arith.muli %add3A_532, %mul3A_2020 : i32
        %add3A_2022 = arith.constant 48 : i32
        %add3A_2023 = arith.addi %mul3A_2021, %add3A_2022 : i32
        %broadcast_in_dim3A_2024 = arith.constant 0.000000e+00 : f32
        %broadcast_in_dim3A_2025 = vector.broadcast %broadcast_in_dim3A_2024 : f32 to vector<16xf32>
        %get3A_2026 = arith.constant 0 : i32
        %get3A_2027 = arith.constant 0 : i32
        %get3A_2028 = arith.constant 0 : i32
        %get3A_2029 = arith.constant 0 : i32
        %get3A_2030 = arith.constant 0 : i32
        %get3A_2031 = arith.constant 0 : i32
        %get3A_2032 = tpu.memref_slice %run_scoped3A_77[%rem3A_308, %get3A_2028, %get3A_2029, %get3A_2030, %get3A_2031] : memref<2x9x1x16x128xf32, #tpu.memory_space<vmem>> -> memref<1x9x1x16x128xf32, #tpu.memory_space<vmem>>
        %get3A_2033 = tpu.memref_squeeze %get3A_2032 : memref<1x9x1x16x128xf32, #tpu.memory_space<vmem>> -> memref<9x1x16x128xf32, #tpu.memory_space<vmem>>
        %get3A_2034 = arith.index_cast %get3A_2026 : i32 to index
        %get3A_2035 = arith.index_cast %get3A_2027 : i32 to index
        %get3A_2036 = arith.index_cast %add3A_532 : i32 to index
        %get3A_2037 = arith.constant 48 : index
        %get3A_2038 = tpu.vector_load %get3A_2033[%get3A_2034, %get3A_2035, %get3A_2036, %get3A_2037] {strides = array<i32>} : memref<9x1x16x128xf32, #tpu.memory_space<vmem>>, vector<16xf32>,
        %get3A_2039 = arith.constant 0 : i32
        %get3A_2040 = arith.constant 0 : i32
        %get3A_2041 = arith.constant 0 : i32
        %get3A_2042 = arith.constant 0 : i32
        %get3A_2043 = arith.constant 0 : i32
        %get3A_2044 = arith.constant 0 : i32
        %get3A_2045 = tpu.memref_slice %run_scoped3A[%rem3A_306, %get3A_2041, %get3A_2042, %get3A_2043, %get3A_2044] : memref<2x9x1x16x128xf32, #tpu.memory_space<vmem>> -> memref<1x9x1x16x128xf32, #tpu.memory_space<vmem>>
        %get3A_2046 = tpu.memref_squeeze %get3A_2045 : memref<1x9x1x16x128xf32, #tpu.memory_space<vmem>> -> memref<9x1x16x128xf32, #tpu.memory_space<vmem>>
        %get3A_2047 = arith.index_cast %get3A_2039 : i32 to index
        %get3A_2048 = arith.index_cast %get3A_2040 : i32 to index
        %get3A_2049 = arith.index_cast %add3A_532 : i32 to index
        %get3A_2050 = arith.constant 48 : index
        %get3A_2051 = tpu.vector_load %get3A_2046[%get3A_2047, %get3A_2048, %get3A_2049, %get3A_2050] {strides = array<i32>} : memref<9x1x16x128xf32, #tpu.memory_space<vmem>>, vector<16xf32>,
        %gt3A_2052 = arith.constant 5.000000e-01 : f32
        %gt3A_2053 = vector.broadcast %gt3A_2052 : f32 to vector<16xf32>
        %gt3A_2054 = arith.cmpf ogt, %get3A_2038, %gt3A_2053 : vector<16xf32>
        %jit3A_2055 = arith.constant 1.000000e+00 : f32
        %jit3A_2056 = arith.constant 0.000000e+00 : f32
        %broadcast_in_dim3A_2057 = vector.broadcast %jit3A_2055 : f32 to vector<16xf32>
        %broadcast_in_dim3A_2058 = vector.broadcast %jit3A_2056 : f32 to vector<16xf32>
        %select_n3A_2059 = arith.select %gt3A_2054, %broadcast_in_dim3A_2057, %broadcast_in_dim3A_2058 : vector<16xi1>, vector<16xf32>
        %ne3A_2060 = arith.constant 0.000000e+00 : f32
        %ne3A_2061 = vector.broadcast %ne3A_2060 : f32 to vector<16xf32>
        %ne3A_2062 = arith.cmpf one, %get3A_2038, %ne3A_2061 : vector<16xf32>
        %jit3A_2063 = arith.constant 1.000000e+00 : f32
        %jit3A_2064 = arith.constant 0.000000e+00 : f32
        %broadcast_in_dim3A_2065 = vector.broadcast %jit3A_2063 : f32 to vector<16xf32>
        %broadcast_in_dim3A_2066 = vector.broadcast %jit3A_2064 : f32 to vector<16xf32>
        %select_n3A_2067 = arith.select %ne3A_2062, %broadcast_in_dim3A_2065, %broadcast_in_dim3A_2066 : vector<16xi1>, vector<16xf32>
        %mul3A_2068 = arith.mulf %get3A_2051, %select_n3A_2059 : vector<16xf32>
        %add3A_2069 = arith.addf %broadcast_in_dim3A_2025, %mul3A_2068 : vector<16xf32>
        %mul3A_2070 = arith.mulf %get3A_2051, %select_n3A_2067 : vector<16xf32>
        %add3A_2071 = arith.addf %broadcast_in_dim3A_2025, %mul3A_2070 : vector<16xf32>
        %add3A_2072 = arith.addf %broadcast_in_dim3A_2025, %select_n3A_2059 : vector<16xf32>
        %add3A_2073 = arith.addf %broadcast_in_dim3A_2025, %select_n3A_2067 : vector<16xf32>
        %get3A_2074 = arith.constant 1 : i32
        %get3A_2075 = arith.constant 0 : i32
        %get3A_2076 = arith.constant 0 : i32
        %get3A_2077 = arith.constant 0 : i32
        %get3A_2078 = arith.constant 0 : i32
        %get3A_2079 = arith.constant 0 : i32
        %get3A_2080 = tpu.memref_slice %run_scoped3A_77[%rem3A_308, %get3A_2076, %get3A_2077, %get3A_2078, %get3A_2079] : memref<2x9x1x16x128xf32, #tpu.memory_space<vmem>> -> memref<1x9x1x16x128xf32, #tpu.memory_space<vmem>>
        %get3A_2081 = tpu.memref_squeeze %get3A_2080 : memref<1x9x1x16x128xf32, #tpu.memory_space<vmem>> -> memref<9x1x16x128xf32, #tpu.memory_space<vmem>>
        %get3A_2082 = arith.index_cast %get3A_2074 : i32 to index
        %get3A_2083 = arith.index_cast %get3A_2075 : i32 to index
        %get3A_2084 = arith.index_cast %add3A_532 : i32 to index
        %get3A_2085 = arith.constant 48 : index
        %get3A_2086 = tpu.vector_load %get3A_2081[%get3A_2082, %get3A_2083, %get3A_2084, %get3A_2085] {strides = array<i32>} : memref<9x1x16x128xf32, #tpu.memory_space<vmem>>, vector<16xf32>,
        %get3A_2087 = arith.constant 1 : i32
        %get3A_2088 = arith.constant 0 : i32
        %get3A_2089 = arith.constant 0 : i32
        %get3A_2090 = arith.constant 0 : i32
        %get3A_2091 = arith.constant 0 : i32
        %get3A_2092 = arith.constant 0 : i32
        %get3A_2093 = tpu.memref_slice %run_scoped3A[%rem3A_306, %get3A_2089, %get3A_2090, %get3A_2091, %get3A_2092] : memref<2x9x1x16x128xf32, #tpu.memory_space<vmem>> -> memref<1x9x1x16x128xf32, #tpu.memory_space<vmem>>
        %get3A_2094 = tpu.memref_squeeze %get3A_2093 : memref<1x9x1x16x128xf32, #tpu.memory_space<vmem>> -> memref<9x1x16x128xf32, #tpu.memory_space<vmem>>
        %get3A_2095 = arith.index_cast %get3A_2087 : i32 to index
        %get3A_2096 = arith.index_cast %get3A_2088 : i32 to index
        %get3A_2097 = arith.index_cast %add3A_532 : i32 to index
        %get3A_2098 = arith.constant 48 : index
        %get3A_2099 = tpu.vector_load %get3A_2094[%get3A_2095, %get3A_2096, %get3A_2097, %get3A_2098] {strides = array<i32>} : memref<9x1x16x128xf32, #tpu.memory_space<vmem>>, vector<16xf32>,
        %gt3A_2100 = arith.constant 5.000000e-01 : f32
        %gt3A_2101 = vector.broadcast %gt3A_2100 : f32 to vector<16xf32>
        %gt3A_2102 = arith.cmpf ogt, %get3A_2086, %gt3A_2101 : vector<16xf32>
        %jit3A_2103 = arith.constant 1.000000e+00 : f32
        %jit3A_2104 = arith.constant 0.000000e+00 : f32
        %broadcast_in_dim3A_2105 = vector.broadcast %jit3A_2103 : f32 to vector<16xf32>
        %broadcast_in_dim3A_2106 = vector.broadcast %jit3A_2104 : f32 to vector<16xf32>
        %select_n3A_2107 = arith.select %gt3A_2102, %broadcast_in_dim3A_2105, %broadcast_in_dim3A_2106 : vector<16xi1>, vector<16xf32>
        %ne3A_2108 = arith.constant 0.000000e+00 : f32
        %ne3A_2109 = vector.broadcast %ne3A_2108 : f32 to vector<16xf32>
        %ne3A_2110 = arith.cmpf one, %get3A_2086, %ne3A_2109 : vector<16xf32>
        %jit3A_2111 = arith.constant 1.000000e+00 : f32
        %jit3A_2112 = arith.constant 0.000000e+00 : f32
        %broadcast_in_dim3A_2113 = vector.broadcast %jit3A_2111 : f32 to vector<16xf32>
        %broadcast_in_dim3A_2114 = vector.broadcast %jit3A_2112 : f32 to vector<16xf32>
        %select_n3A_2115 = arith.select %ne3A_2110, %broadcast_in_dim3A_2113, %broadcast_in_dim3A_2114 : vector<16xi1>, vector<16xf32>
        %mul3A_2116 = arith.mulf %get3A_2099, %select_n3A_2107 : vector<16xf32>
        %add3A_2117 = arith.addf %add3A_2069, %mul3A_2116 : vector<16xf32>
        %mul3A_2118 = arith.mulf %get3A_2099, %select_n3A_2115 : vector<16xf32>
        %add3A_2119 = arith.addf %add3A_2071, %mul3A_2118 : vector<16xf32>
        %add3A_2120 = arith.addf %add3A_2072, %select_n3A_2107 : vector<16xf32>
        %add3A_2121 = arith.addf %add3A_2073, %select_n3A_2115 : vector<16xf32>
        %get3A_2122 = arith.constant 2 : i32
        %get3A_2123 = arith.constant 0 : i32
        %get3A_2124 = arith.constant 0 : i32
        %get3A_2125 = arith.constant 0 : i32
        %get3A_2126 = arith.constant 0 : i32
        %get3A_2127 = arith.constant 0 : i32
        %get3A_2128 = tpu.memref_slice %run_scoped3A_77[%rem3A_308, %get3A_2124, %get3A_2125, %get3A_2126, %get3A_2127] : memref<2x9x1x16x128xf32, #tpu.memory_space<vmem>> -> memref<1x9x1x16x128xf32, #tpu.memory_space<vmem>>
        %get3A_2129 = tpu.memref_squeeze %get3A_2128 : memref<1x9x1x16x128xf32, #tpu.memory_space<vmem>> -> memref<9x1x16x128xf32, #tpu.memory_space<vmem>>
        %get3A_2130 = arith.index_cast %get3A_2122 : i32 to index
        %get3A_2131 = arith.index_cast %get3A_2123 : i32 to index
        %get3A_2132 = arith.index_cast %add3A_532 : i32 to index
        %get3A_2133 = arith.constant 48 : index
        %get3A_2134 = tpu.vector_load %get3A_2129[%get3A_2130, %get3A_2131, %get3A_2132, %get3A_2133] {strides = array<i32>} : memref<9x1x16x128xf32, #tpu.memory_space<vmem>>, vector<16xf32>,
        %get3A_2135 = arith.constant 2 : i32
        %get3A_2136 = arith.constant 0 : i32
        %get3A_2137 = arith.constant 0 : i32
        %get3A_2138 = arith.constant 0 : i32
        %get3A_2139 = arith.constant 0 : i32
        %get3A_2140 = arith.constant 0 : i32
        %get3A_2141 = tpu.memref_slice %run_scoped3A[%rem3A_306, %get3A_2137, %get3A_2138, %get3A_2139, %get3A_2140] : memref<2x9x1x16x128xf32, #tpu.memory_space<vmem>> -> memref<1x9x1x16x128xf32, #tpu.memory_space<vmem>>
        %get3A_2142 = tpu.memref_squeeze %get3A_2141 : memref<1x9x1x16x128xf32, #tpu.memory_space<vmem>> -> memref<9x1x16x128xf32, #tpu.memory_space<vmem>>
        %get3A_2143 = arith.index_cast %get3A_2135 : i32 to index
        %get3A_2144 = arith.index_cast %get3A_2136 : i32 to index
        %get3A_2145 = arith.index_cast %add3A_532 : i32 to index
        %get3A_2146 = arith.constant 48 : index
        %get3A_2147 = tpu.vector_load %get3A_2142[%get3A_2143, %get3A_2144, %get3A_2145, %get3A_2146] {strides = array<i32>} : memref<9x1x16x128xf32, #tpu.memory_space<vmem>>, vector<16xf32>,
        %gt3A_2148 = arith.constant 5.000000e-01 : f32
        %gt3A_2149 = vector.broadcast %gt3A_2148 : f32 to vector<16xf32>
        %gt3A_2150 = arith.cmpf ogt, %get3A_2134, %gt3A_2149 : vector<16xf32>
        %jit3A_2151 = arith.constant 1.000000e+00 : f32
        %jit3A_2152 = arith.constant 0.000000e+00 : f32
        %broadcast_in_dim3A_2153 = vector.broadcast %jit3A_2151 : f32 to vector<16xf32>
        %broadcast_in_dim3A_2154 = vector.broadcast %jit3A_2152 : f32 to vector<16xf32>
        %select_n3A_2155 = arith.select %gt3A_2150, %broadcast_in_dim3A_2153, %broadcast_in_dim3A_2154 : vector<16xi1>, vector<16xf32>
        %ne3A_2156 = arith.constant 0.000000e+00 : f32
        %ne3A_2157 = vector.broadcast %ne3A_2156 : f32 to vector<16xf32>
        %ne3A_2158 = arith.cmpf one, %get3A_2134, %ne3A_2157 : vector<16xf32>
        %jit3A_2159 = arith.constant 1.000000e+00 : f32
        %jit3A_2160 = arith.constant 0.000000e+00 : f32
        %broadcast_in_dim3A_2161 = vector.broadcast %jit3A_2159 : f32 to vector<16xf32>
        %broadcast_in_dim3A_2162 = vector.broadcast %jit3A_2160 : f32 to vector<16xf32>
        %select_n3A_2163 = arith.select %ne3A_2158, %broadcast_in_dim3A_2161, %broadcast_in_dim3A_2162 : vector<16xi1>, vector<16xf32>
        %mul3A_2164 = arith.mulf %get3A_2147, %select_n3A_2155 : vector<16xf32>
        %add3A_2165 = arith.addf %add3A_2117, %mul3A_2164 : vector<16xf32>
        %mul3A_2166 = arith.mulf %get3A_2147, %select_n3A_2163 : vector<16xf32>
        %add3A_2167 = arith.addf %add3A_2119, %mul3A_2166 : vector<16xf32>
        %add3A_2168 = arith.addf %add3A_2120, %select_n3A_2155 : vector<16xf32>
        %add3A_2169 = arith.addf %add3A_2121, %select_n3A_2163 : vector<16xf32>
        %get3A_2170 = arith.constant 3 : i32
        %get3A_2171 = arith.constant 0 : i32
        %get3A_2172 = arith.constant 0 : i32
        %get3A_2173 = arith.constant 0 : i32
        %get3A_2174 = arith.constant 0 : i32
        %get3A_2175 = arith.constant 0 : i32
        %get3A_2176 = tpu.memref_slice %run_scoped3A_77[%rem3A_308, %get3A_2172, %get3A_2173, %get3A_2174, %get3A_2175] : memref<2x9x1x16x128xf32, #tpu.memory_space<vmem>> -> memref<1x9x1x16x128xf32, #tpu.memory_space<vmem>>
        %get3A_2177 = tpu.memref_squeeze %get3A_2176 : memref<1x9x1x16x128xf32, #tpu.memory_space<vmem>> -> memref<9x1x16x128xf32, #tpu.memory_space<vmem>>
        %get3A_2178 = arith.index_cast %get3A_2170 : i32 to index
        %get3A_2179 = arith.index_cast %get3A_2171 : i32 to index
        %get3A_2180 = arith.index_cast %add3A_532 : i32 to index
        %get3A_2181 = arith.constant 48 : index
        %get3A_2182 = tpu.vector_load %get3A_2177[%get3A_2178, %get3A_2179, %get3A_2180, %get3A_2181] {strides = array<i32>} : memref<9x1x16x128xf32, #tpu.memory_space<vmem>>, vector<16xf32>,
        %get3A_2183 = arith.constant 3 : i32
        %get3A_2184 = arith.constant 0 : i32
        %get3A_2185 = arith.constant 0 : i32
        %get3A_2186 = arith.constant 0 : i32
        %get3A_2187 = arith.constant 0 : i32
        %get3A_2188 = arith.constant 0 : i32
        %get3A_2189 = tpu.memref_slice %run_scoped3A[%rem3A_306, %get3A_2185, %get3A_2186, %get3A_2187, %get3A_2188] : memref<2x9x1x16x128xf32, #tpu.memory_space<vmem>> -> memref<1x9x1x16x128xf32, #tpu.memory_space<vmem>>
        %get3A_2190 = tpu.memref_squeeze %get3A_2189 : memref<1x9x1x16x128xf32, #tpu.memory_space<vmem>> -> memref<9x1x16x128xf32, #tpu.memory_space<vmem>>
        %get3A_2191 = arith.index_cast %get3A_2183 : i32 to index
        %get3A_2192 = arith.index_cast %get3A_2184 : i32 to index
        %get3A_2193 = arith.index_cast %add3A_532 : i32 to index
        %get3A_2194 = arith.constant 48 : index
        %get3A_2195 = tpu.vector_load %get3A_2190[%get3A_2191, %get3A_2192, %get3A_2193, %get3A_2194] {strides = array<i32>} : memref<9x1x16x128xf32, #tpu.memory_space<vmem>>, vector<16xf32>,
        %gt3A_2196 = arith.constant 5.000000e-01 : f32
        %gt3A_2197 = vector.broadcast %gt3A_2196 : f32 to vector<16xf32>
        %gt3A_2198 = arith.cmpf ogt, %get3A_2182, %gt3A_2197 : vector<16xf32>
        %jit3A_2199 = arith.constant 1.000000e+00 : f32
        %jit3A_2200 = arith.constant 0.000000e+00 : f32
        %broadcast_in_dim3A_2201 = vector.broadcast %jit3A_2199 : f32 to vector<16xf32>
        %broadcast_in_dim3A_2202 = vector.broadcast %jit3A_2200 : f32 to vector<16xf32>
        %select_n3A_2203 = arith.select %gt3A_2198, %broadcast_in_dim3A_2201, %broadcast_in_dim3A_2202 : vector<16xi1>, vector<16xf32>
        %ne3A_2204 = arith.constant 0.000000e+00 : f32
        %ne3A_2205 = vector.broadcast %ne3A_2204 : f32 to vector<16xf32>
        %ne3A_2206 = arith.cmpf one, %get3A_2182, %ne3A_2205 : vector<16xf32>
        %jit3A_2207 = arith.constant 1.000000e+00 : f32
        %jit3A_2208 = arith.constant 0.000000e+00 : f32
        %broadcast_in_dim3A_2209 = vector.broadcast %jit3A_2207 : f32 to vector<16xf32>
        %broadcast_in_dim3A_2210 = vector.broadcast %jit3A_2208 : f32 to vector<16xf32>
        %select_n3A_2211 = arith.select %ne3A_2206, %broadcast_in_dim3A_2209, %broadcast_in_dim3A_2210 : vector<16xi1>, vector<16xf32>
        %mul3A_2212 = arith.mulf %get3A_2195, %select_n3A_2203 : vector<16xf32>
        %add3A_2213 = arith.addf %add3A_2165, %mul3A_2212 : vector<16xf32>
        %mul3A_2214 = arith.mulf %get3A_2195, %select_n3A_2211 : vector<16xf32>
        %add3A_2215 = arith.addf %add3A_2167, %mul3A_2214 : vector<16xf32>
        %add3A_2216 = arith.addf %add3A_2168, %select_n3A_2203 : vector<16xf32>
        %add3A_2217 = arith.addf %add3A_2169, %select_n3A_2211 : vector<16xf32>
        %get3A_2218 = arith.constant 4 : i32
        %get3A_2219 = arith.constant 0 : i32
        %get3A_2220 = arith.constant 0 : i32
        %get3A_2221 = arith.constant 0 : i32
        %get3A_2222 = arith.constant 0 : i32
        %get3A_2223 = arith.constant 0 : i32
        %get3A_2224 = tpu.memref_slice %run_scoped3A_77[%rem3A_308, %get3A_2220, %get3A_2221, %get3A_2222, %get3A_2223] : memref<2x9x1x16x128xf32, #tpu.memory_space<vmem>> -> memref<1x9x1x16x128xf32, #tpu.memory_space<vmem>>
        %get3A_2225 = tpu.memref_squeeze %get3A_2224 : memref<1x9x1x16x128xf32, #tpu.memory_space<vmem>> -> memref<9x1x16x128xf32, #tpu.memory_space<vmem>>
        %get3A_2226 = arith.index_cast %get3A_2218 : i32 to index
        %get3A_2227 = arith.index_cast %get3A_2219 : i32 to index
        %get3A_2228 = arith.index_cast %add3A_532 : i32 to index
        %get3A_2229 = arith.constant 48 : index
        %get3A_2230 = tpu.vector_load %get3A_2225[%get3A_2226, %get3A_2227, %get3A_2228, %get3A_2229] {strides = array<i32>} : memref<9x1x16x128xf32, #tpu.memory_space<vmem>>, vector<16xf32>,
        %get3A_2231 = arith.constant 4 : i32
        %get3A_2232 = arith.constant 0 : i32
        %get3A_2233 = arith.constant 0 : i32
        %get3A_2234 = arith.constant 0 : i32
        %get3A_2235 = arith.constant 0 : i32
        %get3A_2236 = arith.constant 0 : i32
        %get3A_2237 = tpu.memref_slice %run_scoped3A[%rem3A_306, %get3A_2233, %get3A_2234, %get3A_2235, %get3A_2236] : memref<2x9x1x16x128xf32, #tpu.memory_space<vmem>> -> memref<1x9x1x16x128xf32, #tpu.memory_space<vmem>>
        %get3A_2238 = tpu.memref_squeeze %get3A_2237 : memref<1x9x1x16x128xf32, #tpu.memory_space<vmem>> -> memref<9x1x16x128xf32, #tpu.memory_space<vmem>>
        %get3A_2239 = arith.index_cast %get3A_2231 : i32 to index
        %get3A_2240 = arith.index_cast %get3A_2232 : i32 to index
        %get3A_2241 = arith.index_cast %add3A_532 : i32 to index
        %get3A_2242 = arith.constant 48 : index
        %get3A_2243 = tpu.vector_load %get3A_2238[%get3A_2239, %get3A_2240, %get3A_2241, %get3A_2242] {strides = array<i32>} : memref<9x1x16x128xf32, #tpu.memory_space<vmem>>, vector<16xf32>,
        %gt3A_2244 = arith.constant 5.000000e-01 : f32
        %gt3A_2245 = vector.broadcast %gt3A_2244 : f32 to vector<16xf32>
        %gt3A_2246 = arith.cmpf ogt, %get3A_2230, %gt3A_2245 : vector<16xf32>
        %jit3A_2247 = arith.constant 1.000000e+00 : f32
        %jit3A_2248 = arith.constant 0.000000e+00 : f32
        %broadcast_in_dim3A_2249 = vector.broadcast %jit3A_2247 : f32 to vector<16xf32>
        %broadcast_in_dim3A_2250 = vector.broadcast %jit3A_2248 : f32 to vector<16xf32>
        %select_n3A_2251 = arith.select %gt3A_2246, %broadcast_in_dim3A_2249, %broadcast_in_dim3A_2250 : vector<16xi1>, vector<16xf32>
        %ne3A_2252 = arith.constant 0.000000e+00 : f32
        %ne3A_2253 = vector.broadcast %ne3A_2252 : f32 to vector<16xf32>
        %ne3A_2254 = arith.cmpf one, %get3A_2230, %ne3A_2253 : vector<16xf32>
        %jit3A_2255 = arith.constant 1.000000e+00 : f32
        %jit3A_2256 = arith.constant 0.000000e+00 : f32
        %broadcast_in_dim3A_2257 = vector.broadcast %jit3A_2255 : f32 to vector<16xf32>
        %broadcast_in_dim3A_2258 = vector.broadcast %jit3A_2256 : f32 to vector<16xf32>
        %select_n3A_2259 = arith.select %ne3A_2254, %broadcast_in_dim3A_2257, %broadcast_in_dim3A_2258 : vector<16xi1>, vector<16xf32>
        %mul3A_2260 = arith.mulf %get3A_2243, %select_n3A_2251 : vector<16xf32>
        %add3A_2261 = arith.addf %add3A_2213, %mul3A_2260 : vector<16xf32>
        %mul3A_2262 = arith.mulf %get3A_2243, %select_n3A_2259 : vector<16xf32>
        %add3A_2263 = arith.addf %add3A_2215, %mul3A_2262 : vector<16xf32>
        %add3A_2264 = arith.addf %add3A_2216, %select_n3A_2251 : vector<16xf32>
        %add3A_2265 = arith.addf %add3A_2217, %select_n3A_2259 : vector<16xf32>
        %get3A_2266 = arith.constant 5 : i32
        %get3A_2267 = arith.constant 0 : i32
        %get3A_2268 = arith.constant 0 : i32
        %get3A_2269 = arith.constant 0 : i32
        %get3A_2270 = arith.constant 0 : i32
        %get3A_2271 = arith.constant 0 : i32
        %get3A_2272 = tpu.memref_slice %run_scoped3A_77[%rem3A_308, %get3A_2268, %get3A_2269, %get3A_2270, %get3A_2271] : memref<2x9x1x16x128xf32, #tpu.memory_space<vmem>> -> memref<1x9x1x16x128xf32, #tpu.memory_space<vmem>>
        %get3A_2273 = tpu.memref_squeeze %get3A_2272 : memref<1x9x1x16x128xf32, #tpu.memory_space<vmem>> -> memref<9x1x16x128xf32, #tpu.memory_space<vmem>>
        %get3A_2274 = arith.index_cast %get3A_2266 : i32 to index
        %get3A_2275 = arith.index_cast %get3A_2267 : i32 to index
        %get3A_2276 = arith.index_cast %add3A_532 : i32 to index
        %get3A_2277 = arith.constant 48 : index
        %get3A_2278 = tpu.vector_load %get3A_2273[%get3A_2274, %get3A_2275, %get3A_2276, %get3A_2277] {strides = array<i32>} : memref<9x1x16x128xf32, #tpu.memory_space<vmem>>, vector<16xf32>,
        %get3A_2279 = arith.constant 5 : i32
        %get3A_2280 = arith.constant 0 : i32
        %get3A_2281 = arith.constant 0 : i32
        %get3A_2282 = arith.constant 0 : i32
        %get3A_2283 = arith.constant 0 : i32
        %get3A_2284 = arith.constant 0 : i32
        %get3A_2285 = tpu.memref_slice %run_scoped3A[%rem3A_306, %get3A_2281, %get3A_2282, %get3A_2283, %get3A_2284] : memref<2x9x1x16x128xf32, #tpu.memory_space<vmem>> -> memref<1x9x1x16x128xf32, #tpu.memory_space<vmem>>
        %get3A_2286 = tpu.memref_squeeze %get3A_2285 : memref<1x9x1x16x128xf32, #tpu.memory_space<vmem>> -> memref<9x1x16x128xf32, #tpu.memory_space<vmem>>
        %get3A_2287 = arith.index_cast %get3A_2279 : i32 to index
        %get3A_2288 = arith.index_cast %get3A_2280 : i32 to index
        %get3A_2289 = arith.index_cast %add3A_532 : i32 to index
        %get3A_2290 = arith.constant 48 : index
        %get3A_2291 = tpu.vector_load %get3A_2286[%get3A_2287, %get3A_2288, %get3A_2289, %get3A_2290] {strides = array<i32>} : memref<9x1x16x128xf32, #tpu.memory_space<vmem>>, vector<16xf32>,
        %gt3A_2292 = arith.constant 5.000000e-01 : f32
        %gt3A_2293 = vector.broadcast %gt3A_2292 : f32 to vector<16xf32>
        %gt3A_2294 = arith.cmpf ogt, %get3A_2278, %gt3A_2293 : vector<16xf32>
        %jit3A_2295 = arith.constant 1.000000e+00 : f32
        %jit3A_2296 = arith.constant 0.000000e+00 : f32
        %broadcast_in_dim3A_2297 = vector.broadcast %jit3A_2295 : f32 to vector<16xf32>
        %broadcast_in_dim3A_2298 = vector.broadcast %jit3A_2296 : f32 to vector<16xf32>
        %select_n3A_2299 = arith.select %gt3A_2294, %broadcast_in_dim3A_2297, %broadcast_in_dim3A_2298 : vector<16xi1>, vector<16xf32>
        %ne3A_2300 = arith.constant 0.000000e+00 : f32
        %ne3A_2301 = vector.broadcast %ne3A_2300 : f32 to vector<16xf32>
        %ne3A_2302 = arith.cmpf one, %get3A_2278, %ne3A_2301 : vector<16xf32>
        %jit3A_2303 = arith.constant 1.000000e+00 : f32
        %jit3A_2304 = arith.constant 0.000000e+00 : f32
        %broadcast_in_dim3A_2305 = vector.broadcast %jit3A_2303 : f32 to vector<16xf32>
        %broadcast_in_dim3A_2306 = vector.broadcast %jit3A_2304 : f32 to vector<16xf32>
        %select_n3A_2307 = arith.select %ne3A_2302, %broadcast_in_dim3A_2305, %broadcast_in_dim3A_2306 : vector<16xi1>, vector<16xf32>
        %mul3A_2308 = arith.mulf %get3A_2291, %select_n3A_2299 : vector<16xf32>
        %add3A_2309 = arith.addf %add3A_2261, %mul3A_2308 : vector<16xf32>
        %mul3A_2310 = arith.mulf %get3A_2291, %select_n3A_2307 : vector<16xf32>
        %add3A_2311 = arith.addf %add3A_2263, %mul3A_2310 : vector<16xf32>
        %add3A_2312 = arith.addf %add3A_2264, %select_n3A_2299 : vector<16xf32>
        %add3A_2313 = arith.addf %add3A_2265, %select_n3A_2307 : vector<16xf32>
        %get3A_2314 = arith.constant 6 : i32
        %get3A_2315 = arith.constant 0 : i32
        %get3A_2316 = arith.constant 0 : i32
        %get3A_2317 = arith.constant 0 : i32
        %get3A_2318 = arith.constant 0 : i32
        %get3A_2319 = arith.constant 0 : i32
        %get3A_2320 = tpu.memref_slice %run_scoped3A_77[%rem3A_308, %get3A_2316, %get3A_2317, %get3A_2318, %get3A_2319] : memref<2x9x1x16x128xf32, #tpu.memory_space<vmem>> -> memref<1x9x1x16x128xf32, #tpu.memory_space<vmem>>
        %get3A_2321 = tpu.memref_squeeze %get3A_2320 : memref<1x9x1x16x128xf32, #tpu.memory_space<vmem>> -> memref<9x1x16x128xf32, #tpu.memory_space<vmem>>
        %get3A_2322 = arith.index_cast %get3A_2314 : i32 to index
        %get3A_2323 = arith.index_cast %get3A_2315 : i32 to index
        %get3A_2324 = arith.index_cast %add3A_532 : i32 to index
        %get3A_2325 = arith.constant 48 : index
        %get3A_2326 = tpu.vector_load %get3A_2321[%get3A_2322, %get3A_2323, %get3A_2324, %get3A_2325] {strides = array<i32>} : memref<9x1x16x128xf32, #tpu.memory_space<vmem>>, vector<16xf32>,
        %get3A_2327 = arith.constant 6 : i32
        %get3A_2328 = arith.constant 0 : i32
        %get3A_2329 = arith.constant 0 : i32
        %get3A_2330 = arith.constant 0 : i32
        %get3A_2331 = arith.constant 0 : i32
        %get3A_2332 = arith.constant 0 : i32
        %get3A_2333 = tpu.memref_slice %run_scoped3A[%rem3A_306, %get3A_2329, %get3A_2330, %get3A_2331, %get3A_2332] : memref<2x9x1x16x128xf32, #tpu.memory_space<vmem>> -> memref<1x9x1x16x128xf32, #tpu.memory_space<vmem>>
        %get3A_2334 = tpu.memref_squeeze %get3A_2333 : memref<1x9x1x16x128xf32, #tpu.memory_space<vmem>> -> memref<9x1x16x128xf32, #tpu.memory_space<vmem>>
        %get3A_2335 = arith.index_cast %get3A_2327 : i32 to index
        %get3A_2336 = arith.index_cast %get3A_2328 : i32 to index
        %get3A_2337 = arith.index_cast %add3A_532 : i32 to index
        %get3A_2338 = arith.constant 48 : index
        %get3A_2339 = tpu.vector_load %get3A_2334[%get3A_2335, %get3A_2336, %get3A_2337, %get3A_2338] {strides = array<i32>} : memref<9x1x16x128xf32, #tpu.memory_space<vmem>>, vector<16xf32>,
        %gt3A_2340 = arith.constant 5.000000e-01 : f32
        %gt3A_2341 = vector.broadcast %gt3A_2340 : f32 to vector<16xf32>
        %gt3A_2342 = arith.cmpf ogt, %get3A_2326, %gt3A_2341 : vector<16xf32>
        %jit3A_2343 = arith.constant 1.000000e+00 : f32
        %jit3A_2344 = arith.constant 0.000000e+00 : f32
        %broadcast_in_dim3A_2345 = vector.broadcast %jit3A_2343 : f32 to vector<16xf32>
        %broadcast_in_dim3A_2346 = vector.broadcast %jit3A_2344 : f32 to vector<16xf32>
        %select_n3A_2347 = arith.select %gt3A_2342, %broadcast_in_dim3A_2345, %broadcast_in_dim3A_2346 : vector<16xi1>, vector<16xf32>
        %ne3A_2348 = arith.constant 0.000000e+00 : f32
        %ne3A_2349 = vector.broadcast %ne3A_2348 : f32 to vector<16xf32>
        %ne3A_2350 = arith.cmpf one, %get3A_2326, %ne3A_2349 : vector<16xf32>
        %jit3A_2351 = arith.constant 1.000000e+00 : f32
        %jit3A_2352 = arith.constant 0.000000e+00 : f32
        %broadcast_in_dim3A_2353 = vector.broadcast %jit3A_2351 : f32 to vector<16xf32>
        %broadcast_in_dim3A_2354 = vector.broadcast %jit3A_2352 : f32 to vector<16xf32>
        %select_n3A_2355 = arith.select %ne3A_2350, %broadcast_in_dim3A_2353, %broadcast_in_dim3A_2354 : vector<16xi1>, vector<16xf32>
        %mul3A_2356 = arith.mulf %get3A_2339, %select_n3A_2347 : vector<16xf32>
        %add3A_2357 = arith.addf %add3A_2309, %mul3A_2356 : vector<16xf32>
        %mul3A_2358 = arith.mulf %get3A_2339, %select_n3A_2355 : vector<16xf32>
        %add3A_2359 = arith.addf %add3A_2311, %mul3A_2358 : vector<16xf32>
        %add3A_2360 = arith.addf %add3A_2312, %select_n3A_2347 : vector<16xf32>
        %add3A_2361 = arith.addf %add3A_2313, %select_n3A_2355 : vector<16xf32>
        %get3A_2362 = arith.constant 7 : i32
        %get3A_2363 = arith.constant 0 : i32
        %get3A_2364 = arith.constant 0 : i32
        %get3A_2365 = arith.constant 0 : i32
        %get3A_2366 = arith.constant 0 : i32
        %get3A_2367 = arith.constant 0 : i32
        %get3A_2368 = tpu.memref_slice %run_scoped3A_77[%rem3A_308, %get3A_2364, %get3A_2365, %get3A_2366, %get3A_2367] : memref<2x9x1x16x128xf32, #tpu.memory_space<vmem>> -> memref<1x9x1x16x128xf32, #tpu.memory_space<vmem>>
        %get3A_2369 = tpu.memref_squeeze %get3A_2368 : memref<1x9x1x16x128xf32, #tpu.memory_space<vmem>> -> memref<9x1x16x128xf32, #tpu.memory_space<vmem>>
        %get3A_2370 = arith.index_cast %get3A_2362 : i32 to index
        %get3A_2371 = arith.index_cast %get3A_2363 : i32 to index
        %get3A_2372 = arith.index_cast %add3A_532 : i32 to index
        %get3A_2373 = arith.constant 48 : index
        %get3A_2374 = tpu.vector_load %get3A_2369[%get3A_2370, %get3A_2371, %get3A_2372, %get3A_2373] {strides = array<i32>} : memref<9x1x16x128xf32, #tpu.memory_space<vmem>>, vector<16xf32>,
        %get3A_2375 = arith.constant 7 : i32
        %get3A_2376 = arith.constant 0 : i32
        %get3A_2377 = arith.constant 0 : i32
        %get3A_2378 = arith.constant 0 : i32
        %get3A_2379 = arith.constant 0 : i32
        %get3A_2380 = arith.constant 0 : i32
        %get3A_2381 = tpu.memref_slice %run_scoped3A[%rem3A_306, %get3A_2377, %get3A_2378, %get3A_2379, %get3A_2380] : memref<2x9x1x16x128xf32, #tpu.memory_space<vmem>> -> memref<1x9x1x16x128xf32, #tpu.memory_space<vmem>>
        %get3A_2382 = tpu.memref_squeeze %get3A_2381 : memref<1x9x1x16x128xf32, #tpu.memory_space<vmem>> -> memref<9x1x16x128xf32, #tpu.memory_space<vmem>>
        %get3A_2383 = arith.index_cast %get3A_2375 : i32 to index
        %get3A_2384 = arith.index_cast %get3A_2376 : i32 to index
        %get3A_2385 = arith.index_cast %add3A_532 : i32 to index
        %get3A_2386 = arith.constant 48 : index
        %get3A_2387 = tpu.vector_load %get3A_2382[%get3A_2383, %get3A_2384, %get3A_2385, %get3A_2386] {strides = array<i32>} : memref<9x1x16x128xf32, #tpu.memory_space<vmem>>, vector<16xf32>,
        %gt3A_2388 = arith.constant 5.000000e-01 : f32
        %gt3A_2389 = vector.broadcast %gt3A_2388 : f32 to vector<16xf32>
        %gt3A_2390 = arith.cmpf ogt, %get3A_2374, %gt3A_2389 : vector<16xf32>
        %jit3A_2391 = arith.constant 1.000000e+00 : f32
        %jit3A_2392 = arith.constant 0.000000e+00 : f32
        %broadcast_in_dim3A_2393 = vector.broadcast %jit3A_2391 : f32 to vector<16xf32>
        %broadcast_in_dim3A_2394 = vector.broadcast %jit3A_2392 : f32 to vector<16xf32>
        %select_n3A_2395 = arith.select %gt3A_2390, %broadcast_in_dim3A_2393, %broadcast_in_dim3A_2394 : vector<16xi1>, vector<16xf32>
        %ne3A_2396 = arith.constant 0.000000e+00 : f32
        %ne3A_2397 = vector.broadcast %ne3A_2396 : f32 to vector<16xf32>
        %ne3A_2398 = arith.cmpf one, %get3A_2374, %ne3A_2397 : vector<16xf32>
        %jit3A_2399 = arith.constant 1.000000e+00 : f32
        %jit3A_2400 = arith.constant 0.000000e+00 : f32
        %broadcast_in_dim3A_2401 = vector.broadcast %jit3A_2399 : f32 to vector<16xf32>
        %broadcast_in_dim3A_2402 = vector.broadcast %jit3A_2400 : f32 to vector<16xf32>
        %select_n3A_2403 = arith.select %ne3A_2398, %broadcast_in_dim3A_2401, %broadcast_in_dim3A_2402 : vector<16xi1>, vector<16xf32>
        %mul3A_2404 = arith.mulf %get3A_2387, %select_n3A_2395 : vector<16xf32>
        %add3A_2405 = arith.addf %add3A_2357, %mul3A_2404 : vector<16xf32>
        %mul3A_2406 = arith.mulf %get3A_2387, %select_n3A_2403 : vector<16xf32>
        %add3A_2407 = arith.addf %add3A_2359, %mul3A_2406 : vector<16xf32>
        %add3A_2408 = arith.addf %add3A_2360, %select_n3A_2395 : vector<16xf32>
        %add3A_2409 = arith.addf %add3A_2361, %select_n3A_2403 : vector<16xf32>
        %get3A_2410 = arith.constant 8 : i32
        %get3A_2411 = arith.constant 0 : i32
        %get3A_2412 = arith.constant 0 : i32
        %get3A_2413 = arith.constant 0 : i32
        %get3A_2414 = arith.constant 0 : i32
        %get3A_2415 = arith.constant 0 : i32
        %get3A_2416 = tpu.memref_slice %run_scoped3A_77[%rem3A_308, %get3A_2412, %get3A_2413, %get3A_2414, %get3A_2415] : memref<2x9x1x16x128xf32, #tpu.memory_space<vmem>> -> memref<1x9x1x16x128xf32, #tpu.memory_space<vmem>>
        %get3A_2417 = tpu.memref_squeeze %get3A_2416 : memref<1x9x1x16x128xf32, #tpu.memory_space<vmem>> -> memref<9x1x16x128xf32, #tpu.memory_space<vmem>>
        %get3A_2418 = arith.index_cast %get3A_2410 : i32 to index
        %get3A_2419 = arith.index_cast %get3A_2411 : i32 to index
        %get3A_2420 = arith.index_cast %add3A_532 : i32 to index
        %get3A_2421 = arith.constant 48 : index
        %get3A_2422 = tpu.vector_load %get3A_2417[%get3A_2418, %get3A_2419, %get3A_2420, %get3A_2421] {strides = array<i32>} : memref<9x1x16x128xf32, #tpu.memory_space<vmem>>, vector<16xf32>,
        %get3A_2423 = arith.constant 8 : i32
        %get3A_2424 = arith.constant 0 : i32
        %get3A_2425 = arith.constant 0 : i32
        %get3A_2426 = arith.constant 0 : i32
        %get3A_2427 = arith.constant 0 : i32
        %get3A_2428 = arith.constant 0 : i32
        %get3A_2429 = tpu.memref_slice %run_scoped3A[%rem3A_306, %get3A_2425, %get3A_2426, %get3A_2427, %get3A_2428] : memref<2x9x1x16x128xf32, #tpu.memory_space<vmem>> -> memref<1x9x1x16x128xf32, #tpu.memory_space<vmem>>
        %get3A_2430 = tpu.memref_squeeze %get3A_2429 : memref<1x9x1x16x128xf32, #tpu.memory_space<vmem>> -> memref<9x1x16x128xf32, #tpu.memory_space<vmem>>
        %get3A_2431 = arith.index_cast %get3A_2423 : i32 to index
        %get3A_2432 = arith.index_cast %get3A_2424 : i32 to index
        %get3A_2433 = arith.index_cast %add3A_532 : i32 to index
        %get3A_2434 = arith.constant 48 : index
        %get3A_2435 = tpu.vector_load %get3A_2430[%get3A_2431, %get3A_2432, %get3A_2433, %get3A_2434] {strides = array<i32>} : memref<9x1x16x128xf32, #tpu.memory_space<vmem>>, vector<16xf32>,
        %gt3A_2436 = arith.constant 5.000000e-01 : f32
        %gt3A_2437 = vector.broadcast %gt3A_2436 : f32 to vector<16xf32>
        %gt3A_2438 = arith.cmpf ogt, %get3A_2422, %gt3A_2437 : vector<16xf32>
        %jit3A_2439 = arith.constant 1.000000e+00 : f32
        %jit3A_2440 = arith.constant 0.000000e+00 : f32
        %broadcast_in_dim3A_2441 = vector.broadcast %jit3A_2439 : f32 to vector<16xf32>
        %broadcast_in_dim3A_2442 = vector.broadcast %jit3A_2440 : f32 to vector<16xf32>
        %select_n3A_2443 = arith.select %gt3A_2438, %broadcast_in_dim3A_2441, %broadcast_in_dim3A_2442 : vector<16xi1>, vector<16xf32>
        %ne3A_2444 = arith.constant 0.000000e+00 : f32
        %ne3A_2445 = vector.broadcast %ne3A_2444 : f32 to vector<16xf32>
        %ne3A_2446 = arith.cmpf one, %get3A_2422, %ne3A_2445 : vector<16xf32>
        %jit3A_2447 = arith.constant 1.000000e+00 : f32
        %jit3A_2448 = arith.constant 0.000000e+00 : f32
        %broadcast_in_dim3A_2449 = vector.broadcast %jit3A_2447 : f32 to vector<16xf32>
        %broadcast_in_dim3A_2450 = vector.broadcast %jit3A_2448 : f32 to vector<16xf32>
        %select_n3A_2451 = arith.select %ne3A_2446, %broadcast_in_dim3A_2449, %broadcast_in_dim3A_2450 : vector<16xi1>, vector<16xf32>
        %mul3A_2452 = arith.mulf %get3A_2435, %select_n3A_2443 : vector<16xf32>
        %add3A_2453 = arith.addf %add3A_2405, %mul3A_2452 : vector<16xf32>
        %mul3A_2454 = arith.mulf %get3A_2435, %select_n3A_2451 : vector<16xf32>
        %add3A_2455 = arith.addf %add3A_2407, %mul3A_2454 : vector<16xf32>
        %add3A_2456 = arith.addf %add3A_2408, %select_n3A_2443 : vector<16xf32>
        %add3A_2457 = arith.addf %add3A_2409, %select_n3A_2451 : vector<16xf32>
        %sub3A_2458 = arith.subf %add3A_2455, %add3A_2453 : vector<16xf32>
        %sub3A_2459 = arith.subf %add3A_2457, %add3A_2456 : vector<16xf32>
        %max3A_2460 = arith.constant 1.000000e+00 : f32
        %max3A_2461 = vector.broadcast %max3A_2460 : f32 to vector<16xf32>
        %max3A_2462 = arith.maximumf %add3A_2456, %max3A_2461 : vector<16xf32>
        %max3A_2463 = arith.constant 1.000000e+00 : f32
        %max3A_2464 = vector.broadcast %max3A_2463 : f32 to vector<16xf32>
        %max3A_2465 = arith.maximumf %sub3A_2459, %max3A_2464 : vector<16xf32>
        %gt3A_2466 = arith.constant 0.000000e+00 : f32
        %gt3A_2467 = vector.broadcast %gt3A_2466 : f32 to vector<16xf32>
        %gt3A_2468 = arith.cmpf ogt, %add3A_2456, %gt3A_2467 : vector<16xf32>
        %gt3A_2469 = arith.constant 0.000000e+00 : f32
        %gt3A_2470 = vector.broadcast %gt3A_2469 : f32 to vector<16xf32>
        %gt3A_2471 = arith.cmpf ogt, %sub3A_2459, %gt3A_2470 : vector<16xf32>
        %and3A_2472 = arith.andi %gt3A_2468, %gt3A_2471 : vector<16xi1>
        %mul3A_2473 = arith.mulf %add3A_2453, %max3A_2465 : vector<16xf32>
        %mul3A_2474 = arith.mulf %sub3A_2458, %max3A_2462 : vector<16xf32>
        %gt3A_2475 = arith.cmpf ogt, %mul3A_2473, %mul3A_2474 : vector<16xf32>
        %jit3A_2476 = arith.constant 0.000000e+00 : f32
        %jit3A_2477 = arith.constant 1.000000e+00 : f32
        %broadcast_in_dim3A_2478 = vector.broadcast %jit3A_2476 : f32 to vector<16xf32>
        %broadcast_in_dim3A_2479 = vector.broadcast %jit3A_2477 : f32 to vector<16xf32>
        %select_n3A_2480 = arith.select %gt3A_2475, %broadcast_in_dim3A_2478, %broadcast_in_dim3A_2479 : vector<16xi1>, vector<16xf32>
        %jit3A_2481 = arith.constant 2.000000e+00 : f32
        %broadcast_in_dim3A_2482 = vector.broadcast %jit3A_2481 : f32 to vector<16xf32>
        %select_n3A_2483 = arith.select %and3A_2472, %select_n3A_2480, %broadcast_in_dim3A_2482 : vector<16xi1>, vector<16xf32>
        %eq3A_2484 = arith.constant 0.000000e+00 : f32
        %eq3A_2485 = vector.broadcast %eq3A_2484 : f32 to vector<16xf32>
        %eq3A_2486 = arith.cmpf oeq, %select_n3A_2483, %eq3A_2485 : vector<16xf32>
        %broadcast_in_dim3A_2487 = arith.constant 0.000000e+00 : f32
        %broadcast_in_dim3A_2488 = vector.broadcast %broadcast_in_dim3A_2487 : f32 to vector<16xf32>
        %broadcast_in_dim3A_2489 = arith.constant 1.000000e+00 : f32
        %broadcast_in_dim3A_2490 = vector.broadcast %broadcast_in_dim3A_2489 : f32 to vector<16xf32>
        %select_n3A_2491 = arith.select %eq3A_2486, %get3A_2243, %broadcast_in_dim3A_2488 : vector<16xi1>, vector<16xf32>
        %select_n3A_2492 = arith.select %eq3A_2486, %broadcast_in_dim3A_2490, %broadcast_in_dim3A_2488 : vector<16xi1>, vector<16xf32>
        %select_n3A_2493 = arith.select %eq3A_2486, %broadcast_in_dim3A_2488, %get3A_2243 : vector<16xi1>, vector<16xf32>
        %select_n3A_2494 = arith.select %eq3A_2486, %broadcast_in_dim3A_2488, %broadcast_in_dim3A_2490 : vector<16xi1>, vector<16xf32>
        %swap3A_2495 = tpu.memref_slice %run_scoped3A_79[%mul3A_312] : memref<4096xf32, #tpu.memory_space<vmem>> -> memref<2048xf32, #tpu.memory_space<vmem>>
        %swap3A_2496 = arith.index_cast %add3A_2023 : i32 to index
        %swap3A_2497 = tpu.vector_load %swap3A_2495[%swap3A_2496] {strides = array<i32>} : memref<2048xf32, #tpu.memory_space<vmem>>, vector<16xf32>,
        tpu.vector_store %swap3A_2495[%swap3A_2496], %select_n3A_2483 {strides = array<i32>} : memref<2048xf32, #tpu.memory_space<vmem>>, vector<16xf32>,
        %swap3A_2498 = tpu.memref_slice %run_scoped3A_81[%mul3A_316] : memref<4096xf32, #tpu.memory_space<vmem>> -> memref<2048xf32, #tpu.memory_space<vmem>>
        %swap3A_2499 = arith.index_cast %add3A_2023 : i32 to index
        %swap3A_2500 = tpu.vector_load %swap3A_2498[%swap3A_2499] {strides = array<i32>} : memref<2048xf32, #tpu.memory_space<vmem>>, vector<16xf32>,
        tpu.vector_store %swap3A_2498[%swap3A_2499], %get3A_2243 {strides = array<i32>} : memref<2048xf32, #tpu.memory_space<vmem>>, vector<16xf32>,
        %swap3A_2501 = arith.constant 0 : i32
        %swap3A_2502 = arith.index_cast %swap3A_2501 : i32 to index
        %swap3A_2503 = arith.constant 0 : index
        %swap3A_2504 = tpu.vector_load %arg7[%swap3A_2502, %swap3A_2503] {strides = array<i32>} : memref<2x128xf32, #tpu.memory_space<vmem>>, vector<16xf32>,
        tpu.vector_store %arg7[%swap3A_2502, %swap3A_2503], %select_n3A_2491 {add = true, strides = array<i32>} : memref<2x128xf32, #tpu.memory_space<vmem>>, vector<16xf32>,
        %swap3A_2505 = arith.constant 0 : i32
        %swap3A_2506 = arith.index_cast %swap3A_2505 : i32 to index
        %swap3A_2507 = arith.constant 16 : index
        %swap3A_2508 = tpu.vector_load %arg7[%swap3A_2506, %swap3A_2507] {strides = array<i32>} : memref<2x128xf32, #tpu.memory_space<vmem>>, vector<16xf32>,
        tpu.vector_store %arg7[%swap3A_2506, %swap3A_2507], %select_n3A_2492 {add = true, strides = array<i32>} : memref<2x128xf32, #tpu.memory_space<vmem>>, vector<16xf32>,
        %swap3A_2509 = arith.constant 0 : i32
        %swap3A_2510 = arith.index_cast %swap3A_2509 : i32 to index
        %swap3A_2511 = arith.constant 32 : index
        %swap3A_2512 = tpu.vector_load %arg7[%swap3A_2510, %swap3A_2511] {strides = array<i32>} : memref<2x128xf32, #tpu.memory_space<vmem>>, vector<16xf32>,
        tpu.vector_store %arg7[%swap3A_2510, %swap3A_2511], %select_n3A_2493 {add = true, strides = array<i32>} : memref<2x128xf32, #tpu.memory_space<vmem>>, vector<16xf32>,
        %swap3A_2513 = arith.constant 0 : i32
        %swap3A_2514 = arith.index_cast %swap3A_2513 : i32 to index
        %swap3A_2515 = arith.constant 48 : index
        %swap3A_2516 = tpu.vector_load %arg7[%swap3A_2514, %swap3A_2515] {strides = array<i32>} : memref<2x128xf32, #tpu.memory_space<vmem>>, vector<16xf32>,
        tpu.vector_store %arg7[%swap3A_2514, %swap3A_2515], %select_n3A_2494 {add = true, strides = array<i32>} : memref<2x128xf32, #tpu.memory_space<vmem>>, vector<16xf32>,
        %mul3A_2517 = arith.constant 128 : i32
        %mul3A_2518 = arith.muli %add3A_532, %mul3A_2517 : i32
        %add3A_2519 = arith.constant 64 : i32
        %add3A_2520 = arith.addi %mul3A_2518, %add3A_2519 : i32
        %broadcast_in_dim3A_2521 = arith.constant 0.000000e+00 : f32
        %broadcast_in_dim3A_2522 = vector.broadcast %broadcast_in_dim3A_2521 : f32 to vector<16xf32>
        %get3A_2523 = arith.constant 0 : i32
        %get3A_2524 = arith.constant 0 : i32
        %get3A_2525 = arith.constant 0 : i32
        %get3A_2526 = arith.constant 0 : i32
        %get3A_2527 = arith.constant 0 : i32
        %get3A_2528 = arith.constant 0 : i32
        %get3A_2529 = tpu.memref_slice %run_scoped3A_77[%rem3A_308, %get3A_2525, %get3A_2526, %get3A_2527, %get3A_2528] : memref<2x9x1x16x128xf32, #tpu.memory_space<vmem>> -> memref<1x9x1x16x128xf32, #tpu.memory_space<vmem>>
        %get3A_2530 = tpu.memref_squeeze %get3A_2529 : memref<1x9x1x16x128xf32, #tpu.memory_space<vmem>> -> memref<9x1x16x128xf32, #tpu.memory_space<vmem>>
        %get3A_2531 = arith.index_cast %get3A_2523 : i32 to index
        %get3A_2532 = arith.index_cast %get3A_2524 : i32 to index
        %get3A_2533 = arith.index_cast %add3A_532 : i32 to index
        %get3A_2534 = arith.constant 64 : index
        %get3A_2535 = tpu.vector_load %get3A_2530[%get3A_2531, %get3A_2532, %get3A_2533, %get3A_2534] {strides = array<i32>} : memref<9x1x16x128xf32, #tpu.memory_space<vmem>>, vector<16xf32>,
        %get3A_2536 = arith.constant 0 : i32
        %get3A_2537 = arith.constant 0 : i32
        %get3A_2538 = arith.constant 0 : i32
        %get3A_2539 = arith.constant 0 : i32
        %get3A_2540 = arith.constant 0 : i32
        %get3A_2541 = arith.constant 0 : i32
        %get3A_2542 = tpu.memref_slice %run_scoped3A[%rem3A_306, %get3A_2538, %get3A_2539, %get3A_2540, %get3A_2541] : memref<2x9x1x16x128xf32, #tpu.memory_space<vmem>> -> memref<1x9x1x16x128xf32, #tpu.memory_space<vmem>>
        %get3A_2543 = tpu.memref_squeeze %get3A_2542 : memref<1x9x1x16x128xf32, #tpu.memory_space<vmem>> -> memref<9x1x16x128xf32, #tpu.memory_space<vmem>>
        %get3A_2544 = arith.index_cast %get3A_2536 : i32 to index
        %get3A_2545 = arith.index_cast %get3A_2537 : i32 to index
        %get3A_2546 = arith.index_cast %add3A_532 : i32 to index
        %get3A_2547 = arith.constant 64 : index
        %get3A_2548 = tpu.vector_load %get3A_2543[%get3A_2544, %get3A_2545, %get3A_2546, %get3A_2547] {strides = array<i32>} : memref<9x1x16x128xf32, #tpu.memory_space<vmem>>, vector<16xf32>,
        %gt3A_2549 = arith.constant 5.000000e-01 : f32
        %gt3A_2550 = vector.broadcast %gt3A_2549 : f32 to vector<16xf32>
        %gt3A_2551 = arith.cmpf ogt, %get3A_2535, %gt3A_2550 : vector<16xf32>
        %jit3A_2552 = arith.constant 1.000000e+00 : f32
        %jit3A_2553 = arith.constant 0.000000e+00 : f32
        %broadcast_in_dim3A_2554 = vector.broadcast %jit3A_2552 : f32 to vector<16xf32>
        %broadcast_in_dim3A_2555 = vector.broadcast %jit3A_2553 : f32 to vector<16xf32>
        %select_n3A_2556 = arith.select %gt3A_2551, %broadcast_in_dim3A_2554, %broadcast_in_dim3A_2555 : vector<16xi1>, vector<16xf32>
        %ne3A_2557 = arith.constant 0.000000e+00 : f32
        %ne3A_2558 = vector.broadcast %ne3A_2557 : f32 to vector<16xf32>
        %ne3A_2559 = arith.cmpf one, %get3A_2535, %ne3A_2558 : vector<16xf32>
        %jit3A_2560 = arith.constant 1.000000e+00 : f32
        %jit3A_2561 = arith.constant 0.000000e+00 : f32
        %broadcast_in_dim3A_2562 = vector.broadcast %jit3A_2560 : f32 to vector<16xf32>
        %broadcast_in_dim3A_2563 = vector.broadcast %jit3A_2561 : f32 to vector<16xf32>
        %select_n3A_2564 = arith.select %ne3A_2559, %broadcast_in_dim3A_2562, %broadcast_in_dim3A_2563 : vector<16xi1>, vector<16xf32>
        %mul3A_2565 = arith.mulf %get3A_2548, %select_n3A_2556 : vector<16xf32>
        %add3A_2566 = arith.addf %broadcast_in_dim3A_2522, %mul3A_2565 : vector<16xf32>
        %mul3A_2567 = arith.mulf %get3A_2548, %select_n3A_2564 : vector<16xf32>
        %add3A_2568 = arith.addf %broadcast_in_dim3A_2522, %mul3A_2567 : vector<16xf32>
        %add3A_2569 = arith.addf %broadcast_in_dim3A_2522, %select_n3A_2556 : vector<16xf32>
        %add3A_2570 = arith.addf %broadcast_in_dim3A_2522, %select_n3A_2564 : vector<16xf32>
        %get3A_2571 = arith.constant 1 : i32
        %get3A_2572 = arith.constant 0 : i32
        %get3A_2573 = arith.constant 0 : i32
        %get3A_2574 = arith.constant 0 : i32
        %get3A_2575 = arith.constant 0 : i32
        %get3A_2576 = arith.constant 0 : i32
        %get3A_2577 = tpu.memref_slice %run_scoped3A_77[%rem3A_308, %get3A_2573, %get3A_2574, %get3A_2575, %get3A_2576] : memref<2x9x1x16x128xf32, #tpu.memory_space<vmem>> -> memref<1x9x1x16x128xf32, #tpu.memory_space<vmem>>
        %get3A_2578 = tpu.memref_squeeze %get3A_2577 : memref<1x9x1x16x128xf32, #tpu.memory_space<vmem>> -> memref<9x1x16x128xf32, #tpu.memory_space<vmem>>
        %get3A_2579 = arith.index_cast %get3A_2571 : i32 to index
        %get3A_2580 = arith.index_cast %get3A_2572 : i32 to index
        %get3A_2581 = arith.index_cast %add3A_532 : i32 to index
        %get3A_2582 = arith.constant 64 : index
        %get3A_2583 = tpu.vector_load %get3A_2578[%get3A_2579, %get3A_2580, %get3A_2581, %get3A_2582] {strides = array<i32>} : memref<9x1x16x128xf32, #tpu.memory_space<vmem>>, vector<16xf32>,
        %get3A_2584 = arith.constant 1 : i32
        %get3A_2585 = arith.constant 0 : i32
        %get3A_2586 = arith.constant 0 : i32
        %get3A_2587 = arith.constant 0 : i32
        %get3A_2588 = arith.constant 0 : i32
        %get3A_2589 = arith.constant 0 : i32
        %get3A_2590 = tpu.memref_slice %run_scoped3A[%rem3A_306, %get3A_2586, %get3A_2587, %get3A_2588, %get3A_2589] : memref<2x9x1x16x128xf32, #tpu.memory_space<vmem>> -> memref<1x9x1x16x128xf32, #tpu.memory_space<vmem>>
        %get3A_2591 = tpu.memref_squeeze %get3A_2590 : memref<1x9x1x16x128xf32, #tpu.memory_space<vmem>> -> memref<9x1x16x128xf32, #tpu.memory_space<vmem>>
        %get3A_2592 = arith.index_cast %get3A_2584 : i32 to index
        %get3A_2593 = arith.index_cast %get3A_2585 : i32 to index
        %get3A_2594 = arith.index_cast %add3A_532 : i32 to index
        %get3A_2595 = arith.constant 64 : index
        %get3A_2596 = tpu.vector_load %get3A_2591[%get3A_2592, %get3A_2593, %get3A_2594, %get3A_2595] {strides = array<i32>} : memref<9x1x16x128xf32, #tpu.memory_space<vmem>>, vector<16xf32>,
        %gt3A_2597 = arith.constant 5.000000e-01 : f32
        %gt3A_2598 = vector.broadcast %gt3A_2597 : f32 to vector<16xf32>
        %gt3A_2599 = arith.cmpf ogt, %get3A_2583, %gt3A_2598 : vector<16xf32>
        %jit3A_2600 = arith.constant 1.000000e+00 : f32
        %jit3A_2601 = arith.constant 0.000000e+00 : f32
        %broadcast_in_dim3A_2602 = vector.broadcast %jit3A_2600 : f32 to vector<16xf32>
        %broadcast_in_dim3A_2603 = vector.broadcast %jit3A_2601 : f32 to vector<16xf32>
        %select_n3A_2604 = arith.select %gt3A_2599, %broadcast_in_dim3A_2602, %broadcast_in_dim3A_2603 : vector<16xi1>, vector<16xf32>
        %ne3A_2605 = arith.constant 0.000000e+00 : f32
        %ne3A_2606 = vector.broadcast %ne3A_2605 : f32 to vector<16xf32>
        %ne3A_2607 = arith.cmpf one, %get3A_2583, %ne3A_2606 : vector<16xf32>
        %jit3A_2608 = arith.constant 1.000000e+00 : f32
        %jit3A_2609 = arith.constant 0.000000e+00 : f32
        %broadcast_in_dim3A_2610 = vector.broadcast %jit3A_2608 : f32 to vector<16xf32>
        %broadcast_in_dim3A_2611 = vector.broadcast %jit3A_2609 : f32 to vector<16xf32>
        %select_n3A_2612 = arith.select %ne3A_2607, %broadcast_in_dim3A_2610, %broadcast_in_dim3A_2611 : vector<16xi1>, vector<16xf32>
        %mul3A_2613 = arith.mulf %get3A_2596, %select_n3A_2604 : vector<16xf32>
        %add3A_2614 = arith.addf %add3A_2566, %mul3A_2613 : vector<16xf32>
        %mul3A_2615 = arith.mulf %get3A_2596, %select_n3A_2612 : vector<16xf32>
        %add3A_2616 = arith.addf %add3A_2568, %mul3A_2615 : vector<16xf32>
        %add3A_2617 = arith.addf %add3A_2569, %select_n3A_2604 : vector<16xf32>
        %add3A_2618 = arith.addf %add3A_2570, %select_n3A_2612 : vector<16xf32>
        %get3A_2619 = arith.constant 2 : i32
        %get3A_2620 = arith.constant 0 : i32
        %get3A_2621 = arith.constant 0 : i32
        %get3A_2622 = arith.constant 0 : i32
        %get3A_2623 = arith.constant 0 : i32
        %get3A_2624 = arith.constant 0 : i32
        %get3A_2625 = tpu.memref_slice %run_scoped3A_77[%rem3A_308, %get3A_2621, %get3A_2622, %get3A_2623, %get3A_2624] : memref<2x9x1x16x128xf32, #tpu.memory_space<vmem>> -> memref<1x9x1x16x128xf32, #tpu.memory_space<vmem>>
        %get3A_2626 = tpu.memref_squeeze %get3A_2625 : memref<1x9x1x16x128xf32, #tpu.memory_space<vmem>> -> memref<9x1x16x128xf32, #tpu.memory_space<vmem>>
        %get3A_2627 = arith.index_cast %get3A_2619 : i32 to index
        %get3A_2628 = arith.index_cast %get3A_2620 : i32 to index
        %get3A_2629 = arith.index_cast %add3A_532 : i32 to index
        %get3A_2630 = arith.constant 64 : index
        %get3A_2631 = tpu.vector_load %get3A_2626[%get3A_2627, %get3A_2628, %get3A_2629, %get3A_2630] {strides = array<i32>} : memref<9x1x16x128xf32, #tpu.memory_space<vmem>>, vector<16xf32>,
        %get3A_2632 = arith.constant 2 : i32
        %get3A_2633 = arith.constant 0 : i32
        %get3A_2634 = arith.constant 0 : i32
        %get3A_2635 = arith.constant 0 : i32
        %get3A_2636 = arith.constant 0 : i32
        %get3A_2637 = arith.constant 0 : i32
        %get3A_2638 = tpu.memref_slice %run_scoped3A[%rem3A_306, %get3A_2634, %get3A_2635, %get3A_2636, %get3A_2637] : memref<2x9x1x16x128xf32, #tpu.memory_space<vmem>> -> memref<1x9x1x16x128xf32, #tpu.memory_space<vmem>>
        %get3A_2639 = tpu.memref_squeeze %get3A_2638 : memref<1x9x1x16x128xf32, #tpu.memory_space<vmem>> -> memref<9x1x16x128xf32, #tpu.memory_space<vmem>>
        %get3A_2640 = arith.index_cast %get3A_2632 : i32 to index
        %get3A_2641 = arith.index_cast %get3A_2633 : i32 to index
        %get3A_2642 = arith.index_cast %add3A_532 : i32 to index
        %get3A_2643 = arith.constant 64 : index
        %get3A_2644 = tpu.vector_load %get3A_2639[%get3A_2640, %get3A_2641, %get3A_2642, %get3A_2643] {strides = array<i32>} : memref<9x1x16x128xf32, #tpu.memory_space<vmem>>, vector<16xf32>,
        %gt3A_2645 = arith.constant 5.000000e-01 : f32
        %gt3A_2646 = vector.broadcast %gt3A_2645 : f32 to vector<16xf32>
        %gt3A_2647 = arith.cmpf ogt, %get3A_2631, %gt3A_2646 : vector<16xf32>
        %jit3A_2648 = arith.constant 1.000000e+00 : f32
        %jit3A_2649 = arith.constant 0.000000e+00 : f32
        %broadcast_in_dim3A_2650 = vector.broadcast %jit3A_2648 : f32 to vector<16xf32>
        %broadcast_in_dim3A_2651 = vector.broadcast %jit3A_2649 : f32 to vector<16xf32>
        %select_n3A_2652 = arith.select %gt3A_2647, %broadcast_in_dim3A_2650, %broadcast_in_dim3A_2651 : vector<16xi1>, vector<16xf32>
        %ne3A_2653 = arith.constant 0.000000e+00 : f32
        %ne3A_2654 = vector.broadcast %ne3A_2653 : f32 to vector<16xf32>
        %ne3A_2655 = arith.cmpf one, %get3A_2631, %ne3A_2654 : vector<16xf32>
        %jit3A_2656 = arith.constant 1.000000e+00 : f32
        %jit3A_2657 = arith.constant 0.000000e+00 : f32
        %broadcast_in_dim3A_2658 = vector.broadcast %jit3A_2656 : f32 to vector<16xf32>
        %broadcast_in_dim3A_2659 = vector.broadcast %jit3A_2657 : f32 to vector<16xf32>
        %select_n3A_2660 = arith.select %ne3A_2655, %broadcast_in_dim3A_2658, %broadcast_in_dim3A_2659 : vector<16xi1>, vector<16xf32>
        %mul3A_2661 = arith.mulf %get3A_2644, %select_n3A_2652 : vector<16xf32>
        %add3A_2662 = arith.addf %add3A_2614, %mul3A_2661 : vector<16xf32>
        %mul3A_2663 = arith.mulf %get3A_2644, %select_n3A_2660 : vector<16xf32>
        %add3A_2664 = arith.addf %add3A_2616, %mul3A_2663 : vector<16xf32>
        %add3A_2665 = arith.addf %add3A_2617, %select_n3A_2652 : vector<16xf32>
        %add3A_2666 = arith.addf %add3A_2618, %select_n3A_2660 : vector<16xf32>
        %get3A_2667 = arith.constant 3 : i32
        %get3A_2668 = arith.constant 0 : i32
        %get3A_2669 = arith.constant 0 : i32
        %get3A_2670 = arith.constant 0 : i32
        %get3A_2671 = arith.constant 0 : i32
        %get3A_2672 = arith.constant 0 : i32
        %get3A_2673 = tpu.memref_slice %run_scoped3A_77[%rem3A_308, %get3A_2669, %get3A_2670, %get3A_2671, %get3A_2672] : memref<2x9x1x16x128xf32, #tpu.memory_space<vmem>> -> memref<1x9x1x16x128xf32, #tpu.memory_space<vmem>>
        %get3A_2674 = tpu.memref_squeeze %get3A_2673 : memref<1x9x1x16x128xf32, #tpu.memory_space<vmem>> -> memref<9x1x16x128xf32, #tpu.memory_space<vmem>>
        %get3A_2675 = arith.index_cast %get3A_2667 : i32 to index
        %get3A_2676 = arith.index_cast %get3A_2668 : i32 to index
        %get3A_2677 = arith.index_cast %add3A_532 : i32 to index
        %get3A_2678 = arith.constant 64 : index
        %get3A_2679 = tpu.vector_load %get3A_2674[%get3A_2675, %get3A_2676, %get3A_2677, %get3A_2678] {strides = array<i32>} : memref<9x1x16x128xf32, #tpu.memory_space<vmem>>, vector<16xf32>,
        %get3A_2680 = arith.constant 3 : i32
        %get3A_2681 = arith.constant 0 : i32
        %get3A_2682 = arith.constant 0 : i32
        %get3A_2683 = arith.constant 0 : i32
        %get3A_2684 = arith.constant 0 : i32
        %get3A_2685 = arith.constant 0 : i32
        %get3A_2686 = tpu.memref_slice %run_scoped3A[%rem3A_306, %get3A_2682, %get3A_2683, %get3A_2684, %get3A_2685] : memref<2x9x1x16x128xf32, #tpu.memory_space<vmem>> -> memref<1x9x1x16x128xf32, #tpu.memory_space<vmem>>
        %get3A_2687 = tpu.memref_squeeze %get3A_2686 : memref<1x9x1x16x128xf32, #tpu.memory_space<vmem>> -> memref<9x1x16x128xf32, #tpu.memory_space<vmem>>
        %get3A_2688 = arith.index_cast %get3A_2680 : i32 to index
        %get3A_2689 = arith.index_cast %get3A_2681 : i32 to index
        %get3A_2690 = arith.index_cast %add3A_532 : i32 to index
        %get3A_2691 = arith.constant 64 : index
        %get3A_2692 = tpu.vector_load %get3A_2687[%get3A_2688, %get3A_2689, %get3A_2690, %get3A_2691] {strides = array<i32>} : memref<9x1x16x128xf32, #tpu.memory_space<vmem>>, vector<16xf32>,
        %gt3A_2693 = arith.constant 5.000000e-01 : f32
        %gt3A_2694 = vector.broadcast %gt3A_2693 : f32 to vector<16xf32>
        %gt3A_2695 = arith.cmpf ogt, %get3A_2679, %gt3A_2694 : vector<16xf32>
        %jit3A_2696 = arith.constant 1.000000e+00 : f32
        %jit3A_2697 = arith.constant 0.000000e+00 : f32
        %broadcast_in_dim3A_2698 = vector.broadcast %jit3A_2696 : f32 to vector<16xf32>
        %broadcast_in_dim3A_2699 = vector.broadcast %jit3A_2697 : f32 to vector<16xf32>
        %select_n3A_2700 = arith.select %gt3A_2695, %broadcast_in_dim3A_2698, %broadcast_in_dim3A_2699 : vector<16xi1>, vector<16xf32>
        %ne3A_2701 = arith.constant 0.000000e+00 : f32
        %ne3A_2702 = vector.broadcast %ne3A_2701 : f32 to vector<16xf32>
        %ne3A_2703 = arith.cmpf one, %get3A_2679, %ne3A_2702 : vector<16xf32>
        %jit3A_2704 = arith.constant 1.000000e+00 : f32
        %jit3A_2705 = arith.constant 0.000000e+00 : f32
        %broadcast_in_dim3A_2706 = vector.broadcast %jit3A_2704 : f32 to vector<16xf32>
        %broadcast_in_dim3A_2707 = vector.broadcast %jit3A_2705 : f32 to vector<16xf32>
        %select_n3A_2708 = arith.select %ne3A_2703, %broadcast_in_dim3A_2706, %broadcast_in_dim3A_2707 : vector<16xi1>, vector<16xf32>
        %mul3A_2709 = arith.mulf %get3A_2692, %select_n3A_2700 : vector<16xf32>
        %add3A_2710 = arith.addf %add3A_2662, %mul3A_2709 : vector<16xf32>
        %mul3A_2711 = arith.mulf %get3A_2692, %select_n3A_2708 : vector<16xf32>
        %add3A_2712 = arith.addf %add3A_2664, %mul3A_2711 : vector<16xf32>
        %add3A_2713 = arith.addf %add3A_2665, %select_n3A_2700 : vector<16xf32>
        %add3A_2714 = arith.addf %add3A_2666, %select_n3A_2708 : vector<16xf32>
        %get3A_2715 = arith.constant 4 : i32
        %get3A_2716 = arith.constant 0 : i32
        %get3A_2717 = arith.constant 0 : i32
        %get3A_2718 = arith.constant 0 : i32
        %get3A_2719 = arith.constant 0 : i32
        %get3A_2720 = arith.constant 0 : i32
        %get3A_2721 = tpu.memref_slice %run_scoped3A_77[%rem3A_308, %get3A_2717, %get3A_2718, %get3A_2719, %get3A_2720] : memref<2x9x1x16x128xf32, #tpu.memory_space<vmem>> -> memref<1x9x1x16x128xf32, #tpu.memory_space<vmem>>
        %get3A_2722 = tpu.memref_squeeze %get3A_2721 : memref<1x9x1x16x128xf32, #tpu.memory_space<vmem>> -> memref<9x1x16x128xf32, #tpu.memory_space<vmem>>
        %get3A_2723 = arith.index_cast %get3A_2715 : i32 to index
        %get3A_2724 = arith.index_cast %get3A_2716 : i32 to index
        %get3A_2725 = arith.index_cast %add3A_532 : i32 to index
        %get3A_2726 = arith.constant 64 : index
        %get3A_2727 = tpu.vector_load %get3A_2722[%get3A_2723, %get3A_2724, %get3A_2725, %get3A_2726] {strides = array<i32>} : memref<9x1x16x128xf32, #tpu.memory_space<vmem>>, vector<16xf32>,
        %get3A_2728 = arith.constant 4 : i32
        %get3A_2729 = arith.constant 0 : i32
        %get3A_2730 = arith.constant 0 : i32
        %get3A_2731 = arith.constant 0 : i32
        %get3A_2732 = arith.constant 0 : i32
        %get3A_2733 = arith.constant 0 : i32
        %get3A_2734 = tpu.memref_slice %run_scoped3A[%rem3A_306, %get3A_2730, %get3A_2731, %get3A_2732, %get3A_2733] : memref<2x9x1x16x128xf32, #tpu.memory_space<vmem>> -> memref<1x9x1x16x128xf32, #tpu.memory_space<vmem>>
        %get3A_2735 = tpu.memref_squeeze %get3A_2734 : memref<1x9x1x16x128xf32, #tpu.memory_space<vmem>> -> memref<9x1x16x128xf32, #tpu.memory_space<vmem>>
        %get3A_2736 = arith.index_cast %get3A_2728 : i32 to index
        %get3A_2737 = arith.index_cast %get3A_2729 : i32 to index
        %get3A_2738 = arith.index_cast %add3A_532 : i32 to index
        %get3A_2739 = arith.constant 64 : index
        %get3A_2740 = tpu.vector_load %get3A_2735[%get3A_2736, %get3A_2737, %get3A_2738, %get3A_2739] {strides = array<i32>} : memref<9x1x16x128xf32, #tpu.memory_space<vmem>>, vector<16xf32>,
        %gt3A_2741 = arith.constant 5.000000e-01 : f32
        %gt3A_2742 = vector.broadcast %gt3A_2741 : f32 to vector<16xf32>
        %gt3A_2743 = arith.cmpf ogt, %get3A_2727, %gt3A_2742 : vector<16xf32>
        %jit3A_2744 = arith.constant 1.000000e+00 : f32
        %jit3A_2745 = arith.constant 0.000000e+00 : f32
        %broadcast_in_dim3A_2746 = vector.broadcast %jit3A_2744 : f32 to vector<16xf32>
        %broadcast_in_dim3A_2747 = vector.broadcast %jit3A_2745 : f32 to vector<16xf32>
        %select_n3A_2748 = arith.select %gt3A_2743, %broadcast_in_dim3A_2746, %broadcast_in_dim3A_2747 : vector<16xi1>, vector<16xf32>
        %ne3A_2749 = arith.constant 0.000000e+00 : f32
        %ne3A_2750 = vector.broadcast %ne3A_2749 : f32 to vector<16xf32>
        %ne3A_2751 = arith.cmpf one, %get3A_2727, %ne3A_2750 : vector<16xf32>
        %jit3A_2752 = arith.constant 1.000000e+00 : f32
        %jit3A_2753 = arith.constant 0.000000e+00 : f32
        %broadcast_in_dim3A_2754 = vector.broadcast %jit3A_2752 : f32 to vector<16xf32>
        %broadcast_in_dim3A_2755 = vector.broadcast %jit3A_2753 : f32 to vector<16xf32>
        %select_n3A_2756 = arith.select %ne3A_2751, %broadcast_in_dim3A_2754, %broadcast_in_dim3A_2755 : vector<16xi1>, vector<16xf32>
        %mul3A_2757 = arith.mulf %get3A_2740, %select_n3A_2748 : vector<16xf32>
        %add3A_2758 = arith.addf %add3A_2710, %mul3A_2757 : vector<16xf32>
        %mul3A_2759 = arith.mulf %get3A_2740, %select_n3A_2756 : vector<16xf32>
        %add3A_2760 = arith.addf %add3A_2712, %mul3A_2759 : vector<16xf32>
        %add3A_2761 = arith.addf %add3A_2713, %select_n3A_2748 : vector<16xf32>
        %add3A_2762 = arith.addf %add3A_2714, %select_n3A_2756 : vector<16xf32>
        %get3A_2763 = arith.constant 5 : i32
        %get3A_2764 = arith.constant 0 : i32
        %get3A_2765 = arith.constant 0 : i32
        %get3A_2766 = arith.constant 0 : i32
        %get3A_2767 = arith.constant 0 : i32
        %get3A_2768 = arith.constant 0 : i32
        %get3A_2769 = tpu.memref_slice %run_scoped3A_77[%rem3A_308, %get3A_2765, %get3A_2766, %get3A_2767, %get3A_2768] : memref<2x9x1x16x128xf32, #tpu.memory_space<vmem>> -> memref<1x9x1x16x128xf32, #tpu.memory_space<vmem>>
        %get3A_2770 = tpu.memref_squeeze %get3A_2769 : memref<1x9x1x16x128xf32, #tpu.memory_space<vmem>> -> memref<9x1x16x128xf32, #tpu.memory_space<vmem>>
        %get3A_2771 = arith.index_cast %get3A_2763 : i32 to index
        %get3A_2772 = arith.index_cast %get3A_2764 : i32 to index
        %get3A_2773 = arith.index_cast %add3A_532 : i32 to index
        %get3A_2774 = arith.constant 64 : index
        %get3A_2775 = tpu.vector_load %get3A_2770[%get3A_2771, %get3A_2772, %get3A_2773, %get3A_2774] {strides = array<i32>} : memref<9x1x16x128xf32, #tpu.memory_space<vmem>>, vector<16xf32>,
        %get3A_2776 = arith.constant 5 : i32
        %get3A_2777 = arith.constant 0 : i32
        %get3A_2778 = arith.constant 0 : i32
        %get3A_2779 = arith.constant 0 : i32
        %get3A_2780 = arith.constant 0 : i32
        %get3A_2781 = arith.constant 0 : i32
        %get3A_2782 = tpu.memref_slice %run_scoped3A[%rem3A_306, %get3A_2778, %get3A_2779, %get3A_2780, %get3A_2781] : memref<2x9x1x16x128xf32, #tpu.memory_space<vmem>> -> memref<1x9x1x16x128xf32, #tpu.memory_space<vmem>>
        %get3A_2783 = tpu.memref_squeeze %get3A_2782 : memref<1x9x1x16x128xf32, #tpu.memory_space<vmem>> -> memref<9x1x16x128xf32, #tpu.memory_space<vmem>>
        %get3A_2784 = arith.index_cast %get3A_2776 : i32 to index
        %get3A_2785 = arith.index_cast %get3A_2777 : i32 to index
        %get3A_2786 = arith.index_cast %add3A_532 : i32 to index
        %get3A_2787 = arith.constant 64 : index
        %get3A_2788 = tpu.vector_load %get3A_2783[%get3A_2784, %get3A_2785, %get3A_2786, %get3A_2787] {strides = array<i32>} : memref<9x1x16x128xf32, #tpu.memory_space<vmem>>, vector<16xf32>,
        %gt3A_2789 = arith.constant 5.000000e-01 : f32
        %gt3A_2790 = vector.broadcast %gt3A_2789 : f32 to vector<16xf32>
        %gt3A_2791 = arith.cmpf ogt, %get3A_2775, %gt3A_2790 : vector<16xf32>
        %jit3A_2792 = arith.constant 1.000000e+00 : f32
        %jit3A_2793 = arith.constant 0.000000e+00 : f32
        %broadcast_in_dim3A_2794 = vector.broadcast %jit3A_2792 : f32 to vector<16xf32>
        %broadcast_in_dim3A_2795 = vector.broadcast %jit3A_2793 : f32 to vector<16xf32>
        %select_n3A_2796 = arith.select %gt3A_2791, %broadcast_in_dim3A_2794, %broadcast_in_dim3A_2795 : vector<16xi1>, vector<16xf32>
        %ne3A_2797 = arith.constant 0.000000e+00 : f32
        %ne3A_2798 = vector.broadcast %ne3A_2797 : f32 to vector<16xf32>
        %ne3A_2799 = arith.cmpf one, %get3A_2775, %ne3A_2798 : vector<16xf32>
        %jit3A_2800 = arith.constant 1.000000e+00 : f32
        %jit3A_2801 = arith.constant 0.000000e+00 : f32
        %broadcast_in_dim3A_2802 = vector.broadcast %jit3A_2800 : f32 to vector<16xf32>
        %broadcast_in_dim3A_2803 = vector.broadcast %jit3A_2801 : f32 to vector<16xf32>
        %select_n3A_2804 = arith.select %ne3A_2799, %broadcast_in_dim3A_2802, %broadcast_in_dim3A_2803 : vector<16xi1>, vector<16xf32>
        %mul3A_2805 = arith.mulf %get3A_2788, %select_n3A_2796 : vector<16xf32>
        %add3A_2806 = arith.addf %add3A_2758, %mul3A_2805 : vector<16xf32>
        %mul3A_2807 = arith.mulf %get3A_2788, %select_n3A_2804 : vector<16xf32>
        %add3A_2808 = arith.addf %add3A_2760, %mul3A_2807 : vector<16xf32>
        %add3A_2809 = arith.addf %add3A_2761, %select_n3A_2796 : vector<16xf32>
        %add3A_2810 = arith.addf %add3A_2762, %select_n3A_2804 : vector<16xf32>
        %get3A_2811 = arith.constant 6 : i32
        %get3A_2812 = arith.constant 0 : i32
        %get3A_2813 = arith.constant 0 : i32
        %get3A_2814 = arith.constant 0 : i32
        %get3A_2815 = arith.constant 0 : i32
        %get3A_2816 = arith.constant 0 : i32
        %get3A_2817 = tpu.memref_slice %run_scoped3A_77[%rem3A_308, %get3A_2813, %get3A_2814, %get3A_2815, %get3A_2816] : memref<2x9x1x16x128xf32, #tpu.memory_space<vmem>> -> memref<1x9x1x16x128xf32, #tpu.memory_space<vmem>>
        %get3A_2818 = tpu.memref_squeeze %get3A_2817 : memref<1x9x1x16x128xf32, #tpu.memory_space<vmem>> -> memref<9x1x16x128xf32, #tpu.memory_space<vmem>>
        %get3A_2819 = arith.index_cast %get3A_2811 : i32 to index
        %get3A_2820 = arith.index_cast %get3A_2812 : i32 to index
        %get3A_2821 = arith.index_cast %add3A_532 : i32 to index
        %get3A_2822 = arith.constant 64 : index
        %get3A_2823 = tpu.vector_load %get3A_2818[%get3A_2819, %get3A_2820, %get3A_2821, %get3A_2822] {strides = array<i32>} : memref<9x1x16x128xf32, #tpu.memory_space<vmem>>, vector<16xf32>,
        %get3A_2824 = arith.constant 6 : i32
        %get3A_2825 = arith.constant 0 : i32
        %get3A_2826 = arith.constant 0 : i32
        %get3A_2827 = arith.constant 0 : i32
        %get3A_2828 = arith.constant 0 : i32
        %get3A_2829 = arith.constant 0 : i32
        %get3A_2830 = tpu.memref_slice %run_scoped3A[%rem3A_306, %get3A_2826, %get3A_2827, %get3A_2828, %get3A_2829] : memref<2x9x1x16x128xf32, #tpu.memory_space<vmem>> -> memref<1x9x1x16x128xf32, #tpu.memory_space<vmem>>
        %get3A_2831 = tpu.memref_squeeze %get3A_2830 : memref<1x9x1x16x128xf32, #tpu.memory_space<vmem>> -> memref<9x1x16x128xf32, #tpu.memory_space<vmem>>
        %get3A_2832 = arith.index_cast %get3A_2824 : i32 to index
        %get3A_2833 = arith.index_cast %get3A_2825 : i32 to index
        %get3A_2834 = arith.index_cast %add3A_532 : i32 to index
        %get3A_2835 = arith.constant 64 : index
        %get3A_2836 = tpu.vector_load %get3A_2831[%get3A_2832, %get3A_2833, %get3A_2834, %get3A_2835] {strides = array<i32>} : memref<9x1x16x128xf32, #tpu.memory_space<vmem>>, vector<16xf32>,
        %gt3A_2837 = arith.constant 5.000000e-01 : f32
        %gt3A_2838 = vector.broadcast %gt3A_2837 : f32 to vector<16xf32>
        %gt3A_2839 = arith.cmpf ogt, %get3A_2823, %gt3A_2838 : vector<16xf32>
        %jit3A_2840 = arith.constant 1.000000e+00 : f32
        %jit3A_2841 = arith.constant 0.000000e+00 : f32
        %broadcast_in_dim3A_2842 = vector.broadcast %jit3A_2840 : f32 to vector<16xf32>
        %broadcast_in_dim3A_2843 = vector.broadcast %jit3A_2841 : f32 to vector<16xf32>
        %select_n3A_2844 = arith.select %gt3A_2839, %broadcast_in_dim3A_2842, %broadcast_in_dim3A_2843 : vector<16xi1>, vector<16xf32>
        %ne3A_2845 = arith.constant 0.000000e+00 : f32
        %ne3A_2846 = vector.broadcast %ne3A_2845 : f32 to vector<16xf32>
        %ne3A_2847 = arith.cmpf one, %get3A_2823, %ne3A_2846 : vector<16xf32>
        %jit3A_2848 = arith.constant 1.000000e+00 : f32
        %jit3A_2849 = arith.constant 0.000000e+00 : f32
        %broadcast_in_dim3A_2850 = vector.broadcast %jit3A_2848 : f32 to vector<16xf32>
        %broadcast_in_dim3A_2851 = vector.broadcast %jit3A_2849 : f32 to vector<16xf32>
        %select_n3A_2852 = arith.select %ne3A_2847, %broadcast_in_dim3A_2850, %broadcast_in_dim3A_2851 : vector<16xi1>, vector<16xf32>
        %mul3A_2853 = arith.mulf %get3A_2836, %select_n3A_2844 : vector<16xf32>
        %add3A_2854 = arith.addf %add3A_2806, %mul3A_2853 : vector<16xf32>
        %mul3A_2855 = arith.mulf %get3A_2836, %select_n3A_2852 : vector<16xf32>
        %add3A_2856 = arith.addf %add3A_2808, %mul3A_2855 : vector<16xf32>
        %add3A_2857 = arith.addf %add3A_2809, %select_n3A_2844 : vector<16xf32>
        %add3A_2858 = arith.addf %add3A_2810, %select_n3A_2852 : vector<16xf32>
        %get3A_2859 = arith.constant 7 : i32
        %get3A_2860 = arith.constant 0 : i32
        %get3A_2861 = arith.constant 0 : i32
        %get3A_2862 = arith.constant 0 : i32
        %get3A_2863 = arith.constant 0 : i32
        %get3A_2864 = arith.constant 0 : i32
        %get3A_2865 = tpu.memref_slice %run_scoped3A_77[%rem3A_308, %get3A_2861, %get3A_2862, %get3A_2863, %get3A_2864] : memref<2x9x1x16x128xf32, #tpu.memory_space<vmem>> -> memref<1x9x1x16x128xf32, #tpu.memory_space<vmem>>
        %get3A_2866 = tpu.memref_squeeze %get3A_2865 : memref<1x9x1x16x128xf32, #tpu.memory_space<vmem>> -> memref<9x1x16x128xf32, #tpu.memory_space<vmem>>
        %get3A_2867 = arith.index_cast %get3A_2859 : i32 to index
        %get3A_2868 = arith.index_cast %get3A_2860 : i32 to index
        %get3A_2869 = arith.index_cast %add3A_532 : i32 to index
        %get3A_2870 = arith.constant 64 : index
        %get3A_2871 = tpu.vector_load %get3A_2866[%get3A_2867, %get3A_2868, %get3A_2869, %get3A_2870] {strides = array<i32>} : memref<9x1x16x128xf32, #tpu.memory_space<vmem>>, vector<16xf32>,
        %get3A_2872 = arith.constant 7 : i32
        %get3A_2873 = arith.constant 0 : i32
        %get3A_2874 = arith.constant 0 : i32
        %get3A_2875 = arith.constant 0 : i32
        %get3A_2876 = arith.constant 0 : i32
        %get3A_2877 = arith.constant 0 : i32
        %get3A_2878 = tpu.memref_slice %run_scoped3A[%rem3A_306, %get3A_2874, %get3A_2875, %get3A_2876, %get3A_2877] : memref<2x9x1x16x128xf32, #tpu.memory_space<vmem>> -> memref<1x9x1x16x128xf32, #tpu.memory_space<vmem>>
        %get3A_2879 = tpu.memref_squeeze %get3A_2878 : memref<1x9x1x16x128xf32, #tpu.memory_space<vmem>> -> memref<9x1x16x128xf32, #tpu.memory_space<vmem>>
        %get3A_2880 = arith.index_cast %get3A_2872 : i32 to index
        %get3A_2881 = arith.index_cast %get3A_2873 : i32 to index
        %get3A_2882 = arith.index_cast %add3A_532 : i32 to index
        %get3A_2883 = arith.constant 64 : index
        %get3A_2884 = tpu.vector_load %get3A_2879[%get3A_2880, %get3A_2881, %get3A_2882, %get3A_2883] {strides = array<i32>} : memref<9x1x16x128xf32, #tpu.memory_space<vmem>>, vector<16xf32>,
        %gt3A_2885 = arith.constant 5.000000e-01 : f32
        %gt3A_2886 = vector.broadcast %gt3A_2885 : f32 to vector<16xf32>
        %gt3A_2887 = arith.cmpf ogt, %get3A_2871, %gt3A_2886 : vector<16xf32>
        %jit3A_2888 = arith.constant 1.000000e+00 : f32
        %jit3A_2889 = arith.constant 0.000000e+00 : f32
        %broadcast_in_dim3A_2890 = vector.broadcast %jit3A_2888 : f32 to vector<16xf32>
        %broadcast_in_dim3A_2891 = vector.broadcast %jit3A_2889 : f32 to vector<16xf32>
        %select_n3A_2892 = arith.select %gt3A_2887, %broadcast_in_dim3A_2890, %broadcast_in_dim3A_2891 : vector<16xi1>, vector<16xf32>
        %ne3A_2893 = arith.constant 0.000000e+00 : f32
        %ne3A_2894 = vector.broadcast %ne3A_2893 : f32 to vector<16xf32>
        %ne3A_2895 = arith.cmpf one, %get3A_2871, %ne3A_2894 : vector<16xf32>
        %jit3A_2896 = arith.constant 1.000000e+00 : f32
        %jit3A_2897 = arith.constant 0.000000e+00 : f32
        %broadcast_in_dim3A_2898 = vector.broadcast %jit3A_2896 : f32 to vector<16xf32>
        %broadcast_in_dim3A_2899 = vector.broadcast %jit3A_2897 : f32 to vector<16xf32>
        %select_n3A_2900 = arith.select %ne3A_2895, %broadcast_in_dim3A_2898, %broadcast_in_dim3A_2899 : vector<16xi1>, vector<16xf32>
        %mul3A_2901 = arith.mulf %get3A_2884, %select_n3A_2892 : vector<16xf32>
        %add3A_2902 = arith.addf %add3A_2854, %mul3A_2901 : vector<16xf32>
        %mul3A_2903 = arith.mulf %get3A_2884, %select_n3A_2900 : vector<16xf32>
        %add3A_2904 = arith.addf %add3A_2856, %mul3A_2903 : vector<16xf32>
        %add3A_2905 = arith.addf %add3A_2857, %select_n3A_2892 : vector<16xf32>
        %add3A_2906 = arith.addf %add3A_2858, %select_n3A_2900 : vector<16xf32>
        %get3A_2907 = arith.constant 8 : i32
        %get3A_2908 = arith.constant 0 : i32
        %get3A_2909 = arith.constant 0 : i32
        %get3A_2910 = arith.constant 0 : i32
        %get3A_2911 = arith.constant 0 : i32
        %get3A_2912 = arith.constant 0 : i32
        %get3A_2913 = tpu.memref_slice %run_scoped3A_77[%rem3A_308, %get3A_2909, %get3A_2910, %get3A_2911, %get3A_2912] : memref<2x9x1x16x128xf32, #tpu.memory_space<vmem>> -> memref<1x9x1x16x128xf32, #tpu.memory_space<vmem>>
        %get3A_2914 = tpu.memref_squeeze %get3A_2913 : memref<1x9x1x16x128xf32, #tpu.memory_space<vmem>> -> memref<9x1x16x128xf32, #tpu.memory_space<vmem>>
        %get3A_2915 = arith.index_cast %get3A_2907 : i32 to index
        %get3A_2916 = arith.index_cast %get3A_2908 : i32 to index
        %get3A_2917 = arith.index_cast %add3A_532 : i32 to index
        %get3A_2918 = arith.constant 64 : index
        %get3A_2919 = tpu.vector_load %get3A_2914[%get3A_2915, %get3A_2916, %get3A_2917, %get3A_2918] {strides = array<i32>} : memref<9x1x16x128xf32, #tpu.memory_space<vmem>>, vector<16xf32>,
        %get3A_2920 = arith.constant 8 : i32
        %get3A_2921 = arith.constant 0 : i32
        %get3A_2922 = arith.constant 0 : i32
        %get3A_2923 = arith.constant 0 : i32
        %get3A_2924 = arith.constant 0 : i32
        %get3A_2925 = arith.constant 0 : i32
        %get3A_2926 = tpu.memref_slice %run_scoped3A[%rem3A_306, %get3A_2922, %get3A_2923, %get3A_2924, %get3A_2925] : memref<2x9x1x16x128xf32, #tpu.memory_space<vmem>> -> memref<1x9x1x16x128xf32, #tpu.memory_space<vmem>>
        %get3A_2927 = tpu.memref_squeeze %get3A_2926 : memref<1x9x1x16x128xf32, #tpu.memory_space<vmem>> -> memref<9x1x16x128xf32, #tpu.memory_space<vmem>>
        %get3A_2928 = arith.index_cast %get3A_2920 : i32 to index
        %get3A_2929 = arith.index_cast %get3A_2921 : i32 to index
        %get3A_2930 = arith.index_cast %add3A_532 : i32 to index
        %get3A_2931 = arith.constant 64 : index
        %get3A_2932 = tpu.vector_load %get3A_2927[%get3A_2928, %get3A_2929, %get3A_2930, %get3A_2931] {strides = array<i32>} : memref<9x1x16x128xf32, #tpu.memory_space<vmem>>, vector<16xf32>,
        %gt3A_2933 = arith.constant 5.000000e-01 : f32
        %gt3A_2934 = vector.broadcast %gt3A_2933 : f32 to vector<16xf32>
        %gt3A_2935 = arith.cmpf ogt, %get3A_2919, %gt3A_2934 : vector<16xf32>
        %jit3A_2936 = arith.constant 1.000000e+00 : f32
        %jit3A_2937 = arith.constant 0.000000e+00 : f32
        %broadcast_in_dim3A_2938 = vector.broadcast %jit3A_2936 : f32 to vector<16xf32>
        %broadcast_in_dim3A_2939 = vector.broadcast %jit3A_2937 : f32 to vector<16xf32>
        %select_n3A_2940 = arith.select %gt3A_2935, %broadcast_in_dim3A_2938, %broadcast_in_dim3A_2939 : vector<16xi1>, vector<16xf32>
        %ne3A_2941 = arith.constant 0.000000e+00 : f32
        %ne3A_2942 = vector.broadcast %ne3A_2941 : f32 to vector<16xf32>
        %ne3A_2943 = arith.cmpf one, %get3A_2919, %ne3A_2942 : vector<16xf32>
        %jit3A_2944 = arith.constant 1.000000e+00 : f32
        %jit3A_2945 = arith.constant 0.000000e+00 : f32
        %broadcast_in_dim3A_2946 = vector.broadcast %jit3A_2944 : f32 to vector<16xf32>
        %broadcast_in_dim3A_2947 = vector.broadcast %jit3A_2945 : f32 to vector<16xf32>
        %select_n3A_2948 = arith.select %ne3A_2943, %broadcast_in_dim3A_2946, %broadcast_in_dim3A_2947 : vector<16xi1>, vector<16xf32>
        %mul3A_2949 = arith.mulf %get3A_2932, %select_n3A_2940 : vector<16xf32>
        %add3A_2950 = arith.addf %add3A_2902, %mul3A_2949 : vector<16xf32>
        %mul3A_2951 = arith.mulf %get3A_2932, %select_n3A_2948 : vector<16xf32>
        %add3A_2952 = arith.addf %add3A_2904, %mul3A_2951 : vector<16xf32>
        %add3A_2953 = arith.addf %add3A_2905, %select_n3A_2940 : vector<16xf32>
        %add3A_2954 = arith.addf %add3A_2906, %select_n3A_2948 : vector<16xf32>
        %sub3A_2955 = arith.subf %add3A_2952, %add3A_2950 : vector<16xf32>
        %sub3A_2956 = arith.subf %add3A_2954, %add3A_2953 : vector<16xf32>
        %max3A_2957 = arith.constant 1.000000e+00 : f32
        %max3A_2958 = vector.broadcast %max3A_2957 : f32 to vector<16xf32>
        %max3A_2959 = arith.maximumf %add3A_2953, %max3A_2958 : vector<16xf32>
        %max3A_2960 = arith.constant 1.000000e+00 : f32
        %max3A_2961 = vector.broadcast %max3A_2960 : f32 to vector<16xf32>
        %max3A_2962 = arith.maximumf %sub3A_2956, %max3A_2961 : vector<16xf32>
        %gt3A_2963 = arith.constant 0.000000e+00 : f32
        %gt3A_2964 = vector.broadcast %gt3A_2963 : f32 to vector<16xf32>
        %gt3A_2965 = arith.cmpf ogt, %add3A_2953, %gt3A_2964 : vector<16xf32>
        %gt3A_2966 = arith.constant 0.000000e+00 : f32
        %gt3A_2967 = vector.broadcast %gt3A_2966 : f32 to vector<16xf32>
        %gt3A_2968 = arith.cmpf ogt, %sub3A_2956, %gt3A_2967 : vector<16xf32>
        %and3A_2969 = arith.andi %gt3A_2965, %gt3A_2968 : vector<16xi1>
        %mul3A_2970 = arith.mulf %add3A_2950, %max3A_2962 : vector<16xf32>
        %mul3A_2971 = arith.mulf %sub3A_2955, %max3A_2959 : vector<16xf32>
        %gt3A_2972 = arith.cmpf ogt, %mul3A_2970, %mul3A_2971 : vector<16xf32>
        %jit3A_2973 = arith.constant 0.000000e+00 : f32
        %jit3A_2974 = arith.constant 1.000000e+00 : f32
        %broadcast_in_dim3A_2975 = vector.broadcast %jit3A_2973 : f32 to vector<16xf32>
        %broadcast_in_dim3A_2976 = vector.broadcast %jit3A_2974 : f32 to vector<16xf32>
        %select_n3A_2977 = arith.select %gt3A_2972, %broadcast_in_dim3A_2975, %broadcast_in_dim3A_2976 : vector<16xi1>, vector<16xf32>
        %jit3A_2978 = arith.constant 2.000000e+00 : f32
        %broadcast_in_dim3A_2979 = vector.broadcast %jit3A_2978 : f32 to vector<16xf32>
        %select_n3A_2980 = arith.select %and3A_2969, %select_n3A_2977, %broadcast_in_dim3A_2979 : vector<16xi1>, vector<16xf32>
        %eq3A_2981 = arith.constant 0.000000e+00 : f32
        %eq3A_2982 = vector.broadcast %eq3A_2981 : f32 to vector<16xf32>
        %eq3A_2983 = arith.cmpf oeq, %select_n3A_2980, %eq3A_2982 : vector<16xf32>
        %broadcast_in_dim3A_2984 = arith.constant 0.000000e+00 : f32
        %broadcast_in_dim3A_2985 = vector.broadcast %broadcast_in_dim3A_2984 : f32 to vector<16xf32>
        %broadcast_in_dim3A_2986 = arith.constant 1.000000e+00 : f32
        %broadcast_in_dim3A_2987 = vector.broadcast %broadcast_in_dim3A_2986 : f32 to vector<16xf32>
        %select_n3A_2988 = arith.select %eq3A_2983, %get3A_2740, %broadcast_in_dim3A_2985 : vector<16xi1>, vector<16xf32>
        %select_n3A_2989 = arith.select %eq3A_2983, %broadcast_in_dim3A_2987, %broadcast_in_dim3A_2985 : vector<16xi1>, vector<16xf32>
        %select_n3A_2990 = arith.select %eq3A_2983, %broadcast_in_dim3A_2985, %get3A_2740 : vector<16xi1>, vector<16xf32>
        %select_n3A_2991 = arith.select %eq3A_2983, %broadcast_in_dim3A_2985, %broadcast_in_dim3A_2987 : vector<16xi1>, vector<16xf32>
        %swap3A_2992 = tpu.memref_slice %run_scoped3A_79[%mul3A_312] : memref<4096xf32, #tpu.memory_space<vmem>> -> memref<2048xf32, #tpu.memory_space<vmem>>
        %swap3A_2993 = arith.index_cast %add3A_2520 : i32 to index
        %swap3A_2994 = tpu.vector_load %swap3A_2992[%swap3A_2993] {strides = array<i32>} : memref<2048xf32, #tpu.memory_space<vmem>>, vector<16xf32>,
        tpu.vector_store %swap3A_2992[%swap3A_2993], %select_n3A_2980 {strides = array<i32>} : memref<2048xf32, #tpu.memory_space<vmem>>, vector<16xf32>,
        %swap3A_2995 = tpu.memref_slice %run_scoped3A_81[%mul3A_316] : memref<4096xf32, #tpu.memory_space<vmem>> -> memref<2048xf32, #tpu.memory_space<vmem>>
        %swap3A_2996 = arith.index_cast %add3A_2520 : i32 to index
        %swap3A_2997 = tpu.vector_load %swap3A_2995[%swap3A_2996] {strides = array<i32>} : memref<2048xf32, #tpu.memory_space<vmem>>, vector<16xf32>,
        tpu.vector_store %swap3A_2995[%swap3A_2996], %get3A_2740 {strides = array<i32>} : memref<2048xf32, #tpu.memory_space<vmem>>, vector<16xf32>,
        %swap3A_2998 = arith.constant 0 : i32
        %swap3A_2999 = arith.index_cast %swap3A_2998 : i32 to index
        %swap3A_3000 = arith.constant 0 : index
        %swap3A_3001 = tpu.vector_load %arg7[%swap3A_2999, %swap3A_3000] {strides = array<i32>} : memref<2x128xf32, #tpu.memory_space<vmem>>, vector<16xf32>,
        tpu.vector_store %arg7[%swap3A_2999, %swap3A_3000], %select_n3A_2988 {add = true, strides = array<i32>} : memref<2x128xf32, #tpu.memory_space<vmem>>, vector<16xf32>,
        %swap3A_3002 = arith.constant 0 : i32
        %swap3A_3003 = arith.index_cast %swap3A_3002 : i32 to index
        %swap3A_3004 = arith.constant 16 : index
        %swap3A_3005 = tpu.vector_load %arg7[%swap3A_3003, %swap3A_3004] {strides = array<i32>} : memref<2x128xf32, #tpu.memory_space<vmem>>, vector<16xf32>,
        tpu.vector_store %arg7[%swap3A_3003, %swap3A_3004], %select_n3A_2989 {add = true, strides = array<i32>} : memref<2x128xf32, #tpu.memory_space<vmem>>, vector<16xf32>,
        %swap3A_3006 = arith.constant 0 : i32
        %swap3A_3007 = arith.index_cast %swap3A_3006 : i32 to index
        %swap3A_3008 = arith.constant 32 : index
        %swap3A_3009 = tpu.vector_load %arg7[%swap3A_3007, %swap3A_3008] {strides = array<i32>} : memref<2x128xf32, #tpu.memory_space<vmem>>, vector<16xf32>,
        tpu.vector_store %arg7[%swap3A_3007, %swap3A_3008], %select_n3A_2990 {add = true, strides = array<i32>} : memref<2x128xf32, #tpu.memory_space<vmem>>, vector<16xf32>,
        %swap3A_3010 = arith.constant 0 : i32
        %swap3A_3011 = arith.index_cast %swap3A_3010 : i32 to index
        %swap3A_3012 = arith.constant 48 : index
        %swap3A_3013 = tpu.vector_load %arg7[%swap3A_3011, %swap3A_3012] {strides = array<i32>} : memref<2x128xf32, #tpu.memory_space<vmem>>, vector<16xf32>,
        tpu.vector_store %arg7[%swap3A_3011, %swap3A_3012], %select_n3A_2991 {add = true, strides = array<i32>} : memref<2x128xf32, #tpu.memory_space<vmem>>, vector<16xf32>,
        %mul3A_3014 = arith.constant 128 : i32
        %mul3A_3015 = arith.muli %add3A_532, %mul3A_3014 : i32
        %add3A_3016 = arith.constant 80 : i32
        %add3A_3017 = arith.addi %mul3A_3015, %add3A_3016 : i32
        %broadcast_in_dim3A_3018 = arith.constant 0.000000e+00 : f32
        %broadcast_in_dim3A_3019 = vector.broadcast %broadcast_in_dim3A_3018 : f32 to vector<16xf32>
        %get3A_3020 = arith.constant 0 : i32
        %get3A_3021 = arith.constant 0 : i32
        %get3A_3022 = arith.constant 0 : i32
        %get3A_3023 = arith.constant 0 : i32
        %get3A_3024 = arith.constant 0 : i32
        %get3A_3025 = arith.constant 0 : i32
        %get3A_3026 = tpu.memref_slice %run_scoped3A_77[%rem3A_308, %get3A_3022, %get3A_3023, %get3A_3024, %get3A_3025] : memref<2x9x1x16x128xf32, #tpu.memory_space<vmem>> -> memref<1x9x1x16x128xf32, #tpu.memory_space<vmem>>
        %get3A_3027 = tpu.memref_squeeze %get3A_3026 : memref<1x9x1x16x128xf32, #tpu.memory_space<vmem>> -> memref<9x1x16x128xf32, #tpu.memory_space<vmem>>
        %get3A_3028 = arith.index_cast %get3A_3020 : i32 to index
        %get3A_3029 = arith.index_cast %get3A_3021 : i32 to index
        %get3A_3030 = arith.index_cast %add3A_532 : i32 to index
        %get3A_3031 = arith.constant 80 : index
        %get3A_3032 = tpu.vector_load %get3A_3027[%get3A_3028, %get3A_3029, %get3A_3030, %get3A_3031] {strides = array<i32>} : memref<9x1x16x128xf32, #tpu.memory_space<vmem>>, vector<16xf32>,
        %get3A_3033 = arith.constant 0 : i32
        %get3A_3034 = arith.constant 0 : i32
        %get3A_3035 = arith.constant 0 : i32
        %get3A_3036 = arith.constant 0 : i32
        %get3A_3037 = arith.constant 0 : i32
        %get3A_3038 = arith.constant 0 : i32
        %get3A_3039 = tpu.memref_slice %run_scoped3A[%rem3A_306, %get3A_3035, %get3A_3036, %get3A_3037, %get3A_3038] : memref<2x9x1x16x128xf32, #tpu.memory_space<vmem>> -> memref<1x9x1x16x128xf32, #tpu.memory_space<vmem>>
        %get3A_3040 = tpu.memref_squeeze %get3A_3039 : memref<1x9x1x16x128xf32, #tpu.memory_space<vmem>> -> memref<9x1x16x128xf32, #tpu.memory_space<vmem>>
        %get3A_3041 = arith.index_cast %get3A_3033 : i32 to index
        %get3A_3042 = arith.index_cast %get3A_3034 : i32 to index
        %get3A_3043 = arith.index_cast %add3A_532 : i32 to index
        %get3A_3044 = arith.constant 80 : index
        %get3A_3045 = tpu.vector_load %get3A_3040[%get3A_3041, %get3A_3042, %get3A_3043, %get3A_3044] {strides = array<i32>} : memref<9x1x16x128xf32, #tpu.memory_space<vmem>>, vector<16xf32>,
        %gt3A_3046 = arith.constant 5.000000e-01 : f32
        %gt3A_3047 = vector.broadcast %gt3A_3046 : f32 to vector<16xf32>
        %gt3A_3048 = arith.cmpf ogt, %get3A_3032, %gt3A_3047 : vector<16xf32>
        %jit3A_3049 = arith.constant 1.000000e+00 : f32
        %jit3A_3050 = arith.constant 0.000000e+00 : f32
        %broadcast_in_dim3A_3051 = vector.broadcast %jit3A_3049 : f32 to vector<16xf32>
        %broadcast_in_dim3A_3052 = vector.broadcast %jit3A_3050 : f32 to vector<16xf32>
        %select_n3A_3053 = arith.select %gt3A_3048, %broadcast_in_dim3A_3051, %broadcast_in_dim3A_3052 : vector<16xi1>, vector<16xf32>
        %ne3A_3054 = arith.constant 0.000000e+00 : f32
        %ne3A_3055 = vector.broadcast %ne3A_3054 : f32 to vector<16xf32>
        %ne3A_3056 = arith.cmpf one, %get3A_3032, %ne3A_3055 : vector<16xf32>
        %jit3A_3057 = arith.constant 1.000000e+00 : f32
        %jit3A_3058 = arith.constant 0.000000e+00 : f32
        %broadcast_in_dim3A_3059 = vector.broadcast %jit3A_3057 : f32 to vector<16xf32>
        %broadcast_in_dim3A_3060 = vector.broadcast %jit3A_3058 : f32 to vector<16xf32>
        %select_n3A_3061 = arith.select %ne3A_3056, %broadcast_in_dim3A_3059, %broadcast_in_dim3A_3060 : vector<16xi1>, vector<16xf32>
        %mul3A_3062 = arith.mulf %get3A_3045, %select_n3A_3053 : vector<16xf32>
        %add3A_3063 = arith.addf %broadcast_in_dim3A_3019, %mul3A_3062 : vector<16xf32>
        %mul3A_3064 = arith.mulf %get3A_3045, %select_n3A_3061 : vector<16xf32>
        %add3A_3065 = arith.addf %broadcast_in_dim3A_3019, %mul3A_3064 : vector<16xf32>
        %add3A_3066 = arith.addf %broadcast_in_dim3A_3019, %select_n3A_3053 : vector<16xf32>
        %add3A_3067 = arith.addf %broadcast_in_dim3A_3019, %select_n3A_3061 : vector<16xf32>
        %get3A_3068 = arith.constant 1 : i32
        %get3A_3069 = arith.constant 0 : i32
        %get3A_3070 = arith.constant 0 : i32
        %get3A_3071 = arith.constant 0 : i32
        %get3A_3072 = arith.constant 0 : i32
        %get3A_3073 = arith.constant 0 : i32
        %get3A_3074 = tpu.memref_slice %run_scoped3A_77[%rem3A_308, %get3A_3070, %get3A_3071, %get3A_3072, %get3A_3073] : memref<2x9x1x16x128xf32, #tpu.memory_space<vmem>> -> memref<1x9x1x16x128xf32, #tpu.memory_space<vmem>>
        %get3A_3075 = tpu.memref_squeeze %get3A_3074 : memref<1x9x1x16x128xf32, #tpu.memory_space<vmem>> -> memref<9x1x16x128xf32, #tpu.memory_space<vmem>>
        %get3A_3076 = arith.index_cast %get3A_3068 : i32 to index
        %get3A_3077 = arith.index_cast %get3A_3069 : i32 to index
        %get3A_3078 = arith.index_cast %add3A_532 : i32 to index
        %get3A_3079 = arith.constant 80 : index
        %get3A_3080 = tpu.vector_load %get3A_3075[%get3A_3076, %get3A_3077, %get3A_3078, %get3A_3079] {strides = array<i32>} : memref<9x1x16x128xf32, #tpu.memory_space<vmem>>, vector<16xf32>,
        %get3A_3081 = arith.constant 1 : i32
        %get3A_3082 = arith.constant 0 : i32
        %get3A_3083 = arith.constant 0 : i32
        %get3A_3084 = arith.constant 0 : i32
        %get3A_3085 = arith.constant 0 : i32
        %get3A_3086 = arith.constant 0 : i32
        %get3A_3087 = tpu.memref_slice %run_scoped3A[%rem3A_306, %get3A_3083, %get3A_3084, %get3A_3085, %get3A_3086] : memref<2x9x1x16x128xf32, #tpu.memory_space<vmem>> -> memref<1x9x1x16x128xf32, #tpu.memory_space<vmem>>
        %get3A_3088 = tpu.memref_squeeze %get3A_3087 : memref<1x9x1x16x128xf32, #tpu.memory_space<vmem>> -> memref<9x1x16x128xf32, #tpu.memory_space<vmem>>
        %get3A_3089 = arith.index_cast %get3A_3081 : i32 to index
        %get3A_3090 = arith.index_cast %get3A_3082 : i32 to index
        %get3A_3091 = arith.index_cast %add3A_532 : i32 to index
        %get3A_3092 = arith.constant 80 : index
        %get3A_3093 = tpu.vector_load %get3A_3088[%get3A_3089, %get3A_3090, %get3A_3091, %get3A_3092] {strides = array<i32>} : memref<9x1x16x128xf32, #tpu.memory_space<vmem>>, vector<16xf32>,
        %gt3A_3094 = arith.constant 5.000000e-01 : f32
        %gt3A_3095 = vector.broadcast %gt3A_3094 : f32 to vector<16xf32>
        %gt3A_3096 = arith.cmpf ogt, %get3A_3080, %gt3A_3095 : vector<16xf32>
        %jit3A_3097 = arith.constant 1.000000e+00 : f32
        %jit3A_3098 = arith.constant 0.000000e+00 : f32
        %broadcast_in_dim3A_3099 = vector.broadcast %jit3A_3097 : f32 to vector<16xf32>
        %broadcast_in_dim3A_3100 = vector.broadcast %jit3A_3098 : f32 to vector<16xf32>
        %select_n3A_3101 = arith.select %gt3A_3096, %broadcast_in_dim3A_3099, %broadcast_in_dim3A_3100 : vector<16xi1>, vector<16xf32>
        %ne3A_3102 = arith.constant 0.000000e+00 : f32
        %ne3A_3103 = vector.broadcast %ne3A_3102 : f32 to vector<16xf32>
        %ne3A_3104 = arith.cmpf one, %get3A_3080, %ne3A_3103 : vector<16xf32>
        %jit3A_3105 = arith.constant 1.000000e+00 : f32
        %jit3A_3106 = arith.constant 0.000000e+00 : f32
        %broadcast_in_dim3A_3107 = vector.broadcast %jit3A_3105 : f32 to vector<16xf32>
        %broadcast_in_dim3A_3108 = vector.broadcast %jit3A_3106 : f32 to vector<16xf32>
        %select_n3A_3109 = arith.select %ne3A_3104, %broadcast_in_dim3A_3107, %broadcast_in_dim3A_3108 : vector<16xi1>, vector<16xf32>
        %mul3A_3110 = arith.mulf %get3A_3093, %select_n3A_3101 : vector<16xf32>
        %add3A_3111 = arith.addf %add3A_3063, %mul3A_3110 : vector<16xf32>
        %mul3A_3112 = arith.mulf %get3A_3093, %select_n3A_3109 : vector<16xf32>
        %add3A_3113 = arith.addf %add3A_3065, %mul3A_3112 : vector<16xf32>
        %add3A_3114 = arith.addf %add3A_3066, %select_n3A_3101 : vector<16xf32>
        %add3A_3115 = arith.addf %add3A_3067, %select_n3A_3109 : vector<16xf32>
        %get3A_3116 = arith.constant 2 : i32
        %get3A_3117 = arith.constant 0 : i32
        %get3A_3118 = arith.constant 0 : i32
        %get3A_3119 = arith.constant 0 : i32
        %get3A_3120 = arith.constant 0 : i32
        %get3A_3121 = arith.constant 0 : i32
        %get3A_3122 = tpu.memref_slice %run_scoped3A_77[%rem3A_308, %get3A_3118, %get3A_3119, %get3A_3120, %get3A_3121] : memref<2x9x1x16x128xf32, #tpu.memory_space<vmem>> -> memref<1x9x1x16x128xf32, #tpu.memory_space<vmem>>
        %get3A_3123 = tpu.memref_squeeze %get3A_3122 : memref<1x9x1x16x128xf32, #tpu.memory_space<vmem>> -> memref<9x1x16x128xf32, #tpu.memory_space<vmem>>
        %get3A_3124 = arith.index_cast %get3A_3116 : i32 to index
        %get3A_3125 = arith.index_cast %get3A_3117 : i32 to index
        %get3A_3126 = arith.index_cast %add3A_532 : i32 to index
        %get3A_3127 = arith.constant 80 : index
        %get3A_3128 = tpu.vector_load %get3A_3123[%get3A_3124, %get3A_3125, %get3A_3126, %get3A_3127] {strides = array<i32>} : memref<9x1x16x128xf32, #tpu.memory_space<vmem>>, vector<16xf32>,
        %get3A_3129 = arith.constant 2 : i32
        %get3A_3130 = arith.constant 0 : i32
        %get3A_3131 = arith.constant 0 : i32
        %get3A_3132 = arith.constant 0 : i32
        %get3A_3133 = arith.constant 0 : i32
        %get3A_3134 = arith.constant 0 : i32
        %get3A_3135 = tpu.memref_slice %run_scoped3A[%rem3A_306, %get3A_3131, %get3A_3132, %get3A_3133, %get3A_3134] : memref<2x9x1x16x128xf32, #tpu.memory_space<vmem>> -> memref<1x9x1x16x128xf32, #tpu.memory_space<vmem>>
        %get3A_3136 = tpu.memref_squeeze %get3A_3135 : memref<1x9x1x16x128xf32, #tpu.memory_space<vmem>> -> memref<9x1x16x128xf32, #tpu.memory_space<vmem>>
        %get3A_3137 = arith.index_cast %get3A_3129 : i32 to index
        %get3A_3138 = arith.index_cast %get3A_3130 : i32 to index
        %get3A_3139 = arith.index_cast %add3A_532 : i32 to index
        %get3A_3140 = arith.constant 80 : index
        %get3A_3141 = tpu.vector_load %get3A_3136[%get3A_3137, %get3A_3138, %get3A_3139, %get3A_3140] {strides = array<i32>} : memref<9x1x16x128xf32, #tpu.memory_space<vmem>>, vector<16xf32>,
        %gt3A_3142 = arith.constant 5.000000e-01 : f32
        %gt3A_3143 = vector.broadcast %gt3A_3142 : f32 to vector<16xf32>
        %gt3A_3144 = arith.cmpf ogt, %get3A_3128, %gt3A_3143 : vector<16xf32>
        %jit3A_3145 = arith.constant 1.000000e+00 : f32
        %jit3A_3146 = arith.constant 0.000000e+00 : f32
        %broadcast_in_dim3A_3147 = vector.broadcast %jit3A_3145 : f32 to vector<16xf32>
        %broadcast_in_dim3A_3148 = vector.broadcast %jit3A_3146 : f32 to vector<16xf32>
        %select_n3A_3149 = arith.select %gt3A_3144, %broadcast_in_dim3A_3147, %broadcast_in_dim3A_3148 : vector<16xi1>, vector<16xf32>
        %ne3A_3150 = arith.constant 0.000000e+00 : f32
        %ne3A_3151 = vector.broadcast %ne3A_3150 : f32 to vector<16xf32>
        %ne3A_3152 = arith.cmpf one, %get3A_3128, %ne3A_3151 : vector<16xf32>
        %jit3A_3153 = arith.constant 1.000000e+00 : f32
        %jit3A_3154 = arith.constant 0.000000e+00 : f32
        %broadcast_in_dim3A_3155 = vector.broadcast %jit3A_3153 : f32 to vector<16xf32>
        %broadcast_in_dim3A_3156 = vector.broadcast %jit3A_3154 : f32 to vector<16xf32>
        %select_n3A_3157 = arith.select %ne3A_3152, %broadcast_in_dim3A_3155, %broadcast_in_dim3A_3156 : vector<16xi1>, vector<16xf32>
        %mul3A_3158 = arith.mulf %get3A_3141, %select_n3A_3149 : vector<16xf32>
        %add3A_3159 = arith.addf %add3A_3111, %mul3A_3158 : vector<16xf32>
        %mul3A_3160 = arith.mulf %get3A_3141, %select_n3A_3157 : vector<16xf32>
        %add3A_3161 = arith.addf %add3A_3113, %mul3A_3160 : vector<16xf32>
        %add3A_3162 = arith.addf %add3A_3114, %select_n3A_3149 : vector<16xf32>
        %add3A_3163 = arith.addf %add3A_3115, %select_n3A_3157 : vector<16xf32>
        %get3A_3164 = arith.constant 3 : i32
        %get3A_3165 = arith.constant 0 : i32
        %get3A_3166 = arith.constant 0 : i32
        %get3A_3167 = arith.constant 0 : i32
        %get3A_3168 = arith.constant 0 : i32
        %get3A_3169 = arith.constant 0 : i32
        %get3A_3170 = tpu.memref_slice %run_scoped3A_77[%rem3A_308, %get3A_3166, %get3A_3167, %get3A_3168, %get3A_3169] : memref<2x9x1x16x128xf32, #tpu.memory_space<vmem>> -> memref<1x9x1x16x128xf32, #tpu.memory_space<vmem>>
        %get3A_3171 = tpu.memref_squeeze %get3A_3170 : memref<1x9x1x16x128xf32, #tpu.memory_space<vmem>> -> memref<9x1x16x128xf32, #tpu.memory_space<vmem>>
        %get3A_3172 = arith.index_cast %get3A_3164 : i32 to index
        %get3A_3173 = arith.index_cast %get3A_3165 : i32 to index
        %get3A_3174 = arith.index_cast %add3A_532 : i32 to index
        %get3A_3175 = arith.constant 80 : index
        %get3A_3176 = tpu.vector_load %get3A_3171[%get3A_3172, %get3A_3173, %get3A_3174, %get3A_3175] {strides = array<i32>} : memref<9x1x16x128xf32, #tpu.memory_space<vmem>>, vector<16xf32>,
        %get3A_3177 = arith.constant 3 : i32
        %get3A_3178 = arith.constant 0 : i32
        %get3A_3179 = arith.constant 0 : i32
        %get3A_3180 = arith.constant 0 : i32
        %get3A_3181 = arith.constant 0 : i32
        %get3A_3182 = arith.constant 0 : i32
        %get3A_3183 = tpu.memref_slice %run_scoped3A[%rem3A_306, %get3A_3179, %get3A_3180, %get3A_3181, %get3A_3182] : memref<2x9x1x16x128xf32, #tpu.memory_space<vmem>> -> memref<1x9x1x16x128xf32, #tpu.memory_space<vmem>>
        %get3A_3184 = tpu.memref_squeeze %get3A_3183 : memref<1x9x1x16x128xf32, #tpu.memory_space<vmem>> -> memref<9x1x16x128xf32, #tpu.memory_space<vmem>>
        %get3A_3185 = arith.index_cast %get3A_3177 : i32 to index
        %get3A_3186 = arith.index_cast %get3A_3178 : i32 to index
        %get3A_3187 = arith.index_cast %add3A_532 : i32 to index
        %get3A_3188 = arith.constant 80 : index
        %get3A_3189 = tpu.vector_load %get3A_3184[%get3A_3185, %get3A_3186, %get3A_3187, %get3A_3188] {strides = array<i32>} : memref<9x1x16x128xf32, #tpu.memory_space<vmem>>, vector<16xf32>,
        %gt3A_3190 = arith.constant 5.000000e-01 : f32
        %gt3A_3191 = vector.broadcast %gt3A_3190 : f32 to vector<16xf32>
        %gt3A_3192 = arith.cmpf ogt, %get3A_3176, %gt3A_3191 : vector<16xf32>
        %jit3A_3193 = arith.constant 1.000000e+00 : f32
        %jit3A_3194 = arith.constant 0.000000e+00 : f32
        %broadcast_in_dim3A_3195 = vector.broadcast %jit3A_3193 : f32 to vector<16xf32>
        %broadcast_in_dim3A_3196 = vector.broadcast %jit3A_3194 : f32 to vector<16xf32>
        %select_n3A_3197 = arith.select %gt3A_3192, %broadcast_in_dim3A_3195, %broadcast_in_dim3A_3196 : vector<16xi1>, vector<16xf32>
        %ne3A_3198 = arith.constant 0.000000e+00 : f32
        %ne3A_3199 = vector.broadcast %ne3A_3198 : f32 to vector<16xf32>
        %ne3A_3200 = arith.cmpf one, %get3A_3176, %ne3A_3199 : vector<16xf32>
        %jit3A_3201 = arith.constant 1.000000e+00 : f32
        %jit3A_3202 = arith.constant 0.000000e+00 : f32
        %broadcast_in_dim3A_3203 = vector.broadcast %jit3A_3201 : f32 to vector<16xf32>
        %broadcast_in_dim3A_3204 = vector.broadcast %jit3A_3202 : f32 to vector<16xf32>
        %select_n3A_3205 = arith.select %ne3A_3200, %broadcast_in_dim3A_3203, %broadcast_in_dim3A_3204 : vector<16xi1>, vector<16xf32>
        %mul3A_3206 = arith.mulf %get3A_3189, %select_n3A_3197 : vector<16xf32>
        %add3A_3207 = arith.addf %add3A_3159, %mul3A_3206 : vector<16xf32>
        %mul3A_3208 = arith.mulf %get3A_3189, %select_n3A_3205 : vector<16xf32>
        %add3A_3209 = arith.addf %add3A_3161, %mul3A_3208 : vector<16xf32>
        %add3A_3210 = arith.addf %add3A_3162, %select_n3A_3197 : vector<16xf32>
        %add3A_3211 = arith.addf %add3A_3163, %select_n3A_3205 : vector<16xf32>
        %get3A_3212 = arith.constant 4 : i32
        %get3A_3213 = arith.constant 0 : i32
        %get3A_3214 = arith.constant 0 : i32
        %get3A_3215 = arith.constant 0 : i32
        %get3A_3216 = arith.constant 0 : i32
        %get3A_3217 = arith.constant 0 : i32
        %get3A_3218 = tpu.memref_slice %run_scoped3A_77[%rem3A_308, %get3A_3214, %get3A_3215, %get3A_3216, %get3A_3217] : memref<2x9x1x16x128xf32, #tpu.memory_space<vmem>> -> memref<1x9x1x16x128xf32, #tpu.memory_space<vmem>>
        %get3A_3219 = tpu.memref_squeeze %get3A_3218 : memref<1x9x1x16x128xf32, #tpu.memory_space<vmem>> -> memref<9x1x16x128xf32, #tpu.memory_space<vmem>>
        %get3A_3220 = arith.index_cast %get3A_3212 : i32 to index
        %get3A_3221 = arith.index_cast %get3A_3213 : i32 to index
        %get3A_3222 = arith.index_cast %add3A_532 : i32 to index
        %get3A_3223 = arith.constant 80 : index
        %get3A_3224 = tpu.vector_load %get3A_3219[%get3A_3220, %get3A_3221, %get3A_3222, %get3A_3223] {strides = array<i32>} : memref<9x1x16x128xf32, #tpu.memory_space<vmem>>, vector<16xf32>,
        %get3A_3225 = arith.constant 4 : i32
        %get3A_3226 = arith.constant 0 : i32
        %get3A_3227 = arith.constant 0 : i32
        %get3A_3228 = arith.constant 0 : i32
        %get3A_3229 = arith.constant 0 : i32
        %get3A_3230 = arith.constant 0 : i32
        %get3A_3231 = tpu.memref_slice %run_scoped3A[%rem3A_306, %get3A_3227, %get3A_3228, %get3A_3229, %get3A_3230] : memref<2x9x1x16x128xf32, #tpu.memory_space<vmem>> -> memref<1x9x1x16x128xf32, #tpu.memory_space<vmem>>
        %get3A_3232 = tpu.memref_squeeze %get3A_3231 : memref<1x9x1x16x128xf32, #tpu.memory_space<vmem>> -> memref<9x1x16x128xf32, #tpu.memory_space<vmem>>
        %get3A_3233 = arith.index_cast %get3A_3225 : i32 to index
        %get3A_3234 = arith.index_cast %get3A_3226 : i32 to index
        %get3A_3235 = arith.index_cast %add3A_532 : i32 to index
        %get3A_3236 = arith.constant 80 : index
        %get3A_3237 = tpu.vector_load %get3A_3232[%get3A_3233, %get3A_3234, %get3A_3235, %get3A_3236] {strides = array<i32>} : memref<9x1x16x128xf32, #tpu.memory_space<vmem>>, vector<16xf32>,
        %gt3A_3238 = arith.constant 5.000000e-01 : f32
        %gt3A_3239 = vector.broadcast %gt3A_3238 : f32 to vector<16xf32>
        %gt3A_3240 = arith.cmpf ogt, %get3A_3224, %gt3A_3239 : vector<16xf32>
        %jit3A_3241 = arith.constant 1.000000e+00 : f32
        %jit3A_3242 = arith.constant 0.000000e+00 : f32
        %broadcast_in_dim3A_3243 = vector.broadcast %jit3A_3241 : f32 to vector<16xf32>
        %broadcast_in_dim3A_3244 = vector.broadcast %jit3A_3242 : f32 to vector<16xf32>
        %select_n3A_3245 = arith.select %gt3A_3240, %broadcast_in_dim3A_3243, %broadcast_in_dim3A_3244 : vector<16xi1>, vector<16xf32>
        %ne3A_3246 = arith.constant 0.000000e+00 : f32
        %ne3A_3247 = vector.broadcast %ne3A_3246 : f32 to vector<16xf32>
        %ne3A_3248 = arith.cmpf one, %get3A_3224, %ne3A_3247 : vector<16xf32>
        %jit3A_3249 = arith.constant 1.000000e+00 : f32
        %jit3A_3250 = arith.constant 0.000000e+00 : f32
        %broadcast_in_dim3A_3251 = vector.broadcast %jit3A_3249 : f32 to vector<16xf32>
        %broadcast_in_dim3A_3252 = vector.broadcast %jit3A_3250 : f32 to vector<16xf32>
        %select_n3A_3253 = arith.select %ne3A_3248, %broadcast_in_dim3A_3251, %broadcast_in_dim3A_3252 : vector<16xi1>, vector<16xf32>
        %mul3A_3254 = arith.mulf %get3A_3237, %select_n3A_3245 : vector<16xf32>
        %add3A_3255 = arith.addf %add3A_3207, %mul3A_3254 : vector<16xf32>
        %mul3A_3256 = arith.mulf %get3A_3237, %select_n3A_3253 : vector<16xf32>
        %add3A_3257 = arith.addf %add3A_3209, %mul3A_3256 : vector<16xf32>
        %add3A_3258 = arith.addf %add3A_3210, %select_n3A_3245 : vector<16xf32>
        %add3A_3259 = arith.addf %add3A_3211, %select_n3A_3253 : vector<16xf32>
        %get3A_3260 = arith.constant 5 : i32
        %get3A_3261 = arith.constant 0 : i32
        %get3A_3262 = arith.constant 0 : i32
        %get3A_3263 = arith.constant 0 : i32
        %get3A_3264 = arith.constant 0 : i32
        %get3A_3265 = arith.constant 0 : i32
        %get3A_3266 = tpu.memref_slice %run_scoped3A_77[%rem3A_308, %get3A_3262, %get3A_3263, %get3A_3264, %get3A_3265] : memref<2x9x1x16x128xf32, #tpu.memory_space<vmem>> -> memref<1x9x1x16x128xf32, #tpu.memory_space<vmem>>
        %get3A_3267 = tpu.memref_squeeze %get3A_3266 : memref<1x9x1x16x128xf32, #tpu.memory_space<vmem>> -> memref<9x1x16x128xf32, #tpu.memory_space<vmem>>
        %get3A_3268 = arith.index_cast %get3A_3260 : i32 to index
        %get3A_3269 = arith.index_cast %get3A_3261 : i32 to index
        %get3A_3270 = arith.index_cast %add3A_532 : i32 to index
        %get3A_3271 = arith.constant 80 : index
        %get3A_3272 = tpu.vector_load %get3A_3267[%get3A_3268, %get3A_3269, %get3A_3270, %get3A_3271] {strides = array<i32>} : memref<9x1x16x128xf32, #tpu.memory_space<vmem>>, vector<16xf32>,
        %get3A_3273 = arith.constant 5 : i32
        %get3A_3274 = arith.constant 0 : i32
        %get3A_3275 = arith.constant 0 : i32
        %get3A_3276 = arith.constant 0 : i32
        %get3A_3277 = arith.constant 0 : i32
        %get3A_3278 = arith.constant 0 : i32
        %get3A_3279 = tpu.memref_slice %run_scoped3A[%rem3A_306, %get3A_3275, %get3A_3276, %get3A_3277, %get3A_3278] : memref<2x9x1x16x128xf32, #tpu.memory_space<vmem>> -> memref<1x9x1x16x128xf32, #tpu.memory_space<vmem>>
        %get3A_3280 = tpu.memref_squeeze %get3A_3279 : memref<1x9x1x16x128xf32, #tpu.memory_space<vmem>> -> memref<9x1x16x128xf32, #tpu.memory_space<vmem>>
        %get3A_3281 = arith.index_cast %get3A_3273 : i32 to index
        %get3A_3282 = arith.index_cast %get3A_3274 : i32 to index
        %get3A_3283 = arith.index_cast %add3A_532 : i32 to index
        %get3A_3284 = arith.constant 80 : index
        %get3A_3285 = tpu.vector_load %get3A_3280[%get3A_3281, %get3A_3282, %get3A_3283, %get3A_3284] {strides = array<i32>} : memref<9x1x16x128xf32, #tpu.memory_space<vmem>>, vector<16xf32>,
        %gt3A_3286 = arith.constant 5.000000e-01 : f32
        %gt3A_3287 = vector.broadcast %gt3A_3286 : f32 to vector<16xf32>
        %gt3A_3288 = arith.cmpf ogt, %get3A_3272, %gt3A_3287 : vector<16xf32>
        %jit3A_3289 = arith.constant 1.000000e+00 : f32
        %jit3A_3290 = arith.constant 0.000000e+00 : f32
        %broadcast_in_dim3A_3291 = vector.broadcast %jit3A_3289 : f32 to vector<16xf32>
        %broadcast_in_dim3A_3292 = vector.broadcast %jit3A_3290 : f32 to vector<16xf32>
        %select_n3A_3293 = arith.select %gt3A_3288, %broadcast_in_dim3A_3291, %broadcast_in_dim3A_3292 : vector<16xi1>, vector<16xf32>
        %ne3A_3294 = arith.constant 0.000000e+00 : f32
        %ne3A_3295 = vector.broadcast %ne3A_3294 : f32 to vector<16xf32>
        %ne3A_3296 = arith.cmpf one, %get3A_3272, %ne3A_3295 : vector<16xf32>
        %jit3A_3297 = arith.constant 1.000000e+00 : f32
        %jit3A_3298 = arith.constant 0.000000e+00 : f32
        %broadcast_in_dim3A_3299 = vector.broadcast %jit3A_3297 : f32 to vector<16xf32>
        %broadcast_in_dim3A_3300 = vector.broadcast %jit3A_3298 : f32 to vector<16xf32>
        %select_n3A_3301 = arith.select %ne3A_3296, %broadcast_in_dim3A_3299, %broadcast_in_dim3A_3300 : vector<16xi1>, vector<16xf32>
        %mul3A_3302 = arith.mulf %get3A_3285, %select_n3A_3293 : vector<16xf32>
        %add3A_3303 = arith.addf %add3A_3255, %mul3A_3302 : vector<16xf32>
        %mul3A_3304 = arith.mulf %get3A_3285, %select_n3A_3301 : vector<16xf32>
        %add3A_3305 = arith.addf %add3A_3257, %mul3A_3304 : vector<16xf32>
        %add3A_3306 = arith.addf %add3A_3258, %select_n3A_3293 : vector<16xf32>
        %add3A_3307 = arith.addf %add3A_3259, %select_n3A_3301 : vector<16xf32>
        %get3A_3308 = arith.constant 6 : i32
        %get3A_3309 = arith.constant 0 : i32
        %get3A_3310 = arith.constant 0 : i32
        %get3A_3311 = arith.constant 0 : i32
        %get3A_3312 = arith.constant 0 : i32
        %get3A_3313 = arith.constant 0 : i32
        %get3A_3314 = tpu.memref_slice %run_scoped3A_77[%rem3A_308, %get3A_3310, %get3A_3311, %get3A_3312, %get3A_3313] : memref<2x9x1x16x128xf32, #tpu.memory_space<vmem>> -> memref<1x9x1x16x128xf32, #tpu.memory_space<vmem>>
        %get3A_3315 = tpu.memref_squeeze %get3A_3314 : memref<1x9x1x16x128xf32, #tpu.memory_space<vmem>> -> memref<9x1x16x128xf32, #tpu.memory_space<vmem>>
        %get3A_3316 = arith.index_cast %get3A_3308 : i32 to index
        %get3A_3317 = arith.index_cast %get3A_3309 : i32 to index
        %get3A_3318 = arith.index_cast %add3A_532 : i32 to index
        %get3A_3319 = arith.constant 80 : index
        %get3A_3320 = tpu.vector_load %get3A_3315[%get3A_3316, %get3A_3317, %get3A_3318, %get3A_3319] {strides = array<i32>} : memref<9x1x16x128xf32, #tpu.memory_space<vmem>>, vector<16xf32>,
        %get3A_3321 = arith.constant 6 : i32
        %get3A_3322 = arith.constant 0 : i32
        %get3A_3323 = arith.constant 0 : i32
        %get3A_3324 = arith.constant 0 : i32
        %get3A_3325 = arith.constant 0 : i32
        %get3A_3326 = arith.constant 0 : i32
        %get3A_3327 = tpu.memref_slice %run_scoped3A[%rem3A_306, %get3A_3323, %get3A_3324, %get3A_3325, %get3A_3326] : memref<2x9x1x16x128xf32, #tpu.memory_space<vmem>> -> memref<1x9x1x16x128xf32, #tpu.memory_space<vmem>>
        %get3A_3328 = tpu.memref_squeeze %get3A_3327 : memref<1x9x1x16x128xf32, #tpu.memory_space<vmem>> -> memref<9x1x16x128xf32, #tpu.memory_space<vmem>>
        %get3A_3329 = arith.index_cast %get3A_3321 : i32 to index
        %get3A_3330 = arith.index_cast %get3A_3322 : i32 to index
        %get3A_3331 = arith.index_cast %add3A_532 : i32 to index
        %get3A_3332 = arith.constant 80 : index
        %get3A_3333 = tpu.vector_load %get3A_3328[%get3A_3329, %get3A_3330, %get3A_3331, %get3A_3332] {strides = array<i32>} : memref<9x1x16x128xf32, #tpu.memory_space<vmem>>, vector<16xf32>,
        %gt3A_3334 = arith.constant 5.000000e-01 : f32
        %gt3A_3335 = vector.broadcast %gt3A_3334 : f32 to vector<16xf32>
        %gt3A_3336 = arith.cmpf ogt, %get3A_3320, %gt3A_3335 : vector<16xf32>
        %jit3A_3337 = arith.constant 1.000000e+00 : f32
        %jit3A_3338 = arith.constant 0.000000e+00 : f32
        %broadcast_in_dim3A_3339 = vector.broadcast %jit3A_3337 : f32 to vector<16xf32>
        %broadcast_in_dim3A_3340 = vector.broadcast %jit3A_3338 : f32 to vector<16xf32>
        %select_n3A_3341 = arith.select %gt3A_3336, %broadcast_in_dim3A_3339, %broadcast_in_dim3A_3340 : vector<16xi1>, vector<16xf32>
        %ne3A_3342 = arith.constant 0.000000e+00 : f32
        %ne3A_3343 = vector.broadcast %ne3A_3342 : f32 to vector<16xf32>
        %ne3A_3344 = arith.cmpf one, %get3A_3320, %ne3A_3343 : vector<16xf32>
        %jit3A_3345 = arith.constant 1.000000e+00 : f32
        %jit3A_3346 = arith.constant 0.000000e+00 : f32
        %broadcast_in_dim3A_3347 = vector.broadcast %jit3A_3345 : f32 to vector<16xf32>
        %broadcast_in_dim3A_3348 = vector.broadcast %jit3A_3346 : f32 to vector<16xf32>
        %select_n3A_3349 = arith.select %ne3A_3344, %broadcast_in_dim3A_3347, %broadcast_in_dim3A_3348 : vector<16xi1>, vector<16xf32>
        %mul3A_3350 = arith.mulf %get3A_3333, %select_n3A_3341 : vector<16xf32>
        %add3A_3351 = arith.addf %add3A_3303, %mul3A_3350 : vector<16xf32>
        %mul3A_3352 = arith.mulf %get3A_3333, %select_n3A_3349 : vector<16xf32>
        %add3A_3353 = arith.addf %add3A_3305, %mul3A_3352 : vector<16xf32>
        %add3A_3354 = arith.addf %add3A_3306, %select_n3A_3341 : vector<16xf32>
        %add3A_3355 = arith.addf %add3A_3307, %select_n3A_3349 : vector<16xf32>
        %get3A_3356 = arith.constant 7 : i32
        %get3A_3357 = arith.constant 0 : i32
        %get3A_3358 = arith.constant 0 : i32
        %get3A_3359 = arith.constant 0 : i32
        %get3A_3360 = arith.constant 0 : i32
        %get3A_3361 = arith.constant 0 : i32
        %get3A_3362 = tpu.memref_slice %run_scoped3A_77[%rem3A_308, %get3A_3358, %get3A_3359, %get3A_3360, %get3A_3361] : memref<2x9x1x16x128xf32, #tpu.memory_space<vmem>> -> memref<1x9x1x16x128xf32, #tpu.memory_space<vmem>>
        %get3A_3363 = tpu.memref_squeeze %get3A_3362 : memref<1x9x1x16x128xf32, #tpu.memory_space<vmem>> -> memref<9x1x16x128xf32, #tpu.memory_space<vmem>>
        %get3A_3364 = arith.index_cast %get3A_3356 : i32 to index
        %get3A_3365 = arith.index_cast %get3A_3357 : i32 to index
        %get3A_3366 = arith.index_cast %add3A_532 : i32 to index
        %get3A_3367 = arith.constant 80 : index
        %get3A_3368 = tpu.vector_load %get3A_3363[%get3A_3364, %get3A_3365, %get3A_3366, %get3A_3367] {strides = array<i32>} : memref<9x1x16x128xf32, #tpu.memory_space<vmem>>, vector<16xf32>,
        %get3A_3369 = arith.constant 7 : i32
        %get3A_3370 = arith.constant 0 : i32
        %get3A_3371 = arith.constant 0 : i32
        %get3A_3372 = arith.constant 0 : i32
        %get3A_3373 = arith.constant 0 : i32
        %get3A_3374 = arith.constant 0 : i32
        %get3A_3375 = tpu.memref_slice %run_scoped3A[%rem3A_306, %get3A_3371, %get3A_3372, %get3A_3373, %get3A_3374] : memref<2x9x1x16x128xf32, #tpu.memory_space<vmem>> -> memref<1x9x1x16x128xf32, #tpu.memory_space<vmem>>
        %get3A_3376 = tpu.memref_squeeze %get3A_3375 : memref<1x9x1x16x128xf32, #tpu.memory_space<vmem>> -> memref<9x1x16x128xf32, #tpu.memory_space<vmem>>
        %get3A_3377 = arith.index_cast %get3A_3369 : i32 to index
        %get3A_3378 = arith.index_cast %get3A_3370 : i32 to index
        %get3A_3379 = arith.index_cast %add3A_532 : i32 to index
        %get3A_3380 = arith.constant 80 : index
        %get3A_3381 = tpu.vector_load %get3A_3376[%get3A_3377, %get3A_3378, %get3A_3379, %get3A_3380] {strides = array<i32>} : memref<9x1x16x128xf32, #tpu.memory_space<vmem>>, vector<16xf32>,
        %gt3A_3382 = arith.constant 5.000000e-01 : f32
        %gt3A_3383 = vector.broadcast %gt3A_3382 : f32 to vector<16xf32>
        %gt3A_3384 = arith.cmpf ogt, %get3A_3368, %gt3A_3383 : vector<16xf32>
        %jit3A_3385 = arith.constant 1.000000e+00 : f32
        %jit3A_3386 = arith.constant 0.000000e+00 : f32
        %broadcast_in_dim3A_3387 = vector.broadcast %jit3A_3385 : f32 to vector<16xf32>
        %broadcast_in_dim3A_3388 = vector.broadcast %jit3A_3386 : f32 to vector<16xf32>
        %select_n3A_3389 = arith.select %gt3A_3384, %broadcast_in_dim3A_3387, %broadcast_in_dim3A_3388 : vector<16xi1>, vector<16xf32>
        %ne3A_3390 = arith.constant 0.000000e+00 : f32
        %ne3A_3391 = vector.broadcast %ne3A_3390 : f32 to vector<16xf32>
        %ne3A_3392 = arith.cmpf one, %get3A_3368, %ne3A_3391 : vector<16xf32>
        %jit3A_3393 = arith.constant 1.000000e+00 : f32
        %jit3A_3394 = arith.constant 0.000000e+00 : f32
        %broadcast_in_dim3A_3395 = vector.broadcast %jit3A_3393 : f32 to vector<16xf32>
        %broadcast_in_dim3A_3396 = vector.broadcast %jit3A_3394 : f32 to vector<16xf32>
        %select_n3A_3397 = arith.select %ne3A_3392, %broadcast_in_dim3A_3395, %broadcast_in_dim3A_3396 : vector<16xi1>, vector<16xf32>
        %mul3A_3398 = arith.mulf %get3A_3381, %select_n3A_3389 : vector<16xf32>
        %add3A_3399 = arith.addf %add3A_3351, %mul3A_3398 : vector<16xf32>
        %mul3A_3400 = arith.mulf %get3A_3381, %select_n3A_3397 : vector<16xf32>
        %add3A_3401 = arith.addf %add3A_3353, %mul3A_3400 : vector<16xf32>
        %add3A_3402 = arith.addf %add3A_3354, %select_n3A_3389 : vector<16xf32>
        %add3A_3403 = arith.addf %add3A_3355, %select_n3A_3397 : vector<16xf32>
        %get3A_3404 = arith.constant 8 : i32
        %get3A_3405 = arith.constant 0 : i32
        %get3A_3406 = arith.constant 0 : i32
        %get3A_3407 = arith.constant 0 : i32
        %get3A_3408 = arith.constant 0 : i32
        %get3A_3409 = arith.constant 0 : i32
        %get3A_3410 = tpu.memref_slice %run_scoped3A_77[%rem3A_308, %get3A_3406, %get3A_3407, %get3A_3408, %get3A_3409] : memref<2x9x1x16x128xf32, #tpu.memory_space<vmem>> -> memref<1x9x1x16x128xf32, #tpu.memory_space<vmem>>
        %get3A_3411 = tpu.memref_squeeze %get3A_3410 : memref<1x9x1x16x128xf32, #tpu.memory_space<vmem>> -> memref<9x1x16x128xf32, #tpu.memory_space<vmem>>
        %get3A_3412 = arith.index_cast %get3A_3404 : i32 to index
        %get3A_3413 = arith.index_cast %get3A_3405 : i32 to index
        %get3A_3414 = arith.index_cast %add3A_532 : i32 to index
        %get3A_3415 = arith.constant 80 : index
        %get3A_3416 = tpu.vector_load %get3A_3411[%get3A_3412, %get3A_3413, %get3A_3414, %get3A_3415] {strides = array<i32>} : memref<9x1x16x128xf32, #tpu.memory_space<vmem>>, vector<16xf32>,
        %get3A_3417 = arith.constant 8 : i32
        %get3A_3418 = arith.constant 0 : i32
        %get3A_3419 = arith.constant 0 : i32
        %get3A_3420 = arith.constant 0 : i32
        %get3A_3421 = arith.constant 0 : i32
        %get3A_3422 = arith.constant 0 : i32
        %get3A_3423 = tpu.memref_slice %run_scoped3A[%rem3A_306, %get3A_3419, %get3A_3420, %get3A_3421, %get3A_3422] : memref<2x9x1x16x128xf32, #tpu.memory_space<vmem>> -> memref<1x9x1x16x128xf32, #tpu.memory_space<vmem>>
        %get3A_3424 = tpu.memref_squeeze %get3A_3423 : memref<1x9x1x16x128xf32, #tpu.memory_space<vmem>> -> memref<9x1x16x128xf32, #tpu.memory_space<vmem>>
        %get3A_3425 = arith.index_cast %get3A_3417 : i32 to index
        %get3A_3426 = arith.index_cast %get3A_3418 : i32 to index
        %get3A_3427 = arith.index_cast %add3A_532 : i32 to index
        %get3A_3428 = arith.constant 80 : index
        %get3A_3429 = tpu.vector_load %get3A_3424[%get3A_3425, %get3A_3426, %get3A_3427, %get3A_3428] {strides = array<i32>} : memref<9x1x16x128xf32, #tpu.memory_space<vmem>>, vector<16xf32>,
        %gt3A_3430 = arith.constant 5.000000e-01 : f32
        %gt3A_3431 = vector.broadcast %gt3A_3430 : f32 to vector<16xf32>
        %gt3A_3432 = arith.cmpf ogt, %get3A_3416, %gt3A_3431 : vector<16xf32>
        %jit3A_3433 = arith.constant 1.000000e+00 : f32
        %jit3A_3434 = arith.constant 0.000000e+00 : f32
        %broadcast_in_dim3A_3435 = vector.broadcast %jit3A_3433 : f32 to vector<16xf32>
        %broadcast_in_dim3A_3436 = vector.broadcast %jit3A_3434 : f32 to vector<16xf32>
        %select_n3A_3437 = arith.select %gt3A_3432, %broadcast_in_dim3A_3435, %broadcast_in_dim3A_3436 : vector<16xi1>, vector<16xf32>
        %ne3A_3438 = arith.constant 0.000000e+00 : f32
        %ne3A_3439 = vector.broadcast %ne3A_3438 : f32 to vector<16xf32>
        %ne3A_3440 = arith.cmpf one, %get3A_3416, %ne3A_3439 : vector<16xf32>
        %jit3A_3441 = arith.constant 1.000000e+00 : f32
        %jit3A_3442 = arith.constant 0.000000e+00 : f32
        %broadcast_in_dim3A_3443 = vector.broadcast %jit3A_3441 : f32 to vector<16xf32>
        %broadcast_in_dim3A_3444 = vector.broadcast %jit3A_3442 : f32 to vector<16xf32>
        %select_n3A_3445 = arith.select %ne3A_3440, %broadcast_in_dim3A_3443, %broadcast_in_dim3A_3444 : vector<16xi1>, vector<16xf32>
        %mul3A_3446 = arith.mulf %get3A_3429, %select_n3A_3437 : vector<16xf32>
        %add3A_3447 = arith.addf %add3A_3399, %mul3A_3446 : vector<16xf32>
        %mul3A_3448 = arith.mulf %get3A_3429, %select_n3A_3445 : vector<16xf32>
        %add3A_3449 = arith.addf %add3A_3401, %mul3A_3448 : vector<16xf32>
        %add3A_3450 = arith.addf %add3A_3402, %select_n3A_3437 : vector<16xf32>
        %add3A_3451 = arith.addf %add3A_3403, %select_n3A_3445 : vector<16xf32>
        %sub3A_3452 = arith.subf %add3A_3449, %add3A_3447 : vector<16xf32>
        %sub3A_3453 = arith.subf %add3A_3451, %add3A_3450 : vector<16xf32>
        %max3A_3454 = arith.constant 1.000000e+00 : f32
        %max3A_3455 = vector.broadcast %max3A_3454 : f32 to vector<16xf32>
        %max3A_3456 = arith.maximumf %add3A_3450, %max3A_3455 : vector<16xf32>
        %max3A_3457 = arith.constant 1.000000e+00 : f32
        %max3A_3458 = vector.broadcast %max3A_3457 : f32 to vector<16xf32>
        %max3A_3459 = arith.maximumf %sub3A_3453, %max3A_3458 : vector<16xf32>
        %gt3A_3460 = arith.constant 0.000000e+00 : f32
        %gt3A_3461 = vector.broadcast %gt3A_3460 : f32 to vector<16xf32>
        %gt3A_3462 = arith.cmpf ogt, %add3A_3450, %gt3A_3461 : vector<16xf32>
        %gt3A_3463 = arith.constant 0.000000e+00 : f32
        %gt3A_3464 = vector.broadcast %gt3A_3463 : f32 to vector<16xf32>
        %gt3A_3465 = arith.cmpf ogt, %sub3A_3453, %gt3A_3464 : vector<16xf32>
        %and3A_3466 = arith.andi %gt3A_3462, %gt3A_3465 : vector<16xi1>
        %mul3A_3467 = arith.mulf %add3A_3447, %max3A_3459 : vector<16xf32>
        %mul3A_3468 = arith.mulf %sub3A_3452, %max3A_3456 : vector<16xf32>
        %gt3A_3469 = arith.cmpf ogt, %mul3A_3467, %mul3A_3468 : vector<16xf32>
        %jit3A_3470 = arith.constant 0.000000e+00 : f32
        %jit3A_3471 = arith.constant 1.000000e+00 : f32
        %broadcast_in_dim3A_3472 = vector.broadcast %jit3A_3470 : f32 to vector<16xf32>
        %broadcast_in_dim3A_3473 = vector.broadcast %jit3A_3471 : f32 to vector<16xf32>
        %select_n3A_3474 = arith.select %gt3A_3469, %broadcast_in_dim3A_3472, %broadcast_in_dim3A_3473 : vector<16xi1>, vector<16xf32>
        %jit3A_3475 = arith.constant 2.000000e+00 : f32
        %broadcast_in_dim3A_3476 = vector.broadcast %jit3A_3475 : f32 to vector<16xf32>
        %select_n3A_3477 = arith.select %and3A_3466, %select_n3A_3474, %broadcast_in_dim3A_3476 : vector<16xi1>, vector<16xf32>
        %eq3A_3478 = arith.constant 0.000000e+00 : f32
        %eq3A_3479 = vector.broadcast %eq3A_3478 : f32 to vector<16xf32>
        %eq3A_3480 = arith.cmpf oeq, %select_n3A_3477, %eq3A_3479 : vector<16xf32>
        %broadcast_in_dim3A_3481 = arith.constant 0.000000e+00 : f32
        %broadcast_in_dim3A_3482 = vector.broadcast %broadcast_in_dim3A_3481 : f32 to vector<16xf32>
        %broadcast_in_dim3A_3483 = arith.constant 1.000000e+00 : f32
        %broadcast_in_dim3A_3484 = vector.broadcast %broadcast_in_dim3A_3483 : f32 to vector<16xf32>
        %select_n3A_3485 = arith.select %eq3A_3480, %get3A_3237, %broadcast_in_dim3A_3482 : vector<16xi1>, vector<16xf32>
        %select_n3A_3486 = arith.select %eq3A_3480, %broadcast_in_dim3A_3484, %broadcast_in_dim3A_3482 : vector<16xi1>, vector<16xf32>
        %select_n3A_3487 = arith.select %eq3A_3480, %broadcast_in_dim3A_3482, %get3A_3237 : vector<16xi1>, vector<16xf32>
        %select_n3A_3488 = arith.select %eq3A_3480, %broadcast_in_dim3A_3482, %broadcast_in_dim3A_3484 : vector<16xi1>, vector<16xf32>
        %swap3A_3489 = tpu.memref_slice %run_scoped3A_79[%mul3A_312] : memref<4096xf32, #tpu.memory_space<vmem>> -> memref<2048xf32, #tpu.memory_space<vmem>>
        %swap3A_3490 = arith.index_cast %add3A_3017 : i32 to index
        %swap3A_3491 = tpu.vector_load %swap3A_3489[%swap3A_3490] {strides = array<i32>} : memref<2048xf32, #tpu.memory_space<vmem>>, vector<16xf32>,
        tpu.vector_store %swap3A_3489[%swap3A_3490], %select_n3A_3477 {strides = array<i32>} : memref<2048xf32, #tpu.memory_space<vmem>>, vector<16xf32>,
        %swap3A_3492 = tpu.memref_slice %run_scoped3A_81[%mul3A_316] : memref<4096xf32, #tpu.memory_space<vmem>> -> memref<2048xf32, #tpu.memory_space<vmem>>
        %swap3A_3493 = arith.index_cast %add3A_3017 : i32 to index
        %swap3A_3494 = tpu.vector_load %swap3A_3492[%swap3A_3493] {strides = array<i32>} : memref<2048xf32, #tpu.memory_space<vmem>>, vector<16xf32>,
        tpu.vector_store %swap3A_3492[%swap3A_3493], %get3A_3237 {strides = array<i32>} : memref<2048xf32, #tpu.memory_space<vmem>>, vector<16xf32>,
        %swap3A_3495 = arith.constant 0 : i32
        %swap3A_3496 = arith.index_cast %swap3A_3495 : i32 to index
        %swap3A_3497 = arith.constant 0 : index
        %swap3A_3498 = tpu.vector_load %arg7[%swap3A_3496, %swap3A_3497] {strides = array<i32>} : memref<2x128xf32, #tpu.memory_space<vmem>>, vector<16xf32>,
        tpu.vector_store %arg7[%swap3A_3496, %swap3A_3497], %select_n3A_3485 {add = true, strides = array<i32>} : memref<2x128xf32, #tpu.memory_space<vmem>>, vector<16xf32>,
        %swap3A_3499 = arith.constant 0 : i32
        %swap3A_3500 = arith.index_cast %swap3A_3499 : i32 to index
        %swap3A_3501 = arith.constant 16 : index
        %swap3A_3502 = tpu.vector_load %arg7[%swap3A_3500, %swap3A_3501] {strides = array<i32>} : memref<2x128xf32, #tpu.memory_space<vmem>>, vector<16xf32>,
        tpu.vector_store %arg7[%swap3A_3500, %swap3A_3501], %select_n3A_3486 {add = true, strides = array<i32>} : memref<2x128xf32, #tpu.memory_space<vmem>>, vector<16xf32>,
        %swap3A_3503 = arith.constant 0 : i32
        %swap3A_3504 = arith.index_cast %swap3A_3503 : i32 to index
        %swap3A_3505 = arith.constant 32 : index
        %swap3A_3506 = tpu.vector_load %arg7[%swap3A_3504, %swap3A_3505] {strides = array<i32>} : memref<2x128xf32, #tpu.memory_space<vmem>>, vector<16xf32>,
        tpu.vector_store %arg7[%swap3A_3504, %swap3A_3505], %select_n3A_3487 {add = true, strides = array<i32>} : memref<2x128xf32, #tpu.memory_space<vmem>>, vector<16xf32>,
        %swap3A_3507 = arith.constant 0 : i32
        %swap3A_3508 = arith.index_cast %swap3A_3507 : i32 to index
        %swap3A_3509 = arith.constant 48 : index
        %swap3A_3510 = tpu.vector_load %arg7[%swap3A_3508, %swap3A_3509] {strides = array<i32>} : memref<2x128xf32, #tpu.memory_space<vmem>>, vector<16xf32>,
        tpu.vector_store %arg7[%swap3A_3508, %swap3A_3509], %select_n3A_3488 {add = true, strides = array<i32>} : memref<2x128xf32, #tpu.memory_space<vmem>>, vector<16xf32>,
        %mul3A_3511 = arith.constant 128 : i32
        %mul3A_3512 = arith.muli %add3A_532, %mul3A_3511 : i32
        %add3A_3513 = arith.constant 96 : i32
        %add3A_3514 = arith.addi %mul3A_3512, %add3A_3513 : i32
        %broadcast_in_dim3A_3515 = arith.constant 0.000000e+00 : f32
        %broadcast_in_dim3A_3516 = vector.broadcast %broadcast_in_dim3A_3515 : f32 to vector<16xf32>
        %get3A_3517 = arith.constant 0 : i32
        %get3A_3518 = arith.constant 0 : i32
        %get3A_3519 = arith.constant 0 : i32
        %get3A_3520 = arith.constant 0 : i32
        %get3A_3521 = arith.constant 0 : i32
        %get3A_3522 = arith.constant 0 : i32
        %get3A_3523 = tpu.memref_slice %run_scoped3A_77[%rem3A_308, %get3A_3519, %get3A_3520, %get3A_3521, %get3A_3522] : memref<2x9x1x16x128xf32, #tpu.memory_space<vmem>> -> memref<1x9x1x16x128xf32, #tpu.memory_space<vmem>>
        %get3A_3524 = tpu.memref_squeeze %get3A_3523 : memref<1x9x1x16x128xf32, #tpu.memory_space<vmem>> -> memref<9x1x16x128xf32, #tpu.memory_space<vmem>>
        %get3A_3525 = arith.index_cast %get3A_3517 : i32 to index
        %get3A_3526 = arith.index_cast %get3A_3518 : i32 to index
        %get3A_3527 = arith.index_cast %add3A_532 : i32 to index
        %get3A_3528 = arith.constant 96 : index
        %get3A_3529 = tpu.vector_load %get3A_3524[%get3A_3525, %get3A_3526, %get3A_3527, %get3A_3528] {strides = array<i32>} : memref<9x1x16x128xf32, #tpu.memory_space<vmem>>, vector<16xf32>,
        %get3A_3530 = arith.constant 0 : i32
        %get3A_3531 = arith.constant 0 : i32
        %get3A_3532 = arith.constant 0 : i32
        %get3A_3533 = arith.constant 0 : i32
        %get3A_3534 = arith.constant 0 : i32
        %get3A_3535 = arith.constant 0 : i32
        %get3A_3536 = tpu.memref_slice %run_scoped3A[%rem3A_306, %get3A_3532, %get3A_3533, %get3A_3534, %get3A_3535] : memref<2x9x1x16x128xf32, #tpu.memory_space<vmem>> -> memref<1x9x1x16x128xf32, #tpu.memory_space<vmem>>
        %get3A_3537 = tpu.memref_squeeze %get3A_3536 : memref<1x9x1x16x128xf32, #tpu.memory_space<vmem>> -> memref<9x1x16x128xf32, #tpu.memory_space<vmem>>
        %get3A_3538 = arith.index_cast %get3A_3530 : i32 to index
        %get3A_3539 = arith.index_cast %get3A_3531 : i32 to index
        %get3A_3540 = arith.index_cast %add3A_532 : i32 to index
        %get3A_3541 = arith.constant 96 : index
        %get3A_3542 = tpu.vector_load %get3A_3537[%get3A_3538, %get3A_3539, %get3A_3540, %get3A_3541] {strides = array<i32>} : memref<9x1x16x128xf32, #tpu.memory_space<vmem>>, vector<16xf32>,
        %gt3A_3543 = arith.constant 5.000000e-01 : f32
        %gt3A_3544 = vector.broadcast %gt3A_3543 : f32 to vector<16xf32>
        %gt3A_3545 = arith.cmpf ogt, %get3A_3529, %gt3A_3544 : vector<16xf32>
        %jit3A_3546 = arith.constant 1.000000e+00 : f32
        %jit3A_3547 = arith.constant 0.000000e+00 : f32
        %broadcast_in_dim3A_3548 = vector.broadcast %jit3A_3546 : f32 to vector<16xf32>
        %broadcast_in_dim3A_3549 = vector.broadcast %jit3A_3547 : f32 to vector<16xf32>
        %select_n3A_3550 = arith.select %gt3A_3545, %broadcast_in_dim3A_3548, %broadcast_in_dim3A_3549 : vector<16xi1>, vector<16xf32>
        %ne3A_3551 = arith.constant 0.000000e+00 : f32
        %ne3A_3552 = vector.broadcast %ne3A_3551 : f32 to vector<16xf32>
        %ne3A_3553 = arith.cmpf one, %get3A_3529, %ne3A_3552 : vector<16xf32>
        %jit3A_3554 = arith.constant 1.000000e+00 : f32
        %jit3A_3555 = arith.constant 0.000000e+00 : f32
        %broadcast_in_dim3A_3556 = vector.broadcast %jit3A_3554 : f32 to vector<16xf32>
        %broadcast_in_dim3A_3557 = vector.broadcast %jit3A_3555 : f32 to vector<16xf32>
        %select_n3A_3558 = arith.select %ne3A_3553, %broadcast_in_dim3A_3556, %broadcast_in_dim3A_3557 : vector<16xi1>, vector<16xf32>
        %mul3A_3559 = arith.mulf %get3A_3542, %select_n3A_3550 : vector<16xf32>
        %add3A_3560 = arith.addf %broadcast_in_dim3A_3516, %mul3A_3559 : vector<16xf32>
        %mul3A_3561 = arith.mulf %get3A_3542, %select_n3A_3558 : vector<16xf32>
        %add3A_3562 = arith.addf %broadcast_in_dim3A_3516, %mul3A_3561 : vector<16xf32>
        %add3A_3563 = arith.addf %broadcast_in_dim3A_3516, %select_n3A_3550 : vector<16xf32>
        %add3A_3564 = arith.addf %broadcast_in_dim3A_3516, %select_n3A_3558 : vector<16xf32>
        %get3A_3565 = arith.constant 1 : i32
        %get3A_3566 = arith.constant 0 : i32
        %get3A_3567 = arith.constant 0 : i32
        %get3A_3568 = arith.constant 0 : i32
        %get3A_3569 = arith.constant 0 : i32
        %get3A_3570 = arith.constant 0 : i32
        %get3A_3571 = tpu.memref_slice %run_scoped3A_77[%rem3A_308, %get3A_3567, %get3A_3568, %get3A_3569, %get3A_3570] : memref<2x9x1x16x128xf32, #tpu.memory_space<vmem>> -> memref<1x9x1x16x128xf32, #tpu.memory_space<vmem>>
        %get3A_3572 = tpu.memref_squeeze %get3A_3571 : memref<1x9x1x16x128xf32, #tpu.memory_space<vmem>> -> memref<9x1x16x128xf32, #tpu.memory_space<vmem>>
        %get3A_3573 = arith.index_cast %get3A_3565 : i32 to index
        %get3A_3574 = arith.index_cast %get3A_3566 : i32 to index
        %get3A_3575 = arith.index_cast %add3A_532 : i32 to index
        %get3A_3576 = arith.constant 96 : index
        %get3A_3577 = tpu.vector_load %get3A_3572[%get3A_3573, %get3A_3574, %get3A_3575, %get3A_3576] {strides = array<i32>} : memref<9x1x16x128xf32, #tpu.memory_space<vmem>>, vector<16xf32>,
        %get3A_3578 = arith.constant 1 : i32
        %get3A_3579 = arith.constant 0 : i32
        %get3A_3580 = arith.constant 0 : i32
        %get3A_3581 = arith.constant 0 : i32
        %get3A_3582 = arith.constant 0 : i32
        %get3A_3583 = arith.constant 0 : i32
        %get3A_3584 = tpu.memref_slice %run_scoped3A[%rem3A_306, %get3A_3580, %get3A_3581, %get3A_3582, %get3A_3583] : memref<2x9x1x16x128xf32, #tpu.memory_space<vmem>> -> memref<1x9x1x16x128xf32, #tpu.memory_space<vmem>>
        %get3A_3585 = tpu.memref_squeeze %get3A_3584 : memref<1x9x1x16x128xf32, #tpu.memory_space<vmem>> -> memref<9x1x16x128xf32, #tpu.memory_space<vmem>>
        %get3A_3586 = arith.index_cast %get3A_3578 : i32 to index
        %get3A_3587 = arith.index_cast %get3A_3579 : i32 to index
        %get3A_3588 = arith.index_cast %add3A_532 : i32 to index
        %get3A_3589 = arith.constant 96 : index
        %get3A_3590 = tpu.vector_load %get3A_3585[%get3A_3586, %get3A_3587, %get3A_3588, %get3A_3589] {strides = array<i32>} : memref<9x1x16x128xf32, #tpu.memory_space<vmem>>, vector<16xf32>,
        %gt3A_3591 = arith.constant 5.000000e-01 : f32
        %gt3A_3592 = vector.broadcast %gt3A_3591 : f32 to vector<16xf32>
        %gt3A_3593 = arith.cmpf ogt, %get3A_3577, %gt3A_3592 : vector<16xf32>
        %jit3A_3594 = arith.constant 1.000000e+00 : f32
        %jit3A_3595 = arith.constant 0.000000e+00 : f32
        %broadcast_in_dim3A_3596 = vector.broadcast %jit3A_3594 : f32 to vector<16xf32>
        %broadcast_in_dim3A_3597 = vector.broadcast %jit3A_3595 : f32 to vector<16xf32>
        %select_n3A_3598 = arith.select %gt3A_3593, %broadcast_in_dim3A_3596, %broadcast_in_dim3A_3597 : vector<16xi1>, vector<16xf32>
        %ne3A_3599 = arith.constant 0.000000e+00 : f32
        %ne3A_3600 = vector.broadcast %ne3A_3599 : f32 to vector<16xf32>
        %ne3A_3601 = arith.cmpf one, %get3A_3577, %ne3A_3600 : vector<16xf32>
        %jit3A_3602 = arith.constant 1.000000e+00 : f32
        %jit3A_3603 = arith.constant 0.000000e+00 : f32
        %broadcast_in_dim3A_3604 = vector.broadcast %jit3A_3602 : f32 to vector<16xf32>
        %broadcast_in_dim3A_3605 = vector.broadcast %jit3A_3603 : f32 to vector<16xf32>
        %select_n3A_3606 = arith.select %ne3A_3601, %broadcast_in_dim3A_3604, %broadcast_in_dim3A_3605 : vector<16xi1>, vector<16xf32>
        %mul3A_3607 = arith.mulf %get3A_3590, %select_n3A_3598 : vector<16xf32>
        %add3A_3608 = arith.addf %add3A_3560, %mul3A_3607 : vector<16xf32>
        %mul3A_3609 = arith.mulf %get3A_3590, %select_n3A_3606 : vector<16xf32>
        %add3A_3610 = arith.addf %add3A_3562, %mul3A_3609 : vector<16xf32>
        %add3A_3611 = arith.addf %add3A_3563, %select_n3A_3598 : vector<16xf32>
        %add3A_3612 = arith.addf %add3A_3564, %select_n3A_3606 : vector<16xf32>
        %get3A_3613 = arith.constant 2 : i32
        %get3A_3614 = arith.constant 0 : i32
        %get3A_3615 = arith.constant 0 : i32
        %get3A_3616 = arith.constant 0 : i32
        %get3A_3617 = arith.constant 0 : i32
        %get3A_3618 = arith.constant 0 : i32
        %get3A_3619 = tpu.memref_slice %run_scoped3A_77[%rem3A_308, %get3A_3615, %get3A_3616, %get3A_3617, %get3A_3618] : memref<2x9x1x16x128xf32, #tpu.memory_space<vmem>> -> memref<1x9x1x16x128xf32, #tpu.memory_space<vmem>>
        %get3A_3620 = tpu.memref_squeeze %get3A_3619 : memref<1x9x1x16x128xf32, #tpu.memory_space<vmem>> -> memref<9x1x16x128xf32, #tpu.memory_space<vmem>>
        %get3A_3621 = arith.index_cast %get3A_3613 : i32 to index
        %get3A_3622 = arith.index_cast %get3A_3614 : i32 to index
        %get3A_3623 = arith.index_cast %add3A_532 : i32 to index
        %get3A_3624 = arith.constant 96 : index
        %get3A_3625 = tpu.vector_load %get3A_3620[%get3A_3621, %get3A_3622, %get3A_3623, %get3A_3624] {strides = array<i32>} : memref<9x1x16x128xf32, #tpu.memory_space<vmem>>, vector<16xf32>,
        %get3A_3626 = arith.constant 2 : i32
        %get3A_3627 = arith.constant 0 : i32
        %get3A_3628 = arith.constant 0 : i32
        %get3A_3629 = arith.constant 0 : i32
        %get3A_3630 = arith.constant 0 : i32
        %get3A_3631 = arith.constant 0 : i32
        %get3A_3632 = tpu.memref_slice %run_scoped3A[%rem3A_306, %get3A_3628, %get3A_3629, %get3A_3630, %get3A_3631] : memref<2x9x1x16x128xf32, #tpu.memory_space<vmem>> -> memref<1x9x1x16x128xf32, #tpu.memory_space<vmem>>
        %get3A_3633 = tpu.memref_squeeze %get3A_3632 : memref<1x9x1x16x128xf32, #tpu.memory_space<vmem>> -> memref<9x1x16x128xf32, #tpu.memory_space<vmem>>
        %get3A_3634 = arith.index_cast %get3A_3626 : i32 to index
        %get3A_3635 = arith.index_cast %get3A_3627 : i32 to index
        %get3A_3636 = arith.index_cast %add3A_532 : i32 to index
        %get3A_3637 = arith.constant 96 : index
        %get3A_3638 = tpu.vector_load %get3A_3633[%get3A_3634, %get3A_3635, %get3A_3636, %get3A_3637] {strides = array<i32>} : memref<9x1x16x128xf32, #tpu.memory_space<vmem>>, vector<16xf32>,
        %gt3A_3639 = arith.constant 5.000000e-01 : f32
        %gt3A_3640 = vector.broadcast %gt3A_3639 : f32 to vector<16xf32>
        %gt3A_3641 = arith.cmpf ogt, %get3A_3625, %gt3A_3640 : vector<16xf32>
        %jit3A_3642 = arith.constant 1.000000e+00 : f32
        %jit3A_3643 = arith.constant 0.000000e+00 : f32
        %broadcast_in_dim3A_3644 = vector.broadcast %jit3A_3642 : f32 to vector<16xf32>
        %broadcast_in_dim3A_3645 = vector.broadcast %jit3A_3643 : f32 to vector<16xf32>
        %select_n3A_3646 = arith.select %gt3A_3641, %broadcast_in_dim3A_3644, %broadcast_in_dim3A_3645 : vector<16xi1>, vector<16xf32>
        %ne3A_3647 = arith.constant 0.000000e+00 : f32
        %ne3A_3648 = vector.broadcast %ne3A_3647 : f32 to vector<16xf32>
        %ne3A_3649 = arith.cmpf one, %get3A_3625, %ne3A_3648 : vector<16xf32>
        %jit3A_3650 = arith.constant 1.000000e+00 : f32
        %jit3A_3651 = arith.constant 0.000000e+00 : f32
        %broadcast_in_dim3A_3652 = vector.broadcast %jit3A_3650 : f32 to vector<16xf32>
        %broadcast_in_dim3A_3653 = vector.broadcast %jit3A_3651 : f32 to vector<16xf32>
        %select_n3A_3654 = arith.select %ne3A_3649, %broadcast_in_dim3A_3652, %broadcast_in_dim3A_3653 : vector<16xi1>, vector<16xf32>
        %mul3A_3655 = arith.mulf %get3A_3638, %select_n3A_3646 : vector<16xf32>
        %add3A_3656 = arith.addf %add3A_3608, %mul3A_3655 : vector<16xf32>
        %mul3A_3657 = arith.mulf %get3A_3638, %select_n3A_3654 : vector<16xf32>
        %add3A_3658 = arith.addf %add3A_3610, %mul3A_3657 : vector<16xf32>
        %add3A_3659 = arith.addf %add3A_3611, %select_n3A_3646 : vector<16xf32>
        %add3A_3660 = arith.addf %add3A_3612, %select_n3A_3654 : vector<16xf32>
        %get3A_3661 = arith.constant 3 : i32
        %get3A_3662 = arith.constant 0 : i32
        %get3A_3663 = arith.constant 0 : i32
        %get3A_3664 = arith.constant 0 : i32
        %get3A_3665 = arith.constant 0 : i32
        %get3A_3666 = arith.constant 0 : i32
        %get3A_3667 = tpu.memref_slice %run_scoped3A_77[%rem3A_308, %get3A_3663, %get3A_3664, %get3A_3665, %get3A_3666] : memref<2x9x1x16x128xf32, #tpu.memory_space<vmem>> -> memref<1x9x1x16x128xf32, #tpu.memory_space<vmem>>
        %get3A_3668 = tpu.memref_squeeze %get3A_3667 : memref<1x9x1x16x128xf32, #tpu.memory_space<vmem>> -> memref<9x1x16x128xf32, #tpu.memory_space<vmem>>
        %get3A_3669 = arith.index_cast %get3A_3661 : i32 to index
        %get3A_3670 = arith.index_cast %get3A_3662 : i32 to index
        %get3A_3671 = arith.index_cast %add3A_532 : i32 to index
        %get3A_3672 = arith.constant 96 : index
        %get3A_3673 = tpu.vector_load %get3A_3668[%get3A_3669, %get3A_3670, %get3A_3671, %get3A_3672] {strides = array<i32>} : memref<9x1x16x128xf32, #tpu.memory_space<vmem>>, vector<16xf32>,
        %get3A_3674 = arith.constant 3 : i32
        %get3A_3675 = arith.constant 0 : i32
        %get3A_3676 = arith.constant 0 : i32
        %get3A_3677 = arith.constant 0 : i32
        %get3A_3678 = arith.constant 0 : i32
        %get3A_3679 = arith.constant 0 : i32
        %get3A_3680 = tpu.memref_slice %run_scoped3A[%rem3A_306, %get3A_3676, %get3A_3677, %get3A_3678, %get3A_3679] : memref<2x9x1x16x128xf32, #tpu.memory_space<vmem>> -> memref<1x9x1x16x128xf32, #tpu.memory_space<vmem>>
        %get3A_3681 = tpu.memref_squeeze %get3A_3680 : memref<1x9x1x16x128xf32, #tpu.memory_space<vmem>> -> memref<9x1x16x128xf32, #tpu.memory_space<vmem>>
        %get3A_3682 = arith.index_cast %get3A_3674 : i32 to index
        %get3A_3683 = arith.index_cast %get3A_3675 : i32 to index
        %get3A_3684 = arith.index_cast %add3A_532 : i32 to index
        %get3A_3685 = arith.constant 96 : index
        %get3A_3686 = tpu.vector_load %get3A_3681[%get3A_3682, %get3A_3683, %get3A_3684, %get3A_3685] {strides = array<i32>} : memref<9x1x16x128xf32, #tpu.memory_space<vmem>>, vector<16xf32>,
        %gt3A_3687 = arith.constant 5.000000e-01 : f32
        %gt3A_3688 = vector.broadcast %gt3A_3687 : f32 to vector<16xf32>
        %gt3A_3689 = arith.cmpf ogt, %get3A_3673, %gt3A_3688 : vector<16xf32>
        %jit3A_3690 = arith.constant 1.000000e+00 : f32
        %jit3A_3691 = arith.constant 0.000000e+00 : f32
        %broadcast_in_dim3A_3692 = vector.broadcast %jit3A_3690 : f32 to vector<16xf32>
        %broadcast_in_dim3A_3693 = vector.broadcast %jit3A_3691 : f32 to vector<16xf32>
        %select_n3A_3694 = arith.select %gt3A_3689, %broadcast_in_dim3A_3692, %broadcast_in_dim3A_3693 : vector<16xi1>, vector<16xf32>
        %ne3A_3695 = arith.constant 0.000000e+00 : f32
        %ne3A_3696 = vector.broadcast %ne3A_3695 : f32 to vector<16xf32>
        %ne3A_3697 = arith.cmpf one, %get3A_3673, %ne3A_3696 : vector<16xf32>
        %jit3A_3698 = arith.constant 1.000000e+00 : f32
        %jit3A_3699 = arith.constant 0.000000e+00 : f32
        %broadcast_in_dim3A_3700 = vector.broadcast %jit3A_3698 : f32 to vector<16xf32>
        %broadcast_in_dim3A_3701 = vector.broadcast %jit3A_3699 : f32 to vector<16xf32>
        %select_n3A_3702 = arith.select %ne3A_3697, %broadcast_in_dim3A_3700, %broadcast_in_dim3A_3701 : vector<16xi1>, vector<16xf32>
        %mul3A_3703 = arith.mulf %get3A_3686, %select_n3A_3694 : vector<16xf32>
        %add3A_3704 = arith.addf %add3A_3656, %mul3A_3703 : vector<16xf32>
        %mul3A_3705 = arith.mulf %get3A_3686, %select_n3A_3702 : vector<16xf32>
        %add3A_3706 = arith.addf %add3A_3658, %mul3A_3705 : vector<16xf32>
        %add3A_3707 = arith.addf %add3A_3659, %select_n3A_3694 : vector<16xf32>
        %add3A_3708 = arith.addf %add3A_3660, %select_n3A_3702 : vector<16xf32>
        %get3A_3709 = arith.constant 4 : i32
        %get3A_3710 = arith.constant 0 : i32
        %get3A_3711 = arith.constant 0 : i32
        %get3A_3712 = arith.constant 0 : i32
        %get3A_3713 = arith.constant 0 : i32
        %get3A_3714 = arith.constant 0 : i32
        %get3A_3715 = tpu.memref_slice %run_scoped3A_77[%rem3A_308, %get3A_3711, %get3A_3712, %get3A_3713, %get3A_3714] : memref<2x9x1x16x128xf32, #tpu.memory_space<vmem>> -> memref<1x9x1x16x128xf32, #tpu.memory_space<vmem>>
        %get3A_3716 = tpu.memref_squeeze %get3A_3715 : memref<1x9x1x16x128xf32, #tpu.memory_space<vmem>> -> memref<9x1x16x128xf32, #tpu.memory_space<vmem>>
        %get3A_3717 = arith.index_cast %get3A_3709 : i32 to index
        %get3A_3718 = arith.index_cast %get3A_3710 : i32 to index
        %get3A_3719 = arith.index_cast %add3A_532 : i32 to index
        %get3A_3720 = arith.constant 96 : index
        %get3A_3721 = tpu.vector_load %get3A_3716[%get3A_3717, %get3A_3718, %get3A_3719, %get3A_3720] {strides = array<i32>} : memref<9x1x16x128xf32, #tpu.memory_space<vmem>>, vector<16xf32>,
        %get3A_3722 = arith.constant 4 : i32
        %get3A_3723 = arith.constant 0 : i32
        %get3A_3724 = arith.constant 0 : i32
        %get3A_3725 = arith.constant 0 : i32
        %get3A_3726 = arith.constant 0 : i32
        %get3A_3727 = arith.constant 0 : i32
        %get3A_3728 = tpu.memref_slice %run_scoped3A[%rem3A_306, %get3A_3724, %get3A_3725, %get3A_3726, %get3A_3727] : memref<2x9x1x16x128xf32, #tpu.memory_space<vmem>> -> memref<1x9x1x16x128xf32, #tpu.memory_space<vmem>>
        %get3A_3729 = tpu.memref_squeeze %get3A_3728 : memref<1x9x1x16x128xf32, #tpu.memory_space<vmem>> -> memref<9x1x16x128xf32, #tpu.memory_space<vmem>>
        %get3A_3730 = arith.index_cast %get3A_3722 : i32 to index
        %get3A_3731 = arith.index_cast %get3A_3723 : i32 to index
        %get3A_3732 = arith.index_cast %add3A_532 : i32 to index
        %get3A_3733 = arith.constant 96 : index
        %get3A_3734 = tpu.vector_load %get3A_3729[%get3A_3730, %get3A_3731, %get3A_3732, %get3A_3733] {strides = array<i32>} : memref<9x1x16x128xf32, #tpu.memory_space<vmem>>, vector<16xf32>,
        %gt3A_3735 = arith.constant 5.000000e-01 : f32
        %gt3A_3736 = vector.broadcast %gt3A_3735 : f32 to vector<16xf32>
        %gt3A_3737 = arith.cmpf ogt, %get3A_3721, %gt3A_3736 : vector<16xf32>
        %jit3A_3738 = arith.constant 1.000000e+00 : f32
        %jit3A_3739 = arith.constant 0.000000e+00 : f32
        %broadcast_in_dim3A_3740 = vector.broadcast %jit3A_3738 : f32 to vector<16xf32>
        %broadcast_in_dim3A_3741 = vector.broadcast %jit3A_3739 : f32 to vector<16xf32>
        %select_n3A_3742 = arith.select %gt3A_3737, %broadcast_in_dim3A_3740, %broadcast_in_dim3A_3741 : vector<16xi1>, vector<16xf32>
        %ne3A_3743 = arith.constant 0.000000e+00 : f32
        %ne3A_3744 = vector.broadcast %ne3A_3743 : f32 to vector<16xf32>
        %ne3A_3745 = arith.cmpf one, %get3A_3721, %ne3A_3744 : vector<16xf32>
        %jit3A_3746 = arith.constant 1.000000e+00 : f32
        %jit3A_3747 = arith.constant 0.000000e+00 : f32
        %broadcast_in_dim3A_3748 = vector.broadcast %jit3A_3746 : f32 to vector<16xf32>
        %broadcast_in_dim3A_3749 = vector.broadcast %jit3A_3747 : f32 to vector<16xf32>
        %select_n3A_3750 = arith.select %ne3A_3745, %broadcast_in_dim3A_3748, %broadcast_in_dim3A_3749 : vector<16xi1>, vector<16xf32>
        %mul3A_3751 = arith.mulf %get3A_3734, %select_n3A_3742 : vector<16xf32>
        %add3A_3752 = arith.addf %add3A_3704, %mul3A_3751 : vector<16xf32>
        %mul3A_3753 = arith.mulf %get3A_3734, %select_n3A_3750 : vector<16xf32>
        %add3A_3754 = arith.addf %add3A_3706, %mul3A_3753 : vector<16xf32>
        %add3A_3755 = arith.addf %add3A_3707, %select_n3A_3742 : vector<16xf32>
        %add3A_3756 = arith.addf %add3A_3708, %select_n3A_3750 : vector<16xf32>
        %get3A_3757 = arith.constant 5 : i32
        %get3A_3758 = arith.constant 0 : i32
        %get3A_3759 = arith.constant 0 : i32
        %get3A_3760 = arith.constant 0 : i32
        %get3A_3761 = arith.constant 0 : i32
        %get3A_3762 = arith.constant 0 : i32
        %get3A_3763 = tpu.memref_slice %run_scoped3A_77[%rem3A_308, %get3A_3759, %get3A_3760, %get3A_3761, %get3A_3762] : memref<2x9x1x16x128xf32, #tpu.memory_space<vmem>> -> memref<1x9x1x16x128xf32, #tpu.memory_space<vmem>>
        %get3A_3764 = tpu.memref_squeeze %get3A_3763 : memref<1x9x1x16x128xf32, #tpu.memory_space<vmem>> -> memref<9x1x16x128xf32, #tpu.memory_space<vmem>>
        %get3A_3765 = arith.index_cast %get3A_3757 : i32 to index
        %get3A_3766 = arith.index_cast %get3A_3758 : i32 to index
        %get3A_3767 = arith.index_cast %add3A_532 : i32 to index
        %get3A_3768 = arith.constant 96 : index
        %get3A_3769 = tpu.vector_load %get3A_3764[%get3A_3765, %get3A_3766, %get3A_3767, %get3A_3768] {strides = array<i32>} : memref<9x1x16x128xf32, #tpu.memory_space<vmem>>, vector<16xf32>,
        %get3A_3770 = arith.constant 5 : i32
        %get3A_3771 = arith.constant 0 : i32
        %get3A_3772 = arith.constant 0 : i32
        %get3A_3773 = arith.constant 0 : i32
        %get3A_3774 = arith.constant 0 : i32
        %get3A_3775 = arith.constant 0 : i32
        %get3A_3776 = tpu.memref_slice %run_scoped3A[%rem3A_306, %get3A_3772, %get3A_3773, %get3A_3774, %get3A_3775] : memref<2x9x1x16x128xf32, #tpu.memory_space<vmem>> -> memref<1x9x1x16x128xf32, #tpu.memory_space<vmem>>
        %get3A_3777 = tpu.memref_squeeze %get3A_3776 : memref<1x9x1x16x128xf32, #tpu.memory_space<vmem>> -> memref<9x1x16x128xf32, #tpu.memory_space<vmem>>
        %get3A_3778 = arith.index_cast %get3A_3770 : i32 to index
        %get3A_3779 = arith.index_cast %get3A_3771 : i32 to index
        %get3A_3780 = arith.index_cast %add3A_532 : i32 to index
        %get3A_3781 = arith.constant 96 : index
        %get3A_3782 = tpu.vector_load %get3A_3777[%get3A_3778, %get3A_3779, %get3A_3780, %get3A_3781] {strides = array<i32>} : memref<9x1x16x128xf32, #tpu.memory_space<vmem>>, vector<16xf32>,
        %gt3A_3783 = arith.constant 5.000000e-01 : f32
        %gt3A_3784 = vector.broadcast %gt3A_3783 : f32 to vector<16xf32>
        %gt3A_3785 = arith.cmpf ogt, %get3A_3769, %gt3A_3784 : vector<16xf32>
        %jit3A_3786 = arith.constant 1.000000e+00 : f32
        %jit3A_3787 = arith.constant 0.000000e+00 : f32
        %broadcast_in_dim3A_3788 = vector.broadcast %jit3A_3786 : f32 to vector<16xf32>
        %broadcast_in_dim3A_3789 = vector.broadcast %jit3A_3787 : f32 to vector<16xf32>
        %select_n3A_3790 = arith.select %gt3A_3785, %broadcast_in_dim3A_3788, %broadcast_in_dim3A_3789 : vector<16xi1>, vector<16xf32>
        %ne3A_3791 = arith.constant 0.000000e+00 : f32
        %ne3A_3792 = vector.broadcast %ne3A_3791 : f32 to vector<16xf32>
        %ne3A_3793 = arith.cmpf one, %get3A_3769, %ne3A_3792 : vector<16xf32>
        %jit3A_3794 = arith.constant 1.000000e+00 : f32
        %jit3A_3795 = arith.constant 0.000000e+00 : f32
        %broadcast_in_dim3A_3796 = vector.broadcast %jit3A_3794 : f32 to vector<16xf32>
        %broadcast_in_dim3A_3797 = vector.broadcast %jit3A_3795 : f32 to vector<16xf32>
        %select_n3A_3798 = arith.select %ne3A_3793, %broadcast_in_dim3A_3796, %broadcast_in_dim3A_3797 : vector<16xi1>, vector<16xf32>
        %mul3A_3799 = arith.mulf %get3A_3782, %select_n3A_3790 : vector<16xf32>
        %add3A_3800 = arith.addf %add3A_3752, %mul3A_3799 : vector<16xf32>
        %mul3A_3801 = arith.mulf %get3A_3782, %select_n3A_3798 : vector<16xf32>
        %add3A_3802 = arith.addf %add3A_3754, %mul3A_3801 : vector<16xf32>
        %add3A_3803 = arith.addf %add3A_3755, %select_n3A_3790 : vector<16xf32>
        %add3A_3804 = arith.addf %add3A_3756, %select_n3A_3798 : vector<16xf32>
        %get3A_3805 = arith.constant 6 : i32
        %get3A_3806 = arith.constant 0 : i32
        %get3A_3807 = arith.constant 0 : i32
        %get3A_3808 = arith.constant 0 : i32
        %get3A_3809 = arith.constant 0 : i32
        %get3A_3810 = arith.constant 0 : i32
        %get3A_3811 = tpu.memref_slice %run_scoped3A_77[%rem3A_308, %get3A_3807, %get3A_3808, %get3A_3809, %get3A_3810] : memref<2x9x1x16x128xf32, #tpu.memory_space<vmem>> -> memref<1x9x1x16x128xf32, #tpu.memory_space<vmem>>
        %get3A_3812 = tpu.memref_squeeze %get3A_3811 : memref<1x9x1x16x128xf32, #tpu.memory_space<vmem>> -> memref<9x1x16x128xf32, #tpu.memory_space<vmem>>
        %get3A_3813 = arith.index_cast %get3A_3805 : i32 to index
        %get3A_3814 = arith.index_cast %get3A_3806 : i32 to index
        %get3A_3815 = arith.index_cast %add3A_532 : i32 to index
        %get3A_3816 = arith.constant 96 : index
        %get3A_3817 = tpu.vector_load %get3A_3812[%get3A_3813, %get3A_3814, %get3A_3815, %get3A_3816] {strides = array<i32>} : memref<9x1x16x128xf32, #tpu.memory_space<vmem>>, vector<16xf32>,
        %get3A_3818 = arith.constant 6 : i32
        %get3A_3819 = arith.constant 0 : i32
        %get3A_3820 = arith.constant 0 : i32
        %get3A_3821 = arith.constant 0 : i32
        %get3A_3822 = arith.constant 0 : i32
        %get3A_3823 = arith.constant 0 : i32
        %get3A_3824 = tpu.memref_slice %run_scoped3A[%rem3A_306, %get3A_3820, %get3A_3821, %get3A_3822, %get3A_3823] : memref<2x9x1x16x128xf32, #tpu.memory_space<vmem>> -> memref<1x9x1x16x128xf32, #tpu.memory_space<vmem>>
        %get3A_3825 = tpu.memref_squeeze %get3A_3824 : memref<1x9x1x16x128xf32, #tpu.memory_space<vmem>> -> memref<9x1x16x128xf32, #tpu.memory_space<vmem>>
        %get3A_3826 = arith.index_cast %get3A_3818 : i32 to index
        %get3A_3827 = arith.index_cast %get3A_3819 : i32 to index
        %get3A_3828 = arith.index_cast %add3A_532 : i32 to index
        %get3A_3829 = arith.constant 96 : index
        %get3A_3830 = tpu.vector_load %get3A_3825[%get3A_3826, %get3A_3827, %get3A_3828, %get3A_3829] {strides = array<i32>} : memref<9x1x16x128xf32, #tpu.memory_space<vmem>>, vector<16xf32>,
        %gt3A_3831 = arith.constant 5.000000e-01 : f32
        %gt3A_3832 = vector.broadcast %gt3A_3831 : f32 to vector<16xf32>
        %gt3A_3833 = arith.cmpf ogt, %get3A_3817, %gt3A_3832 : vector<16xf32>
        %jit3A_3834 = arith.constant 1.000000e+00 : f32
        %jit3A_3835 = arith.constant 0.000000e+00 : f32
        %broadcast_in_dim3A_3836 = vector.broadcast %jit3A_3834 : f32 to vector<16xf32>
        %broadcast_in_dim3A_3837 = vector.broadcast %jit3A_3835 : f32 to vector<16xf32>
        %select_n3A_3838 = arith.select %gt3A_3833, %broadcast_in_dim3A_3836, %broadcast_in_dim3A_3837 : vector<16xi1>, vector<16xf32>
        %ne3A_3839 = arith.constant 0.000000e+00 : f32
        %ne3A_3840 = vector.broadcast %ne3A_3839 : f32 to vector<16xf32>
        %ne3A_3841 = arith.cmpf one, %get3A_3817, %ne3A_3840 : vector<16xf32>
        %jit3A_3842 = arith.constant 1.000000e+00 : f32
        %jit3A_3843 = arith.constant 0.000000e+00 : f32
        %broadcast_in_dim3A_3844 = vector.broadcast %jit3A_3842 : f32 to vector<16xf32>
        %broadcast_in_dim3A_3845 = vector.broadcast %jit3A_3843 : f32 to vector<16xf32>
        %select_n3A_3846 = arith.select %ne3A_3841, %broadcast_in_dim3A_3844, %broadcast_in_dim3A_3845 : vector<16xi1>, vector<16xf32>
        %mul3A_3847 = arith.mulf %get3A_3830, %select_n3A_3838 : vector<16xf32>
        %add3A_3848 = arith.addf %add3A_3800, %mul3A_3847 : vector<16xf32>
        %mul3A_3849 = arith.mulf %get3A_3830, %select_n3A_3846 : vector<16xf32>
        %add3A_3850 = arith.addf %add3A_3802, %mul3A_3849 : vector<16xf32>
        %add3A_3851 = arith.addf %add3A_3803, %select_n3A_3838 : vector<16xf32>
        %add3A_3852 = arith.addf %add3A_3804, %select_n3A_3846 : vector<16xf32>
        %get3A_3853 = arith.constant 7 : i32
        %get3A_3854 = arith.constant 0 : i32
        %get3A_3855 = arith.constant 0 : i32
        %get3A_3856 = arith.constant 0 : i32
        %get3A_3857 = arith.constant 0 : i32
        %get3A_3858 = arith.constant 0 : i32
        %get3A_3859 = tpu.memref_slice %run_scoped3A_77[%rem3A_308, %get3A_3855, %get3A_3856, %get3A_3857, %get3A_3858] : memref<2x9x1x16x128xf32, #tpu.memory_space<vmem>> -> memref<1x9x1x16x128xf32, #tpu.memory_space<vmem>>
        %get3A_3860 = tpu.memref_squeeze %get3A_3859 : memref<1x9x1x16x128xf32, #tpu.memory_space<vmem>> -> memref<9x1x16x128xf32, #tpu.memory_space<vmem>>
        %get3A_3861 = arith.index_cast %get3A_3853 : i32 to index
        %get3A_3862 = arith.index_cast %get3A_3854 : i32 to index
        %get3A_3863 = arith.index_cast %add3A_532 : i32 to index
        %get3A_3864 = arith.constant 96 : index
        %get3A_3865 = tpu.vector_load %get3A_3860[%get3A_3861, %get3A_3862, %get3A_3863, %get3A_3864] {strides = array<i32>} : memref<9x1x16x128xf32, #tpu.memory_space<vmem>>, vector<16xf32>,
        %get3A_3866 = arith.constant 7 : i32
        %get3A_3867 = arith.constant 0 : i32
        %get3A_3868 = arith.constant 0 : i32
        %get3A_3869 = arith.constant 0 : i32
        %get3A_3870 = arith.constant 0 : i32
        %get3A_3871 = arith.constant 0 : i32
        %get3A_3872 = tpu.memref_slice %run_scoped3A[%rem3A_306, %get3A_3868, %get3A_3869, %get3A_3870, %get3A_3871] : memref<2x9x1x16x128xf32, #tpu.memory_space<vmem>> -> memref<1x9x1x16x128xf32, #tpu.memory_space<vmem>>
        %get3A_3873 = tpu.memref_squeeze %get3A_3872 : memref<1x9x1x16x128xf32, #tpu.memory_space<vmem>> -> memref<9x1x16x128xf32, #tpu.memory_space<vmem>>
        %get3A_3874 = arith.index_cast %get3A_3866 : i32 to index
        %get3A_3875 = arith.index_cast %get3A_3867 : i32 to index
        %get3A_3876 = arith.index_cast %add3A_532 : i32 to index
        %get3A_3877 = arith.constant 96 : index
        %get3A_3878 = tpu.vector_load %get3A_3873[%get3A_3874, %get3A_3875, %get3A_3876, %get3A_3877] {strides = array<i32>} : memref<9x1x16x128xf32, #tpu.memory_space<vmem>>, vector<16xf32>,
        %gt3A_3879 = arith.constant 5.000000e-01 : f32
        %gt3A_3880 = vector.broadcast %gt3A_3879 : f32 to vector<16xf32>
        %gt3A_3881 = arith.cmpf ogt, %get3A_3865, %gt3A_3880 : vector<16xf32>
        %jit3A_3882 = arith.constant 1.000000e+00 : f32
        %jit3A_3883 = arith.constant 0.000000e+00 : f32
        %broadcast_in_dim3A_3884 = vector.broadcast %jit3A_3882 : f32 to vector<16xf32>
        %broadcast_in_dim3A_3885 = vector.broadcast %jit3A_3883 : f32 to vector<16xf32>
        %select_n3A_3886 = arith.select %gt3A_3881, %broadcast_in_dim3A_3884, %broadcast_in_dim3A_3885 : vector<16xi1>, vector<16xf32>
        %ne3A_3887 = arith.constant 0.000000e+00 : f32
        %ne3A_3888 = vector.broadcast %ne3A_3887 : f32 to vector<16xf32>
        %ne3A_3889 = arith.cmpf one, %get3A_3865, %ne3A_3888 : vector<16xf32>
        %jit3A_3890 = arith.constant 1.000000e+00 : f32
        %jit3A_3891 = arith.constant 0.000000e+00 : f32
        %broadcast_in_dim3A_3892 = vector.broadcast %jit3A_3890 : f32 to vector<16xf32>
        %broadcast_in_dim3A_3893 = vector.broadcast %jit3A_3891 : f32 to vector<16xf32>
        %select_n3A_3894 = arith.select %ne3A_3889, %broadcast_in_dim3A_3892, %broadcast_in_dim3A_3893 : vector<16xi1>, vector<16xf32>
        %mul3A_3895 = arith.mulf %get3A_3878, %select_n3A_3886 : vector<16xf32>
        %add3A_3896 = arith.addf %add3A_3848, %mul3A_3895 : vector<16xf32>
        %mul3A_3897 = arith.mulf %get3A_3878, %select_n3A_3894 : vector<16xf32>
        %add3A_3898 = arith.addf %add3A_3850, %mul3A_3897 : vector<16xf32>
        %add3A_3899 = arith.addf %add3A_3851, %select_n3A_3886 : vector<16xf32>
        %add3A_3900 = arith.addf %add3A_3852, %select_n3A_3894 : vector<16xf32>
        %get3A_3901 = arith.constant 8 : i32
        %get3A_3902 = arith.constant 0 : i32
        %get3A_3903 = arith.constant 0 : i32
        %get3A_3904 = arith.constant 0 : i32
        %get3A_3905 = arith.constant 0 : i32
        %get3A_3906 = arith.constant 0 : i32
        %get3A_3907 = tpu.memref_slice %run_scoped3A_77[%rem3A_308, %get3A_3903, %get3A_3904, %get3A_3905, %get3A_3906] : memref<2x9x1x16x128xf32, #tpu.memory_space<vmem>> -> memref<1x9x1x16x128xf32, #tpu.memory_space<vmem>>
        %get3A_3908 = tpu.memref_squeeze %get3A_3907 : memref<1x9x1x16x128xf32, #tpu.memory_space<vmem>> -> memref<9x1x16x128xf32, #tpu.memory_space<vmem>>
        %get3A_3909 = arith.index_cast %get3A_3901 : i32 to index
        %get3A_3910 = arith.index_cast %get3A_3902 : i32 to index
        %get3A_3911 = arith.index_cast %add3A_532 : i32 to index
        %get3A_3912 = arith.constant 96 : index
        %get3A_3913 = tpu.vector_load %get3A_3908[%get3A_3909, %get3A_3910, %get3A_3911, %get3A_3912] {strides = array<i32>} : memref<9x1x16x128xf32, #tpu.memory_space<vmem>>, vector<16xf32>,
        %get3A_3914 = arith.constant 8 : i32
        %get3A_3915 = arith.constant 0 : i32
        %get3A_3916 = arith.constant 0 : i32
        %get3A_3917 = arith.constant 0 : i32
        %get3A_3918 = arith.constant 0 : i32
        %get3A_3919 = arith.constant 0 : i32
        %get3A_3920 = tpu.memref_slice %run_scoped3A[%rem3A_306, %get3A_3916, %get3A_3917, %get3A_3918, %get3A_3919] : memref<2x9x1x16x128xf32, #tpu.memory_space<vmem>> -> memref<1x9x1x16x128xf32, #tpu.memory_space<vmem>>
        %get3A_3921 = tpu.memref_squeeze %get3A_3920 : memref<1x9x1x16x128xf32, #tpu.memory_space<vmem>> -> memref<9x1x16x128xf32, #tpu.memory_space<vmem>>
        %get3A_3922 = arith.index_cast %get3A_3914 : i32 to index
        %get3A_3923 = arith.index_cast %get3A_3915 : i32 to index
        %get3A_3924 = arith.index_cast %add3A_532 : i32 to index
        %get3A_3925 = arith.constant 96 : index
        %get3A_3926 = tpu.vector_load %get3A_3921[%get3A_3922, %get3A_3923, %get3A_3924, %get3A_3925] {strides = array<i32>} : memref<9x1x16x128xf32, #tpu.memory_space<vmem>>, vector<16xf32>,
        %gt3A_3927 = arith.constant 5.000000e-01 : f32
        %gt3A_3928 = vector.broadcast %gt3A_3927 : f32 to vector<16xf32>
        %gt3A_3929 = arith.cmpf ogt, %get3A_3913, %gt3A_3928 : vector<16xf32>
        %jit3A_3930 = arith.constant 1.000000e+00 : f32
        %jit3A_3931 = arith.constant 0.000000e+00 : f32
        %broadcast_in_dim3A_3932 = vector.broadcast %jit3A_3930 : f32 to vector<16xf32>
        %broadcast_in_dim3A_3933 = vector.broadcast %jit3A_3931 : f32 to vector<16xf32>
        %select_n3A_3934 = arith.select %gt3A_3929, %broadcast_in_dim3A_3932, %broadcast_in_dim3A_3933 : vector<16xi1>, vector<16xf32>
        %ne3A_3935 = arith.constant 0.000000e+00 : f32
        %ne3A_3936 = vector.broadcast %ne3A_3935 : f32 to vector<16xf32>
        %ne3A_3937 = arith.cmpf one, %get3A_3913, %ne3A_3936 : vector<16xf32>
        %jit3A_3938 = arith.constant 1.000000e+00 : f32
        %jit3A_3939 = arith.constant 0.000000e+00 : f32
        %broadcast_in_dim3A_3940 = vector.broadcast %jit3A_3938 : f32 to vector<16xf32>
        %broadcast_in_dim3A_3941 = vector.broadcast %jit3A_3939 : f32 to vector<16xf32>
        %select_n3A_3942 = arith.select %ne3A_3937, %broadcast_in_dim3A_3940, %broadcast_in_dim3A_3941 : vector<16xi1>, vector<16xf32>
        %mul3A_3943 = arith.mulf %get3A_3926, %select_n3A_3934 : vector<16xf32>
        %add3A_3944 = arith.addf %add3A_3896, %mul3A_3943 : vector<16xf32>
        %mul3A_3945 = arith.mulf %get3A_3926, %select_n3A_3942 : vector<16xf32>
        %add3A_3946 = arith.addf %add3A_3898, %mul3A_3945 : vector<16xf32>
        %add3A_3947 = arith.addf %add3A_3899, %select_n3A_3934 : vector<16xf32>
        %add3A_3948 = arith.addf %add3A_3900, %select_n3A_3942 : vector<16xf32>
        %sub3A_3949 = arith.subf %add3A_3946, %add3A_3944 : vector<16xf32>
        %sub3A_3950 = arith.subf %add3A_3948, %add3A_3947 : vector<16xf32>
        %max3A_3951 = arith.constant 1.000000e+00 : f32
        %max3A_3952 = vector.broadcast %max3A_3951 : f32 to vector<16xf32>
        %max3A_3953 = arith.maximumf %add3A_3947, %max3A_3952 : vector<16xf32>
        %max3A_3954 = arith.constant 1.000000e+00 : f32
        %max3A_3955 = vector.broadcast %max3A_3954 : f32 to vector<16xf32>
        %max3A_3956 = arith.maximumf %sub3A_3950, %max3A_3955 : vector<16xf32>
        %gt3A_3957 = arith.constant 0.000000e+00 : f32
        %gt3A_3958 = vector.broadcast %gt3A_3957 : f32 to vector<16xf32>
        %gt3A_3959 = arith.cmpf ogt, %add3A_3947, %gt3A_3958 : vector<16xf32>
        %gt3A_3960 = arith.constant 0.000000e+00 : f32
        %gt3A_3961 = vector.broadcast %gt3A_3960 : f32 to vector<16xf32>
        %gt3A_3962 = arith.cmpf ogt, %sub3A_3950, %gt3A_3961 : vector<16xf32>
        %and3A_3963 = arith.andi %gt3A_3959, %gt3A_3962 : vector<16xi1>
        %mul3A_3964 = arith.mulf %add3A_3944, %max3A_3956 : vector<16xf32>
        %mul3A_3965 = arith.mulf %sub3A_3949, %max3A_3953 : vector<16xf32>
        %gt3A_3966 = arith.cmpf ogt, %mul3A_3964, %mul3A_3965 : vector<16xf32>
        %jit3A_3967 = arith.constant 0.000000e+00 : f32
        %jit3A_3968 = arith.constant 1.000000e+00 : f32
        %broadcast_in_dim3A_3969 = vector.broadcast %jit3A_3967 : f32 to vector<16xf32>
        %broadcast_in_dim3A_3970 = vector.broadcast %jit3A_3968 : f32 to vector<16xf32>
        %select_n3A_3971 = arith.select %gt3A_3966, %broadcast_in_dim3A_3969, %broadcast_in_dim3A_3970 : vector<16xi1>, vector<16xf32>
        %jit3A_3972 = arith.constant 2.000000e+00 : f32
        %broadcast_in_dim3A_3973 = vector.broadcast %jit3A_3972 : f32 to vector<16xf32>
        %select_n3A_3974 = arith.select %and3A_3963, %select_n3A_3971, %broadcast_in_dim3A_3973 : vector<16xi1>, vector<16xf32>
        %eq3A_3975 = arith.constant 0.000000e+00 : f32
        %eq3A_3976 = vector.broadcast %eq3A_3975 : f32 to vector<16xf32>
        %eq3A_3977 = arith.cmpf oeq, %select_n3A_3974, %eq3A_3976 : vector<16xf32>
        %broadcast_in_dim3A_3978 = arith.constant 0.000000e+00 : f32
        %broadcast_in_dim3A_3979 = vector.broadcast %broadcast_in_dim3A_3978 : f32 to vector<16xf32>
        %broadcast_in_dim3A_3980 = arith.constant 1.000000e+00 : f32
        %broadcast_in_dim3A_3981 = vector.broadcast %broadcast_in_dim3A_3980 : f32 to vector<16xf32>
        %select_n3A_3982 = arith.select %eq3A_3977, %get3A_3734, %broadcast_in_dim3A_3979 : vector<16xi1>, vector<16xf32>
        %select_n3A_3983 = arith.select %eq3A_3977, %broadcast_in_dim3A_3981, %broadcast_in_dim3A_3979 : vector<16xi1>, vector<16xf32>
        %select_n3A_3984 = arith.select %eq3A_3977, %broadcast_in_dim3A_3979, %get3A_3734 : vector<16xi1>, vector<16xf32>
        %select_n3A_3985 = arith.select %eq3A_3977, %broadcast_in_dim3A_3979, %broadcast_in_dim3A_3981 : vector<16xi1>, vector<16xf32>
        %swap3A_3986 = tpu.memref_slice %run_scoped3A_79[%mul3A_312] : memref<4096xf32, #tpu.memory_space<vmem>> -> memref<2048xf32, #tpu.memory_space<vmem>>
        %swap3A_3987 = arith.index_cast %add3A_3514 : i32 to index
        %swap3A_3988 = tpu.vector_load %swap3A_3986[%swap3A_3987] {strides = array<i32>} : memref<2048xf32, #tpu.memory_space<vmem>>, vector<16xf32>,
        tpu.vector_store %swap3A_3986[%swap3A_3987], %select_n3A_3974 {strides = array<i32>} : memref<2048xf32, #tpu.memory_space<vmem>>, vector<16xf32>,
        %swap3A_3989 = tpu.memref_slice %run_scoped3A_81[%mul3A_316] : memref<4096xf32, #tpu.memory_space<vmem>> -> memref<2048xf32, #tpu.memory_space<vmem>>
        %swap3A_3990 = arith.index_cast %add3A_3514 : i32 to index
        %swap3A_3991 = tpu.vector_load %swap3A_3989[%swap3A_3990] {strides = array<i32>} : memref<2048xf32, #tpu.memory_space<vmem>>, vector<16xf32>,
        tpu.vector_store %swap3A_3989[%swap3A_3990], %get3A_3734 {strides = array<i32>} : memref<2048xf32, #tpu.memory_space<vmem>>, vector<16xf32>,
        %swap3A_3992 = arith.constant 0 : i32
        %swap3A_3993 = arith.index_cast %swap3A_3992 : i32 to index
        %swap3A_3994 = arith.constant 0 : index
        %swap3A_3995 = tpu.vector_load %arg7[%swap3A_3993, %swap3A_3994] {strides = array<i32>} : memref<2x128xf32, #tpu.memory_space<vmem>>, vector<16xf32>,
        tpu.vector_store %arg7[%swap3A_3993, %swap3A_3994], %select_n3A_3982 {add = true, strides = array<i32>} : memref<2x128xf32, #tpu.memory_space<vmem>>, vector<16xf32>,
        %swap3A_3996 = arith.constant 0 : i32
        %swap3A_3997 = arith.index_cast %swap3A_3996 : i32 to index
        %swap3A_3998 = arith.constant 16 : index
        %swap3A_3999 = tpu.vector_load %arg7[%swap3A_3997, %swap3A_3998] {strides = array<i32>} : memref<2x128xf32, #tpu.memory_space<vmem>>, vector<16xf32>,
        tpu.vector_store %arg7[%swap3A_3997, %swap3A_3998], %select_n3A_3983 {add = true, strides = array<i32>} : memref<2x128xf32, #tpu.memory_space<vmem>>, vector<16xf32>,
        %swap3A_4000 = arith.constant 0 : i32
        %swap3A_4001 = arith.index_cast %swap3A_4000 : i32 to index
        %swap3A_4002 = arith.constant 32 : index
        %swap3A_4003 = tpu.vector_load %arg7[%swap3A_4001, %swap3A_4002] {strides = array<i32>} : memref<2x128xf32, #tpu.memory_space<vmem>>, vector<16xf32>,
        tpu.vector_store %arg7[%swap3A_4001, %swap3A_4002], %select_n3A_3984 {add = true, strides = array<i32>} : memref<2x128xf32, #tpu.memory_space<vmem>>, vector<16xf32>,
        %swap3A_4004 = arith.constant 0 : i32
        %swap3A_4005 = arith.index_cast %swap3A_4004 : i32 to index
        %swap3A_4006 = arith.constant 48 : index
        %swap3A_4007 = tpu.vector_load %arg7[%swap3A_4005, %swap3A_4006] {strides = array<i32>} : memref<2x128xf32, #tpu.memory_space<vmem>>, vector<16xf32>,
        tpu.vector_store %arg7[%swap3A_4005, %swap3A_4006], %select_n3A_3985 {add = true, strides = array<i32>} : memref<2x128xf32, #tpu.memory_space<vmem>>, vector<16xf32>,
        %mul3A_4008 = arith.constant 128 : i32
        %mul3A_4009 = arith.muli %add3A_532, %mul3A_4008 : i32
        %add3A_4010 = arith.constant 112 : i32
        %add3A_4011 = arith.addi %mul3A_4009, %add3A_4010 : i32
        %broadcast_in_dim3A_4012 = arith.constant 0.000000e+00 : f32
        %broadcast_in_dim3A_4013 = vector.broadcast %broadcast_in_dim3A_4012 : f32 to vector<16xf32>
        %get3A_4014 = arith.constant 0 : i32
        %get3A_4015 = arith.constant 0 : i32
        %get3A_4016 = arith.constant 0 : i32
        %get3A_4017 = arith.constant 0 : i32
        %get3A_4018 = arith.constant 0 : i32
        %get3A_4019 = arith.constant 0 : i32
        %get3A_4020 = tpu.memref_slice %run_scoped3A_77[%rem3A_308, %get3A_4016, %get3A_4017, %get3A_4018, %get3A_4019] : memref<2x9x1x16x128xf32, #tpu.memory_space<vmem>> -> memref<1x9x1x16x128xf32, #tpu.memory_space<vmem>>
        %get3A_4021 = tpu.memref_squeeze %get3A_4020 : memref<1x9x1x16x128xf32, #tpu.memory_space<vmem>> -> memref<9x1x16x128xf32, #tpu.memory_space<vmem>>
        %get3A_4022 = arith.index_cast %get3A_4014 : i32 to index
        %get3A_4023 = arith.index_cast %get3A_4015 : i32 to index
        %get3A_4024 = arith.index_cast %add3A_532 : i32 to index
        %get3A_4025 = arith.constant 112 : index
        %get3A_4026 = tpu.vector_load %get3A_4021[%get3A_4022, %get3A_4023, %get3A_4024, %get3A_4025] {strides = array<i32>} : memref<9x1x16x128xf32, #tpu.memory_space<vmem>>, vector<16xf32>,
        %get3A_4027 = arith.constant 0 : i32
        %get3A_4028 = arith.constant 0 : i32
        %get3A_4029 = arith.constant 0 : i32
        %get3A_4030 = arith.constant 0 : i32
        %get3A_4031 = arith.constant 0 : i32
        %get3A_4032 = arith.constant 0 : i32
        %get3A_4033 = tpu.memref_slice %run_scoped3A[%rem3A_306, %get3A_4029, %get3A_4030, %get3A_4031, %get3A_4032] : memref<2x9x1x16x128xf32, #tpu.memory_space<vmem>> -> memref<1x9x1x16x128xf32, #tpu.memory_space<vmem>>
        %get3A_4034 = tpu.memref_squeeze %get3A_4033 : memref<1x9x1x16x128xf32, #tpu.memory_space<vmem>> -> memref<9x1x16x128xf32, #tpu.memory_space<vmem>>
        %get3A_4035 = arith.index_cast %get3A_4027 : i32 to index
        %get3A_4036 = arith.index_cast %get3A_4028 : i32 to index
        %get3A_4037 = arith.index_cast %add3A_532 : i32 to index
        %get3A_4038 = arith.constant 112 : index
        %get3A_4039 = tpu.vector_load %get3A_4034[%get3A_4035, %get3A_4036, %get3A_4037, %get3A_4038] {strides = array<i32>} : memref<9x1x16x128xf32, #tpu.memory_space<vmem>>, vector<16xf32>,
        %gt3A_4040 = arith.constant 5.000000e-01 : f32
        %gt3A_4041 = vector.broadcast %gt3A_4040 : f32 to vector<16xf32>
        %gt3A_4042 = arith.cmpf ogt, %get3A_4026, %gt3A_4041 : vector<16xf32>
        %jit3A_4043 = arith.constant 1.000000e+00 : f32
        %jit3A_4044 = arith.constant 0.000000e+00 : f32
        %broadcast_in_dim3A_4045 = vector.broadcast %jit3A_4043 : f32 to vector<16xf32>
        %broadcast_in_dim3A_4046 = vector.broadcast %jit3A_4044 : f32 to vector<16xf32>
        %select_n3A_4047 = arith.select %gt3A_4042, %broadcast_in_dim3A_4045, %broadcast_in_dim3A_4046 : vector<16xi1>, vector<16xf32>
        %ne3A_4048 = arith.constant 0.000000e+00 : f32
        %ne3A_4049 = vector.broadcast %ne3A_4048 : f32 to vector<16xf32>
        %ne3A_4050 = arith.cmpf one, %get3A_4026, %ne3A_4049 : vector<16xf32>
        %jit3A_4051 = arith.constant 1.000000e+00 : f32
        %jit3A_4052 = arith.constant 0.000000e+00 : f32
        %broadcast_in_dim3A_4053 = vector.broadcast %jit3A_4051 : f32 to vector<16xf32>
        %broadcast_in_dim3A_4054 = vector.broadcast %jit3A_4052 : f32 to vector<16xf32>
        %select_n3A_4055 = arith.select %ne3A_4050, %broadcast_in_dim3A_4053, %broadcast_in_dim3A_4054 : vector<16xi1>, vector<16xf32>
        %mul3A_4056 = arith.mulf %get3A_4039, %select_n3A_4047 : vector<16xf32>
        %add3A_4057 = arith.addf %broadcast_in_dim3A_4013, %mul3A_4056 : vector<16xf32>
        %mul3A_4058 = arith.mulf %get3A_4039, %select_n3A_4055 : vector<16xf32>
        %add3A_4059 = arith.addf %broadcast_in_dim3A_4013, %mul3A_4058 : vector<16xf32>
        %add3A_4060 = arith.addf %broadcast_in_dim3A_4013, %select_n3A_4047 : vector<16xf32>
        %add3A_4061 = arith.addf %broadcast_in_dim3A_4013, %select_n3A_4055 : vector<16xf32>
        %get3A_4062 = arith.constant 1 : i32
        %get3A_4063 = arith.constant 0 : i32
        %get3A_4064 = arith.constant 0 : i32
        %get3A_4065 = arith.constant 0 : i32
        %get3A_4066 = arith.constant 0 : i32
        %get3A_4067 = arith.constant 0 : i32
        %get3A_4068 = tpu.memref_slice %run_scoped3A_77[%rem3A_308, %get3A_4064, %get3A_4065, %get3A_4066, %get3A_4067] : memref<2x9x1x16x128xf32, #tpu.memory_space<vmem>> -> memref<1x9x1x16x128xf32, #tpu.memory_space<vmem>>
        %get3A_4069 = tpu.memref_squeeze %get3A_4068 : memref<1x9x1x16x128xf32, #tpu.memory_space<vmem>> -> memref<9x1x16x128xf32, #tpu.memory_space<vmem>>
        %get3A_4070 = arith.index_cast %get3A_4062 : i32 to index
        %get3A_4071 = arith.index_cast %get3A_4063 : i32 to index
        %get3A_4072 = arith.index_cast %add3A_532 : i32 to index
        %get3A_4073 = arith.constant 112 : index
        %get3A_4074 = tpu.vector_load %get3A_4069[%get3A_4070, %get3A_4071, %get3A_4072, %get3A_4073] {strides = array<i32>} : memref<9x1x16x128xf32, #tpu.memory_space<vmem>>, vector<16xf32>,
        %get3A_4075 = arith.constant 1 : i32
        %get3A_4076 = arith.constant 0 : i32
        %get3A_4077 = arith.constant 0 : i32
        %get3A_4078 = arith.constant 0 : i32
        %get3A_4079 = arith.constant 0 : i32
        %get3A_4080 = arith.constant 0 : i32
        %get3A_4081 = tpu.memref_slice %run_scoped3A[%rem3A_306, %get3A_4077, %get3A_4078, %get3A_4079, %get3A_4080] : memref<2x9x1x16x128xf32, #tpu.memory_space<vmem>> -> memref<1x9x1x16x128xf32, #tpu.memory_space<vmem>>
        %get3A_4082 = tpu.memref_squeeze %get3A_4081 : memref<1x9x1x16x128xf32, #tpu.memory_space<vmem>> -> memref<9x1x16x128xf32, #tpu.memory_space<vmem>>
        %get3A_4083 = arith.index_cast %get3A_4075 : i32 to index
        %get3A_4084 = arith.index_cast %get3A_4076 : i32 to index
        %get3A_4085 = arith.index_cast %add3A_532 : i32 to index
        %get3A_4086 = arith.constant 112 : index
        %get3A_4087 = tpu.vector_load %get3A_4082[%get3A_4083, %get3A_4084, %get3A_4085, %get3A_4086] {strides = array<i32>} : memref<9x1x16x128xf32, #tpu.memory_space<vmem>>, vector<16xf32>,
        %gt3A_4088 = arith.constant 5.000000e-01 : f32
        %gt3A_4089 = vector.broadcast %gt3A_4088 : f32 to vector<16xf32>
        %gt3A_4090 = arith.cmpf ogt, %get3A_4074, %gt3A_4089 : vector<16xf32>
        %jit3A_4091 = arith.constant 1.000000e+00 : f32
        %jit3A_4092 = arith.constant 0.000000e+00 : f32
        %broadcast_in_dim3A_4093 = vector.broadcast %jit3A_4091 : f32 to vector<16xf32>
        %broadcast_in_dim3A_4094 = vector.broadcast %jit3A_4092 : f32 to vector<16xf32>
        %select_n3A_4095 = arith.select %gt3A_4090, %broadcast_in_dim3A_4093, %broadcast_in_dim3A_4094 : vector<16xi1>, vector<16xf32>
        %ne3A_4096 = arith.constant 0.000000e+00 : f32
        %ne3A_4097 = vector.broadcast %ne3A_4096 : f32 to vector<16xf32>
        %ne3A_4098 = arith.cmpf one, %get3A_4074, %ne3A_4097 : vector<16xf32>
        %jit3A_4099 = arith.constant 1.000000e+00 : f32
        %jit3A_4100 = arith.constant 0.000000e+00 : f32
        %broadcast_in_dim3A_4101 = vector.broadcast %jit3A_4099 : f32 to vector<16xf32>
        %broadcast_in_dim3A_4102 = vector.broadcast %jit3A_4100 : f32 to vector<16xf32>
        %select_n3A_4103 = arith.select %ne3A_4098, %broadcast_in_dim3A_4101, %broadcast_in_dim3A_4102 : vector<16xi1>, vector<16xf32>
        %mul3A_4104 = arith.mulf %get3A_4087, %select_n3A_4095 : vector<16xf32>
        %add3A_4105 = arith.addf %add3A_4057, %mul3A_4104 : vector<16xf32>
        %mul3A_4106 = arith.mulf %get3A_4087, %select_n3A_4103 : vector<16xf32>
        %add3A_4107 = arith.addf %add3A_4059, %mul3A_4106 : vector<16xf32>
        %add3A_4108 = arith.addf %add3A_4060, %select_n3A_4095 : vector<16xf32>
        %add3A_4109 = arith.addf %add3A_4061, %select_n3A_4103 : vector<16xf32>
        %get3A_4110 = arith.constant 2 : i32
        %get3A_4111 = arith.constant 0 : i32
        %get3A_4112 = arith.constant 0 : i32
        %get3A_4113 = arith.constant 0 : i32
        %get3A_4114 = arith.constant 0 : i32
        %get3A_4115 = arith.constant 0 : i32
        %get3A_4116 = tpu.memref_slice %run_scoped3A_77[%rem3A_308, %get3A_4112, %get3A_4113, %get3A_4114, %get3A_4115] : memref<2x9x1x16x128xf32, #tpu.memory_space<vmem>> -> memref<1x9x1x16x128xf32, #tpu.memory_space<vmem>>
        %get3A_4117 = tpu.memref_squeeze %get3A_4116 : memref<1x9x1x16x128xf32, #tpu.memory_space<vmem>> -> memref<9x1x16x128xf32, #tpu.memory_space<vmem>>
        %get3A_4118 = arith.index_cast %get3A_4110 : i32 to index
        %get3A_4119 = arith.index_cast %get3A_4111 : i32 to index
        %get3A_4120 = arith.index_cast %add3A_532 : i32 to index
        %get3A_4121 = arith.constant 112 : index
        %get3A_4122 = tpu.vector_load %get3A_4117[%get3A_4118, %get3A_4119, %get3A_4120, %get3A_4121] {strides = array<i32>} : memref<9x1x16x128xf32, #tpu.memory_space<vmem>>, vector<16xf32>,
        %get3A_4123 = arith.constant 2 : i32
        %get3A_4124 = arith.constant 0 : i32
        %get3A_4125 = arith.constant 0 : i32
        %get3A_4126 = arith.constant 0 : i32
        %get3A_4127 = arith.constant 0 : i32
        %get3A_4128 = arith.constant 0 : i32
        %get3A_4129 = tpu.memref_slice %run_scoped3A[%rem3A_306, %get3A_4125, %get3A_4126, %get3A_4127, %get3A_4128] : memref<2x9x1x16x128xf32, #tpu.memory_space<vmem>> -> memref<1x9x1x16x128xf32, #tpu.memory_space<vmem>>
        %get3A_4130 = tpu.memref_squeeze %get3A_4129 : memref<1x9x1x16x128xf32, #tpu.memory_space<vmem>> -> memref<9x1x16x128xf32, #tpu.memory_space<vmem>>
        %get3A_4131 = arith.index_cast %get3A_4123 : i32 to index
        %get3A_4132 = arith.index_cast %get3A_4124 : i32 to index
        %get3A_4133 = arith.index_cast %add3A_532 : i32 to index
        %get3A_4134 = arith.constant 112 : index
        %get3A_4135 = tpu.vector_load %get3A_4130[%get3A_4131, %get3A_4132, %get3A_4133, %get3A_4134] {strides = array<i32>} : memref<9x1x16x128xf32, #tpu.memory_space<vmem>>, vector<16xf32>,
        %gt3A_4136 = arith.constant 5.000000e-01 : f32
        %gt3A_4137 = vector.broadcast %gt3A_4136 : f32 to vector<16xf32>
        %gt3A_4138 = arith.cmpf ogt, %get3A_4122, %gt3A_4137 : vector<16xf32>
        %jit3A_4139 = arith.constant 1.000000e+00 : f32
        %jit3A_4140 = arith.constant 0.000000e+00 : f32
        %broadcast_in_dim3A_4141 = vector.broadcast %jit3A_4139 : f32 to vector<16xf32>
        %broadcast_in_dim3A_4142 = vector.broadcast %jit3A_4140 : f32 to vector<16xf32>
        %select_n3A_4143 = arith.select %gt3A_4138, %broadcast_in_dim3A_4141, %broadcast_in_dim3A_4142 : vector<16xi1>, vector<16xf32>
        %ne3A_4144 = arith.constant 0.000000e+00 : f32
        %ne3A_4145 = vector.broadcast %ne3A_4144 : f32 to vector<16xf32>
        %ne3A_4146 = arith.cmpf one, %get3A_4122, %ne3A_4145 : vector<16xf32>
        %jit3A_4147 = arith.constant 1.000000e+00 : f32
        %jit3A_4148 = arith.constant 0.000000e+00 : f32
        %broadcast_in_dim3A_4149 = vector.broadcast %jit3A_4147 : f32 to vector<16xf32>
        %broadcast_in_dim3A_4150 = vector.broadcast %jit3A_4148 : f32 to vector<16xf32>
        %select_n3A_4151 = arith.select %ne3A_4146, %broadcast_in_dim3A_4149, %broadcast_in_dim3A_4150 : vector<16xi1>, vector<16xf32>
        %mul3A_4152 = arith.mulf %get3A_4135, %select_n3A_4143 : vector<16xf32>
        %add3A_4153 = arith.addf %add3A_4105, %mul3A_4152 : vector<16xf32>
        %mul3A_4154 = arith.mulf %get3A_4135, %select_n3A_4151 : vector<16xf32>
        %add3A_4155 = arith.addf %add3A_4107, %mul3A_4154 : vector<16xf32>
        %add3A_4156 = arith.addf %add3A_4108, %select_n3A_4143 : vector<16xf32>
        %add3A_4157 = arith.addf %add3A_4109, %select_n3A_4151 : vector<16xf32>
        %get3A_4158 = arith.constant 3 : i32
        %get3A_4159 = arith.constant 0 : i32
        %get3A_4160 = arith.constant 0 : i32
        %get3A_4161 = arith.constant 0 : i32
        %get3A_4162 = arith.constant 0 : i32
        %get3A_4163 = arith.constant 0 : i32
        %get3A_4164 = tpu.memref_slice %run_scoped3A_77[%rem3A_308, %get3A_4160, %get3A_4161, %get3A_4162, %get3A_4163] : memref<2x9x1x16x128xf32, #tpu.memory_space<vmem>> -> memref<1x9x1x16x128xf32, #tpu.memory_space<vmem>>
        %get3A_4165 = tpu.memref_squeeze %get3A_4164 : memref<1x9x1x16x128xf32, #tpu.memory_space<vmem>> -> memref<9x1x16x128xf32, #tpu.memory_space<vmem>>
        %get3A_4166 = arith.index_cast %get3A_4158 : i32 to index
        %get3A_4167 = arith.index_cast %get3A_4159 : i32 to index
        %get3A_4168 = arith.index_cast %add3A_532 : i32 to index
        %get3A_4169 = arith.constant 112 : index
        %get3A_4170 = tpu.vector_load %get3A_4165[%get3A_4166, %get3A_4167, %get3A_4168, %get3A_4169] {strides = array<i32>} : memref<9x1x16x128xf32, #tpu.memory_space<vmem>>, vector<16xf32>,
        %get3A_4171 = arith.constant 3 : i32
        %get3A_4172 = arith.constant 0 : i32
        %get3A_4173 = arith.constant 0 : i32
        %get3A_4174 = arith.constant 0 : i32
        %get3A_4175 = arith.constant 0 : i32
        %get3A_4176 = arith.constant 0 : i32
        %get3A_4177 = tpu.memref_slice %run_scoped3A[%rem3A_306, %get3A_4173, %get3A_4174, %get3A_4175, %get3A_4176] : memref<2x9x1x16x128xf32, #tpu.memory_space<vmem>> -> memref<1x9x1x16x128xf32, #tpu.memory_space<vmem>>
        %get3A_4178 = tpu.memref_squeeze %get3A_4177 : memref<1x9x1x16x128xf32, #tpu.memory_space<vmem>> -> memref<9x1x16x128xf32, #tpu.memory_space<vmem>>
        %get3A_4179 = arith.index_cast %get3A_4171 : i32 to index
        %get3A_4180 = arith.index_cast %get3A_4172 : i32 to index
        %get3A_4181 = arith.index_cast %add3A_532 : i32 to index
        %get3A_4182 = arith.constant 112 : index
        %get3A_4183 = tpu.vector_load %get3A_4178[%get3A_4179, %get3A_4180, %get3A_4181, %get3A_4182] {strides = array<i32>} : memref<9x1x16x128xf32, #tpu.memory_space<vmem>>, vector<16xf32>,
        %gt3A_4184 = arith.constant 5.000000e-01 : f32
        %gt3A_4185 = vector.broadcast %gt3A_4184 : f32 to vector<16xf32>
        %gt3A_4186 = arith.cmpf ogt, %get3A_4170, %gt3A_4185 : vector<16xf32>
        %jit3A_4187 = arith.constant 1.000000e+00 : f32
        %jit3A_4188 = arith.constant 0.000000e+00 : f32
        %broadcast_in_dim3A_4189 = vector.broadcast %jit3A_4187 : f32 to vector<16xf32>
        %broadcast_in_dim3A_4190 = vector.broadcast %jit3A_4188 : f32 to vector<16xf32>
        %select_n3A_4191 = arith.select %gt3A_4186, %broadcast_in_dim3A_4189, %broadcast_in_dim3A_4190 : vector<16xi1>, vector<16xf32>
        %ne3A_4192 = arith.constant 0.000000e+00 : f32
        %ne3A_4193 = vector.broadcast %ne3A_4192 : f32 to vector<16xf32>
        %ne3A_4194 = arith.cmpf one, %get3A_4170, %ne3A_4193 : vector<16xf32>
        %jit3A_4195 = arith.constant 1.000000e+00 : f32
        %jit3A_4196 = arith.constant 0.000000e+00 : f32
        %broadcast_in_dim3A_4197 = vector.broadcast %jit3A_4195 : f32 to vector<16xf32>
        %broadcast_in_dim3A_4198 = vector.broadcast %jit3A_4196 : f32 to vector<16xf32>
        %select_n3A_4199 = arith.select %ne3A_4194, %broadcast_in_dim3A_4197, %broadcast_in_dim3A_4198 : vector<16xi1>, vector<16xf32>
        %mul3A_4200 = arith.mulf %get3A_4183, %select_n3A_4191 : vector<16xf32>
        %add3A_4201 = arith.addf %add3A_4153, %mul3A_4200 : vector<16xf32>
        %mul3A_4202 = arith.mulf %get3A_4183, %select_n3A_4199 : vector<16xf32>
        %add3A_4203 = arith.addf %add3A_4155, %mul3A_4202 : vector<16xf32>
        %add3A_4204 = arith.addf %add3A_4156, %select_n3A_4191 : vector<16xf32>
        %add3A_4205 = arith.addf %add3A_4157, %select_n3A_4199 : vector<16xf32>
        %get3A_4206 = arith.constant 4 : i32
        %get3A_4207 = arith.constant 0 : i32
        %get3A_4208 = arith.constant 0 : i32
        %get3A_4209 = arith.constant 0 : i32
        %get3A_4210 = arith.constant 0 : i32
        %get3A_4211 = arith.constant 0 : i32
        %get3A_4212 = tpu.memref_slice %run_scoped3A_77[%rem3A_308, %get3A_4208, %get3A_4209, %get3A_4210, %get3A_4211] : memref<2x9x1x16x128xf32, #tpu.memory_space<vmem>> -> memref<1x9x1x16x128xf32, #tpu.memory_space<vmem>>
        %get3A_4213 = tpu.memref_squeeze %get3A_4212 : memref<1x9x1x16x128xf32, #tpu.memory_space<vmem>> -> memref<9x1x16x128xf32, #tpu.memory_space<vmem>>
        %get3A_4214 = arith.index_cast %get3A_4206 : i32 to index
        %get3A_4215 = arith.index_cast %get3A_4207 : i32 to index
        %get3A_4216 = arith.index_cast %add3A_532 : i32 to index
        %get3A_4217 = arith.constant 112 : index
        %get3A_4218 = tpu.vector_load %get3A_4213[%get3A_4214, %get3A_4215, %get3A_4216, %get3A_4217] {strides = array<i32>} : memref<9x1x16x128xf32, #tpu.memory_space<vmem>>, vector<16xf32>,
        %get3A_4219 = arith.constant 4 : i32
        %get3A_4220 = arith.constant 0 : i32
        %get3A_4221 = arith.constant 0 : i32
        %get3A_4222 = arith.constant 0 : i32
        %get3A_4223 = arith.constant 0 : i32
        %get3A_4224 = arith.constant 0 : i32
        %get3A_4225 = tpu.memref_slice %run_scoped3A[%rem3A_306, %get3A_4221, %get3A_4222, %get3A_4223, %get3A_4224] : memref<2x9x1x16x128xf32, #tpu.memory_space<vmem>> -> memref<1x9x1x16x128xf32, #tpu.memory_space<vmem>>
        %get3A_4226 = tpu.memref_squeeze %get3A_4225 : memref<1x9x1x16x128xf32, #tpu.memory_space<vmem>> -> memref<9x1x16x128xf32, #tpu.memory_space<vmem>>
        %get3A_4227 = arith.index_cast %get3A_4219 : i32 to index
        %get3A_4228 = arith.index_cast %get3A_4220 : i32 to index
        %get3A_4229 = arith.index_cast %add3A_532 : i32 to index
        %get3A_4230 = arith.constant 112 : index
        %get3A_4231 = tpu.vector_load %get3A_4226[%get3A_4227, %get3A_4228, %get3A_4229, %get3A_4230] {strides = array<i32>} : memref<9x1x16x128xf32, #tpu.memory_space<vmem>>, vector<16xf32>,
        %gt3A_4232 = arith.constant 5.000000e-01 : f32
        %gt3A_4233 = vector.broadcast %gt3A_4232 : f32 to vector<16xf32>
        %gt3A_4234 = arith.cmpf ogt, %get3A_4218, %gt3A_4233 : vector<16xf32>
        %jit3A_4235 = arith.constant 1.000000e+00 : f32
        %jit3A_4236 = arith.constant 0.000000e+00 : f32
        %broadcast_in_dim3A_4237 = vector.broadcast %jit3A_4235 : f32 to vector<16xf32>
        %broadcast_in_dim3A_4238 = vector.broadcast %jit3A_4236 : f32 to vector<16xf32>
        %select_n3A_4239 = arith.select %gt3A_4234, %broadcast_in_dim3A_4237, %broadcast_in_dim3A_4238 : vector<16xi1>, vector<16xf32>
        %ne3A_4240 = arith.constant 0.000000e+00 : f32
        %ne3A_4241 = vector.broadcast %ne3A_4240 : f32 to vector<16xf32>
        %ne3A_4242 = arith.cmpf one, %get3A_4218, %ne3A_4241 : vector<16xf32>
        %jit3A_4243 = arith.constant 1.000000e+00 : f32
        %jit3A_4244 = arith.constant 0.000000e+00 : f32
        %broadcast_in_dim3A_4245 = vector.broadcast %jit3A_4243 : f32 to vector<16xf32>
        %broadcast_in_dim3A_4246 = vector.broadcast %jit3A_4244 : f32 to vector<16xf32>
        %select_n3A_4247 = arith.select %ne3A_4242, %broadcast_in_dim3A_4245, %broadcast_in_dim3A_4246 : vector<16xi1>, vector<16xf32>
        %mul3A_4248 = arith.mulf %get3A_4231, %select_n3A_4239 : vector<16xf32>
        %add3A_4249 = arith.addf %add3A_4201, %mul3A_4248 : vector<16xf32>
        %mul3A_4250 = arith.mulf %get3A_4231, %select_n3A_4247 : vector<16xf32>
        %add3A_4251 = arith.addf %add3A_4203, %mul3A_4250 : vector<16xf32>
        %add3A_4252 = arith.addf %add3A_4204, %select_n3A_4239 : vector<16xf32>
        %add3A_4253 = arith.addf %add3A_4205, %select_n3A_4247 : vector<16xf32>
        %get3A_4254 = arith.constant 5 : i32
        %get3A_4255 = arith.constant 0 : i32
        %get3A_4256 = arith.constant 0 : i32
        %get3A_4257 = arith.constant 0 : i32
        %get3A_4258 = arith.constant 0 : i32
        %get3A_4259 = arith.constant 0 : i32
        %get3A_4260 = tpu.memref_slice %run_scoped3A_77[%rem3A_308, %get3A_4256, %get3A_4257, %get3A_4258, %get3A_4259] : memref<2x9x1x16x128xf32, #tpu.memory_space<vmem>> -> memref<1x9x1x16x128xf32, #tpu.memory_space<vmem>>
        %get3A_4261 = tpu.memref_squeeze %get3A_4260 : memref<1x9x1x16x128xf32, #tpu.memory_space<vmem>> -> memref<9x1x16x128xf32, #tpu.memory_space<vmem>>
        %get3A_4262 = arith.index_cast %get3A_4254 : i32 to index
        %get3A_4263 = arith.index_cast %get3A_4255 : i32 to index
        %get3A_4264 = arith.index_cast %add3A_532 : i32 to index
        %get3A_4265 = arith.constant 112 : index
        %get3A_4266 = tpu.vector_load %get3A_4261[%get3A_4262, %get3A_4263, %get3A_4264, %get3A_4265] {strides = array<i32>} : memref<9x1x16x128xf32, #tpu.memory_space<vmem>>, vector<16xf32>,
        %get3A_4267 = arith.constant 5 : i32
        %get3A_4268 = arith.constant 0 : i32
        %get3A_4269 = arith.constant 0 : i32
        %get3A_4270 = arith.constant 0 : i32
        %get3A_4271 = arith.constant 0 : i32
        %get3A_4272 = arith.constant 0 : i32
        %get3A_4273 = tpu.memref_slice %run_scoped3A[%rem3A_306, %get3A_4269, %get3A_4270, %get3A_4271, %get3A_4272] : memref<2x9x1x16x128xf32, #tpu.memory_space<vmem>> -> memref<1x9x1x16x128xf32, #tpu.memory_space<vmem>>
        %get3A_4274 = tpu.memref_squeeze %get3A_4273 : memref<1x9x1x16x128xf32, #tpu.memory_space<vmem>> -> memref<9x1x16x128xf32, #tpu.memory_space<vmem>>
        %get3A_4275 = arith.index_cast %get3A_4267 : i32 to index
        %get3A_4276 = arith.index_cast %get3A_4268 : i32 to index
        %get3A_4277 = arith.index_cast %add3A_532 : i32 to index
        %get3A_4278 = arith.constant 112 : index
        %get3A_4279 = tpu.vector_load %get3A_4274[%get3A_4275, %get3A_4276, %get3A_4277, %get3A_4278] {strides = array<i32>} : memref<9x1x16x128xf32, #tpu.memory_space<vmem>>, vector<16xf32>,
        %gt3A_4280 = arith.constant 5.000000e-01 : f32
        %gt3A_4281 = vector.broadcast %gt3A_4280 : f32 to vector<16xf32>
        %gt3A_4282 = arith.cmpf ogt, %get3A_4266, %gt3A_4281 : vector<16xf32>
        %jit3A_4283 = arith.constant 1.000000e+00 : f32
        %jit3A_4284 = arith.constant 0.000000e+00 : f32
        %broadcast_in_dim3A_4285 = vector.broadcast %jit3A_4283 : f32 to vector<16xf32>
        %broadcast_in_dim3A_4286 = vector.broadcast %jit3A_4284 : f32 to vector<16xf32>
        %select_n3A_4287 = arith.select %gt3A_4282, %broadcast_in_dim3A_4285, %broadcast_in_dim3A_4286 : vector<16xi1>, vector<16xf32>
        %ne3A_4288 = arith.constant 0.000000e+00 : f32
        %ne3A_4289 = vector.broadcast %ne3A_4288 : f32 to vector<16xf32>
        %ne3A_4290 = arith.cmpf one, %get3A_4266, %ne3A_4289 : vector<16xf32>
        %jit3A_4291 = arith.constant 1.000000e+00 : f32
        %jit3A_4292 = arith.constant 0.000000e+00 : f32
        %broadcast_in_dim3A_4293 = vector.broadcast %jit3A_4291 : f32 to vector<16xf32>
        %broadcast_in_dim3A_4294 = vector.broadcast %jit3A_4292 : f32 to vector<16xf32>
        %select_n3A_4295 = arith.select %ne3A_4290, %broadcast_in_dim3A_4293, %broadcast_in_dim3A_4294 : vector<16xi1>, vector<16xf32>
        %mul3A_4296 = arith.mulf %get3A_4279, %select_n3A_4287 : vector<16xf32>
        %add3A_4297 = arith.addf %add3A_4249, %mul3A_4296 : vector<16xf32>
        %mul3A_4298 = arith.mulf %get3A_4279, %select_n3A_4295 : vector<16xf32>
        %add3A_4299 = arith.addf %add3A_4251, %mul3A_4298 : vector<16xf32>
        %add3A_4300 = arith.addf %add3A_4252, %select_n3A_4287 : vector<16xf32>
        %add3A_4301 = arith.addf %add3A_4253, %select_n3A_4295 : vector<16xf32>
        %get3A_4302 = arith.constant 6 : i32
        %get3A_4303 = arith.constant 0 : i32
        %get3A_4304 = arith.constant 0 : i32
        %get3A_4305 = arith.constant 0 : i32
        %get3A_4306 = arith.constant 0 : i32
        %get3A_4307 = arith.constant 0 : i32
        %get3A_4308 = tpu.memref_slice %run_scoped3A_77[%rem3A_308, %get3A_4304, %get3A_4305, %get3A_4306, %get3A_4307] : memref<2x9x1x16x128xf32, #tpu.memory_space<vmem>> -> memref<1x9x1x16x128xf32, #tpu.memory_space<vmem>>
        %get3A_4309 = tpu.memref_squeeze %get3A_4308 : memref<1x9x1x16x128xf32, #tpu.memory_space<vmem>> -> memref<9x1x16x128xf32, #tpu.memory_space<vmem>>
        %get3A_4310 = arith.index_cast %get3A_4302 : i32 to index
        %get3A_4311 = arith.index_cast %get3A_4303 : i32 to index
        %get3A_4312 = arith.index_cast %add3A_532 : i32 to index
        %get3A_4313 = arith.constant 112 : index
        %get3A_4314 = tpu.vector_load %get3A_4309[%get3A_4310, %get3A_4311, %get3A_4312, %get3A_4313] {strides = array<i32>} : memref<9x1x16x128xf32, #tpu.memory_space<vmem>>, vector<16xf32>,
        %get3A_4315 = arith.constant 6 : i32
        %get3A_4316 = arith.constant 0 : i32
        %get3A_4317 = arith.constant 0 : i32
        %get3A_4318 = arith.constant 0 : i32
        %get3A_4319 = arith.constant 0 : i32
        %get3A_4320 = arith.constant 0 : i32
        %get3A_4321 = tpu.memref_slice %run_scoped3A[%rem3A_306, %get3A_4317, %get3A_4318, %get3A_4319, %get3A_4320] : memref<2x9x1x16x128xf32, #tpu.memory_space<vmem>> -> memref<1x9x1x16x128xf32, #tpu.memory_space<vmem>>
        %get3A_4322 = tpu.memref_squeeze %get3A_4321 : memref<1x9x1x16x128xf32, #tpu.memory_space<vmem>> -> memref<9x1x16x128xf32, #tpu.memory_space<vmem>>
        %get3A_4323 = arith.index_cast %get3A_4315 : i32 to index
        %get3A_4324 = arith.index_cast %get3A_4316 : i32 to index
        %get3A_4325 = arith.index_cast %add3A_532 : i32 to index
        %get3A_4326 = arith.constant 112 : index
        %get3A_4327 = tpu.vector_load %get3A_4322[%get3A_4323, %get3A_4324, %get3A_4325, %get3A_4326] {strides = array<i32>} : memref<9x1x16x128xf32, #tpu.memory_space<vmem>>, vector<16xf32>,
        %gt3A_4328 = arith.constant 5.000000e-01 : f32
        %gt3A_4329 = vector.broadcast %gt3A_4328 : f32 to vector<16xf32>
        %gt3A_4330 = arith.cmpf ogt, %get3A_4314, %gt3A_4329 : vector<16xf32>
        %jit3A_4331 = arith.constant 1.000000e+00 : f32
        %jit3A_4332 = arith.constant 0.000000e+00 : f32
        %broadcast_in_dim3A_4333 = vector.broadcast %jit3A_4331 : f32 to vector<16xf32>
        %broadcast_in_dim3A_4334 = vector.broadcast %jit3A_4332 : f32 to vector<16xf32>
        %select_n3A_4335 = arith.select %gt3A_4330, %broadcast_in_dim3A_4333, %broadcast_in_dim3A_4334 : vector<16xi1>, vector<16xf32>
        %ne3A_4336 = arith.constant 0.000000e+00 : f32
        %ne3A_4337 = vector.broadcast %ne3A_4336 : f32 to vector<16xf32>
        %ne3A_4338 = arith.cmpf one, %get3A_4314, %ne3A_4337 : vector<16xf32>
        %jit3A_4339 = arith.constant 1.000000e+00 : f32
        %jit3A_4340 = arith.constant 0.000000e+00 : f32
        %broadcast_in_dim3A_4341 = vector.broadcast %jit3A_4339 : f32 to vector<16xf32>
        %broadcast_in_dim3A_4342 = vector.broadcast %jit3A_4340 : f32 to vector<16xf32>
        %select_n3A_4343 = arith.select %ne3A_4338, %broadcast_in_dim3A_4341, %broadcast_in_dim3A_4342 : vector<16xi1>, vector<16xf32>
        %mul3A_4344 = arith.mulf %get3A_4327, %select_n3A_4335 : vector<16xf32>
        %add3A_4345 = arith.addf %add3A_4297, %mul3A_4344 : vector<16xf32>
        %mul3A_4346 = arith.mulf %get3A_4327, %select_n3A_4343 : vector<16xf32>
        %add3A_4347 = arith.addf %add3A_4299, %mul3A_4346 : vector<16xf32>
        %add3A_4348 = arith.addf %add3A_4300, %select_n3A_4335 : vector<16xf32>
        %add3A_4349 = arith.addf %add3A_4301, %select_n3A_4343 : vector<16xf32>
        %get3A_4350 = arith.constant 7 : i32
        %get3A_4351 = arith.constant 0 : i32
        %get3A_4352 = arith.constant 0 : i32
        %get3A_4353 = arith.constant 0 : i32
        %get3A_4354 = arith.constant 0 : i32
        %get3A_4355 = arith.constant 0 : i32
        %get3A_4356 = tpu.memref_slice %run_scoped3A_77[%rem3A_308, %get3A_4352, %get3A_4353, %get3A_4354, %get3A_4355] : memref<2x9x1x16x128xf32, #tpu.memory_space<vmem>> -> memref<1x9x1x16x128xf32, #tpu.memory_space<vmem>>
        %get3A_4357 = tpu.memref_squeeze %get3A_4356 : memref<1x9x1x16x128xf32, #tpu.memory_space<vmem>> -> memref<9x1x16x128xf32, #tpu.memory_space<vmem>>
        %get3A_4358 = arith.index_cast %get3A_4350 : i32 to index
        %get3A_4359 = arith.index_cast %get3A_4351 : i32 to index
        %get3A_4360 = arith.index_cast %add3A_532 : i32 to index
        %get3A_4361 = arith.constant 112 : index
        %get3A_4362 = tpu.vector_load %get3A_4357[%get3A_4358, %get3A_4359, %get3A_4360, %get3A_4361] {strides = array<i32>} : memref<9x1x16x128xf32, #tpu.memory_space<vmem>>, vector<16xf32>,
        %get3A_4363 = arith.constant 7 : i32
        %get3A_4364 = arith.constant 0 : i32
        %get3A_4365 = arith.constant 0 : i32
        %get3A_4366 = arith.constant 0 : i32
        %get3A_4367 = arith.constant 0 : i32
        %get3A_4368 = arith.constant 0 : i32
        %get3A_4369 = tpu.memref_slice %run_scoped3A[%rem3A_306, %get3A_4365, %get3A_4366, %get3A_4367, %get3A_4368] : memref<2x9x1x16x128xf32, #tpu.memory_space<vmem>> -> memref<1x9x1x16x128xf32, #tpu.memory_space<vmem>>
        %get3A_4370 = tpu.memref_squeeze %get3A_4369 : memref<1x9x1x16x128xf32, #tpu.memory_space<vmem>> -> memref<9x1x16x128xf32, #tpu.memory_space<vmem>>
        %get3A_4371 = arith.index_cast %get3A_4363 : i32 to index
        %get3A_4372 = arith.index_cast %get3A_4364 : i32 to index
        %get3A_4373 = arith.index_cast %add3A_532 : i32 to index
        %get3A_4374 = arith.constant 112 : index
        %get3A_4375 = tpu.vector_load %get3A_4370[%get3A_4371, %get3A_4372, %get3A_4373, %get3A_4374] {strides = array<i32>} : memref<9x1x16x128xf32, #tpu.memory_space<vmem>>, vector<16xf32>,
        %gt3A_4376 = arith.constant 5.000000e-01 : f32
        %gt3A_4377 = vector.broadcast %gt3A_4376 : f32 to vector<16xf32>
        %gt3A_4378 = arith.cmpf ogt, %get3A_4362, %gt3A_4377 : vector<16xf32>
        %jit3A_4379 = arith.constant 1.000000e+00 : f32
        %jit3A_4380 = arith.constant 0.000000e+00 : f32
        %broadcast_in_dim3A_4381 = vector.broadcast %jit3A_4379 : f32 to vector<16xf32>
        %broadcast_in_dim3A_4382 = vector.broadcast %jit3A_4380 : f32 to vector<16xf32>
        %select_n3A_4383 = arith.select %gt3A_4378, %broadcast_in_dim3A_4381, %broadcast_in_dim3A_4382 : vector<16xi1>, vector<16xf32>
        %ne3A_4384 = arith.constant 0.000000e+00 : f32
        %ne3A_4385 = vector.broadcast %ne3A_4384 : f32 to vector<16xf32>
        %ne3A_4386 = arith.cmpf one, %get3A_4362, %ne3A_4385 : vector<16xf32>
        %jit3A_4387 = arith.constant 1.000000e+00 : f32
        %jit3A_4388 = arith.constant 0.000000e+00 : f32
        %broadcast_in_dim3A_4389 = vector.broadcast %jit3A_4387 : f32 to vector<16xf32>
        %broadcast_in_dim3A_4390 = vector.broadcast %jit3A_4388 : f32 to vector<16xf32>
        %select_n3A_4391 = arith.select %ne3A_4386, %broadcast_in_dim3A_4389, %broadcast_in_dim3A_4390 : vector<16xi1>, vector<16xf32>
        %mul3A_4392 = arith.mulf %get3A_4375, %select_n3A_4383 : vector<16xf32>
        %add3A_4393 = arith.addf %add3A_4345, %mul3A_4392 : vector<16xf32>
        %mul3A_4394 = arith.mulf %get3A_4375, %select_n3A_4391 : vector<16xf32>
        %add3A_4395 = arith.addf %add3A_4347, %mul3A_4394 : vector<16xf32>
        %add3A_4396 = arith.addf %add3A_4348, %select_n3A_4383 : vector<16xf32>
        %add3A_4397 = arith.addf %add3A_4349, %select_n3A_4391 : vector<16xf32>
        %get3A_4398 = arith.constant 8 : i32
        %get3A_4399 = arith.constant 0 : i32
        %get3A_4400 = arith.constant 0 : i32
        %get3A_4401 = arith.constant 0 : i32
        %get3A_4402 = arith.constant 0 : i32
        %get3A_4403 = arith.constant 0 : i32
        %get3A_4404 = tpu.memref_slice %run_scoped3A_77[%rem3A_308, %get3A_4400, %get3A_4401, %get3A_4402, %get3A_4403] : memref<2x9x1x16x128xf32, #tpu.memory_space<vmem>> -> memref<1x9x1x16x128xf32, #tpu.memory_space<vmem>>
        %get3A_4405 = tpu.memref_squeeze %get3A_4404 : memref<1x9x1x16x128xf32, #tpu.memory_space<vmem>> -> memref<9x1x16x128xf32, #tpu.memory_space<vmem>>
        %get3A_4406 = arith.index_cast %get3A_4398 : i32 to index
        %get3A_4407 = arith.index_cast %get3A_4399 : i32 to index
        %get3A_4408 = arith.index_cast %add3A_532 : i32 to index
        %get3A_4409 = arith.constant 112 : index
        %get3A_4410 = tpu.vector_load %get3A_4405[%get3A_4406, %get3A_4407, %get3A_4408, %get3A_4409] {strides = array<i32>} : memref<9x1x16x128xf32, #tpu.memory_space<vmem>>, vector<16xf32>,
        %get3A_4411 = arith.constant 8 : i32
        %get3A_4412 = arith.constant 0 : i32
        %get3A_4413 = arith.constant 0 : i32
        %get3A_4414 = arith.constant 0 : i32
        %get3A_4415 = arith.constant 0 : i32
        %get3A_4416 = arith.constant 0 : i32
        %get3A_4417 = tpu.memref_slice %run_scoped3A[%rem3A_306, %get3A_4413, %get3A_4414, %get3A_4415, %get3A_4416] : memref<2x9x1x16x128xf32, #tpu.memory_space<vmem>> -> memref<1x9x1x16x128xf32, #tpu.memory_space<vmem>>
        %get3A_4418 = tpu.memref_squeeze %get3A_4417 : memref<1x9x1x16x128xf32, #tpu.memory_space<vmem>> -> memref<9x1x16x128xf32, #tpu.memory_space<vmem>>
        %get3A_4419 = arith.index_cast %get3A_4411 : i32 to index
        %get3A_4420 = arith.index_cast %get3A_4412 : i32 to index
        %get3A_4421 = arith.index_cast %add3A_532 : i32 to index
        %get3A_4422 = arith.constant 112 : index
        %get3A_4423 = tpu.vector_load %get3A_4418[%get3A_4419, %get3A_4420, %get3A_4421, %get3A_4422] {strides = array<i32>} : memref<9x1x16x128xf32, #tpu.memory_space<vmem>>, vector<16xf32>,
        %gt3A_4424 = arith.constant 5.000000e-01 : f32
        %gt3A_4425 = vector.broadcast %gt3A_4424 : f32 to vector<16xf32>
        %gt3A_4426 = arith.cmpf ogt, %get3A_4410, %gt3A_4425 : vector<16xf32>
        %jit3A_4427 = arith.constant 1.000000e+00 : f32
        %jit3A_4428 = arith.constant 0.000000e+00 : f32
        %broadcast_in_dim3A_4429 = vector.broadcast %jit3A_4427 : f32 to vector<16xf32>
        %broadcast_in_dim3A_4430 = vector.broadcast %jit3A_4428 : f32 to vector<16xf32>
        %select_n3A_4431 = arith.select %gt3A_4426, %broadcast_in_dim3A_4429, %broadcast_in_dim3A_4430 : vector<16xi1>, vector<16xf32>
        %ne3A_4432 = arith.constant 0.000000e+00 : f32
        %ne3A_4433 = vector.broadcast %ne3A_4432 : f32 to vector<16xf32>
        %ne3A_4434 = arith.cmpf one, %get3A_4410, %ne3A_4433 : vector<16xf32>
        %jit3A_4435 = arith.constant 1.000000e+00 : f32
        %jit3A_4436 = arith.constant 0.000000e+00 : f32
        %broadcast_in_dim3A_4437 = vector.broadcast %jit3A_4435 : f32 to vector<16xf32>
        %broadcast_in_dim3A_4438 = vector.broadcast %jit3A_4436 : f32 to vector<16xf32>
        %select_n3A_4439 = arith.select %ne3A_4434, %broadcast_in_dim3A_4437, %broadcast_in_dim3A_4438 : vector<16xi1>, vector<16xf32>
        %mul3A_4440 = arith.mulf %get3A_4423, %select_n3A_4431 : vector<16xf32>
        %add3A_4441 = arith.addf %add3A_4393, %mul3A_4440 : vector<16xf32>
        %mul3A_4442 = arith.mulf %get3A_4423, %select_n3A_4439 : vector<16xf32>
        %add3A_4443 = arith.addf %add3A_4395, %mul3A_4442 : vector<16xf32>
        %add3A_4444 = arith.addf %add3A_4396, %select_n3A_4431 : vector<16xf32>
        %add3A_4445 = arith.addf %add3A_4397, %select_n3A_4439 : vector<16xf32>
        %sub3A_4446 = arith.subf %add3A_4443, %add3A_4441 : vector<16xf32>
        %sub3A_4447 = arith.subf %add3A_4445, %add3A_4444 : vector<16xf32>
        %max3A_4448 = arith.constant 1.000000e+00 : f32
        %max3A_4449 = vector.broadcast %max3A_4448 : f32 to vector<16xf32>
        %max3A_4450 = arith.maximumf %add3A_4444, %max3A_4449 : vector<16xf32>
        %max3A_4451 = arith.constant 1.000000e+00 : f32
        %max3A_4452 = vector.broadcast %max3A_4451 : f32 to vector<16xf32>
        %max3A_4453 = arith.maximumf %sub3A_4447, %max3A_4452 : vector<16xf32>
        %gt3A_4454 = arith.constant 0.000000e+00 : f32
        %gt3A_4455 = vector.broadcast %gt3A_4454 : f32 to vector<16xf32>
        %gt3A_4456 = arith.cmpf ogt, %add3A_4444, %gt3A_4455 : vector<16xf32>
        %gt3A_4457 = arith.constant 0.000000e+00 : f32
        %gt3A_4458 = vector.broadcast %gt3A_4457 : f32 to vector<16xf32>
        %gt3A_4459 = arith.cmpf ogt, %sub3A_4447, %gt3A_4458 : vector<16xf32>
        %and3A_4460 = arith.andi %gt3A_4456, %gt3A_4459 : vector<16xi1>
        %mul3A_4461 = arith.mulf %add3A_4441, %max3A_4453 : vector<16xf32>
        %mul3A_4462 = arith.mulf %sub3A_4446, %max3A_4450 : vector<16xf32>
        %gt3A_4463 = arith.cmpf ogt, %mul3A_4461, %mul3A_4462 : vector<16xf32>
        %jit3A_4464 = arith.constant 0.000000e+00 : f32
        %jit3A_4465 = arith.constant 1.000000e+00 : f32
        %broadcast_in_dim3A_4466 = vector.broadcast %jit3A_4464 : f32 to vector<16xf32>
        %broadcast_in_dim3A_4467 = vector.broadcast %jit3A_4465 : f32 to vector<16xf32>
        %select_n3A_4468 = arith.select %gt3A_4463, %broadcast_in_dim3A_4466, %broadcast_in_dim3A_4467 : vector<16xi1>, vector<16xf32>
        %jit3A_4469 = arith.constant 2.000000e+00 : f32
        %broadcast_in_dim3A_4470 = vector.broadcast %jit3A_4469 : f32 to vector<16xf32>
        %select_n3A_4471 = arith.select %and3A_4460, %select_n3A_4468, %broadcast_in_dim3A_4470 : vector<16xi1>, vector<16xf32>
        %eq3A_4472 = arith.constant 0.000000e+00 : f32
        %eq3A_4473 = vector.broadcast %eq3A_4472 : f32 to vector<16xf32>
        %eq3A_4474 = arith.cmpf oeq, %select_n3A_4471, %eq3A_4473 : vector<16xf32>
        %broadcast_in_dim3A_4475 = arith.constant 0.000000e+00 : f32
        %broadcast_in_dim3A_4476 = vector.broadcast %broadcast_in_dim3A_4475 : f32 to vector<16xf32>
        %broadcast_in_dim3A_4477 = arith.constant 1.000000e+00 : f32
        %broadcast_in_dim3A_4478 = vector.broadcast %broadcast_in_dim3A_4477 : f32 to vector<16xf32>
        %select_n3A_4479 = arith.select %eq3A_4474, %get3A_4231, %broadcast_in_dim3A_4476 : vector<16xi1>, vector<16xf32>
        %select_n3A_4480 = arith.select %eq3A_4474, %broadcast_in_dim3A_4478, %broadcast_in_dim3A_4476 : vector<16xi1>, vector<16xf32>
        %select_n3A_4481 = arith.select %eq3A_4474, %broadcast_in_dim3A_4476, %get3A_4231 : vector<16xi1>, vector<16xf32>
        %select_n3A_4482 = arith.select %eq3A_4474, %broadcast_in_dim3A_4476, %broadcast_in_dim3A_4478 : vector<16xi1>, vector<16xf32>
        %swap3A_4483 = tpu.memref_slice %run_scoped3A_79[%mul3A_312] : memref<4096xf32, #tpu.memory_space<vmem>> -> memref<2048xf32, #tpu.memory_space<vmem>>
        %swap3A_4484 = arith.index_cast %add3A_4011 : i32 to index
        %swap3A_4485 = tpu.vector_load %swap3A_4483[%swap3A_4484] {strides = array<i32>} : memref<2048xf32, #tpu.memory_space<vmem>>, vector<16xf32>,
        tpu.vector_store %swap3A_4483[%swap3A_4484], %select_n3A_4471 {strides = array<i32>} : memref<2048xf32, #tpu.memory_space<vmem>>, vector<16xf32>,
        %swap3A_4486 = tpu.memref_slice %run_scoped3A_81[%mul3A_316] : memref<4096xf32, #tpu.memory_space<vmem>> -> memref<2048xf32, #tpu.memory_space<vmem>>
        %swap3A_4487 = arith.index_cast %add3A_4011 : i32 to index
        %swap3A_4488 = tpu.vector_load %swap3A_4486[%swap3A_4487] {strides = array<i32>} : memref<2048xf32, #tpu.memory_space<vmem>>, vector<16xf32>,
        tpu.vector_store %swap3A_4486[%swap3A_4487], %get3A_4231 {strides = array<i32>} : memref<2048xf32, #tpu.memory_space<vmem>>, vector<16xf32>,
        %swap3A_4489 = arith.constant 0 : i32
        %swap3A_4490 = arith.index_cast %swap3A_4489 : i32 to index
        %swap3A_4491 = arith.constant 0 : index
        %swap3A_4492 = tpu.vector_load %arg7[%swap3A_4490, %swap3A_4491] {strides = array<i32>} : memref<2x128xf32, #tpu.memory_space<vmem>>, vector<16xf32>,
        tpu.vector_store %arg7[%swap3A_4490, %swap3A_4491], %select_n3A_4479 {add = true, strides = array<i32>} : memref<2x128xf32, #tpu.memory_space<vmem>>, vector<16xf32>,
        %swap3A_4493 = arith.constant 0 : i32
        %swap3A_4494 = arith.index_cast %swap3A_4493 : i32 to index
        %swap3A_4495 = arith.constant 16 : index
        %swap3A_4496 = tpu.vector_load %arg7[%swap3A_4494, %swap3A_4495] {strides = array<i32>} : memref<2x128xf32, #tpu.memory_space<vmem>>, vector<16xf32>,
        tpu.vector_store %arg7[%swap3A_4494, %swap3A_4495], %select_n3A_4480 {add = true, strides = array<i32>} : memref<2x128xf32, #tpu.memory_space<vmem>>, vector<16xf32>,
        %swap3A_4497 = arith.constant 0 : i32
        %swap3A_4498 = arith.index_cast %swap3A_4497 : i32 to index
        %swap3A_4499 = arith.constant 32 : index
        %swap3A_4500 = tpu.vector_load %arg7[%swap3A_4498, %swap3A_4499] {strides = array<i32>} : memref<2x128xf32, #tpu.memory_space<vmem>>, vector<16xf32>,
        tpu.vector_store %arg7[%swap3A_4498, %swap3A_4499], %select_n3A_4481 {add = true, strides = array<i32>} : memref<2x128xf32, #tpu.memory_space<vmem>>, vector<16xf32>,
        %swap3A_4501 = arith.constant 0 : i32
        %swap3A_4502 = arith.index_cast %swap3A_4501 : i32 to index
        %swap3A_4503 = arith.constant 48 : index
        %swap3A_4504 = tpu.vector_load %arg7[%swap3A_4502, %swap3A_4503] {strides = array<i32>} : memref<2x128xf32, #tpu.memory_space<vmem>>, vector<16xf32>,
        tpu.vector_store %arg7[%swap3A_4502, %swap3A_4503], %select_n3A_4482 {add = true, strides = array<i32>} : memref<2x128xf32, #tpu.memory_space<vmem>>, vector<16xf32>,
      }
      %scan3A_321 = arith.constant 16 : i32
      "tpu.trace_stop"() : () -> ()
      %ne3A_322 = arith.cmpi ne, %add3A_189, %add3A_209 : i32
      %or3A_323 = arith.constant false
      %or3A_324 = arith.ori %or3A_323, %ne3A_322 : i1
      %or3A_325 = arith.constant false
      %or3A_326 = arith.ori %or3A_324, %or3A_325 : i1
      %or3A_327 = arith.constant false
      %or3A_328 = arith.ori %or3A_326, %or3A_327 : i1
      %or3A_329 = arith.ori %or3A_328, %eq3A_187 : i1
      %convert_element_type3A_330 = arith.extui %or3A_329 : i1 to i32
      %cond3A_331 = arith.constant 0 : i32
      %cond3A_332 = arith.cmpi ne, %convert_element_type3A_330, %cond3A_331 : i32
      scf.if %cond3A_332 {
      } else {
      }
      %and3A_333 = arith.constant false
      %and3A_334 = arith.andi %or3A_329, %and3A_333 : i1
      %ne3A_335 = arith.cmpi ne, %add3A_189, %add3A_209 : i32
      %or3A_336 = arith.constant false
      %or3A_337 = arith.ori %or3A_336, %ne3A_335 : i1
      %or3A_338 = arith.constant false
      %or3A_339 = arith.ori %or3A_337, %or3A_338 : i1
      %or3A_340 = arith.constant false
      %or3A_341 = arith.ori %or3A_339, %or3A_340 : i1
      %or3A_342 = arith.ori %or3A_341, %eq3A_187 : i1
      %convert_element_type3A_343 = arith.extui %or3A_342 : i1 to i32
      %cond3A_344 = arith.constant 0 : i32
      %cond3A_345 = arith.cmpi ne, %convert_element_type3A_343, %cond3A_344 : i32
      scf.if %cond3A_345 {
      } else {
      }
      %and3A_346 = arith.constant false
      %and3A_347 = arith.andi %or3A_342, %and3A_346 : i1
      %ne3A_348 = arith.cmpi ne, %add3A_189, %add3A_209 : i32
      %or3A_349 = arith.constant false
      %or3A_350 = arith.ori %or3A_349, %ne3A_348 : i1
      %or3A_351 = arith.ori %or3A_350, %eq3A_187 : i1
      %convert_element_type3A_352 = arith.extui %or3A_351 : i1 to i32
      %cond3A_353 = arith.constant 0 : i32
      %cond3A_354 = arith.cmpi ne, %convert_element_type3A_352, %cond3A_353 : i32
      scf.if %cond3A_354 {
        "tpu.trace_start"() <{level = 10 : i32, message = "ep_copy_out"}> : () -> ()
        %rem3A_528 = arith.constant 2 : i32
        %rem3A_529 = arith.remui %scan3A_178, %rem3A_528 : i32
        %mul3A_530 = arith.constant 2048 : i32
        %mul3A_531 = arith.muli %mul3A_530, %add3A_189 : i32
        %mul3A_532 = arith.constant 2048 : i32
        %mul3A_533 = arith.muli %rem3A_529, %mul3A_532 : i32
        %add3A_534 = arith.constant 0 : i32
        %add3A_535 = arith.addi %mul3A_533, %add3A_534 : i32
        %dma_start3A_536 = tpu.memref_slice %run_scoped3A_79[%add3A_535] : memref<4096xf32, #tpu.memory_space<vmem>> -> memref<2048xf32, #tpu.memory_space<vmem>>
        %dma_start3A_537 = tpu.memref_slice %arg4[%mul3A_531] : memref<65536xf32, #tpu.memory_space<hbm>> -> memref<2048xf32, #tpu.memory_space<hbm>>
        %dma_start3A_538 = tpu.memref_slice %run_scoped3A_80[%rem3A_529] : memref<2x!tpu.dma_semaphore, #tpu.memory_space<semaphore_mem>> -> memref<1x!tpu.dma_semaphore, #tpu.memory_space<semaphore_mem>>
        %dma_start3A_539 = tpu.memref_squeeze %dma_start3A_538 : memref<1x!tpu.dma_semaphore, #tpu.memory_space<semaphore_mem>> -> memref<!tpu.dma_semaphore, #tpu.memory_space<semaphore_mem>>
        %dma_start3A_540 = tpu.memref_slice %arg4[%mul3A_531] : memref<65536xf32, #tpu.memory_space<hbm>> -> memref<2048xf32, #tpu.memory_space<hbm>>
        %dma_start3A_541 = tpu.memref_slice %run_scoped3A_79[%add3A_535] : memref<4096xf32, #tpu.memory_space<vmem>> -> memref<2048xf32, #tpu.memory_space<vmem>>
        tpu.enqueue_dma source(%dma_start3A_541 : memref<2048xf32, #tpu.memory_space<vmem>>) target(%dma_start3A_540 : memref<2048xf32, #tpu.memory_space<hbm>>) target_semaphore(%dma_start3A_539 : memref<!tpu.dma_semaphore, #tpu.memory_space<semaphore_mem>>)
        "tpu.trace_stop"() : () -> ()
      } else {
      }
      %and3A_355 = arith.constant true
      %and3A_356 = arith.andi %or3A_351, %and3A_355 : i1
      %add3A_357 = arith.constant 1 : i32
      %add3A_358 = arith.addi %scan3A_178, %add3A_357 : i32
      %select_n3A_359 = arith.select %and3A_356, %add3A_358, %scan3A_178 : i32
      %ne3A_360 = arith.cmpi ne, %add3A_189, %add3A_209 : i32
      %or3A_361 = arith.constant false
      %or3A_362 = arith.ori %or3A_361, %ne3A_360 : i1
      %or3A_363 = arith.ori %or3A_362, %eq3A_187 : i1
      %convert_element_type3A_364 = arith.extui %or3A_363 : i1 to i32
      %cond3A_365 = arith.constant 0 : i32
      %cond3A_366 = arith.cmpi ne, %convert_element_type3A_364, %cond3A_365 : i32
      scf.if %cond3A_366 {
        "tpu.trace_start"() <{level = 10 : i32, message = "ep_copy_out"}> : () -> ()
        %rem3A_528 = arith.constant 2 : i32
        %rem3A_529 = arith.remui %scan3A_180, %rem3A_528 : i32
        %mul3A_530 = arith.constant 2048 : i32
        %mul3A_531 = arith.muli %mul3A_530, %add3A_189 : i32
        %mul3A_532 = arith.constant 2048 : i32
        %mul3A_533 = arith.muli %rem3A_529, %mul3A_532 : i32
        %add3A_534 = arith.constant 0 : i32
        %add3A_535 = arith.addi %mul3A_533, %add3A_534 : i32
        %dma_start3A_536 = tpu.memref_slice %run_scoped3A_81[%add3A_535] : memref<4096xf32, #tpu.memory_space<vmem>> -> memref<2048xf32, #tpu.memory_space<vmem>>
        %dma_start3A_537 = tpu.memref_slice %arg5[%mul3A_531] : memref<65536xf32, #tpu.memory_space<hbm>> -> memref<2048xf32, #tpu.memory_space<hbm>>
        %dma_start3A_538 = tpu.memref_slice %run_scoped3A_82[%rem3A_529] : memref<2x!tpu.dma_semaphore, #tpu.memory_space<semaphore_mem>> -> memref<1x!tpu.dma_semaphore, #tpu.memory_space<semaphore_mem>>
        %dma_start3A_539 = tpu.memref_squeeze %dma_start3A_538 : memref<1x!tpu.dma_semaphore, #tpu.memory_space<semaphore_mem>> -> memref<!tpu.dma_semaphore, #tpu.memory_space<semaphore_mem>>
        %dma_start3A_540 = tpu.memref_slice %arg5[%mul3A_531] : memref<65536xf32, #tpu.memory_space<hbm>> -> memref<2048xf32, #tpu.memory_space<hbm>>
        %dma_start3A_541 = tpu.memref_slice %run_scoped3A_81[%add3A_535] : memref<4096xf32, #tpu.memory_space<vmem>> -> memref<2048xf32, #tpu.memory_space<vmem>>
        tpu.enqueue_dma source(%dma_start3A_541 : memref<2048xf32, #tpu.memory_space<vmem>>) target(%dma_start3A_540 : memref<2048xf32, #tpu.memory_space<hbm>>) target_semaphore(%dma_start3A_539 : memref<!tpu.dma_semaphore, #tpu.memory_space<semaphore_mem>>)
        "tpu.trace_stop"() : () -> ()
      } else {
      }
      %and3A_367 = arith.constant true
      %and3A_368 = arith.andi %or3A_363, %and3A_367 : i1
      %add3A_369 = arith.constant 1 : i32
      %add3A_370 = arith.addi %scan3A_180, %add3A_369 : i32
      %select_n3A_371 = arith.select %and3A_368, %add3A_370, %scan3A_180 : i32
      %ne3A_372 = arith.cmpi ne, %add3A_189, %add3A_199 : i32
      %or3A_373 = arith.constant false
      %or3A_374 = arith.ori %or3A_373, %ne3A_372 : i1
      %or3A_375 = arith.constant false
      %or3A_376 = arith.ori %or3A_374, %or3A_375 : i1
      %or3A_377 = arith.constant false
      %or3A_378 = arith.ori %or3A_376, %or3A_377 : i1
      %not3A_379 = arith.constant true
      %not3A_380 = arith.xori %eq3A_185, %not3A_379 : i1
      %and3A_381 = arith.andi %or3A_378, %not3A_380 : i1
      %convert_element_type3A_382 = arith.extui %and3A_381 : i1 to i32
      %cond3A_383 = arith.constant 0 : i32
      %cond3A_384 = arith.cmpi ne, %convert_element_type3A_382, %cond3A_383 : i32
      scf.if %cond3A_384 {
      } else {
      }
      %and3A_385 = arith.constant false
      %and3A_386 = arith.andi %and3A_381, %and3A_385 : i1
      %ne3A_387 = arith.cmpi ne, %add3A_189, %add3A_199 : i32
      %or3A_388 = arith.constant false
      %or3A_389 = arith.ori %or3A_388, %ne3A_387 : i1
      %or3A_390 = arith.constant false
      %or3A_391 = arith.ori %or3A_389, %or3A_390 : i1
      %or3A_392 = arith.constant false
      %or3A_393 = arith.ori %or3A_391, %or3A_392 : i1
      %not3A_394 = arith.constant true
      %not3A_395 = arith.xori %eq3A_185, %not3A_394 : i1
      %and3A_396 = arith.andi %or3A_393, %not3A_395 : i1
      %convert_element_type3A_397 = arith.extui %and3A_396 : i1 to i32
      %cond3A_398 = arith.constant 0 : i32
      %cond3A_399 = arith.cmpi ne, %convert_element_type3A_397, %cond3A_398 : i32
      scf.if %cond3A_399 {
      } else {
      }
      %and3A_400 = arith.constant false
      %and3A_401 = arith.andi %and3A_396, %and3A_400 : i1
      %ne3A_402 = arith.cmpi ne, %add3A_189, %add3A_199 : i32
      %or3A_403 = arith.constant false
      %or3A_404 = arith.ori %or3A_403, %ne3A_402 : i1
      %not3A_405 = arith.constant true
      %not3A_406 = arith.xori %eq3A_185, %not3A_405 : i1
      %and3A_407 = arith.andi %or3A_404, %not3A_406 : i1
      %convert_element_type3A_408 = arith.extui %and3A_407 : i1 to i32
      %cond3A_409 = arith.constant 0 : i32
      %cond3A_410 = arith.cmpi ne, %convert_element_type3A_408, %cond3A_409 : i32
      scf.if %cond3A_410 {
        "tpu.trace_start"() <{level = 10 : i32, message = "ep_wait_out"}> : () -> ()
        %rem3A_528 = arith.constant 2 : i32
        %rem3A_529 = arith.remui %scan3A_179, %rem3A_528 : i32
        %mul3A_530 = arith.constant 2048 : i32
        %mul3A_531 = arith.muli %mul3A_530, %add3A_199 : i32
        %mul3A_532 = arith.constant 2048 : i32
        %mul3A_533 = arith.muli %rem3A_529, %mul3A_532 : i32
        %add3A_534 = arith.constant 0 : i32
        %add3A_535 = arith.addi %mul3A_533, %add3A_534 : i32
        %dma_wait3A_536 = tpu.memref_slice %run_scoped3A_79[%add3A_535] : memref<4096xf32, #tpu.memory_space<vmem>> -> memref<2048xf32, #tpu.memory_space<vmem>>
        %dma_wait3A_537 = tpu.memref_slice %arg4[%mul3A_531] : memref<65536xf32, #tpu.memory_space<hbm>> -> memref<2048xf32, #tpu.memory_space<hbm>>
        %dma_wait3A_538 = tpu.memref_slice %run_scoped3A_80[%rem3A_529] : memref<2x!tpu.dma_semaphore, #tpu.memory_space<semaphore_mem>> -> memref<1x!tpu.dma_semaphore, #tpu.memory_space<semaphore_mem>>
        %dma_wait3A_539 = tpu.memref_squeeze %dma_wait3A_538 : memref<1x!tpu.dma_semaphore, #tpu.memory_space<semaphore_mem>> -> memref<!tpu.dma_semaphore, #tpu.memory_space<semaphore_mem>>
        %dma_wait3A_540 = tpu.memref_slice %arg4[%mul3A_531] : memref<65536xf32, #tpu.memory_space<hbm>> -> memref<2048xf32, #tpu.memory_space<hbm>>
        %dma_wait3A_541 = tpu.memref_slice %run_scoped3A_79[%add3A_535] : memref<4096xf32, #tpu.memory_space<vmem>> -> memref<2048xf32, #tpu.memory_space<vmem>>
        tpu.wait_dma2 semaphore(%dma_wait3A_539 : memref<!tpu.dma_semaphore, #tpu.memory_space<semaphore_mem>>) src(%dma_wait3A_541 : memref<2048xf32, #tpu.memory_space<vmem>>) dst(%dma_wait3A_540 : memref<2048xf32, #tpu.memory_space<hbm>>)
        "tpu.trace_stop"() : () -> ()
      } else {
      }
      %and3A_411 = arith.constant true
      %and3A_412 = arith.andi %and3A_407, %and3A_411 : i1
      %add3A_413 = arith.constant 1 : i32
      %add3A_414 = arith.addi %scan3A_179, %add3A_413 : i32
      %select_n3A_415 = arith.select %and3A_412, %add3A_414, %scan3A_179 : i32
      %ne3A_416 = arith.cmpi ne, %add3A_189, %add3A_199 : i32
      %or3A_417 = arith.constant false
      %or3A_418 = arith.ori %or3A_417, %ne3A_416 : i1
      %not3A_419 = arith.constant true
      %not3A_420 = arith.xori %eq3A_185, %not3A_419 : i1
      %and3A_421 = arith.andi %or3A_418, %not3A_420 : i1
      %convert_element_type3A_422 = arith.extui %and3A_421 : i1 to i32
      %cond3A_423 = arith.constant 0 : i32
      %cond3A_424 = arith.cmpi ne, %convert_element_type3A_422, %cond3A_423 : i32
      scf.if %cond3A_424 {
        "tpu.trace_start"() <{level = 10 : i32, message = "ep_wait_out"}> : () -> ()
        %rem3A_528 = arith.constant 2 : i32
        %rem3A_529 = arith.remui %scan3A_181, %rem3A_528 : i32
        %mul3A_530 = arith.constant 2048 : i32
        %mul3A_531 = arith.muli %mul3A_530, %add3A_199 : i32
        %mul3A_532 = arith.constant 2048 : i32
        %mul3A_533 = arith.muli %rem3A_529, %mul3A_532 : i32
        %add3A_534 = arith.constant 0 : i32
        %add3A_535 = arith.addi %mul3A_533, %add3A_534 : i32
        %dma_wait3A_536 = tpu.memref_slice %run_scoped3A_81[%add3A_535] : memref<4096xf32, #tpu.memory_space<vmem>> -> memref<2048xf32, #tpu.memory_space<vmem>>
        %dma_wait3A_537 = tpu.memref_slice %arg5[%mul3A_531] : memref<65536xf32, #tpu.memory_space<hbm>> -> memref<2048xf32, #tpu.memory_space<hbm>>
        %dma_wait3A_538 = tpu.memref_slice %run_scoped3A_82[%rem3A_529] : memref<2x!tpu.dma_semaphore, #tpu.memory_space<semaphore_mem>> -> memref<1x!tpu.dma_semaphore, #tpu.memory_space<semaphore_mem>>
        %dma_wait3A_539 = tpu.memref_squeeze %dma_wait3A_538 : memref<1x!tpu.dma_semaphore, #tpu.memory_space<semaphore_mem>> -> memref<!tpu.dma_semaphore, #tpu.memory_space<semaphore_mem>>
        %dma_wait3A_540 = tpu.memref_slice %arg5[%mul3A_531] : memref<65536xf32, #tpu.memory_space<hbm>> -> memref<2048xf32, #tpu.memory_space<hbm>>
        %dma_wait3A_541 = tpu.memref_slice %run_scoped3A_81[%add3A_535] : memref<4096xf32, #tpu.memory_space<vmem>> -> memref<2048xf32, #tpu.memory_space<vmem>>
        tpu.wait_dma2 semaphore(%dma_wait3A_539 : memref<!tpu.dma_semaphore, #tpu.memory_space<semaphore_mem>>) src(%dma_wait3A_541 : memref<2048xf32, #tpu.memory_space<vmem>>) dst(%dma_wait3A_540 : memref<2048xf32, #tpu.memory_space<hbm>>)
        "tpu.trace_stop"() : () -> ()
      } else {
      }
      %and3A_425 = arith.constant true
      %and3A_426 = arith.andi %and3A_421, %and3A_425 : i1
      %add3A_427 = arith.constant 1 : i32
      %add3A_428 = arith.addi %scan3A_181, %add3A_427 : i32
      %select_n3A_429 = arith.select %and3A_426, %add3A_428, %scan3A_181 : i32
      %ne3A_430 = arith.cmpi ne, %add3A_189, %add3A_209 : i32
      %or3A_431 = arith.constant false
      %or3A_432 = arith.ori %or3A_431, %ne3A_430 : i1
      %or3A_433 = arith.constant false
      %or3A_434 = arith.ori %or3A_432, %or3A_433 : i1
      %or3A_435 = arith.constant false
      %or3A_436 = arith.ori %or3A_434, %or3A_435 : i1
      %or3A_437 = arith.ori %or3A_436, %eq3A_187 : i1
      %add3A_438 = arith.constant 1 : i32
      %add3A_439 = arith.addi %scan3A, %add3A_438 : i32
      %select_n3A_440 = arith.select %or3A_437, %add3A_439, %scan3A : i32
      %ne3A_441 = arith.cmpi ne, %add3A_189, %add3A_209 : i32
      %or3A_442 = arith.constant false
      %or3A_443 = arith.ori %or3A_442, %ne3A_441 : i1
      %or3A_444 = arith.constant false
      %or3A_445 = arith.ori %or3A_443, %or3A_444 : i1
      %or3A_446 = arith.constant false
      %or3A_447 = arith.ori %or3A_445, %or3A_446 : i1
      %or3A_448 = arith.ori %or3A_447, %eq3A_187 : i1
      %add3A_449 = arith.constant 1 : i32
      %add3A_450 = arith.addi %scan3A_177, %add3A_449 : i32
      %select_n3A_451 = arith.select %or3A_448, %add3A_450, %scan3A_177 : i32
      %select_n3A_452 = arith.constant true
      %select_n3A_453 = arith.constant 0 : i32
      %select_n3A_454 = arith.constant 1 : i32
      %select_n3A_455 = arith.select %select_n3A_452, %select_n3A_454, %select_n3A_453 : i32
      %eq3A_456 = arith.constant 1 : i32
      %eq3A_457 = arith.cmpi eq, %select_n3A_455, %eq3A_456 : i32
      %select_n3A_458 = arith.constant 0 : i32
      %select_n3A_459 = arith.select %eq3A_457, %select_n3A_458, %select_n3A_455 : i32
      %scan3A_460 = arith.constant 0 : i32
      %scan3A_461 = arith.constant 1 : i32
      %sub3A = arith.constant 1 : i32
      %sub3A_462 = arith.subi %scan3A_460, %sub3A : i32
      %select_n3A_463 = arith.constant true
      %select_n3A_464 = arith.select %select_n3A_463, %sub3A_462, %scan3A_460 : i32
      %eq3A_465 = arith.constant -1 : i32
      %eq3A_466 = arith.cmpi eq, %select_n3A_464, %eq3A_465 : i32
      %select_n3A_467 = arith.constant 0 : i32
      %select_n3A_468 = arith.select %eq3A_466, %select_n3A_467, %select_n3A_464 : i32
      %add3A_469 = arith.constant 0 : i32
      %add3A_470 = arith.addi %add3A_469, %mul3A_70 : i32
      %select_n3A_471 = arith.constant true
      %select_n3A_472 = arith.constant 0 : i32
      %select_n3A_473 = arith.constant -1 : i32
      %select_n3A_474 = arith.select %select_n3A_471, %select_n3A_473, %select_n3A_472 : i32
      %eq3A_475 = arith.constant -1 : i32
      %eq3A_476 = arith.cmpi eq, %select_n3A_474, %eq3A_475 : i32
      %select_n3A_477 = arith.constant 0 : i32
      %select_n3A_478 = arith.select %eq3A_476, %select_n3A_477, %select_n3A_474 : i32
      %add3A_479 = arith.constant 0 : i32
      %add3A_480 = arith.addi %add3A_479, %mul3A_70 : i32
      %select_n3A_481 = arith.constant true
      %select_n3A_482 = arith.constant 0 : i32
      %select_n3A_483 = arith.constant 1 : i32
      %select_n3A_484 = arith.select %select_n3A_481, %select_n3A_483, %select_n3A_482 : i32
      %eq3A_485 = arith.constant 1 : i32
      %eq3A_486 = arith.cmpi eq, %select_n3A_484, %eq3A_485 : i32
      %select_n3A_487 = arith.constant 0 : i32
      %select_n3A_488 = arith.select %eq3A_486, %select_n3A_487, %select_n3A_484 : i32
      %add3A_489 = arith.constant 0 : i32
      %add3A_490 = arith.addi %add3A_489, %mul3A_70 : i32
      %select_n3A_491 = arith.constant true
      %select_n3A_492 = arith.constant 0 : i32
      %select_n3A_493 = arith.constant 1 : i32
      %select_n3A_494 = arith.select %select_n3A_491, %select_n3A_493, %select_n3A_492 : i32
      %eq3A_495 = arith.constant 1 : i32
      %eq3A_496 = arith.cmpi eq, %select_n3A_494, %eq3A_495 : i32
      %select_n3A_497 = arith.constant 0 : i32
      %select_n3A_498 = arith.select %eq3A_496, %select_n3A_497, %select_n3A_494 : i32
      %add3A_499 = arith.constant 0 : i32
      %add3A_500 = arith.addi %add3A_499, %mul3A_70 : i32
      "tpu.trace_start"() <{level = 10 : i32, message = "ep_finalize"}> : () -> ()
      %rem3A_501 = arith.constant 2 : i32
      %rem3A_502 = arith.remui %select_n3A_415, %rem3A_501 : i32
      %mul3A_503 = arith.constant 2048 : i32
      %mul3A_504 = arith.muli %mul3A_503, %add3A_470 : i32
      %mul3A_505 = arith.constant 2048 : i32
      %mul3A_506 = arith.muli %rem3A_502, %mul3A_505 : i32
      %add3A_507 = arith.constant 0 : i32
      %add3A_508 = arith.addi %mul3A_506, %add3A_507 : i32
      %dma_wait3A = tpu.memref_slice %run_scoped3A_79[%add3A_508] : memref<4096xf32, #tpu.memory_space<vmem>> -> memref<2048xf32, #tpu.memory_space<vmem>>
      %dma_wait3A_509 = tpu.memref_slice %arg4[%mul3A_504] : memref<65536xf32, #tpu.memory_space<hbm>> -> memref<2048xf32, #tpu.memory_space<hbm>>
      %dma_wait3A_510 = tpu.memref_slice %run_scoped3A_80[%rem3A_502] : memref<2x!tpu.dma_semaphore, #tpu.memory_space<semaphore_mem>> -> memref<1x!tpu.dma_semaphore, #tpu.memory_space<semaphore_mem>>
      %dma_wait3A_511 = tpu.memref_squeeze %dma_wait3A_510 : memref<1x!tpu.dma_semaphore, #tpu.memory_space<semaphore_mem>> -> memref<!tpu.dma_semaphore, #tpu.memory_space<semaphore_mem>>
      %dma_wait3A_512 = tpu.memref_slice %arg4[%mul3A_504] : memref<65536xf32, #tpu.memory_space<hbm>> -> memref<2048xf32, #tpu.memory_space<hbm>>
      %dma_wait3A_513 = tpu.memref_slice %run_scoped3A_79[%add3A_508] : memref<4096xf32, #tpu.memory_space<vmem>> -> memref<2048xf32, #tpu.memory_space<vmem>>
      tpu.wait_dma2 semaphore(%dma_wait3A_511 : memref<!tpu.dma_semaphore, #tpu.memory_space<semaphore_mem>>) src(%dma_wait3A_513 : memref<2048xf32, #tpu.memory_space<vmem>>) dst(%dma_wait3A_512 : memref<2048xf32, #tpu.memory_space<hbm>>)
      %rem3A_514 = arith.constant 2 : i32
      %rem3A_515 = arith.remui %select_n3A_429, %rem3A_514 : i32
      %mul3A_516 = arith.constant 2048 : i32
      %mul3A_517 = arith.muli %mul3A_516, %add3A_470 : i32
      %mul3A_518 = arith.constant 2048 : i32
      %mul3A_519 = arith.muli %rem3A_515, %mul3A_518 : i32
      %add3A_520 = arith.constant 0 : i32
      %add3A_521 = arith.addi %mul3A_519, %add3A_520 : i32
      %dma_wait3A_522 = tpu.memref_slice %run_scoped3A_81[%add3A_521] : memref<4096xf32, #tpu.memory_space<vmem>> -> memref<2048xf32, #tpu.memory_space<vmem>>
      %dma_wait3A_523 = tpu.memref_slice %arg5[%mul3A_517] : memref<65536xf32, #tpu.memory_space<hbm>> -> memref<2048xf32, #tpu.memory_space<hbm>>
      %dma_wait3A_524 = tpu.memref_slice %run_scoped3A_82[%rem3A_515] : memref<2x!tpu.dma_semaphore, #tpu.memory_space<semaphore_mem>> -> memref<1x!tpu.dma_semaphore, #tpu.memory_space<semaphore_mem>>
      %dma_wait3A_525 = tpu.memref_squeeze %dma_wait3A_524 : memref<1x!tpu.dma_semaphore, #tpu.memory_space<semaphore_mem>> -> memref<!tpu.dma_semaphore, #tpu.memory_space<semaphore_mem>>
      %dma_wait3A_526 = tpu.memref_slice %arg5[%mul3A_517] : memref<65536xf32, #tpu.memory_space<hbm>> -> memref<2048xf32, #tpu.memory_space<hbm>>
      %dma_wait3A_527 = tpu.memref_slice %run_scoped3A_81[%add3A_521] : memref<4096xf32, #tpu.memory_space<vmem>> -> memref<2048xf32, #tpu.memory_space<vmem>>
      tpu.wait_dma2 semaphore(%dma_wait3A_525 : memref<!tpu.dma_semaphore, #tpu.memory_space<semaphore_mem>>) src(%dma_wait3A_527 : memref<2048xf32, #tpu.memory_space<vmem>>) dst(%dma_wait3A_526 : memref<2048xf32, #tpu.memory_space<hbm>>)
      "tpu.trace_stop"() : () -> ()
      tpu.yield
    }) : () -> ()
    %mul3A_71 = arith.constant 2 : i32
    %mul3A_72 = arith.muli %arg1, %mul3A_71 : i32
    %add3A_73 = arith.addi %mul3A_72, %arg0 : i32
    %mul3A_74 = arith.constant 2 : i32
    %mul3A_75 = arith.muli %mul3A_74, %add3A_73 : i32
    "tpu.region"() ({
      %run_scoped3A = tpu.sem_alloc : memref<!tpu.dma_semaphore, #tpu.memory_space<semaphore_mem>>
      %dma_start3A = arith.constant 0 : i32
      %dma_start3A_76 = tpu.memref_slice %arg6[%mul3A_75, %dma_start3A] : memref<64x128xf32, #tpu.memory_space<hbm>> -> memref<2x128xf32, #tpu.memory_space<hbm>>
      %dma_start3A_77 = arith.constant 0 : i32
      %dma_start3A_78 = tpu.memref_slice %arg6[%mul3A_75, %dma_start3A_77] : memref<64x128xf32, #tpu.memory_space<hbm>> -> memref<2x128xf32, #tpu.memory_space<hbm>>
      tpu.enqueue_dma source(%arg7 : memref<2x128xf32, #tpu.memory_space<vmem>>) target(%dma_start3A_78 : memref<2x128xf32, #tpu.memory_space<hbm>>) target_semaphore(%run_scoped3A : memref<!tpu.dma_semaphore, #tpu.memory_space<semaphore_mem>>)
      %dma_wait3A = arith.constant 0 : i32
      %dma_wait3A_79 = tpu.memref_slice %arg6[%mul3A_75, %dma_wait3A] : memref<64x128xf32, #tpu.memory_space<hbm>> -> memref<2x128xf32, #tpu.memory_space<hbm>>
      %dma_wait3A_80 = arith.constant 0 : i32
      %dma_wait3A_81 = tpu.memref_slice %arg6[%mul3A_75, %dma_wait3A_80] : memref<64x128xf32, #tpu.memory_space<hbm>> -> memref<2x128xf32, #tpu.memory_space<hbm>>
      tpu.wait_dma2 semaphore(%run_scoped3A : memref<!tpu.dma_semaphore, #tpu.memory_space<semaphore_mem>>) src(%arg7 : memref<2x128xf32, #tpu.memory_space<vmem>>) dst(%dma_wait3A_81 : memref<2x128xf32, #tpu.memory_space<hbm>>)
      tpu.yield
    }) : () -> ()
    return
  }
}

module attributes {stable_mosaic.version = 14 : i64} {
  func.func @_pass2_kernel(%arg0: i32, %arg1: memref<32768xf32, #tpu.memory_space<vmem>>, %arg2: memref<32768xf32, #tpu.memory_space<vmem>>, %arg3: memref<32768xf32, #tpu.memory_space<vmem>>, %arg4: memref<32768xf32, #tpu.memory_space<vmem>>, %arg5: memref<64x128xf32, #tpu.memory_space<vmem>>, %arg6: memref<1x4xf32, #tpu.memory_space<vmem>>, %arg7: memref<64x512xf32, #tpu.memory_space<vmem>>) attributes {dimension_semantics = [#tpu.dimension_semantics<arbitrary>], iteration_bounds = array<i64: 8>, scalar_prefetch = 0 : i64, scratch_operands = 0 : i64, tpu.core_type = #tpu.core_type<tc>, window_params = [{transform_indices = @transform_0, window_bounds = array<i64: 32768>}, {transform_indices = @transform_1, window_bounds = array<i64: 32768>}, {transform_indices = @transform_2, window_bounds = array<i64: 32768>}, {transform_indices = @transform_3, window_bounds = array<i64: 32768>}, {pipeline_mode = #tpu.pipeline_mode<synchronous>, transform_indices = @transform_4, window_bounds = array<i64: 64, 128>}, {pipeline_mode = #tpu.pipeline_mode<synchronous>, transform_indices = @transform_5, window_bounds = array<i64: 1, 4>}, {transform_indices = @transform_6, window_bounds = array<i64: 64, 512>}]} {
    %get3A = arith.constant 0 : index
    %get3A_0 = arith.constant 0 : index
    %get3A_1 = vector.load %arg5[%get3A, %get3A_0] : memref<64x128xf32, #tpu.memory_space<vmem>>, vector<64x128xf32>
    %get3A_2 = arith.constant 0 : index
    %get3A_3 = arith.constant 0 : index
    %get3A_4 = vector.load %arg6[%get3A_2, %get3A_3] : memref<1x4xf32, #tpu.memory_space<vmem>>, vector<1x4xf32>
    %slice3A = vector.extract_strided_slice %get3A_1 {offsets = [0, 0], sizes = [64, 16], strides = [1, 1]} : vector<64x128xf32> to vector<64x16xf32>
    %reduce_sum3A = vector.shape_cast %slice3A : vector<64x16xf32> to vector<1x64x16xf32>
    %reduce_sum3A_5 = arith.constant dense<0.000000e+00> : vector<1xf32>
    %reduce_sum3A_6 = vector.multi_reduction <add>, %reduce_sum3A, %reduce_sum3A_5 [1, 2] : vector<1x64x16xf32> to vector<1xf32>
    %reduce_sum3A_7 = vector.shape_cast %reduce_sum3A_6 : vector<1xf32> to vector<1x1x1xf32>
    %reduce_sum3A_8 = vector.extract %reduce_sum3A_7[0, 0, 0] : f32 from vector<1x1x1xf32>
    %slice3A_9 = vector.extract_strided_slice %get3A_4 {offsets = [0, 0], sizes = [1, 1], strides = [1, 1]} : vector<1x4xf32> to vector<1x1xf32>
    %squeeze3A = vector.extract %slice3A_9[0, 0] : f32 from vector<1x1xf32>
    %add3A = arith.addf %reduce_sum3A_8, %squeeze3A : f32
    %slice3A_10 = vector.extract_strided_slice %get3A_1 {offsets = [0, 16], sizes = [64, 16], strides = [1, 1]} : vector<64x128xf32> to vector<64x16xf32>
    %reduce_sum3A_11 = vector.shape_cast %slice3A_10 : vector<64x16xf32> to vector<1x64x16xf32>
    %reduce_sum3A_12 = arith.constant dense<0.000000e+00> : vector<1xf32>
    %reduce_sum3A_13 = vector.multi_reduction <add>, %reduce_sum3A_11, %reduce_sum3A_12 [1, 2] : vector<1x64x16xf32> to vector<1xf32>
    %reduce_sum3A_14 = vector.shape_cast %reduce_sum3A_13 : vector<1xf32> to vector<1x1x1xf32>
    %reduce_sum3A_15 = vector.extract %reduce_sum3A_14[0, 0, 0] : f32 from vector<1x1x1xf32>
    %slice3A_16 = vector.extract_strided_slice %get3A_4 {offsets = [0, 1], sizes = [1, 1], strides = [1, 1]} : vector<1x4xf32> to vector<1x1xf32>
    %squeeze3A_17 = vector.extract %slice3A_16[0, 0] : f32 from vector<1x1xf32>
    %add3A_18 = arith.addf %reduce_sum3A_15, %squeeze3A_17 : f32
    %slice3A_19 = vector.extract_strided_slice %get3A_1 {offsets = [0, 32], sizes = [64, 16], strides = [1, 1]} : vector<64x128xf32> to vector<64x16xf32>
    %reduce_sum3A_20 = vector.shape_cast %slice3A_19 : vector<64x16xf32> to vector<1x64x16xf32>
    %reduce_sum3A_21 = arith.constant dense<0.000000e+00> : vector<1xf32>
    %reduce_sum3A_22 = vector.multi_reduction <add>, %reduce_sum3A_20, %reduce_sum3A_21 [1, 2] : vector<1x64x16xf32> to vector<1xf32>
    %reduce_sum3A_23 = vector.shape_cast %reduce_sum3A_22 : vector<1xf32> to vector<1x1x1xf32>
    %reduce_sum3A_24 = vector.extract %reduce_sum3A_23[0, 0, 0] : f32 from vector<1x1x1xf32>
    %slice3A_25 = vector.extract_strided_slice %get3A_4 {offsets = [0, 2], sizes = [1, 1], strides = [1, 1]} : vector<1x4xf32> to vector<1x1xf32>
    %squeeze3A_26 = vector.extract %slice3A_25[0, 0] : f32 from vector<1x1xf32>
    %add3A_27 = arith.addf %reduce_sum3A_24, %squeeze3A_26 : f32
    %slice3A_28 = vector.extract_strided_slice %get3A_1 {offsets = [0, 48], sizes = [64, 16], strides = [1, 1]} : vector<64x128xf32> to vector<64x16xf32>
    %reduce_sum3A_29 = vector.shape_cast %slice3A_28 : vector<64x16xf32> to vector<1x64x16xf32>
    %reduce_sum3A_30 = arith.constant dense<0.000000e+00> : vector<1xf32>
    %reduce_sum3A_31 = vector.multi_reduction <add>, %reduce_sum3A_29, %reduce_sum3A_30 [1, 2] : vector<1x64x16xf32> to vector<1xf32>
    %reduce_sum3A_32 = vector.shape_cast %reduce_sum3A_31 : vector<1xf32> to vector<1x1x1xf32>
    %reduce_sum3A_33 = vector.extract %reduce_sum3A_32[0, 0, 0] : f32 from vector<1x1x1xf32>
    %slice3A_34 = vector.extract_strided_slice %get3A_4 {offsets = [0, 3], sizes = [1, 1], strides = [1, 1]} : vector<1x4xf32> to vector<1x1xf32>
    %squeeze3A_35 = vector.extract %slice3A_34[0, 0] : f32 from vector<1x1xf32>
    %add3A_36 = arith.addf %reduce_sum3A_33, %squeeze3A_35 : f32
    %max3A = arith.constant 1.000000e+00 : f32
    %max3A_37 = arith.maximumf %add3A_18, %max3A : f32
    %div3A = arith.divf %add3A, %max3A_37 : f32
    %max3A_38 = arith.constant 1.000000e+00 : f32
    %max3A_39 = arith.maximumf %add3A_36, %max3A_38 : f32
    %div3A_40 = arith.divf %add3A_27, %max3A_39 : f32
    %lt3A = arith.constant 2 : i32
    %lt3A_41 = arith.cmpi slt, %arg0, %lt3A : i32
    %get3A_42 = arith.constant 0 : index
    %get3A_43 = vector.load %arg1[%get3A_42] : memref<32768xf32, #tpu.memory_space<vmem>>, vector<32768xf32>
    %get3A_44 = arith.constant 0 : index
    %get3A_45 = vector.load %arg3[%get3A_44] : memref<32768xf32, #tpu.memory_space<vmem>>, vector<32768xf32>
    %select_n3A = arith.select %lt3A_41, %get3A_43, %get3A_45 : vector<32768xf32>
    %get3A_46 = arith.constant 0 : index
    %get3A_47 = vector.load %arg2[%get3A_46] : memref<32768xf32, #tpu.memory_space<vmem>>, vector<32768xf32>
    %get3A_48 = arith.constant 0 : index
    %get3A_49 = vector.load %arg4[%get3A_48] : memref<32768xf32, #tpu.memory_space<vmem>>, vector<32768xf32>
    %select_n3A_50 = arith.select %lt3A_41, %get3A_47, %get3A_49 : vector<32768xf32>
    %sub3A = vector.broadcast %div3A : f32 to vector<32768xf32>
    %sub3A_51 = arith.subf %select_n3A_50, %sub3A : vector<32768xf32>
    %abs3A = math.absf %sub3A_51 : vector<32768xf32>
    %sub3A_52 = vector.broadcast %div3A_40 : f32 to vector<32768xf32>
    %sub3A_53 = arith.subf %select_n3A_50, %sub3A_52 : vector<32768xf32>
    %abs3A_54 = math.absf %sub3A_53 : vector<32768xf32>
    %lt3A_55 = arith.cmpf olt, %abs3A, %abs3A_54 : vector<32768xf32>
    %jit3A = arith.constant 0.000000e+00 : f32
    %jit3A_56 = arith.constant 1.000000e+00 : f32
    %broadcast_in_dim3A = vector.broadcast %jit3A : f32 to vector<32768xf32>
    %broadcast_in_dim3A_57 = vector.broadcast %jit3A_56 : f32 to vector<32768xf32>
    %select_n3A_58 = arith.select %lt3A_55, %broadcast_in_dim3A, %broadcast_in_dim3A_57 : vector<32768xi1>, vector<32768xf32>
    %ne3A = arith.constant 2.000000e+00 : f32
    %ne3A_59 = vector.broadcast %ne3A : f32 to vector<32768xf32>
    %ne3A_60 = arith.cmpf one, %select_n3A, %ne3A_59 : vector<32768xf32>
    %select_n3A_61 = arith.select %ne3A_60, %select_n3A, %select_n3A_58 : vector<32768xi1>, vector<32768xf32>
    %reshape3A = vector.shape_cast %select_n3A_61 : vector<32768xf32> to vector<64x512xf32>
    %swap3A = arith.constant 0 : index
    %swap3A_62 = arith.constant 0 : index
    %swap3A_63 = vector.load %arg7[%swap3A, %swap3A_62] : memref<64x512xf32, #tpu.memory_space<vmem>>, vector<64x512xf32>
    tpu.vector_store %arg7[%swap3A, %swap3A_62], %reshape3A {strides = array<i32>} : memref<64x512xf32, #tpu.memory_space<vmem>>, vector<64x512xf32>,
    return
  }
  func.func @transform_0(%arg0: i32) -> i32 {
    %min3A = arith.constant 1 : i32
    %min3A_0 = arith.minsi %arg0, %min3A : i32
    %c0_i32 = arith.constant 0 : i32
    return %min3A_0 : i32
  }
  func.func @transform_1(%arg0: i32) -> i32 {
    %min3A = arith.constant 1 : i32
    %min3A_0 = arith.minsi %arg0, %min3A : i32
    %c0_i32 = arith.constant 0 : i32
    return %min3A_0 : i32
  }
  func.func @transform_2(%arg0: i32) -> i32 {
    %sub3A = arith.constant 2 : i32
    %sub3A_0 = arith.subi %arg0, %sub3A : i32
    %max3A = arith.constant 0 : i32
    %max3A_1 = arith.maxsi %sub3A_0, %max3A : i32
    %c0_i32 = arith.constant 0 : i32
    return %max3A_1 : i32
  }
  func.func @transform_3(%arg0: i32) -> i32 {
    %sub3A = arith.constant 2 : i32
    %sub3A_0 = arith.subi %arg0, %sub3A : i32
    %max3A = arith.constant 0 : i32
    %max3A_1 = arith.maxsi %sub3A_0, %max3A : i32
    %c0_i32 = arith.constant 0 : i32
    return %max3A_1 : i32
  }
  func.func @transform_4(%arg0: i32) -> (i32, i32) {
    %c0_i32 = arith.constant 0 : i32
    %c0_i32_0 = arith.constant 0 : i32
    %c0_i32_1 = arith.constant 0 : i32
    return %c0_i32, %c0_i32_0 : i32, i32
  }
  func.func @transform_5(%arg0: i32) -> (i32, i32) {
    %c0_i32 = arith.constant 0 : i32
    %c0_i32_0 = arith.constant 0 : i32
    %c0_i32_1 = arith.constant 0 : i32
    return %c0_i32, %c0_i32_0 : i32, i32
  }
  func.func @transform_6(%arg0: i32) -> (i32, i32) {
    %c0_i32 = arith.constant 0 : i32
    %c0_i32_0 = arith.constant 0 : i32
    return %arg0, %c0_i32 : i32, i32
  }
}

module attributes {stable_mosaic.version = 14 : i64} {
  func.func @_pass1_tc_kernel(%arg0: i32, %arg1: memref<9x16x16x128xf32, #tpu.memory_space<vmem>>, %arg2: memref<9x16x16x128xf32, #tpu.memory_space<vmem>>, %arg3: memref<16x16x128xf32, #tpu.memory_space<vmem>>, %arg4: memref<16x16x128xf32, #tpu.memory_space<vmem>>, %arg5: memref<1x4xf32, #tpu.memory_space<vmem>>, %arg6: memref<4xf32, #tpu.memory_space<smem>>) attributes {dimension_semantics = [#tpu.dimension_semantics<arbitrary>], iteration_bounds = array<i64: 6>, scalar_prefetch = 0 : i64, scratch_operands = 1 : i64, tpu.core_type = #tpu.core_type<tc>, window_params = [{transform_indices = @transform_0, window_bounds = array<i64: 9, 16, 16, 128>}, {transform_indices = @transform_1, window_bounds = array<i64: 9, 16, 16, 128>}, {transform_indices = @transform_2, window_bounds = array<i64: 16, 16, 128>}, {transform_indices = @transform_3, window_bounds = array<i64: 16, 16, 128>}, {pipeline_mode = #tpu.pipeline_mode<synchronous>, transform_indices = @transform_4, window_bounds = array<i64: 1, 4>}]} {
    %eq3A = arith.constant 0 : i32
    %eq3A_0 = arith.cmpi eq, %arg0, %eq3A : i32
    %convert_element_type3A = arith.extui %eq3A_0 : i1 to i32
    %cond3A = arith.constant 0 : i32
    %cond3A_1 = arith.cmpi ne, %convert_element_type3A, %cond3A : i32
    scf.if %cond3A_1 {
      %swap3A_115 = arith.constant 0.000000e+00 : f32
      %swap3A_116 = arith.constant 0 : index
      %swap3A_117 = memref.load %arg6[%swap3A_116] : memref<4xf32, #tpu.memory_space<smem>>
      memref.store %swap3A_115, %arg6[%swap3A_116] : memref<4xf32, #tpu.memory_space<smem>>
      %swap3A_118 = arith.constant 0.000000e+00 : f32
      %swap3A_119 = arith.constant 1 : index
      %swap3A_120 = memref.load %arg6[%swap3A_119] : memref<4xf32, #tpu.memory_space<smem>>
      memref.store %swap3A_118, %arg6[%swap3A_119] : memref<4xf32, #tpu.memory_space<smem>>
      %swap3A_121 = arith.constant 0.000000e+00 : f32
      %swap3A_122 = arith.constant 2 : index
      %swap3A_123 = memref.load %arg6[%swap3A_122] : memref<4xf32, #tpu.memory_space<smem>>
      memref.store %swap3A_121, %arg6[%swap3A_122] : memref<4xf32, #tpu.memory_space<smem>>
      %swap3A_124 = arith.constant 0.000000e+00 : f32
      %swap3A_125 = arith.constant 3 : index
      %swap3A_126 = memref.load %arg6[%swap3A_125] : memref<4xf32, #tpu.memory_space<smem>>
      memref.store %swap3A_124, %arg6[%swap3A_125] : memref<4xf32, #tpu.memory_space<smem>>
    } else {
    }
    %get3A = arith.constant 0 : index
    %get3A_2 = arith.constant 0 : index
    %get3A_3 = arith.constant 0 : index
    %get3A_4 = arith.constant 0 : index
    %get3A_5 = vector.load %arg1[%get3A, %get3A_2, %get3A_3, %get3A_4] : memref<9x16x16x128xf32, #tpu.memory_space<vmem>>, vector<9x16x16x128xf32>
    %get3A_6 = arith.constant 0 : index
    %get3A_7 = arith.constant 0 : index
    %get3A_8 = arith.constant 0 : index
    %get3A_9 = arith.constant 0 : index
    %get3A_10 = vector.load %arg2[%get3A_6, %get3A_7, %get3A_8, %get3A_9] : memref<9x16x16x128xf32, #tpu.memory_space<vmem>>, vector<9x16x16x128xf32>
    %gt3A = arith.constant 5.000000e-01 : f32
    %gt3A_11 = vector.broadcast %gt3A : f32 to vector<9x16x16x128xf32>
    %gt3A_12 = arith.cmpf ogt, %get3A_10, %gt3A_11 : vector<9x16x16x128xf32>
    %jit3A = arith.constant 1.000000e+00 : f32
    %jit3A_13 = arith.constant 0.000000e+00 : f32
    %broadcast_in_dim3A = vector.broadcast %jit3A : f32 to vector<9x16x16x128xf32>
    %broadcast_in_dim3A_14 = vector.broadcast %jit3A_13 : f32 to vector<9x16x16x128xf32>
    %select_n3A = arith.select %gt3A_12, %broadcast_in_dim3A, %broadcast_in_dim3A_14 : vector<9x16x16x128xi1>, vector<9x16x16x128xf32>
    %ne3A = arith.constant 0.000000e+00 : f32
    %ne3A_15 = vector.broadcast %ne3A : f32 to vector<9x16x16x128xf32>
    %ne3A_16 = arith.cmpf one, %get3A_10, %ne3A_15 : vector<9x16x16x128xf32>
    %jit3A_17 = arith.constant 1.000000e+00 : f32
    %jit3A_18 = arith.constant 0.000000e+00 : f32
    %broadcast_in_dim3A_19 = vector.broadcast %jit3A_17 : f32 to vector<9x16x16x128xf32>
    %broadcast_in_dim3A_20 = vector.broadcast %jit3A_18 : f32 to vector<9x16x16x128xf32>
    %select_n3A_21 = arith.select %ne3A_16, %broadcast_in_dim3A_19, %broadcast_in_dim3A_20 : vector<9x16x16x128xi1>, vector<9x16x16x128xf32>
    %mul3A = arith.mulf %get3A_5, %select_n3A : vector<9x16x16x128xf32>
    %reduce_sum3A = arith.constant dense<0.000000e+00> : vector<16x16x128xf32>
    %reduce_sum3A_22 = vector.multi_reduction <add>, %mul3A, %reduce_sum3A [0] : vector<9x16x16x128xf32> to vector<16x16x128xf32>
    %mul3A_23 = arith.mulf %get3A_5, %select_n3A_21 : vector<9x16x16x128xf32>
    %reduce_sum3A_24 = arith.constant dense<0.000000e+00> : vector<16x16x128xf32>
    %reduce_sum3A_25 = vector.multi_reduction <add>, %mul3A_23, %reduce_sum3A_24 [0] : vector<9x16x16x128xf32> to vector<16x16x128xf32>
    %reduce_sum3A_26 = arith.constant dense<0.000000e+00> : vector<16x16x128xf32>
    %reduce_sum3A_27 = vector.multi_reduction <add>, %select_n3A, %reduce_sum3A_26 [0] : vector<9x16x16x128xf32> to vector<16x16x128xf32>
    %reduce_sum3A_28 = arith.constant dense<0.000000e+00> : vector<16x16x128xf32>
    %reduce_sum3A_29 = vector.multi_reduction <add>, %select_n3A_21, %reduce_sum3A_28 [0] : vector<9x16x16x128xf32> to vector<16x16x128xf32>
    %slice3A = vector.extract_strided_slice %get3A_5 {offsets = [4, 0, 0, 0], sizes = [1, 16, 16, 128], strides = [1, 1, 1, 1]} : vector<9x16x16x128xf32> to vector<1x16x16x128xf32>
    %squeeze3A = vector.shape_cast %slice3A : vector<1x16x16x128xf32> to vector<16x16x128xf32>
    %sub3A = arith.subf %reduce_sum3A_25, %reduce_sum3A_22 : vector<16x16x128xf32>
    %sub3A_30 = arith.subf %reduce_sum3A_29, %reduce_sum3A_27 : vector<16x16x128xf32>
    %max3A = arith.constant 1.000000e+00 : f32
    %max3A_31 = vector.broadcast %max3A : f32 to vector<16x16x128xf32>
    %max3A_32 = arith.maximumf %reduce_sum3A_27, %max3A_31 : vector<16x16x128xf32>
    %max3A_33 = arith.constant 1.000000e+00 : f32
    %max3A_34 = vector.broadcast %max3A_33 : f32 to vector<16x16x128xf32>
    %max3A_35 = arith.maximumf %sub3A_30, %max3A_34 : vector<16x16x128xf32>
    %gt3A_36 = arith.constant 0.000000e+00 : f32
    %gt3A_37 = vector.broadcast %gt3A_36 : f32 to vector<16x16x128xf32>
    %gt3A_38 = arith.cmpf ogt, %reduce_sum3A_27, %gt3A_37 : vector<16x16x128xf32>
    %gt3A_39 = arith.constant 0.000000e+00 : f32
    %gt3A_40 = vector.broadcast %gt3A_39 : f32 to vector<16x16x128xf32>
    %gt3A_41 = arith.cmpf ogt, %sub3A_30, %gt3A_40 : vector<16x16x128xf32>
    %and3A = arith.andi %gt3A_38, %gt3A_41 : vector<16x16x128xi1>
    %mul3A_42 = arith.mulf %reduce_sum3A_22, %max3A_35 : vector<16x16x128xf32>
    %mul3A_43 = arith.mulf %sub3A, %max3A_32 : vector<16x16x128xf32>
    %gt3A_44 = arith.cmpf ogt, %mul3A_42, %mul3A_43 : vector<16x16x128xf32>
    %jit3A_45 = arith.constant 0.000000e+00 : f32
    %jit3A_46 = arith.constant 1.000000e+00 : f32
    %broadcast_in_dim3A_47 = vector.broadcast %jit3A_45 : f32 to vector<16x16x128xf32>
    %broadcast_in_dim3A_48 = vector.broadcast %jit3A_46 : f32 to vector<16x16x128xf32>
    %select_n3A_49 = arith.select %gt3A_44, %broadcast_in_dim3A_47, %broadcast_in_dim3A_48 : vector<16x16x128xi1>, vector<16x16x128xf32>
    %jit3A_50 = arith.constant 2.000000e+00 : f32
    %broadcast_in_dim3A_51 = vector.broadcast %jit3A_50 : f32 to vector<16x16x128xf32>
    %select_n3A_52 = arith.select %and3A, %select_n3A_49, %broadcast_in_dim3A_51 : vector<16x16x128xi1>, vector<16x16x128xf32>
    %eq3A_53 = arith.constant 0.000000e+00 : f32
    %eq3A_54 = vector.broadcast %eq3A_53 : f32 to vector<16x16x128xf32>
    %eq3A_55 = arith.cmpf oeq, %select_n3A_52, %eq3A_54 : vector<16x16x128xf32>
    %broadcast_in_dim3A_56 = arith.constant 0.000000e+00 : f32
    %broadcast_in_dim3A_57 = vector.broadcast %broadcast_in_dim3A_56 : f32 to vector<16x16x128xf32>
    %broadcast_in_dim3A_58 = arith.constant 1.000000e+00 : f32
    %broadcast_in_dim3A_59 = vector.broadcast %broadcast_in_dim3A_58 : f32 to vector<16x16x128xf32>
    %select_n3A_60 = arith.select %eq3A_55, %squeeze3A, %broadcast_in_dim3A_57 : vector<16x16x128xi1>, vector<16x16x128xf32>
    %select_n3A_61 = arith.select %eq3A_55, %broadcast_in_dim3A_59, %broadcast_in_dim3A_57 : vector<16x16x128xi1>, vector<16x16x128xf32>
    %select_n3A_62 = arith.select %eq3A_55, %broadcast_in_dim3A_57, %squeeze3A : vector<16x16x128xi1>, vector<16x16x128xf32>
    %select_n3A_63 = arith.select %eq3A_55, %broadcast_in_dim3A_57, %broadcast_in_dim3A_59 : vector<16x16x128xi1>, vector<16x16x128xf32>
    %swap3A = arith.constant 0 : index
    %swap3A_64 = arith.constant 0 : index
    %swap3A_65 = arith.constant 0 : index
    %swap3A_66 = vector.load %arg3[%swap3A, %swap3A_64, %swap3A_65] : memref<16x16x128xf32, #tpu.memory_space<vmem>>, vector<16x16x128xf32>
    tpu.vector_store %arg3[%swap3A, %swap3A_64, %swap3A_65], %select_n3A_52 {strides = array<i32>} : memref<16x16x128xf32, #tpu.memory_space<vmem>>, vector<16x16x128xf32>,
    %swap3A_67 = arith.constant 0 : index
    %swap3A_68 = arith.constant 0 : index
    %swap3A_69 = arith.constant 0 : index
    %swap3A_70 = vector.load %arg4[%swap3A_67, %swap3A_68, %swap3A_69] : memref<16x16x128xf32, #tpu.memory_space<vmem>>, vector<16x16x128xf32>
    tpu.vector_store %arg4[%swap3A_67, %swap3A_68, %swap3A_69], %squeeze3A {strides = array<i32>} : memref<16x16x128xf32, #tpu.memory_space<vmem>>, vector<16x16x128xf32>,
    %get3A_71 = arith.constant 0 : index
    %get3A_72 = memref.load %arg6[%get3A_71] : memref<4xf32, #tpu.memory_space<smem>>
    %reduce_sum3A_73 = vector.shape_cast %select_n3A_60 : vector<16x16x128xf32> to vector<1x16x16x128xf32>
    %reduce_sum3A_74 = arith.constant dense<0.000000e+00> : vector<1xf32>
    %reduce_sum3A_75 = vector.multi_reduction <add>, %reduce_sum3A_73, %reduce_sum3A_74 [1, 2, 3] : vector<1x16x16x128xf32> to vector<1xf32>
    %reduce_sum3A_76 = vector.shape_cast %reduce_sum3A_75 : vector<1xf32> to vector<1x1x1x1xf32>
    %reduce_sum3A_77 = vector.extract %reduce_sum3A_76[0, 0, 0, 0] : f32 from vector<1x1x1x1xf32>
    %add3A = arith.addf %get3A_72, %reduce_sum3A_77 : f32
    %swap3A_78 = arith.constant 0 : index
    %swap3A_79 = memref.load %arg6[%swap3A_78] : memref<4xf32, #tpu.memory_space<smem>>
    memref.store %add3A, %arg6[%swap3A_78] : memref<4xf32, #tpu.memory_space<smem>>
    %get3A_80 = arith.constant 1 : index
    %get3A_81 = memref.load %arg6[%get3A_80] : memref<4xf32, #tpu.memory_space<smem>>
    %reduce_sum3A_82 = vector.shape_cast %select_n3A_61 : vector<16x16x128xf32> to vector<1x16x16x128xf32>
    %reduce_sum3A_83 = arith.constant dense<0.000000e+00> : vector<1xf32>
    %reduce_sum3A_84 = vector.multi_reduction <add>, %reduce_sum3A_82, %reduce_sum3A_83 [1, 2, 3] : vector<1x16x16x128xf32> to vector<1xf32>
    %reduce_sum3A_85 = vector.shape_cast %reduce_sum3A_84 : vector<1xf32> to vector<1x1x1x1xf32>
    %reduce_sum3A_86 = vector.extract %reduce_sum3A_85[0, 0, 0, 0] : f32 from vector<1x1x1x1xf32>
    %add3A_87 = arith.addf %get3A_81, %reduce_sum3A_86 : f32
    %swap3A_88 = arith.constant 1 : index
    %swap3A_89 = memref.load %arg6[%swap3A_88] : memref<4xf32, #tpu.memory_space<smem>>
    memref.store %add3A_87, %arg6[%swap3A_88] : memref<4xf32, #tpu.memory_space<smem>>
    %get3A_90 = arith.constant 2 : index
    %get3A_91 = memref.load %arg6[%get3A_90] : memref<4xf32, #tpu.memory_space<smem>>
    %reduce_sum3A_92 = vector.shape_cast %select_n3A_62 : vector<16x16x128xf32> to vector<1x16x16x128xf32>
    %reduce_sum3A_93 = arith.constant dense<0.000000e+00> : vector<1xf32>
    %reduce_sum3A_94 = vector.multi_reduction <add>, %reduce_sum3A_92, %reduce_sum3A_93 [1, 2, 3] : vector<1x16x16x128xf32> to vector<1xf32>
    %reduce_sum3A_95 = vector.shape_cast %reduce_sum3A_94 : vector<1xf32> to vector<1x1x1x1xf32>
    %reduce_sum3A_96 = vector.extract %reduce_sum3A_95[0, 0, 0, 0] : f32 from vector<1x1x1x1xf32>
    %add3A_97 = arith.addf %get3A_91, %reduce_sum3A_96 : f32
    %swap3A_98 = arith.constant 2 : index
    %swap3A_99 = memref.load %arg6[%swap3A_98] : memref<4xf32, #tpu.memory_space<smem>>
    memref.store %add3A_97, %arg6[%swap3A_98] : memref<4xf32, #tpu.memory_space<smem>>
    %get3A_100 = arith.constant 3 : index
    %get3A_101 = memref.load %arg6[%get3A_100] : memref<4xf32, #tpu.memory_space<smem>>
    %reduce_sum3A_102 = vector.shape_cast %select_n3A_63 : vector<16x16x128xf32> to vector<1x16x16x128xf32>
    %reduce_sum3A_103 = arith.constant dense<0.000000e+00> : vector<1xf32>
    %reduce_sum3A_104 = vector.multi_reduction <add>, %reduce_sum3A_102, %reduce_sum3A_103 [1, 2, 3] : vector<1x16x16x128xf32> to vector<1xf32>
    %reduce_sum3A_105 = vector.shape_cast %reduce_sum3A_104 : vector<1xf32> to vector<1x1x1x1xf32>
    %reduce_sum3A_106 = vector.extract %reduce_sum3A_105[0, 0, 0, 0] : f32 from vector<1x1x1x1xf32>
    %add3A_107 = arith.addf %get3A_101, %reduce_sum3A_106 : f32
    %swap3A_108 = arith.constant 3 : index
    %swap3A_109 = memref.load %arg6[%swap3A_108] : memref<4xf32, #tpu.memory_space<smem>>
    memref.store %add3A_107, %arg6[%swap3A_108] : memref<4xf32, #tpu.memory_space<smem>>
    %eq3A_110 = arith.constant 5 : i32
    %eq3A_111 = arith.cmpi eq, %arg0, %eq3A_110 : i32
    %convert_element_type3A_112 = arith.extui %eq3A_111 : i1 to i32
    %cond3A_113 = arith.constant 0 : i32
    %cond3A_114 = arith.cmpi ne, %convert_element_type3A_112, %cond3A_113 : i32
    scf.if %cond3A_114 {
      %iota3A = tpu.iota {dimensions = array<i32: 1>} : vector<1x4xi32>
      %eq3A_115 = arith.constant 0 : i32
      %eq3A_116 = vector.broadcast %eq3A_115 : i32 to vector<1x4xi32>
      %eq3A_117 = arith.cmpi eq, %iota3A, %eq3A_116 : vector<1x4xi32>
      %get3A_118 = arith.constant 0 : index
      %get3A_119 = memref.load %arg6[%get3A_118] : memref<4xf32, #tpu.memory_space<smem>>
      %eq3A_120 = arith.constant 1 : i32
      %eq3A_121 = vector.broadcast %eq3A_120 : i32 to vector<1x4xi32>
      %eq3A_122 = arith.cmpi eq, %iota3A, %eq3A_121 : vector<1x4xi32>
      %get3A_123 = arith.constant 1 : index
      %get3A_124 = memref.load %arg6[%get3A_123] : memref<4xf32, #tpu.memory_space<smem>>
      %eq3A_125 = arith.constant 2 : i32
      %eq3A_126 = vector.broadcast %eq3A_125 : i32 to vector<1x4xi32>
      %eq3A_127 = arith.cmpi eq, %iota3A, %eq3A_126 : vector<1x4xi32>
      %get3A_128 = arith.constant 2 : index
      %get3A_129 = memref.load %arg6[%get3A_128] : memref<4xf32, #tpu.memory_space<smem>>
      %get3A_130 = arith.constant 3 : index
      %get3A_131 = memref.load %arg6[%get3A_130] : memref<4xf32, #tpu.memory_space<smem>>
      %broadcast_in_dim3A_132 = vector.broadcast %get3A_129 : f32 to vector<1x4xf32>
      %broadcast_in_dim3A_133 = vector.broadcast %get3A_131 : f32 to vector<1x4xf32>
      %select_n3A_134 = arith.select %eq3A_127, %broadcast_in_dim3A_132, %broadcast_in_dim3A_133 : vector<1x4xi1>, vector<1x4xf32>
      %broadcast_in_dim3A_135 = vector.broadcast %get3A_124 : f32 to vector<1x4xf32>
      %select_n3A_136 = arith.select %eq3A_122, %broadcast_in_dim3A_135, %select_n3A_134 : vector<1x4xi1>, vector<1x4xf32>
      %broadcast_in_dim3A_137 = vector.broadcast %get3A_119 : f32 to vector<1x4xf32>
      %select_n3A_138 = arith.select %eq3A_117, %broadcast_in_dim3A_137, %select_n3A_136 : vector<1x4xi1>, vector<1x4xf32>
      %swap3A_139 = arith.constant 0 : index
      %swap3A_140 = arith.constant 0 : index
      %swap3A_141 = vector.load %arg5[%swap3A_139, %swap3A_140] : memref<1x4xf32, #tpu.memory_space<vmem>>, vector<1x4xf32>
      tpu.vector_store %arg5[%swap3A_139, %swap3A_140], %select_n3A_138 {strides = array<i32>} : memref<1x4xf32, #tpu.memory_space<vmem>>, vector<1x4xf32>,
    } else {
    }
    return
  }
  func.func @transform_0(%arg0: i32) -> (i32, i32, i32, i32) {
    %add3A = arith.constant 2 : i32
    %add3A_0 = arith.addi %arg0, %add3A : i32
    %c0_i32 = arith.constant 0 : i32
    %c0_i32_1 = arith.constant 0 : i32
    %c0_i32_2 = arith.constant 0 : i32
    %c0_i32_3 = arith.constant 0 : i32
    return %c0_i32, %add3A_0, %c0_i32_1, %c0_i32_2 : i32, i32, i32, i32
  }
  func.func @transform_1(%arg0: i32) -> (i32, i32, i32, i32) {
    %add3A = arith.constant 2 : i32
    %add3A_0 = arith.addi %arg0, %add3A : i32
    %c0_i32 = arith.constant 0 : i32
    %c0_i32_1 = arith.constant 0 : i32
    %c0_i32_2 = arith.constant 0 : i32
    %c0_i32_3 = arith.constant 0 : i32
    return %c0_i32, %add3A_0, %c0_i32_1, %c0_i32_2 : i32, i32, i32, i32
  }
  func.func @transform_2(%arg0: i32) -> (i32, i32, i32) {
    %c0_i32 = arith.constant 0 : i32
    %c0_i32_0 = arith.constant 0 : i32
    %c0_i32_1 = arith.constant 0 : i32
    return %arg0, %c0_i32, %c0_i32_0 : i32, i32, i32
  }
  func.func @transform_3(%arg0: i32) -> (i32, i32, i32) {
    %c0_i32 = arith.constant 0 : i32
    %c0_i32_0 = arith.constant 0 : i32
    %c0_i32_1 = arith.constant 0 : i32
    return %arg0, %c0_i32, %c0_i32_0 : i32, i32, i32
  }
  func.func @transform_4(%arg0: i32) -> (i32, i32) {
    %c0_i32 = arith.constant 0 : i32
    %c0_i32_0 = arith.constant 0 : i32
    %c0_i32_1 = arith.constant 0 : i32
    return %c0_i32, %c0_i32_0 : i32, i32
  }
}

</mosaic_0001>

<sc_bundles>
// kernel: kernel.5.cloned.1.call-start
scs
__scs_entry_jumppad:
0x0: {  	(pc) =	sbr.rel $0x88, $3  }
0x1: {  	(tag) =	ssettag $0x0;
	lr =	simm.s32 $0x1  }
0x2: {  	[smem:$0x3F9F] =	sst lr;
	_ =	strace $0xD0000000  }
0x3: {  	_ = 	snop  }
0x4: {  	_ = 	snop  }
0x5: {  	_ = 	snop  }
0x6: {  	_ = 	snop  }
0x7: {  	_ = 	snop  }
__scs_overlays_trampoline_lowered:
0x8: {  	[smem:$0x3FAE] =	sst s0  }
0x9: {  	[smem:$0x3FAF] =	sst s1  }
0xa: {  	[smem:$0x3FB0] =	sst s2  }
0xb: {  	[smem:$0x3FB1] =	sst s3  }
0xc: {  	[smem:$0x3FB2] =	sst s4  }
0xd: {  	[smem:$0x3FB3] =	sst s5  }
0xe: {  	[smem:$0x3FB4] =	sst s6  }
0xf: {  	[smem:$0x3FB5] =	sst s7  }
0x10: {  	[smem:$0x3FB6] =	sst s8  }
0x11: {  	[smem:$0x3FB7] =	sst s9;
	s0 =	simm.s32 @!p0 $0x0  }
0x12: {  	s1 =	sld [smem:$0x3F9D];
	s0 =	simm.s32 @p0 $0x1  }
0x13: {  	[smem:$0x3FB8] =	sst s0;
	s0 =	simm.s32 @!p1 $0x0  }
0x14: {  	s2 =	sld [smem:$0x3F9C];
	s0 =	simm.s32 @p1 $0x1  }
0x15: {  	[smem:$0x3FB9] =	sst s0;
	s0 =	simm.s32 @!p2 $0x0  }
0x16: {  	s3 =	sld [smem:$0x3FDB];
	s0 =	simm.s32 @p2 $0x1  }
0x17: {  	s4 =	simm.s32 $0x1BF5;
	[smem:$0x3FBB] =	sst s0  }
0x18: {  	s0 =	sld [smem:$0x3F9E];
	_ =	swait.ge [sflag:s4], $0x0  }
0x19: {  	s7 =	sld [smem:$0x3F9F]  }
0x1a: {  	s8 =	sadd.s32 $0xFFFFE003, lr  }
0x1b: {  	s9 =	sadd.s32 $0xFFFFFEF7, lr;
	s5 =	simm.s32 $0xFFFFFFFF;
	p2 =	slt.u32 s8, $0xFFFFF086  }
0x1c: {  	p1 =	slt.u32 s9, $0xF7A;
	s5 =	simm.s32 @!p2 $0x0  }
0x1d: {  	s5 =	simm.s32 @p1 $0x1;
	p0 =	seq.s32 s7, s2  }
0x1e: {  	s7 =	smul.u32 @!p0 $0xF7A, s2;
	p2 =	seq.s32 @!p0 s5, $0x0  }
0x1f: {  	s9 =	smul.u32 $0xF7A, s1;
	s8 =	simm.s32 @!p0 $0x1BF5;
	p2 =	por !p2, p0  }
0x20: {  	[sflag:s8] =	ssyncset.s32 @!p0 $0xFFFFF086;
	s6 =	sadd.s32 @!p0 s3, s7;
	s7 =	simm.s32 @!p0 $0x108  }
0x21: {  	s3 =	sadd.s32 s3, s9;
	s6 =	sadd.s32 @!p0 $0x88, s6;
	s7 =	simm.s32 @p2 $0x1082  }
0x22: {  	[simem:s7], [sflag:s8] =	dma.local @!p0 [hbm:s6], $0xF7A  }
0x23: {  	s9 =	sor.u32 $0xD0000000, s2;
	s6 =	simm.s32 $0x108;
	_ =	swait.ge @!p0 [sflag:s8], $0x0  }
0x24: {  	s3 =	sadd.s32 $0x88, s3;
	s6 =	simm.s32 @!p1 $0x1082;
	[sflag:s4] =	ssyncset.s32 $0xFFFFF086  }
0x25: {  	[simem:s6], [sflag:s4] =	dma.local [hbm:s3], $0xF7A  }
0x26: {  	[smem:$0x3F9F] =	sst s1;
	(tag) =	ssettag s2;
	_ =	strace s9  }
0x27: {  	s1 =	sld [smem:$0x3FAF]  }
0x28: {  	s2 =	sld [smem:$0x3FB0]  }
0x29: {  	s4 =	sld [smem:$0x3FB2]  }
0x2a: {  	p0 =	seq.s32 s5, $0x0;
	s5 =	sld [smem:$0x3FB3]  }
0x2b: {  	s6 =	sld [smem:$0x3FB4]  }
0x2c: {  	s7 =	sld [smem:$0x3FB5]  }
0x2d: {  	s3 =	simm.s32 $0x108;
	s8 =	sld [smem:$0x3FB6]  }
0x2e: {  	s3 =	simm.s32 @!p0 $0x1082;
	s9 =	sld [smem:$0x3FB7]  }
0x2f: {  	lr =	sadd.s32 s0, s3;
	s0 =	sld [smem:$0x3FAE]  }
0x30: {  	s3 =	sld [smem:$0x3FB1]  }
0x31: {  	[smem:$0x3FBA] =	sst s10  }
0x32: {  	s10 =	sld [smem:$0x3FB8];
	_ =	sdelay $0x3  }
0x33: {  	p0 =	seq.s32 s10, $0x1;
	s10 =	sld [smem:$0x3FBA];
	_ =	sdelay $0x3  }
0x34: {  	[smem:$0x3FBA] =	sst s10  }
0x35: {  	s10 =	sld [smem:$0x3FB9];
	_ =	sdelay $0x3  }
0x36: {  	p1 =	seq.s32 s10, $0x1;
	s10 =	sld [smem:$0x3FBA];
	_ =	sdelay $0x3  }
0x37: {  	[smem:$0x3FBA] =	sst s10  }
0x38: {  	s10 =	sld [smem:$0x3FBB]  }
0x39: {  	_ = 	snop;
	(pc) =	sbr.ind lr, $3  }
0x3a: {  	_ = 	snop  }
0x3b: {  	_ = 	snop  }
0x3c: {  	p2 =	seq.s32 s10, $0x1;
	s10 =	sld [smem:$0x3FBA]  }
0x3d: {  	_ =	shalt  }
0x3e: {  	_ =	shalt  }
0x3f: {  	_ =	shalt  }
0x40: {  	_ =	shalt  }
0x41: {  	_ =	shalt  }
0x42: {  	_ =	shalt  }
0x43: {  	_ =	shalt  }
0x44: {  	_ =	shalt  }
0x45: {  	_ =	shalt  }
0x46: {  	_ =	shalt  }
0x47: {  	_ =	shalt  }
0x48: {  	_ =	shalt  }
0x49: {  	_ =	shalt  }
0x4a: {  	_ =	shalt  }
0x4b: {  	_ =	shalt  }
0x4c: {  	_ =	shalt  }
0x4d: {  	_ =	shalt  }
0x4e: {  	_ =	shalt  }
0x4f: {  	_ =	shalt  }
0x50: {  	_ =	shalt  }
0x51: {  	_ =	shalt  }
0x52: {  	_ =	shalt  }
0x53: {  	_ =	shalt  }
0x54: {  	_ =	shalt  }
0x55: {  	_ =	shalt  }
0x56: {  	_ =	shalt  }
0x57: {  	_ =	shalt  }
0x58: {  	_ =	shalt  }
0x59: {  	_ =	shalt  }
0x5a: {  	_ =	shalt  }
0x5b: {  	_ =	shalt  }
0x5c: {  	_ =	shalt  }
0x5d: {  	_ =	shalt  }
0x5e: {  	_ =	shalt  }
0x5f: {  	_ =	shalt  }
0x60: {  	_ =	shalt  }
0x61: {  	_ =	shalt  }
0x62: {  	_ =	shalt  }
0x63: {  	_ =	shalt  }
0x64: {  	_ =	shalt  }
0x65: {  	_ =	shalt  }
0x66: {  	_ =	shalt  }
0x67: {  	_ =	shalt  }
0x68: {  	_ =	shalt  }
0x69: {  	_ =	shalt  }
0x6a: {  	_ =	shalt  }
0x6b: {  	_ =	shalt  }
0x6c: {  	_ =	shalt  }
0x6d: {  	_ =	shalt  }
0x6e: {  	_ =	shalt  }
0x6f: {  	_ =	shalt  }
0x70: {  	_ =	shalt  }
0x71: {  	_ =	shalt  }
0x72: {  	_ =	shalt  }
0x73: {  	_ =	shalt  }
0x74: {  	_ =	shalt  }
0x75: {  	_ =	shalt  }
0x76: {  	_ =	shalt  }
0x77: {  	_ =	shalt  }
0x78: {  	_ =	shalt  }
0x79: {  	_ =	shalt  }
0x7a: {  	_ =	shalt  }
0x7b: {  	_ =	shalt  }
0x7c: {  	_ =	shalt  }
0x7d: {  	_ =	shalt  }
0x7e: {  	_ =	shalt  }
0x7f: {  	_ =	shalt  }
0x80: {  	_ =	shalt  }
0x81: {  	_ =	shalt  }
0x82: {  	_ =	shalt  }
0x83: {  	_ =	shalt  }
0x84: {  	_ =	shalt  }
0x85: {  	_ =	shalt  }
0x86: {  	_ =	shalt  }
0x87: {  	_ =	shalt  }
.Lfunc_end0:
.L_simem_size_0:
called_computation_lowered:
.L_overlay_start_0:
0x88: {  	s2 =	sld [smem:$0x3FD9]  }
0x89: {  	s3 =	sld [smem:$0x3FFE];
	_ =	sdelay $0x1  }
0x8a: {  	s1 =	srdreg.scid  }
0x8b: {  	s0 =	sand.u32 $0x1, s1  }
0x8c: {  	s17 =	sshll.u32 s0, $0xA;
	s2 =	sadd.s32 s3, s2  }
0x8d: {  	s2 =	sadd.s32 s2, s17  }
0x8e: {  	[smem:$0x3FC6] =	sst s2  }
0x8f: {  	_ = 	snop  }
0x90: {  	s2 =	sld [smem:$0x3FD0];
	(tm) =	ssettm $0x1  }
0x91: {  	s18 =	sld [smem:$0x3FFB];
	_ =	sdelay $0x3  }
0x92: {  	_ =	strace s18  }
0x93: {  	s3 =	sld [smem:$0x3FFC];
	_ =	sdelay $0x3  }
0x94: {  	_ =	strace s3  }
0x95: {  	s3 =	sld [smem:$0x3FFD];
	_ =	sdelay $0x3  }
0x96: {  	_ =	strace s3  }
0x97: {  	_ =	strace $0x8FFFFFFF  }
0x98: {  	s19 =	sld [smem:$0x3FDB];
	_ =	sdelay $0x1  }
0x99: {  	s4 =	simm.s32 $_scs_section_size  }
0x9a: {  	s5 =	simm.s32 $_size__tile_overlayer_lowered;
	s6 =	simm.s32 $_tile_overlayer_lowered  }
0x9b: {  	s22 =	simm.s32 $0x1BFF;
	s21 =	sshll.u32 s6, $0x1;
	s3 =	sadd.s32 s4, s19  }
0x9c: {  	s7 =	simm.s32 $0x0;
	s20 =	sshll.u32 s5, $0x1;
	s5 =	sadd.s32 s21, s3  }
0x9d: {  	[timem:s7], [sflag:s22] =	dma.local [hbm:s5], s20  }
0x9e: {  	_ =	swait.ge [sflag:s22], s20  }
0x9f: {  	s4 =	ssub.s32 $0x0, s20;
	[sflag:s22] =	ssyncset.done $0x0  }
0xa0: {  	[sflag:s22] =	ssyncadd.s32 s4;
	_ =	sdelay $0x1  }
0xa1: {  	s23 =	simm.s32 $0x1B8B  }
0xa2: {  	_ =	swait.ge [sflag:s23], $0x1  }
0xa3: {  	[sflag:s23] =	ssyncset.done $0x0  }
0xa4: {  	s25 =	simm.s32 $0x1B8E;
	s24 =	sld [smem:$0x3FFE];
	[sflag:s23] =	ssyncadd.s32 $0xFFFFFFFF  }
0xa5: {  	s26 =	simm.s32 $execute0_lowered;
	[smem:$0x3FD2] =	sst s25  }
0xa6: {  	s5 =	sshll.u32 s26, $0x1;
	_ =	strace $0x80000046;
	[dreg:$0x1] =	wrdreg $0xFFFFFFFF  }
0xa7: {  	s28 =	simm.s32 $_size_execute0_lowered;
	s3 =	sadd.s32 s3, s5;
	[dreg:$0x0] =	wrdreg $0x0  }
0xa8: {  	s5 =	sshll.u32 s28, $0x1;
	[dreg:$0x2] =	wrdreg s3  }
0xa9: {  	[dreg:$0x3] =	wrdreg s5  }
0xaa: {  	[dreg:$0x4] =	wrdreg $0xC0  }
0xab: {  	_ =	task [dreg:s7], $0x5FFFF  }
0xac: {  	[dreg:$0x1] =	wrdreg $0xFFFFFFFF  }
0xad: {  	[dreg:$0x0] =	wrdreg $0x60  }
0xae: {  	[dreg:$0x2] =	wrdreg s24  }
0xaf: {  	[dreg:$0x3] =	wrdreg s2  }
0xb0: {  	[dreg:$0x4] =	wrdreg $0x9  }
0xb1: {  	_ =	task.clear_ibuf [dreg:s7], $0x5FFFF;
	_ =	strace $0x90000046  }
0xb2: {  	s29 =	simm.s32 $0x9;
	_ =	strace $0x8000004F  }
0xb3: {  	_ =	swait.ge [sflag:s29], $0x1  }
0xb4: {  	[sflag:s29] =	ssyncadd.s32 $0xFFFFFFFF  }
0xb5: {  	_ =	strace $0x9000004F  }
0xb6: {  	_ =	sfence  }
0xb7: {  	s30 =	sld [smem:$0x0];
	_ =	sdelay $0x2  }
0xb8: {  	s31 =	sshll.u32 s1, $0xD;
	s1 =	sshrl.u32 s1, $0x2  }
0xb9: {  	s3 =	sand.u32 $0x4000, s31;
	s1 =	sadd.s32 s1, s30  }
0xba: {  	s0 =	sor.u32 s3, s0;
	s1 =	sshll.u32 s1, $0x11  }
0xbb: {  	s0 =	sor.u32 s1, s0  }
0xbc: {  	s0 =	sadd.s32 $0x8F2B, s0  }
0xbd: {  	[sflag:s0] =	ssyncadd.remote.s32 $0x1  }
0xbe: {  	_ =	sfence.sel $0xFFFF  }
0xbf: {  	[dreg:$0x0] =	wrdreg $0xFFFFFFFF;
	(pc) =	sbr.abs _section_cstart, $3  }
0xc0: {  	[dreg:$0x1] =	wrdreg $0xFFFFFFFF  }
0xc1: {  	_ =	task.clear_ibuf [dreg:s7], $0x2FFFF;
	_ =	strace $0x9FFFFFFF  }
0xc2: {  	(tm) =	ssettm $0x7FFFFFFF  }
0xc3: {  	_ =	shalt  }
tec
execute0_lowered:
.L_overlay_start_1:
0x0: {  	(tag) =	ssettag $0x1  }
0x1: {  	s3 =	rddreg [dreg:$0x0]  }
0x2: {  	s5 =	rddreg [dreg:$0x1]  }
0x3: {  	s0 =	rddreg [dreg:$0x2];
	s4 =	srdreg.scid  }
0x4: {  	s2 =	simm.s32 $0x0;
	s1 =	stileid.u32;
	s11 =	simm.s32 $0x100  }
0x5: {  	s12 =	simm.s32 $0x9100;
	s13 =	simm.s32 $0x1;
	s14 =	simm.s32 $0x3  }
0x6: {  	s15 =	simm.s32 $0x10;
	s16 =	simm.s32 $0x20;
	s17 =	simm.s32 $0x30  }
0x7: {  	s18 =	simm.s32 $0x12100;
	s19 =	simm.s32 $0x13100;
	s20 =	simm.s32 $0x5  }
0x8: {  	s21 =	simm.s32 $0x7;
	s22 =	simm.s32 $0x0;
	s4 =	sand.u32 $0x1, s4  }
0x9: {  	[smem:$0x7FF] =	sst s2;
	s7 =	sshll.u32 s1, $0x8;
	s31 =	sshll.u32 s1, $0x6  }
0xa: {  	s6 =	sshll.u32 s4, $0xC;
	_ =	strace $0x80000047;
	s30 =	ssub.s32 $0x2, s4  }
0xb: {  	s4 =	sshll.u32 s4, $0x5;
	s6 =	sor.u32 s7, s6;
	s9 =	sshrl.u32 s30, $0x1  }
0xc: {  	s10 =	sadd.s32 s4, s3;
	s8 =	sadd.s32 s6, s3;
	s9 =	ssub.s32 s30, s9  }
0xd: {  	s7 =	sadd.s32 s31, s10;
	s5 =	sadd.s32 s5, s6;
	s10 =	simm.s32 $0x40000  }
0xe: {  	s3 =	sadd.s32 $0x2000, s8;
	s4 =	sadd.s32 $0x4A000, s8;
	s6 =	sadd.s32 $0x92000, s8  }
0xf: {  	v0 =	vimm.f32 $0.0e+00;
	v1 =	vimm.f32 $1.000000000e+00;
	s7 =	sadd.s32 $0x94000, s7;
	s8 =	smax.u32 s9, $0x1;
	s9 =	simm.s32 $0x800  }
.LBB2_1:
0x10: {  	[tilespmem:$0x0] =	vst v0  }
0x11: {  	[tilespmem:$0x10] =	vst v0  }
0x12: {  	[tilespmem:$0x20] =	vst v0  }
0x13: {  	[tilespmem:$0x30] =	vst v0  }
0x14: {  	[tilespmem:$0x40] =	vst v0  }
0x15: {  	[tilespmem:$0x50] =	vst v0  }
0x16: {  	[tilespmem:$0x60] =	vst v0  }
0x17: {  	[tilespmem:$0x70] =	vst v0  }
0x18: {  	[tilespmem:$0x80] =	vst v0  }
0x19: {  	[tilespmem:$0x90] =	vst v0  }
0x1a: {  	[tilespmem:$0xA0] =	vst v0  }
0x1b: {  	[tilespmem:$0xB0] =	vst v0  }
0x1c: {  	[tilespmem:$0xC0] =	vst v0  }
0x1d: {  	[tilespmem:$0xD0] =	vst v0  }
0x1e: {  	[tilespmem:$0xE0] =	vst v0  }
0x1f: {  	[tilespmem:$0xF0] =	vst v0  }
0x20: {  	_ =	strace $0x80000048  }
0x21: {  	[tilespmem:s11], [sflag:$0x1] =	stream.strided.gather [hbm4b:s3+s9], $0x4800, s10, s9, $0x200038;
	[tilespmem:$0x14100] =	vst v63  }
0x22: {  	_ = 	snop  }
0x23: {  	[tilespmem:s12], [sflag:$0x3] =	stream.strided.gather [hbm4b:s4+s9], $0x4800, s10, s9, $0x200038;
	[tilespmem:$0x14100] =	vst v63  }
0x24: {  	_ =	strace $0x90000048  }
0x25: {  	_ =	strace $0x80000049  }
0x26: {  	_ =	swait.ge [sflag:s13], $0x4800  }
0x27: {  	[sflag:s13] =	ssyncset.done $0x0  }
0x28: {  	[sflag:s13] =	ssyncadd.s32 $0xFFFFB800  }
0x29: {  	_ =	strace $0x90000049  }
0x2a: {  	_ =	strace $0x8000004A  }
0x2b: {  	_ =	swait.ge [sflag:s14], $0x4800  }
0x2c: {  	[sflag:s14] =	ssyncset.done $0x0  }
0x2d: {  	[sflag:s14] =	ssyncadd.s32 $0xFFFFB800  }
0x2e: {  	_ =	strace $0x9000004A  }
0x2f: {  	s23 =	simm.s32 $0x0;
	_ =	strace $0x8000004B  }
.LBB2_2:
0x30: {  	s24 =	sshra.s32 s23, $0x2  }
0x31: {  	v2 =	vld [tilespmem:s24+$0x9100]  }
0x32: {  	v4 =	vld [tilespmem:s24+$0x9900]  }
0x33: {  	v36 =	vld [tilespmem:s24+$0xA100]  }
0x34: {  	v12 =	vld [tilespmem:s24+$0xA900]  }
0x35: {  	v41 =	vld [tilespmem:s24+$0xB100]  }
0x36: {  	vm0 =	vlt.f32 v2, $0.0e+00;
	vm1 =	vgt.f32 v2, $0.0e+00;
	vm2 =	vgt.f32 v2, $5.000000000e-01  }
0x37: {  	v44 =	vld [tilespmem:s24+$0xB900];
	vm14 =	vlt.f32 v4, $0.0e+00;
	vm15 =	vgt.f32 v4, $0.0e+00;
	vm4 =	vgt.f32 v4, $5.000000000e-01  }
0x38: {  	v49 =	vld [tilespmem:s24+$0xC100];
	vm5 =	vgt.f32 v36, $5.000000000e-01;
	vm6 =	vlt.f32 v36, $0.0e+00;
	vm7 =	vgt.f32 v36, $0.0e+00  }
0x39: {  	v15 =	vld [tilespmem:s24+$0xC900];
	vm9 =	vgt.f32 v12, $5.000000000e-01;
	vm10 =	vlt.f32 v12, $0.0e+00;
	vm11 =	vgt.f32 v12, $0.0e+00  }
0x3a: {  	v3 =	vld [tilespmem:s24+$0x100];
	vm13 =	vlt.f32 v41, $0.0e+00;
	vm0 =	vmor vm1, vm0;
	v5 =	vsel vm2, $0x3F800000, v0  }
0x3b: {  	v11 =	vld [tilespmem:s24+$0x1100];
	v8 =	vsel vm4, $0x3F800000, v0;
	v38 =	vsel vm5, $0x3F800000, v0;
	vm8 =	vmor vm7, vm6  }
0x3c: {  	v42 =	vsel vm9, $0x3F800000, v0;
	vm12 =	vmor vm11, vm10;
	vm4 =	vlt.f32 v44, $0.0e+00  }
0x3d: {  	vm5 =	vgt.f32 v44, $0.0e+00;
	vm6 =	vgt.f32 v44, $5.000000000e-01;
	vm7 =	vgt.f32 v49, $5.000000000e-01  }
0x3e: {  	v45 =	vld [tilespmem:s24+$0x2900];
	vm9 =	vgt.f32 v49, $0.0e+00;
	vm10 =	vgt.f32 v15, $5.000000000e-01;
	vm11 =	vlt.f32 v15, $0.0e+00  }
0x3f: {  	v54 =	vld [tilespmem:s24+$0x3100];
	v6 =	vsel vm0, $0x3F800000, v0;
	v7 =	vmul.f32 v5, v3;
	vm0 =	vmor vm15, vm14  }
0x40: {  	v2 =	vld [tilespmem:s24+$0x900];
	v37 =	vadd.f32 v8, v5;
	v39 =	vsel vm8, $0x3F800000, v0;
	v40 =	vmul.f32 v38, v11  }
0x41: {  	v56 =	vld [tilespmem:s24+$0x3900];
	v43 =	vsel vm12, $0x3F800000, v0;
	vm14 =	vgt.f32 v41, $0.0e+00;
	vm15 =	vgt.f32 v41, $5.000000000e-01  }
0x42: {  	v60 =	vld [tilespmem:s24+$0xD100];
	v52 =	vsel vm6, $0x3F800000, v0;
	v57 =	vsel vm7, $0x3F800000, v0;
	vm8 =	vlt.f32 v49, $0.0e+00  }
0x43: {  	v62 =	vsel vm10, $0x3F800000, v0;
	vm12 =	vgt.f32 v15, $0.0e+00;
	v3 =	vmul.f32 v6, v3  }
0x44: {  	v9 =	vsel vm0, $0x3F800000, v0;
	v11 =	vmul.f32 v39, v11;
	vm0 =	vmor vm14, vm13  }
0x45: {  	v14 =	vld [tilespmem:s24+$0x2100];
	v3 =	vadd.f32 $0.0e+00, v3;
	v10 =	vmul.f32 v8, v2;
	v2 =	vmul.f32 v9, v2  }
0x46: {  	v46 =	vsel vm15, $0x3F800000, v0;
	v55 =	vmul.f32 v52, v45;
	v58 =	vmul.f32 v57, v54  }
0x47: {  	v63 =	vmul.f32 v62, v56;
	vm13 =	vlt.f32 v60, $0.0e+00;
	v2 =	vadd.f32 v2, v3;
	v3 =	vld [tilespmem:s24+$0x1900]  }
0x48: {  	vm14 =	vgt.f32 v60, $0.0e+00;
	vm15 =	vgt.f32 v60, $5.000000000e-01;
	v7 =	vadd.f32 $0.0e+00, v7  }
0x49: {  	v6 =	vadd.f32 v9, v6;
	v4 =	vadd.f32 v38, v37;
	v47 =	vsel vm0, $0x3F800000, v0  }
0x4a: {  	v16 =	vld [tilespmem:s24+$0x4100];
	v48 =	vmul.f32 v46, v14;
	vm0 =	vmor vm5, vm4;
	v18 =	vsel vm15, $0x3F800000, v0  }
0x4b: {  	v50 =	vmul.f32 v47, v14;
	v6 =	vadd.f32 v39, v6;
	v7 =	vadd.f32 v10, v7  }
0x4c: {  	v2 =	vadd.f32 v11, v2;
	v13 =	vmul.f32 v42, v3;
	v3 =	vmul.f32 v43, v3  }
0x4d: {  	v53 =	vsel vm0, $0x3F800000, v0;
	v6 =	vadd.f32 v43, v6;
	v7 =	vadd.f32 v40, v7  }
0x4e: {  	vm0 =	vmor vm9, vm8;
	v2 =	vadd.f32 v3, v2;
	v3 =	vadd.f32 v42, v4  }
0x4f: {  	v20 =	vmul.f32 v18, v16;
	v59 =	vsel vm0, $0x3F800000, v0;
	v7 =	vadd.f32 v13, v7  }
0x50: {  	vm0 =	vmor vm12, vm11;
	v6 =	vadd.f32 v47, v6;
	v3 =	vadd.f32 v46, v3  }
0x51: {  	v4 =	vmul.f32 v53, v45;
	v51 =	vadd.f32 v48, v7;
	v2 =	vadd.f32 v50, v2  }
0x52: {  	v61 =	vmul.f32 v59, v54;
	v6 =	vadd.f32 v53, v6;
	v3 =	vadd.f32 v52, v3  }
0x53: {  	v17 =	vsel vm0, $0x3F800000, v0;
	v5 =	vadd.f32 v55, v51;
	v2 =	vadd.f32 v4, v2  }
0x54: {  	vm0 =	vmor vm14, vm13;
	v6 =	vadd.f32 v59, v6;
	v3 =	vadd.f32 v57, v3  }
0x55: {  	v4 =	vmul.f32 v17, v56;
	v5 =	vadd.f32 v58, v5;
	v2 =	vadd.f32 v61, v2  }
0x56: {  	v19 =	vsel vm0, $0x3F800000, v0;
	v6 =	vadd.f32 v17, v6;
	v3 =	vadd.f32 v62, v3  }
0x57: {  	v7 =	vmul.f32 v19, v16;
	v5 =	vadd.f32 v63, v5;
	v2 =	vadd.f32 v4, v2  }
0x58: {  	v6 =	vadd.f32 v19, v6;
	v3 =	vadd.f32 v18, v3  }
0x59: {  	v4 =	vadd.f32 v20, v5;
	v2 =	vadd.f32 v7, v2  }
0x5a: {  	v21 =	vsub.f32 v6, v3  }
0x5b: {  	v2 =	vsub.f32 v2, v4  }
0x5c: {  	v22 =	vmax.f32 v3, $1.000000000e+00;
	v23 =	vmax.f32 v21, $1.000000000e+00  }
0x5d: {  	v2 =	vmul.f32 v2, v22;
	v4 =	vmul.f32 v23, v4;
	_ =	sdelay $0x1  }
0x5e: {  	vm4 =	vgt.f32 v3, $0.0e+00;
	vm5 =	vgt.f32 v21, $0.0e+00;
	vm6 =	vgt.f32 v4, v2  }
0x5f: {  	vm0 =	vmand vm4, vm5;
	v2 =	vsel vm6, $0x0, v1  }
0x60: {  	v2 =	vnsel vm0, $0x40000000, v2  }
0x61: {  	[tilespmem:s24+$0x13100] =	vst v14;
	vm0 =	veq.f32 v2, $0.0e+00  }
0x62: {  	[tilespmem:s24+$0x12100] =	vst v2;
	v2 =	vnsel vm0, $0x0, v14  }
0x63: {  	v3 =	vsel vm0, $0x3F800000, v0;
	[tilespmem:s2+$0x0] =	vst.add.f32.msk $0xffff, v2  }
0x64: {  	v2 =	vsel vm0, $0x0, v14;
	[tilespmem:s15+$0x0] =	vst.add.f32.msk $0xffff, v3  }
0x65: {  	v3 =	vsel vm0, $0x0, v1;
	[tilespmem:s16+$0x0] =	vst.add.f32.msk $0xffff, v2  }
0x66: {  	[tilespmem:s17+$0x0] =	vst.add.f32.msk $0xffff, v3  }
0x67: {  	v2 =	vld [tilespmem:s24+$0x9110]  }
0x68: {  	v24 =	vld [tilespmem:s24+$0x9910]  }
0x69: {  	v28 =	vld [tilespmem:s24+$0xA110]  }
0x6a: {  	v33 =	vld [tilespmem:s24+$0xA910];
	_ =	sdelay $0x1  }
0x6b: {  	v38 =	vld [tilespmem:s24+$0xB110];
	vm7 =	vlt.f32 v2, $0.0e+00;
	vm8 =	vgt.f32 v2, $0.0e+00;
	vm9 =	vgt.f32 v2, $5.000000000e-01  }
0x6c: {  	v43 =	vld [tilespmem:s24+$0xB910];
	vm10 =	vlt.f32 v24, $0.0e+00;
	vm11 =	vgt.f32 v24, $0.0e+00;
	vm12 =	vgt.f32 v24, $5.000000000e-01  }
0x6d: {  	v48 =	vld [tilespmem:s24+$0xC110];
	vm13 =	vgt.f32 v28, $5.000000000e-01;
	vm14 =	vlt.f32 v28, $0.0e+00;
	vm15 =	vgt.f32 v28, $0.0e+00  }
0x6e: {  	v3 =	vld [tilespmem:s24+$0x110];
	vm5 =	vgt.f32 v33, $5.000000000e-01;
	vm6 =	vlt.f32 v33, $0.0e+00;
	vm0 =	vmor vm8, vm7  }
0x6f: {  	v32 =	vld [tilespmem:s24+$0x1110];
	v25 =	vsel vm9, $0x3F800000, v0;
	v29 =	vsel vm12, $0x3F800000, v0;
	v35 =	vsel vm13, $0x3F800000, v0  }
0x70: {  	vm4 =	vmor vm15, vm14;
	vm7 =	vgt.f32 v33, $0.0e+00;
	v39 =	vsel vm5, $0x3F800000, v0  }
0x71: {  	vm9 =	vlt.f32 v38, $0.0e+00;
	vm12 =	vlt.f32 v43, $0.0e+00;
	vm13 =	vgt.f32 v43, $0.0e+00  }
0x72: {  	v55 =	vld [tilespmem:s24+$0xC910];
	vm14 =	vgt.f32 v43, $5.000000000e-01;
	vm15 =	vgt.f32 v48, $5.000000000e-01;
	vm5 =	vgt.f32 v48, $0.0e+00  }
0x73: {  	v26 =	vsel vm0, $0x3F800000, v0;
	v27 =	vmul.f32 v25, v3;
	vm0 =	vmor vm11, vm10  }
0x74: {  	v44 =	vld [tilespmem:s24+$0x2910];
	v34 =	vadd.f32 v29, v25;
	v36 =	vsel vm4, $0x3F800000, v0;
	v37 =	vmul.f32 v35, v32  }
0x75: {  	v2 =	vld [tilespmem:s24+$0x910];
	vm8 =	vmor vm7, vm6;
	vm10 =	vgt.f32 v38, $0.0e+00;
	vm11 =	vgt.f32 v38, $5.000000000e-01  }
0x76: {  	v53 =	vld [tilespmem:s24+$0x3110];
	v51 =	vsel vm14, $0x3F800000, v0;
	v57 =	vsel vm15, $0x3F800000, v0;
	vm4 =	vlt.f32 v48, $0.0e+00  }
0x77: {  	v60 =	vld [tilespmem:s24+$0xD110];
	vm6 =	vgt.f32 v55, $5.000000000e-01;
	vm7 =	vlt.f32 v55, $0.0e+00;
	v3 =	vmul.f32 v26, v3  }
0x78: {  	v30 =	vsel vm0, $0x3F800000, v0;
	v11 =	vmul.f32 v36, v32;
	v40 =	vsel vm8, $0x3F800000, v0  }
0x79: {  	v42 =	vld [tilespmem:s24+$0x2110];
	vm0 =	vmor vm10, vm9;
	v45 =	vsel vm11, $0x3F800000, v0;
	v54 =	vmul.f32 v51, v44  }
0x7a: {  	v56 =	vld [tilespmem:s24+$0x3910];
	v3 =	vadd.f32 $0.0e+00, v3;
	v31 =	vmul.f32 v29, v2;
	v2 =	vmul.f32 v30, v2  }
0x7b: {  	v58 =	vmul.f32 v57, v53;
	v62 =	vsel vm6, $0x3F800000, v0;
	vm8 =	vgt.f32 v55, $0.0e+00  }
0x7c: {  	vm9 =	vlt.f32 v60, $0.0e+00;
	vm10 =	vgt.f32 v60, $0.0e+00;
	v2 =	vadd.f32 v2, v3;
	v3 =	vld [tilespmem:s24+$0x1910]  }
0x7d: {  	vm11 =	vgt.f32 v60, $5.000000000e-01;
	v7 =	vadd.f32 $0.0e+00, v27;
	v6 =	vadd.f32 v30, v26  }
0x7e: {  	v4 =	vadd.f32 v35, v34;
	v46 =	vsel vm0, $0x3F800000, v0;
	v47 =	vmul.f32 v45, v42  }
0x7f: {  	v16 =	vld [tilespmem:s24+$0x4110];
	vm0 =	vmor vm13, vm12;
	v63 =	vmul.f32 v62, v56;
	v18 =	vsel vm11, $0x3F800000, v0  }
0x80: {  	v49 =	vmul.f32 v46, v42;
	v6 =	vadd.f32 v36, v6;
	v7 =	vadd.f32 v31, v7  }
0x81: {  	v2 =	vadd.f32 v11, v2;
	v41 =	vmul.f32 v39, v3;
	v3 =	vmul.f32 v40, v3  }
0x82: {  	v52 =	vsel vm0, $0x3F800000, v0;
	v6 =	vadd.f32 v40, v6;
	v7 =	vadd.f32 v37, v7  }
0x83: {  	vm0 =	vmor vm5, vm4;
	v2 =	vadd.f32 v3, v2;
	v3 =	vadd.f32 v39, v4  }
0x84: {  	v20 =	vmul.f32 v18, v16;
	v59 =	vsel vm0, $0x3F800000, v0;
	v7 =	vadd.f32 v41, v7  }
0x85: {  	vm0 =	vmor vm8, vm7;
	v6 =	vadd.f32 v46, v6;
	v3 =	vadd.f32 v45, v3  }
0x86: {  	v4 =	vmul.f32 v52, v44;
	v50 =	vadd.f32 v47, v7;
	v2 =	vadd.f32 v49, v2  }
0x87: {  	v61 =	vmul.f32 v59, v53;
	v6 =	vadd.f32 v52, v6;
	v3 =	vadd.f32 v51, v3  }
0x88: {  	v17 =	vsel vm0, $0x3F800000, v0;
	v5 =	vadd.f32 v54, v50;
	v2 =	vadd.f32 v4, v2  }
0x89: {  	vm0 =	vmor vm10, vm9;
	v6 =	vadd.f32 v59, v6;
	v3 =	vadd.f32 v57, v3  }
0x8a: {  	v4 =	vmul.f32 v17, v56;
	v5 =	vadd.f32 v58, v5;
	v2 =	vadd.f32 v61, v2  }
0x8b: {  	v19 =	vsel vm0, $0x3F800000, v0;
	v6 =	vadd.f32 v17, v6;
	v3 =	vadd.f32 v62, v3  }
0x8c: {  	v7 =	vmul.f32 v19, v16;
	v5 =	vadd.f32 v63, v5;
	v2 =	vadd.f32 v4, v2  }
0x8d: {  	v6 =	vadd.f32 v19, v6;
	v3 =	vadd.f32 v18, v3  }
0x8e: {  	v4 =	vadd.f32 v20, v5;
	v2 =	vadd.f32 v7, v2  }
0x8f: {  	v21 =	vsub.f32 v6, v3  }
0x90: {  	v2 =	vsub.f32 v2, v4  }
0x91: {  	v22 =	vmax.f32 v3, $1.000000000e+00;
	v23 =	vmax.f32 v21, $1.000000000e+00  }
0x92: {  	v2 =	vmul.f32 v2, v22;
	v4 =	vmul.f32 v23, v4;
	_ =	sdelay $0x1  }
0x93: {  	vm12 =	vgt.f32 v3, $0.0e+00;
	vm13 =	vgt.f32 v21, $0.0e+00;
	vm14 =	vgt.f32 v4, v2  }
0x94: {  	vm0 =	vmand vm12, vm13;
	v2 =	vsel vm14, $0x0, v1  }
0x95: {  	v2 =	vnsel vm0, $0x40000000, v2  }
0x96: {  	[tilespmem:s24+$0x13110] =	vst v42;
	vm0 =	veq.f32 v2, $0.0e+00  }
0x97: {  	[tilespmem:s24+$0x12110] =	vst v2;
	v2 =	vnsel vm0, $0x0, v42  }
0x98: {  	v3 =	vsel vm0, $0x3F800000, v0;
	[tilespmem:s2+$0x0] =	vst.add.f32.msk $0xffff, v2  }
0x99: {  	v2 =	vsel vm0, $0x0, v42;
	[tilespmem:s15+$0x0] =	vst.add.f32.msk $0xffff, v3  }
0x9a: {  	v3 =	vsel vm0, $0x0, v1;
	[tilespmem:s16+$0x0] =	vst.add.f32.msk $0xffff, v2  }
0x9b: {  	[tilespmem:s17+$0x0] =	vst.add.f32.msk $0xffff, v3  }
0x9c: {  	v2 =	vld [tilespmem:s24+$0x9120]  }
0x9d: {  	v24 =	vld [tilespmem:s24+$0x9920]  }
0x9e: {  	v28 =	vld [tilespmem:s24+$0xA120]  }
0x9f: {  	v33 =	vld [tilespmem:s24+$0xA920];
	_ =	sdelay $0x1  }
0xa0: {  	v38 =	vld [tilespmem:s24+$0xB120];
	vm15 =	vlt.f32 v2, $0.0e+00;
	vm4 =	vgt.f32 v2, $0.0e+00;
	vm5 =	vgt.f32 v2, $5.000000000e-01  }
0xa1: {  	v43 =	vld [tilespmem:s24+$0xB920];
	vm6 =	vlt.f32 v24, $0.0e+00;
	vm7 =	vgt.f32 v24, $0.0e+00;
	vm8 =	vgt.f32 v24, $5.000000000e-01  }
0xa2: {  	v48 =	vld [tilespmem:s24+$0xC120];
	vm9 =	vgt.f32 v28, $5.000000000e-01;
	vm10 =	vlt.f32 v28, $0.0e+00;
	vm11 =	vgt.f32 v28, $0.0e+00  }
0xa3: {  	v3 =	vld [tilespmem:s24+$0x120];
	vm13 =	vgt.f32 v33, $5.000000000e-01;
	vm14 =	vlt.f32 v33, $0.0e+00;
	vm0 =	vmor vm4, vm15  }
0xa4: {  	v32 =	vld [tilespmem:s24+$0x1120];
	v25 =	vsel vm5, $0x3F800000, v0;
	v29 =	vsel vm8, $0x3F800000, v0;
	v35 =	vsel vm9, $0x3F800000, v0  }
0xa5: {  	vm12 =	vmor vm11, vm10;
	vm15 =	vgt.f32 v33, $0.0e+00;
	v39 =	vsel vm13, $0x3F800000, v0  }
0xa6: {  	vm5 =	vlt.f32 v38, $0.0e+00;
	vm8 =	vlt.f32 v43, $0.0e+00;
	vm9 =	vgt.f32 v43, $0.0e+00  }
0xa7: {  	v55 =	vld [tilespmem:s24+$0xC920];
	vm10 =	vgt.f32 v43, $5.000000000e-01;
	vm11 =	vgt.f32 v48, $5.000000000e-01;
	vm13 =	vgt.f32 v48, $0.0e+00  }
0xa8: {  	v26 =	vsel vm0, $0x3F800000, v0;
	v27 =	vmul.f32 v25, v3;
	vm0 =	vmor vm7, vm6  }
0xa9: {  	v44 =	vld [tilespmem:s24+$0x2920];
	v34 =	vadd.f32 v29, v25;
	v36 =	vsel vm12, $0x3F800000, v0;
	v37 =	vmul.f32 v35, v32  }
0xaa: {  	v2 =	vld [tilespmem:s24+$0x920];
	vm4 =	vmor vm15, vm14;
	vm6 =	vgt.f32 v38, $0.0e+00;
	vm7 =	vgt.f32 v38, $5.000000000e-01  }
0xab: {  	v53 =	vld [tilespmem:s24+$0x3120];
	v51 =	vsel vm10, $0x3F800000, v0;
	v57 =	vsel vm11, $0x3F800000, v0;
	vm12 =	vlt.f32 v48, $0.0e+00  }
0xac: {  	v60 =	vld [tilespmem:s24+$0xD120];
	vm14 =	vgt.f32 v55, $5.000000000e-01;
	vm15 =	vlt.f32 v55, $0.0e+00;
	v3 =	vmul.f32 v26, v3  }
0xad: {  	v30 =	vsel vm0, $0x3F800000, v0;
	v11 =	vmul.f32 v36, v32;
	v40 =	vsel vm4, $0x3F800000, v0  }
0xae: {  	v42 =	vld [tilespmem:s24+$0x2120];
	vm0 =	vmor vm6, vm5;
	v45 =	vsel vm7, $0x3F800000, v0;
	v54 =	vmul.f32 v51, v44  }
0xaf: {  	v56 =	vld [tilespmem:s24+$0x3920];
	v3 =	vadd.f32 $0.0e+00, v3;
	v31 =	vmul.f32 v29, v2;
	v2 =	vmul.f32 v30, v2  }
0xb0: {  	v58 =	vmul.f32 v57, v53;
	v62 =	vsel vm14, $0x3F800000, v0;
	vm4 =	vgt.f32 v55, $0.0e+00  }
0xb1: {  	vm5 =	vlt.f32 v60, $0.0e+00;
	vm6 =	vgt.f32 v60, $0.0e+00;
	v2 =	vadd.f32 v2, v3;
	v3 =	vld [tilespmem:s24+$0x1920]  }
0xb2: {  	vm7 =	vgt.f32 v60, $5.000000000e-01;
	v7 =	vadd.f32 $0.0e+00, v27;
	v6 =	vadd.f32 v30, v26  }
0xb3: {  	v4 =	vadd.f32 v35, v34;
	v46 =	vsel vm0, $0x3F800000, v0;
	v47 =	vmul.f32 v45, v42  }
0xb4: {  	v16 =	vld [tilespmem:s24+$0x4120];
	vm0 =	vmor vm9, vm8;
	v63 =	vmul.f32 v62, v56;
	v18 =	vsel vm7, $0x3F800000, v0  }
0xb5: {  	v49 =	vmul.f32 v46, v42;
	v6 =	vadd.f32 v36, v6;
	v7 =	vadd.f32 v31, v7  }
0xb6: {  	v2 =	vadd.f32 v11, v2;
	v41 =	vmul.f32 v39, v3;
	v3 =	vmul.f32 v40, v3  }
0xb7: {  	v52 =	vsel vm0, $0x3F800000, v0;
	v6 =	vadd.f32 v40, v6;
	v7 =	vadd.f32 v37, v7  }
0xb8: {  	vm0 =	vmor vm13, vm12;
	v2 =	vadd.f32 v3, v2;
	v3 =	vadd.f32 v39, v4  }
0xb9: {  	v20 =	vmul.f32 v18, v16;
	v59 =	vsel vm0, $0x3F800000, v0;
	v7 =	vadd.f32 v41, v7  }
0xba: {  	vm0 =	vmor vm4, vm15;
	v6 =	vadd.f32 v46, v6;
	v3 =	vadd.f32 v45, v3  }
0xbb: {  	v4 =	vmul.f32 v52, v44;
	v50 =	vadd.f32 v47, v7;
	v2 =	vadd.f32 v49, v2  }
0xbc: {  	v61 =	vmul.f32 v59, v53;
	v6 =	vadd.f32 v52, v6;
	v3 =	vadd.f32 v51, v3  }
0xbd: {  	v17 =	vsel vm0, $0x3F800000, v0;
	v5 =	vadd.f32 v54, v50;
	v2 =	vadd.f32 v4, v2  }
0xbe: {  	vm0 =	vmor vm6, vm5;
	v6 =	vadd.f32 v59, v6;
	v3 =	vadd.f32 v57, v3  }
0xbf: {  	v4 =	vmul.f32 v17, v56;
	v5 =	vadd.f32 v58, v5;
	v2 =	vadd.f32 v61, v2  }
0xc0: {  	v19 =	vsel vm0, $0x3F800000, v0;
	v6 =	vadd.f32 v17, v6;
	v3 =	vadd.f32 v62, v3  }
0xc1: {  	v7 =	vmul.f32 v19, v16;
	v5 =	vadd.f32 v63, v5;
	v2 =	vadd.f32 v4, v2  }
0xc2: {  	v6 =	vadd.f32 v19, v6;
	v3 =	vadd.f32 v18, v3  }
0xc3: {  	v4 =	vadd.f32 v20, v5;
	v2 =	vadd.f32 v7, v2  }
0xc4: {  	v21 =	vsub.f32 v6, v3  }
0xc5: {  	v2 =	vsub.f32 v2, v4  }
0xc6: {  	v22 =	vmax.f32 v3, $1.000000000e+00;
	v23 =	vmax.f32 v21, $1.000000000e+00  }
0xc7: {  	v2 =	vmul.f32 v2, v22;
	v4 =	vmul.f32 v23, v4;
	_ =	sdelay $0x1  }
0xc8: {  	vm8 =	vgt.f32 v3, $0.0e+00;
	vm9 =	vgt.f32 v21, $0.0e+00;
	vm10 =	vgt.f32 v4, v2  }
0xc9: {  	vm0 =	vmand vm8, vm9;
	v2 =	vsel vm10, $0x0, v1  }
0xca: {  	v2 =	vnsel vm0, $0x40000000, v2  }
0xcb: {  	[tilespmem:s24+$0x13120] =	vst v42;
	vm0 =	veq.f32 v2, $0.0e+00  }
0xcc: {  	[tilespmem:s24+$0x12120] =	vst v2;
	v2 =	vnsel vm0, $0x0, v42  }
0xcd: {  	v3 =	vsel vm0, $0x3F800000, v0;
	[tilespmem:s2+$0x0] =	vst.add.f32.msk $0xffff, v2  }
0xce: {  	v2 =	vsel vm0, $0x0, v42;
	[tilespmem:s15+$0x0] =	vst.add.f32.msk $0xffff, v3  }
0xcf: {  	v3 =	vsel vm0, $0x0, v1;
	[tilespmem:s16+$0x0] =	vst.add.f32.msk $0xffff, v2  }
0xd0: {  	[tilespmem:s17+$0x0] =	vst.add.f32.msk $0xffff, v3  }
0xd1: {  	v2 =	vld [tilespmem:s24+$0x9130]  }
0xd2: {  	v24 =	vld [tilespmem:s24+$0x9930]  }
0xd3: {  	v28 =	vld [tilespmem:s24+$0xA130]  }
0xd4: {  	v33 =	vld [tilespmem:s24+$0xA930];
	_ =	sdelay $0x1  }
0xd5: {  	v38 =	vld [tilespmem:s24+$0xB130];
	vm11 =	vlt.f32 v2, $0.0e+00;
	vm12 =	vgt.f32 v2, $0.0e+00;
	vm13 =	vgt.f32 v2, $5.000000000e-01  }
0xd6: {  	v43 =	vld [tilespmem:s24+$0xB930];
	vm14 =	vlt.f32 v24, $0.0e+00;
	vm15 =	vgt.f32 v24, $0.0e+00;
	vm4 =	vgt.f32 v24, $5.000000000e-01  }
0xd7: {  	v48 =	vld [tilespmem:s24+$0xC130];
	vm5 =	vgt.f32 v28, $5.000000000e-01;
	vm6 =	vlt.f32 v28, $0.0e+00;
	vm7 =	vgt.f32 v28, $0.0e+00  }
0xd8: {  	v3 =	vld [tilespmem:s24+$0x130];
	vm9 =	vgt.f32 v33, $5.000000000e-01;
	vm10 =	vlt.f32 v33, $0.0e+00;
	vm0 =	vmor vm12, vm11  }
0xd9: {  	v32 =	vld [tilespmem:s24+$0x1130];
	v25 =	vsel vm13, $0x3F800000, v0;
	v29 =	vsel vm4, $0x3F800000, v0;
	v35 =	vsel vm5, $0x3F800000, v0  }
0xda: {  	vm8 =	vmor vm7, vm6;
	vm11 =	vgt.f32 v33, $0.0e+00;
	v39 =	vsel vm9, $0x3F800000, v0  }
0xdb: {  	vm13 =	vlt.f32 v38, $0.0e+00;
	vm4 =	vlt.f32 v43, $0.0e+00;
	vm5 =	vgt.f32 v43, $0.0e+00  }
0xdc: {  	v55 =	vld [tilespmem:s24+$0xC930];
	vm6 =	vgt.f32 v43, $5.000000000e-01;
	vm7 =	vgt.f32 v48, $5.000000000e-01;
	vm9 =	vgt.f32 v48, $0.0e+00  }
0xdd: {  	v26 =	vsel vm0, $0x3F800000, v0;
	v27 =	vmul.f32 v25, v3;
	vm0 =	vmor vm15, vm14  }
0xde: {  	v44 =	vld [tilespmem:s24+$0x2930];
	v34 =	vadd.f32 v29, v25;
	v36 =	vsel vm8, $0x3F800000, v0;
	v37 =	vmul.f32 v35, v32  }
0xdf: {  	v2 =	vld [tilespmem:s24+$0x930];
	vm12 =	vmor vm11, vm10;
	vm14 =	vgt.f32 v38, $0.0e+00;
	vm15 =	vgt.f32 v38, $5.000000000e-01  }
0xe0: {  	v53 =	vld [tilespmem:s24+$0x3130];
	v51 =	vsel vm6, $0x3F800000, v0;
	v57 =	vsel vm7, $0x3F800000, v0;
	vm8 =	vlt.f32 v48, $0.0e+00  }
0xe1: {  	v60 =	vld [tilespmem:s24+$0xD130];
	vm10 =	vgt.f32 v55, $5.000000000e-01;
	vm11 =	vlt.f32 v55, $0.0e+00;
	v3 =	vmul.f32 v26, v3  }
0xe2: {  	v30 =	vsel vm0, $0x3F800000, v0;
	v11 =	vmul.f32 v36, v32;
	v40 =	vsel vm12, $0x3F800000, v0  }
0xe3: {  	v42 =	vld [tilespmem:s24+$0x2130];
	vm0 =	vmor vm14, vm13;
	v45 =	vsel vm15, $0x3F800000, v0;
	v54 =	vmul.f32 v51, v44  }
0xe4: {  	v56 =	vld [tilespmem:s24+$0x3930];
	v3 =	vadd.f32 $0.0e+00, v3;
	v31 =	vmul.f32 v29, v2;
	v2 =	vmul.f32 v30, v2  }
0xe5: {  	v58 =	vmul.f32 v57, v53;
	v62 =	vsel vm10, $0x3F800000, v0;
	vm12 =	vgt.f32 v55, $0.0e+00  }
0xe6: {  	vm13 =	vlt.f32 v60, $0.0e+00;
	vm14 =	vgt.f32 v60, $0.0e+00;
	v2 =	vadd.f32 v2, v3;
	v3 =	vld [tilespmem:s24+$0x1930]  }
0xe7: {  	vm15 =	vgt.f32 v60, $5.000000000e-01;
	v7 =	vadd.f32 $0.0e+00, v27;
	v6 =	vadd.f32 v30, v26  }
0xe8: {  	v4 =	vadd.f32 v35, v34;
	v46 =	vsel vm0, $0x3F800000, v0;
	v47 =	vmul.f32 v45, v42  }
0xe9: {  	v16 =	vld [tilespmem:s24+$0x4130];
	vm0 =	vmor vm5, vm4;
	v63 =	vmul.f32 v62, v56;
	v18 =	vsel vm15, $0x3F800000, v0  }
0xea: {  	v49 =	vmul.f32 v46, v42;
	v6 =	vadd.f32 v36, v6;
	v7 =	vadd.f32 v31, v7  }
0xeb: {  	v2 =	vadd.f32 v11, v2;
	v41 =	vmul.f32 v39, v3;
	v3 =	vmul.f32 v40, v3  }
0xec: {  	v52 =	vsel vm0, $0x3F800000, v0;
	v6 =	vadd.f32 v40, v6;
	v7 =	vadd.f32 v37, v7  }
0xed: {  	vm0 =	vmor vm9, vm8;
	v2 =	vadd.f32 v3, v2;
	v3 =	vadd.f32 v39, v4  }
0xee: {  	v20 =	vmul.f32 v18, v16;
	v59 =	vsel vm0, $0x3F800000, v0;
	v7 =	vadd.f32 v41, v7  }
0xef: {  	vm0 =	vmor vm12, vm11;
	v6 =	vadd.f32 v46, v6;
	v3 =	vadd.f32 v45, v3  }
0xf0: {  	v4 =	vmul.f32 v52, v44;
	v50 =	vadd.f32 v47, v7;
	v2 =	vadd.f32 v49, v2  }
0xf1: {  	v61 =	vmul.f32 v59, v53;
	v6 =	vadd.f32 v52, v6;
	v3 =	vadd.f32 v51, v3  }
0xf2: {  	v17 =	vsel vm0, $0x3F800000, v0;
	v5 =	vadd.f32 v54, v50;
	v2 =	vadd.f32 v4, v2  }
0xf3: {  	vm0 =	vmor vm14, vm13;
	v6 =	vadd.f32 v59, v6;
	v3 =	vadd.f32 v57, v3  }
0xf4: {  	v4 =	vmul.f32 v17, v56;
	v5 =	vadd.f32 v58, v5;
	v2 =	vadd.f32 v61, v2  }
0xf5: {  	v19 =	vsel vm0, $0x3F800000, v0;
	v6 =	vadd.f32 v17, v6;
	v3 =	vadd.f32 v62, v3  }
0xf6: {  	v7 =	vmul.f32 v19, v16;
	v5 =	vadd.f32 v63, v5;
	v2 =	vadd.f32 v4, v2  }
0xf7: {  	v6 =	vadd.f32 v19, v6;
	v3 =	vadd.f32 v18, v3  }
0xf8: {  	v4 =	vadd.f32 v20, v5;
	v2 =	vadd.f32 v7, v2  }
0xf9: {  	v21 =	vsub.f32 v6, v3  }
0xfa: {  	v2 =	vsub.f32 v2, v4  }
0xfb: {  	v22 =	vmax.f32 v3, $1.000000000e+00;
	v23 =	vmax.f32 v21, $1.000000000e+00  }
0xfc: {  	v2 =	vmul.f32 v2, v22;
	v4 =	vmul.f32 v23, v4;
	_ =	sdelay $0x1  }
0xfd: {  	vm4 =	vgt.f32 v3, $0.0e+00;
	vm5 =	vgt.f32 v21, $0.0e+00;
	vm6 =	vgt.f32 v4, v2  }
0xfe: {  	vm0 =	vmand vm4, vm5;
	v2 =	vsel vm6, $0x0, v1  }
0xff: {  	v2 =	vnsel vm0, $0x40000000, v2  }
0x100: {  	[tilespmem:s24+$0x13130] =	vst v42;
	vm0 =	veq.f32 v2, $0.0e+00  }
0x101: {  	[tilespmem:s24+$0x12130] =	vst v2;
	v2 =	vnsel vm0, $0x0, v42  }
0x102: {  	v3 =	vsel vm0, $0x3F800000, v0;
	[tilespmem:s2+$0x0] =	vst.add.f32.msk $0xffff, v2  }
0x103: {  	v2 =	vsel vm0, $0x0, v42;
	[tilespmem:s15+$0x0] =	vst.add.f32.msk $0xffff, v3  }
0x104: {  	v3 =	vsel vm0, $0x0, v1;
	[tilespmem:s16+$0x0] =	vst.add.f32.msk $0xffff, v2  }
0x105: {  	[tilespmem:s17+$0x0] =	vst.add.f32.msk $0xffff, v3  }
0x106: {  	v2 =	vld [tilespmem:s24+$0x9140]  }
0x107: {  	v24 =	vld [tilespmem:s24+$0x9940]  }
0x108: {  	v28 =	vld [tilespmem:s24+$0xA140]  }
0x109: {  	v33 =	vld [tilespmem:s24+$0xA940];
	_ =	sdelay $0x1  }
0x10a: {  	v38 =	vld [tilespmem:s24+$0xB140];
	vm7 =	vlt.f32 v2, $0.0e+00;
	vm8 =	vgt.f32 v2, $0.0e+00;
	vm9 =	vgt.f32 v2, $5.000000000e-01  }
0x10b: {  	v43 =	vld [tilespmem:s24+$0xB940];
	vm10 =	vlt.f32 v24, $0.0e+00;
	vm11 =	vgt.f32 v24, $0.0e+00;
	vm12 =	vgt.f32 v24, $5.000000000e-01  }
0x10c: {  	v48 =	vld [tilespmem:s24+$0xC140];
	vm13 =	vgt.f32 v28, $5.000000000e-01;
	vm14 =	vlt.f32 v28, $0.0e+00;
	vm15 =	vgt.f32 v28, $0.0e+00  }
0x10d: {  	v3 =	vld [tilespmem:s24+$0x140];
	vm5 =	vgt.f32 v33, $5.000000000e-01;
	vm6 =	vlt.f32 v33, $0.0e+00;
	vm0 =	vmor vm8, vm7  }
0x10e: {  	v32 =	vld [tilespmem:s24+$0x1140];
	v25 =	vsel vm9, $0x3F800000, v0;
	v29 =	vsel vm12, $0x3F800000, v0;
	v35 =	vsel vm13, $0x3F800000, v0  }
0x10f: {  	vm4 =	vmor vm15, vm14;
	vm7 =	vgt.f32 v33, $0.0e+00;
	v39 =	vsel vm5, $0x3F800000, v0  }
0x110: {  	vm9 =	vlt.f32 v38, $0.0e+00;
	vm12 =	vlt.f32 v43, $0.0e+00;
	vm13 =	vgt.f32 v43, $0.0e+00  }
0x111: {  	v55 =	vld [tilespmem:s24+$0xC940];
	vm14 =	vgt.f32 v43, $5.000000000e-01;
	vm15 =	vgt.f32 v48, $5.000000000e-01;
	vm5 =	vgt.f32 v48, $0.0e+00  }
0x112: {  	v26 =	vsel vm0, $0x3F800000, v0;
	v27 =	vmul.f32 v25, v3;
	vm0 =	vmor vm11, vm10  }
0x113: {  	v44 =	vld [tilespmem:s24+$0x2940];
	v34 =	vadd.f32 v29, v25;
	v36 =	vsel vm4, $0x3F800000, v0;
	v37 =	vmul.f32 v35, v32  }
0x114: {  	v2 =	vld [tilespmem:s24+$0x940];
	vm8 =	vmor vm7, vm6;
	vm10 =	vgt.f32 v38, $0.0e+00;
	vm11 =	vgt.f32 v38, $5.000000000e-01  }
0x115: {  	v53 =	vld [tilespmem:s24+$0x3140];
	v51 =	vsel vm14, $0x3F800000, v0;
	v57 =	vsel vm15, $0x3F800000, v0;
	vm4 =	vlt.f32 v48, $0.0e+00  }
0x116: {  	v60 =	vld [tilespmem:s24+$0xD140];
	vm6 =	vgt.f32 v55, $5.000000000e-01;
	vm7 =	vlt.f32 v55, $0.0e+00;
	v3 =	vmul.f32 v26, v3  }
0x117: {  	v30 =	vsel vm0, $0x3F800000, v0;
	v11 =	vmul.f32 v36, v32;
	v40 =	vsel vm8, $0x3F800000, v0  }
0x118: {  	v42 =	vld [tilespmem:s24+$0x2140];
	vm0 =	vmor vm10, vm9;
	v45 =	vsel vm11, $0x3F800000, v0;
	v54 =	vmul.f32 v51, v44  }
0x119: {  	v56 =	vld [tilespmem:s24+$0x3940];
	v3 =	vadd.f32 $0.0e+00, v3;
	v31 =	vmul.f32 v29, v2;
	v2 =	vmul.f32 v30, v2  }
0x11a: {  	v58 =	vmul.f32 v57, v53;
	v62 =	vsel vm6, $0x3F800000, v0;
	vm8 =	vgt.f32 v55, $0.0e+00  }
0x11b: {  	vm9 =	vlt.f32 v60, $0.0e+00;
	vm10 =	vgt.f32 v60, $0.0e+00;
	v2 =	vadd.f32 v2, v3;
	v3 =	vld [tilespmem:s24+$0x1940]  }
0x11c: {  	vm11 =	vgt.f32 v60, $5.000000000e-01;
	v7 =	vadd.f32 $0.0e+00, v27;
	v6 =	vadd.f32 v30, v26  }
0x11d: {  	v4 =	vadd.f32 v35, v34;
	v46 =	vsel vm0, $0x3F800000, v0;
	v47 =	vmul.f32 v45, v42  }
0x11e: {  	v15 =	vld [tilespmem:s24+$0x4140];
	vm0 =	vmor vm13, vm12;
	v63 =	vmul.f32 v62, v56;
	v17 =	vsel vm11, $0x3F800000, v0  }
0x11f: {  	v49 =	vmul.f32 v46, v42;
	v6 =	vadd.f32 v36, v6;
	v7 =	vadd.f32 v31, v7  }
0x120: {  	v2 =	vadd.f32 v11, v2;
	v41 =	vmul.f32 v39, v3;
	v3 =	vmul.f32 v40, v3  }
0x121: {  	v52 =	vsel vm0, $0x3F800000, v0;
	v6 =	vadd.f32 v40, v6;
	v7 =	vadd.f32 v37, v7  }
0x122: {  	vm0 =	vmor vm5, vm4;
	v2 =	vadd.f32 v3, v2;
	v3 =	vadd.f32 v39, v4  }
0x123: {  	v19 =	vmul.f32 v17, v15;
	v59 =	vsel vm0, $0x3F800000, v0;
	v7 =	vadd.f32 v41, v7  }
0x124: {  	vm0 =	vmor vm8, vm7;
	v6 =	vadd.f32 v46, v6;
	v3 =	vadd.f32 v45, v3  }
0x125: {  	v4 =	vmul.f32 v52, v44;
	v50 =	vadd.f32 v47, v7;
	v2 =	vadd.f32 v49, v2  }
0x126: {  	v61 =	vmul.f32 v59, v53;
	v6 =	vadd.f32 v52, v6;
	v3 =	vadd.f32 v51, v3  }
0x127: {  	v16 =	vsel vm0, $0x3F800000, v0;
	v5 =	vadd.f32 v54, v50;
	v2 =	vadd.f32 v4, v2  }
0x128: {  	vm0 =	vmor vm10, vm9;
	v6 =	vadd.f32 v59, v6;
	v3 =	vadd.f32 v57, v3  }
0x129: {  	v4 =	vmul.f32 v16, v56;
	v5 =	vadd.f32 v58, v5;
	v2 =	vadd.f32 v61, v2  }
0x12a: {  	v18 =	vsel vm0, $0x3F800000, v0;
	v6 =	vadd.f32 v16, v6;
	v3 =	vadd.f32 v62, v3  }
0x12b: {  	v7 =	vmul.f32 v18, v15;
	v5 =	vadd.f32 v63, v5;
	v2 =	vadd.f32 v4, v2  }
0x12c: {  	v6 =	vadd.f32 v18, v6;
	v3 =	vadd.f32 v17, v3  }
0x12d: {  	v4 =	vadd.f32 v19, v5;
	v2 =	vadd.f32 v7, v2  }
0x12e: {  	v20 =	vsub.f32 v6, v3  }
0x12f: {  	v2 =	vsub.f32 v2, v4  }
0x130: {  	v21 =	vmax.f32 v3, $1.000000000e+00;
	v22 =	vmax.f32 v20, $1.000000000e+00  }
0x131: {  	v2 =	vmul.f32 v2, v21;
	v4 =	vmul.f32 v22, v4;
	_ =	sdelay $0x1  }
0x132: {  	vm12 =	vgt.f32 v3, $0.0e+00;
	vm13 =	vgt.f32 v20, $0.0e+00;
	vm14 =	vgt.f32 v4, v2  }
0x133: {  	vm0 =	vmand vm12, vm13;
	v2 =	vsel vm14, $0x0, v1  }
0x134: {  	v2 =	vnsel vm0, $0x40000000, v2  }
0x135: {  	[tilespmem:s24+$0x13140] =	vst v42;
	vm0 =	veq.f32 v2, $0.0e+00  }
0x136: {  	[tilespmem:s24+$0x12140] =	vst v2;
	v2 =	vnsel vm0, $0x0, v42  }
0x137: {  	v3 =	vsel vm0, $0x3F800000, v0;
	[tilespmem:s2+$0x0] =	vst.add.f32.msk $0xffff, v2  }
0x138: {  	v2 =	vsel vm0, $0x0, v42;
	[tilespmem:s15+$0x0] =	vst.add.f32.msk $0xffff, v3  }
0x139: {  	v3 =	vsel vm0, $0x0, v1;
	[tilespmem:s16+$0x0] =	vst.add.f32.msk $0xffff, v2  }
0x13a: {  	[tilespmem:s17+$0x0] =	vst.add.f32.msk $0xffff, v3  }
0x13b: {  	v2 =	vld [tilespmem:s24+$0x9150]  }
0x13c: {  	v23 =	vld [tilespmem:s24+$0x9950]  }
0x13d: {  	v27 =	vld [tilespmem:s24+$0xA150]  }
0x13e: {  	v32 =	vld [tilespmem:s24+$0xA950];
	_ =	sdelay $0x1  }
0x13f: {  	v37 =	vld [tilespmem:s24+$0xB150];
	vm15 =	vlt.f32 v2, $0.0e+00;
	vm4 =	vgt.f32 v2, $0.0e+00;
	vm5 =	vgt.f32 v2, $5.000000000e-01  }
0x140: {  	v42 =	vld [tilespmem:s24+$0xB950];
	vm6 =	vlt.f32 v23, $0.0e+00;
	vm7 =	vgt.f32 v23, $0.0e+00;
	vm8 =	vgt.f32 v23, $5.000000000e-01  }
0x141: {  	v47 =	vld [tilespmem:s24+$0xC150];
	vm9 =	vgt.f32 v27, $5.000000000e-01;
	vm10 =	vlt.f32 v27, $0.0e+00;
	vm11 =	vgt.f32 v27, $0.0e+00  }
0x142: {  	v3 =	vld [tilespmem:s24+$0x150];
	vm13 =	vgt.f32 v32, $5.000000000e-01;
	vm14 =	vlt.f32 v32, $0.0e+00;
	vm0 =	vmor vm4, vm15  }
0x143: {  	v31 =	vld [tilespmem:s24+$0x1150];
	v24 =	vsel vm5, $0x3F800000, v0;
	v28 =	vsel vm8, $0x3F800000, v0;
	v34 =	vsel vm9, $0x3F800000, v0  }
0x144: {  	vm12 =	vmor vm11, vm10;
	vm15 =	vgt.f32 v32, $0.0e+00;
	v38 =	vsel vm13, $0x3F800000, v0  }
0x145: {  	vm5 =	vlt.f32 v37, $0.0e+00;
	vm8 =	vlt.f32 v42, $0.0e+00;
	vm9 =	vgt.f32 v42, $0.0e+00  }
0x146: {  	v54 =	vld [tilespmem:s24+$0xC950];
	vm10 =	vgt.f32 v42, $5.000000000e-01;
	vm11 =	vgt.f32 v47, $5.000000000e-01;
	vm13 =	vgt.f32 v47, $0.0e+00  }
0x147: {  	v25 =	vsel vm0, $0x3F800000, v0;
	v26 =	vmul.f32 v24, v3;
	vm0 =	vmor vm7, vm6  }
0x148: {  	v43 =	vld [tilespmem:s24+$0x2950];
	v33 =	vadd.f32 v28, v24;
	v35 =	vsel vm12, $0x3F800000, v0;
	v36 =	vmul.f32 v34, v31  }
0x149: {  	v2 =	vld [tilespmem:s24+$0x950];
	vm4 =	vmor vm15, vm14;
	vm6 =	vgt.f32 v37, $0.0e+00;
	vm7 =	vgt.f32 v37, $5.000000000e-01  }
0x14a: {  	v52 =	vld [tilespmem:s24+$0x3150];
	v50 =	vsel vm10, $0x3F800000, v0;
	v56 =	vsel vm11, $0x3F800000, v0;
	vm12 =	vlt.f32 v47, $0.0e+00  }
0x14b: {  	v59 =	vld [tilespmem:s24+$0xD150];
	vm14 =	vgt.f32 v54, $5.000000000e-01;
	vm15 =	vlt.f32 v54, $0.0e+00;
	v3 =	vmul.f32 v25, v3  }
0x14c: {  	v29 =	vsel vm0, $0x3F800000, v0;
	v11 =	vmul.f32 v35, v31;
	v39 =	vsel vm4, $0x3F800000, v0  }
0x14d: {  	v41 =	vld [tilespmem:s24+$0x2150];
	vm0 =	vmor vm6, vm5;
	v44 =	vsel vm7, $0x3F800000, v0;
	v53 =	vmul.f32 v50, v43  }
0x14e: {  	v55 =	vld [tilespmem:s24+$0x3950];
	v3 =	vadd.f32 $0.0e+00, v3;
	v30 =	vmul.f32 v28, v2;
	v2 =	vmul.f32 v29, v2  }
0x14f: {  	v57 =	vmul.f32 v56, v52;
	v61 =	vsel vm14, $0x3F800000, v0;
	vm4 =	vgt.f32 v54, $0.0e+00  }
0x150: {  	vm5 =	vlt.f32 v59, $0.0e+00;
	vm6 =	vgt.f32 v59, $0.0e+00;
	v2 =	vadd.f32 v2, v3;
	v3 =	vld [tilespmem:s24+$0x1950]  }
0x151: {  	vm7 =	vgt.f32 v59, $5.000000000e-01;
	v7 =	vadd.f32 $0.0e+00, v26;
	v6 =	vadd.f32 v29, v25  }
0x152: {  	v4 =	vadd.f32 v34, v33;
	v45 =	vsel vm0, $0x3F800000, v0;
	v46 =	vmul.f32 v44, v41  }
0x153: {  	v63 =	vld [tilespmem:s24+$0x4150];
	vm0 =	vmor vm9, vm8;
	v62 =	vmul.f32 v61, v55;
	v15 =	vsel vm7, $0x3F800000, v0  }
0x154: {  	v48 =	vmul.f32 v45, v41;
	v6 =	vadd.f32 v35, v6;
	v7 =	vadd.f32 v30, v7  }
0x155: {  	v2 =	vadd.f32 v11, v2;
	v40 =	vmul.f32 v38, v3;
	v3 =	vmul.f32 v39, v3  }
0x156: {  	v51 =	vsel vm0, $0x3F800000, v0;
	v6 =	vadd.f32 v39, v6;
	v7 =	vadd.f32 v36, v7  }
0x157: {  	vm0 =	vmor vm13, vm12;
	v2 =	vadd.f32 v3, v2;
	v3 =	vadd.f32 v38, v4  }
0x158: {  	v17 =	vmul.f32 v15, v63;
	v58 =	vsel vm0, $0x3F800000, v0;
	v7 =	vadd.f32 v40, v7  }
0x159: {  	vm0 =	vmor vm4, vm15;
	v6 =	vadd.f32 v45, v6;
	v3 =	vadd.f32 v44, v3  }
0x15a: {  	v4 =	vmul.f32 v51, v43;
	v49 =	vadd.f32 v46, v7;
	v2 =	vadd.f32 v48, v2  }
0x15b: {  	v60 =	vmul.f32 v58, v52;
	v6 =	vadd.f32 v51, v6;
	v3 =	vadd.f32 v50, v3  }
0x15c: {  	v13 =	vsel vm0, $0x3F800000, v0;
	v5 =	vadd.f32 v53, v49;
	v2 =	vadd.f32 v4, v2  }
0x15d: {  	vm0 =	vmor vm6, vm5;
	v6 =	vadd.f32 v58, v6;
	v3 =	vadd.f32 v56, v3  }
0x15e: {  	v4 =	vmul.f32 v13, v55;
	v5 =	vadd.f32 v57, v5;
	v2 =	vadd.f32 v60, v2  }
0x15f: {  	v16 =	vsel vm0, $0x3F800000, v0;
	v6 =	vadd.f32 v13, v6;
	v3 =	vadd.f32 v61, v3  }
0x160: {  	v7 =	vmul.f32 v16, v63;
	v5 =	vadd.f32 v62, v5;
	v2 =	vadd.f32 v4, v2  }
0x161: {  	v6 =	vadd.f32 v16, v6;
	v3 =	vadd.f32 v15, v3  }
0x162: {  	v4 =	vadd.f32 v17, v5;
	v2 =	vadd.f32 v7, v2  }
0x163: {  	v18 =	vsub.f32 v6, v3  }
0x164: {  	v2 =	vsub.f32 v2, v4  }
0x165: {  	v19 =	vmax.f32 v3, $1.000000000e+00;
	v20 =	vmax.f32 v18, $1.000000000e+00  }
0x166: {  	v2 =	vmul.f32 v2, v19;
	v4 =	vmul.f32 v20, v4;
	_ =	sdelay $0x1  }
0x167: {  	vm8 =	vgt.f32 v3, $0.0e+00;
	vm9 =	vgt.f32 v18, $0.0e+00;
	vm10 =	vgt.f32 v4, v2  }
0x168: {  	vm0 =	vmand vm8, vm9;
	v2 =	vsel vm10, $0x0, v1  }
0x169: {  	v2 =	vnsel vm0, $0x40000000, v2  }
0x16a: {  	[tilespmem:s24+$0x13150] =	vst v41;
	vm0 =	veq.f32 v2, $0.0e+00  }
0x16b: {  	[tilespmem:s24+$0x12150] =	vst v2;
	v2 =	vnsel vm0, $0x0, v41  }
0x16c: {  	v3 =	vsel vm0, $0x3F800000, v0;
	[tilespmem:s2+$0x0] =	vst.add.f32.msk $0xffff, v2  }
0x16d: {  	v2 =	vsel vm0, $0x0, v41;
	[tilespmem:s15+$0x0] =	vst.add.f32.msk $0xffff, v3  }
0x16e: {  	v3 =	vsel vm0, $0x0, v1;
	[tilespmem:s16+$0x0] =	vst.add.f32.msk $0xffff, v2  }
0x16f: {  	[tilespmem:s17+$0x0] =	vst.add.f32.msk $0xffff, v3  }
0x170: {  	v2 =	vld [tilespmem:s24+$0x9160]  }
0x171: {  	v21 =	vld [tilespmem:s24+$0x9960]  }
0x172: {  	v25 =	vld [tilespmem:s24+$0xA160]  }
0x173: {  	v30 =	vld [tilespmem:s24+$0xA960];
	_ =	sdelay $0x1  }
0x174: {  	v35 =	vld [tilespmem:s24+$0xB160];
	vm11 =	vlt.f32 v2, $0.0e+00;
	vm12 =	vgt.f32 v2, $0.0e+00;
	vm13 =	vgt.f32 v2, $5.000000000e-01  }
0x175: {  	v40 =	vld [tilespmem:s24+$0xB960];
	vm14 =	vlt.f32 v21, $0.0e+00;
	vm15 =	vgt.f32 v21, $0.0e+00;
	vm4 =	vgt.f32 v21, $5.000000000e-01  }
0x176: {  	v45 =	vld [tilespmem:s24+$0xC160];
	vm5 =	vgt.f32 v25, $5.000000000e-01;
	vm6 =	vlt.f32 v25, $0.0e+00;
	vm7 =	vgt.f32 v25, $0.0e+00  }
0x177: {  	v3 =	vld [tilespmem:s24+$0x160];
	vm9 =	vgt.f32 v30, $5.000000000e-01;
	vm10 =	vlt.f32 v30, $0.0e+00;
	vm0 =	vmor vm12, vm11  }
0x178: {  	v29 =	vld [tilespmem:s24+$0x1160];
	v22 =	vsel vm13, $0x3F800000, v0;
	v26 =	vsel vm4, $0x3F800000, v0;
	v32 =	vsel vm5, $0x3F800000, v0  }
0x179: {  	vm8 =	vmor vm7, vm6;
	vm11 =	vgt.f32 v30, $0.0e+00;
	v36 =	vsel vm9, $0x3F800000, v0  }
0x17a: {  	vm13 =	vlt.f32 v35, $0.0e+00;
	vm4 =	vlt.f32 v40, $0.0e+00;
	vm5 =	vgt.f32 v40, $0.0e+00  }
0x17b: {  	v52 =	vld [tilespmem:s24+$0xC960];
	vm6 =	vgt.f32 v40, $5.000000000e-01;
	vm7 =	vgt.f32 v45, $5.000000000e-01;
	vm9 =	vgt.f32 v45, $0.0e+00  }
0x17c: {  	v23 =	vsel vm0, $0x3F800000, v0;
	v24 =	vmul.f32 v22, v3;
	vm0 =	vmor vm15, vm14  }
0x17d: {  	v41 =	vld [tilespmem:s24+$0x2960];
	v31 =	vadd.f32 v26, v22;
	v33 =	vsel vm8, $0x3F800000, v0;
	v34 =	vmul.f32 v32, v29  }
0x17e: {  	v2 =	vld [tilespmem:s24+$0x960];
	vm12 =	vmor vm11, vm10;
	vm14 =	vgt.f32 v35, $0.0e+00;
	vm15 =	vgt.f32 v35, $5.000000000e-01  }
0x17f: {  	v50 =	vld [tilespmem:s24+$0x3160];
	v48 =	vsel vm6, $0x3F800000, v0;
	v54 =	vsel vm7, $0x3F800000, v0;
	vm8 =	vlt.f32 v45, $0.0e+00  }
0x180: {  	v57 =	vld [tilespmem:s24+$0xD160];
	vm10 =	vgt.f32 v52, $5.000000000e-01;
	vm11 =	vlt.f32 v52, $0.0e+00;
	v3 =	vmul.f32 v23, v3  }
0x181: {  	v27 =	vsel vm0, $0x3F800000, v0;
	v11 =	vmul.f32 v33, v29;
	v37 =	vsel vm12, $0x3F800000, v0  }
0x182: {  	v39 =	vld [tilespmem:s24+$0x2160];
	vm0 =	vmor vm14, vm13;
	v42 =	vsel vm15, $0x3F800000, v0;
	v51 =	vmul.f32 v48, v41  }
0x183: {  	v53 =	vld [tilespmem:s24+$0x3960];
	v3 =	vadd.f32 $0.0e+00, v3;
	v28 =	vmul.f32 v26, v2;
	v2 =	vmul.f32 v27, v2  }
0x184: {  	v55 =	vmul.f32 v54, v50;
	v59 =	vsel vm10, $0x3F800000, v0;
	vm12 =	vgt.f32 v52, $0.0e+00  }
0x185: {  	vm13 =	vlt.f32 v57, $0.0e+00;
	vm14 =	vgt.f32 v57, $0.0e+00;
	v2 =	vadd.f32 v2, v3;
	v3 =	vld [tilespmem:s24+$0x1960]  }
0x186: {  	vm15 =	vgt.f32 v57, $5.000000000e-01;
	v7 =	vadd.f32 $0.0e+00, v24;
	v6 =	vadd.f32 v27, v23  }
0x187: {  	v4 =	vadd.f32 v32, v31;
	v43 =	vsel vm0, $0x3F800000, v0;
	v44 =	vmul.f32 v42, v39  }
0x188: {  	v61 =	vld [tilespmem:s24+$0x4160];
	vm0 =	vmor vm5, vm4;
	v60 =	vmul.f32 v59, v53;
	v63 =	vsel vm15, $0x3F800000, v0  }
0x189: {  	v46 =	vmul.f32 v43, v39;
	v6 =	vadd.f32 v33, v6;
	v7 =	vadd.f32 v28, v7  }
0x18a: {  	v2 =	vadd.f32 v11, v2;
	v38 =	vmul.f32 v36, v3;
	v3 =	vmul.f32 v37, v3  }
0x18b: {  	v49 =	vsel vm0, $0x3F800000, v0;
	v6 =	vadd.f32 v37, v6;
	v7 =	vadd.f32 v34, v7  }
0x18c: {  	vm0 =	vmor vm9, vm8;
	v2 =	vadd.f32 v3, v2;
	v3 =	vadd.f32 v36, v4  }
0x18d: {  	v13 =	vmul.f32 v63, v61;
	v56 =	vsel vm0, $0x3F800000, v0;
	v7 =	vadd.f32 v38, v7  }
0x18e: {  	vm0 =	vmor vm12, vm11;
	v6 =	vadd.f32 v43, v6;
	v3 =	vadd.f32 v42, v3  }
0x18f: {  	v4 =	vmul.f32 v49, v41;
	v47 =	vadd.f32 v44, v7;
	v2 =	vadd.f32 v46, v2  }
0x190: {  	v58 =	vmul.f32 v56, v50;
	v6 =	vadd.f32 v49, v6;
	v3 =	vadd.f32 v48, v3  }
0x191: {  	v62 =	vsel vm0, $0x3F800000, v0;
	v5 =	vadd.f32 v51, v47;
	v2 =	vadd.f32 v4, v2  }
0x192: {  	vm0 =	vmor vm14, vm13;
	v6 =	vadd.f32 v56, v6;
	v3 =	vadd.f32 v54, v3  }
0x193: {  	v4 =	vmul.f32 v62, v53;
	v5 =	vadd.f32 v55, v5;
	v2 =	vadd.f32 v58, v2  }
0x194: {  	v12 =	vsel vm0, $0x3F800000, v0;
	v6 =	vadd.f32 v62, v6;
	v3 =	vadd.f32 v59, v3  }
0x195: {  	v7 =	vmul.f32 v12, v61;
	v5 =	vadd.f32 v60, v5;
	v2 =	vadd.f32 v4, v2  }
0x196: {  	v6 =	vadd.f32 v12, v6;
	v3 =	vadd.f32 v63, v3  }
0x197: {  	v4 =	vadd.f32 v13, v5;
	v2 =	vadd.f32 v7, v2  }
0x198: {  	v15 =	vsub.f32 v6, v3  }
0x199: {  	v2 =	vsub.f32 v2, v4  }
0x19a: {  	v16 =	vmax.f32 v3, $1.000000000e+00;
	v17 =	vmax.f32 v15, $1.000000000e+00  }
0x19b: {  	v2 =	vmul.f32 v2, v16;
	v4 =	vmul.f32 v17, v4;
	_ =	sdelay $0x1  }
0x19c: {  	vm4 =	vgt.f32 v3, $0.0e+00;
	vm5 =	vgt.f32 v15, $0.0e+00;
	vm6 =	vgt.f32 v4, v2  }
0x19d: {  	vm0 =	vmand vm4, vm5;
	v2 =	vsel vm6, $0x0, v1  }
0x19e: {  	v2 =	vnsel vm0, $0x40000000, v2  }
0x19f: {  	[tilespmem:s24+$0x13160] =	vst v39;
	vm0 =	veq.f32 v2, $0.0e+00  }
0x1a0: {  	[tilespmem:s24+$0x12160] =	vst v2;
	v2 =	vnsel vm0, $0x0, v39  }
0x1a1: {  	v3 =	vsel vm0, $0x3F800000, v0;
	[tilespmem:s2+$0x0] =	vst.add.f32.msk $0xffff, v2  }
0x1a2: {  	v2 =	vsel vm0, $0x0, v39;
	[tilespmem:s15+$0x0] =	vst.add.f32.msk $0xffff, v3  }
0x1a3: {  	v3 =	vsel vm0, $0x0, v1;
	[tilespmem:s16+$0x0] =	vst.add.f32.msk $0xffff, v2  }
0x1a4: {  	[tilespmem:s17+$0x0] =	vst.add.f32.msk $0xffff, v3  }
0x1a5: {  	v2 =	vld [tilespmem:s24+$0x9170]  }
0x1a6: {  	v18 =	vld [tilespmem:s24+$0x9970]  }
0x1a7: {  	v21 =	vld [tilespmem:s24+$0xA170]  }
0x1a8: {  	v27 =	vld [tilespmem:s24+$0xA970]  }
0x1a9: {  	v3 =	vld [tilespmem:s24+$0x170]  }
0x1aa: {  	v32 =	vld [tilespmem:s24+$0xB170];
	vm7 =	vlt.f32 v2, $0.0e+00;
	vm8 =	vgt.f32 v2, $0.0e+00;
	vm9 =	vgt.f32 v2, $5.000000000e-01  }
0x1ab: {  	v38 =	vld [tilespmem:s24+$0xB970];
	vm10 =	vlt.f32 v18, $0.0e+00;
	vm11 =	vgt.f32 v18, $0.0e+00;
	vm12 =	vgt.f32 v18, $5.000000000e-01  }
0x1ac: {  	v44 =	vld [tilespmem:s24+$0xC170];
	vm13 =	vgt.f32 v21, $5.000000000e-01;
	vm14 =	vlt.f32 v21, $0.0e+00;
	vm15 =	vgt.f32 v21, $0.0e+00  }
0x1ad: {  	v23 =	vld [tilespmem:s24+$0x1170];
	vm5 =	vlt.f32 v27, $0.0e+00;
	vm6 =	vgt.f32 v27, $0.0e+00;
	vm0 =	vmor vm8, vm7  }
0x1ae: {  	v19 =	vsel vm9, $0x3F800000, v0;
	v24 =	vsel vm12, $0x3F800000, v0;
	v29 =	vsel vm13, $0x3F800000, v0  }
0x1af: {  	v31 =	vld [tilespmem:s24+$0x1970];
	vm4 =	vmor vm15, vm14;
	vm7 =	vgt.f32 v27, $5.000000000e-01;
	vm8 =	vgt.f32 v32, $5.000000000e-01  }
0x1b0: {  	v48 =	vld [tilespmem:s24+$0xC970];
	vm9 =	vlt.f32 v32, $0.0e+00;
	vm12 =	vlt.f32 v38, $0.0e+00;
	vm13 =	vgt.f32 v38, $0.0e+00  }
0x1b1: {  	v33 =	vld [tilespmem:s24+$0x2170];
	vm14 =	vgt.f32 v38, $5.000000000e-01;
	vm15 =	vgt.f32 v44, $5.000000000e-01;
	v20 =	vsel vm0, $0x3F800000, v0  }
0x1b2: {  	v42 =	vld [tilespmem:s24+$0x2970];
	v22 =	vmul.f32 v19, v3;
	vm0 =	vmor vm11, vm10;
	v30 =	vmul.f32 v29, v23  }
0x1b3: {  	v45 =	vld [tilespmem:s24+$0x3170];
	v5 =	vadd.f32 v24, v19;
	v34 =	vsel vm7, $0x3F800000, v0;
	vm10 =	vgt.f32 v32, $0.0e+00  }
0x1b4: {  	v55 =	vld [tilespmem:s24+$0xD170];
	v39 =	vsel vm8, $0x3F800000, v0;
	v46 =	vsel vm14, $0x3F800000, v0;
	v51 =	vsel vm15, $0x3F800000, v0  }
0x1b5: {  	vm7 =	vgt.f32 v48, $5.000000000e-01;
	vm8 =	vlt.f32 v48, $0.0e+00;
	v3 =	vmul.f32 v20, v3  }
0x1b6: {  	v50 =	vld [tilespmem:s24+$0x3970];
	v25 =	vsel vm0, $0x3F800000, v0;
	vm0 =	vmor vm6, vm5;
	v36 =	vmul.f32 v34, v31  }
0x1b7: {  	v2 =	vld [tilespmem:s24+$0x970];
	vm11 =	vmor vm10, vm9;
	v41 =	vmul.f32 v39, v33;
	v49 =	vmul.f32 v46, v42  }
0x1b8: {  	vm5 =	vgt.f32 v44, $0.0e+00;
	v53 =	vmul.f32 v51, v45;
	v56 =	vsel vm7, $0x3F800000, v0  }
0x1b9: {  	vm9 =	vgt.f32 v48, $0.0e+00;
	vm10 =	vlt.f32 v55, $0.0e+00;
	v8 =	vadd.f32 $0.0e+00, v22  }
0x1ba: {  	v6 =	vadd.f32 v25, v20;
	v5 =	vadd.f32 v29, v5;
	v35 =	vsel vm0, $0x3F800000, v0  }
0x1bb: {  	v40 =	vsel vm11, $0x3F800000, v0;
	vm0 =	vmor vm13, vm12;
	v57 =	vmul.f32 v56, v50  }
0x1bc: {  	v3 =	vadd.f32 $0.0e+00, v3;
	v26 =	vmul.f32 v24, v2;
	v2 =	vmul.f32 v25, v2  }
0x1bd: {  	vm11 =	vgt.f32 v55, $0.0e+00;
	vm12 =	vgt.f32 v55, $5.000000000e-01;
	v37 =	vmul.f32 v35, v31  }
0x1be: {  	v43 =	vmul.f32 v40, v33;
	v2 =	vadd.f32 v2, v3;
	v3 =	vsel vm4, $0x3F800000, v0  }
0x1bf: {  	v47 =	vsel vm0, $0x3F800000, v0;
	v28 =	vadd.f32 v26, v8;
	v4 =	vmul.f32 v3, v23  }
0x1c0: {  	vm0 =	vmor vm9, vm8;
	v5 =	vadd.f32 v34, v5;
	v3 =	vadd.f32 v3, v6  }
0x1c1: {  	v60 =	vsel vm12, $0x3F800000, v0;
	v7 =	vadd.f32 v30, v28;
	v2 =	vadd.f32 v4, v2  }
0x1c2: {  	v13 =	vmul.f32 v47, v42;
	v59 =	vsel vm0, $0x3F800000, v0;
	v3 =	vadd.f32 v35, v3  }
0x1c3: {  	v58 =	vld [tilespmem:s24+$0x4170];
	vm0 =	vmor vm11, vm10;
	v6 =	vadd.f32 v36, v7;
	v2 =	vadd.f32 v37, v2  }
0x1c4: {  	vm4 =	vlt.f32 v44, $0.0e+00;
	v5 =	vadd.f32 v39, v5;
	v3 =	vadd.f32 v40, v3  }
0x1c5: {  	vm6 =	vmor vm5, vm4;
	v6 =	vadd.f32 v41, v6;
	v2 =	vadd.f32 v43, v2  }
0x1c6: {  	v52 =	vsel vm6, $0x3F800000, v0;
	v5 =	vadd.f32 v46, v5;
	v3 =	vadd.f32 v47, v3  }
0x1c7: {  	v54 =	vmul.f32 v52, v45;
	v6 =	vadd.f32 v49, v6;
	v2 =	vadd.f32 v13, v2  }
0x1c8: {  	v62 =	vmul.f32 v60, v58;
	v5 =	vadd.f32 v51, v5;
	v3 =	vadd.f32 v52, v3  }
0x1c9: {  	v10 =	vmul.f32 v59, v50;
	v6 =	vadd.f32 v53, v6;
	v2 =	vadd.f32 v54, v2  }
0x1ca: {  	v61 =	vsel vm0, $0x3F800000, v0;
	v5 =	vadd.f32 v56, v5;
	v3 =	vadd.f32 v59, v3  }
0x1cb: {  	v9 =	vmul.f32 v61, v58;
	v6 =	vadd.f32 v57, v6;
	v2 =	vadd.f32 v10, v2  }
0x1cc: {  	v5 =	vadd.f32 v60, v5;
	v3 =	vadd.f32 v61, v3  }
0x1cd: {  	v6 =	vadd.f32 v62, v6;
	v2 =	vadd.f32 v9, v2  }
0x1ce: {  	v3 =	vsub.f32 v3, v5  }
0x1cf: {  	v2 =	vsub.f32 v2, v6  }
0x1d0: {  	v7 =	vmax.f32 v5, $1.000000000e+00;
	v63 =	vmax.f32 v3, $1.000000000e+00  }
0x1d1: {  	v6 =	vmul.f32 v63, v6;
	v2 =	vmul.f32 v2, v7;
	_ =	sdelay $0x1  }
0x1d2: {  	vm13 =	vgt.f32 v5, $0.0e+00;
	vm14 =	vgt.f32 v3, $0.0e+00;
	vm15 =	vgt.f32 v6, v2  }
0x1d3: {  	vm0 =	vmand vm13, vm14;
	v2 =	vsel vm15, $0x0, v1  }
0x1d4: {  	v2 =	vnsel vm0, $0x40000000, v2  }
0x1d5: {  	p0 =	sne.s32 s23, $0x1E00;
	[tilespmem:s24+$0x13170] =	vst v33;
	vm0 =	veq.f32 v2, $0.0e+00  }
.Ltmp0:
0x1d6: {  	[tilespmem:s24+$0x12170] =	vst v2;
	v2 =	vnsel vm0, $0x0, v33;
	(pc) =	sbr.rel @p0 .LBB2_2-.Ltmp0, $4  }
0x1d7: {  	v3 =	vsel vm0, $0x3F800000, v0;
	[tilespmem:s2+$0x0] =	vst.add.f32.msk $0xffff, v2  }
0x1d8: {  	v2 =	vsel vm0, $0x0, v33;
	[tilespmem:s15+$0x0] =	vst.add.f32.msk $0xffff, v3  }
0x1d9: {  	v3 =	vsel vm0, $0x0, v1;
	[tilespmem:s16+$0x0] =	vst.add.f32.msk $0xffff, v2  }
0x1da: {  	s23 =	sadd.s32 $0x200, s23;
	[tilespmem:s17+$0x0] =	vst.add.f32.msk $0xffff, v3  }
0x1db: {  	_ =	strace $0x9000004B  }
0x1dc: {  	_ =	strace $0x8000004C  }
0x1dd: {  	[hbm4b:s5+s2] =	stream.linear.scatter [tilespmem:s18], [sflag:$0x5], $0x800, $0x200038;
	[tilespmem:$0x14100] =	vst v63  }
0x1de: {  	_ =	strace $0x9000004C  }
0x1df: {  	_ =	strace $0x8000004D  }
0x1e0: {  	[hbm4b:s6+s2] =	stream.linear.scatter [tilespmem:s19], [sflag:$0x7], $0x800, $0x200038;
	[tilespmem:$0x14100] =	vst v63  }
0x1e1: {  	_ =	strace $0x9000004D  }
0x1e2: {  	_ =	strace $0x8000004E  }
0x1e3: {  	_ =	swait.ge [sflag:s20], $0x800  }
0x1e4: {  	[sflag:s20] =	ssyncset.done $0x0  }
0x1e5: {  	[sflag:s20] =	ssyncadd.s32 $0xFFFFF800  }
0x1e6: {  	_ =	swait.ge [sflag:s21], $0x800  }
0x1e7: {  	s22 =	sadd.s32 $0x1, s22;
	[sflag:s21] =	ssyncset.done $0x0  }
0x1e8: {  	p0 =	sne.s32 s22, s8;
	[sflag:s21] =	ssyncadd.s32 $0xFFFFF800  }
.Ltmp1:
0x1e9: {  	_ =	strace $0x9000004E;
	(pc) =	sbr.rel @p0 .LBB2_1-.Ltmp1, $4  }
0x1ea: {  	[hbm4b:s7+s2] =	stream.linear.scatter [tilespmem:s2], [sflag:$0x1], $0x100, $0x38;
	[tilespmem:$0x14100] =	vst v63  }
0x1eb: {  	_ =	swait.ge [sflag:s13], $0x100  }
0x1ec: {  	[sflag:s13] =	ssyncset.done $0x0  }
0x1ed: {  	[sflag:s13] =	ssyncadd.s32 $0xFFFFFF00  }
0x1ee: {  	_ =	sfence.sel $0x180000  }
0x1ef: {  	[bflag:$0x0] =	sbarrier.arrive $0xFFFF  }
0x1f0: {  	p0 =	sne.s32 s1, $0x0;
	_ =	strace $0x90000047  }
0x1f1: {  	s0 =	sadd.s32 @!p0 $0x100000, s0;
	[bflag:$0x2] =	sbarrier.arrive $0xFFFF  }
0x1f2: {  	[sflag:s0] =	ssyncadd.tile.s32 @!p0 $0x1;
	_ =	shalt  }
.Lfunc_end2:
_tile_overlayer_lowered:
.L_overlay_start_2:
0x1f3: {  	(tag) =	ssettag $0x2  }
0x1f4: {  	s0 =	rddreg [dreg:$0x0];
	s2 =	stileid.u32  }
0x1f5: {  	s1 =	rddreg [dreg:$0x1];
	p0 =	sne.s32 s2, $0x0  }
0x1f6: {  	s3 =	rddreg [dreg:$0x2];
	[bflag:$0x3] =	sbarrier.arrive $0xFFFF;
	s2 =	simm.s32 @!p0 $0x1C01  }
0x1f7: {  	[timem:s3], [sflag:s2] =	dma.local @!p0 [hbm:s0], s1  }
0x1f8: {  	s0 =	simm.s32 @!p0 $0x1  }
0x1f9: {  	_ =	swait.ge @!p0 [sflag:s0], s1  }
0x1fa: {  	s1 =	ssub.s32 @!p0 $0x0, s1;
	[sflag:s0] =	ssyncset.done @!p0 $0x0  }
0x1fb: {  	[sflag:s0] =	ssyncadd.s32 @!p0 s1  }
0x1fc: {  	[bflag:$0x3] =	sbarrier.arrive $0xFFFF  }
0x1fd: {  	_ =	shalt  }

</sc_bundles>
